<compile_context>
chip_gen: v7x
topology: tpu7x:2x2x1
jax: 0.10.2.dev20260603
libtpu: 0.0.44.dev20260713+nightly
codegen_flags: <defaults>
</compile_context>

<pallas_src>
import functools

import jax
import jax.numpy as jnp
from jax import lax
from jax.experimental import pallas as pl
from jax.experimental.pallas import tpu as pltpu
from jax.experimental.pallas import tpu_sc as plsc

N = 2097152
NC = 2
NS = 16
NW = NC * NS
PER_W = N // NW
CHUNK = 4096
N_CHUNKS = PER_W // CHUNK
GROUPS = CHUNK // 16

NEAR = 0.05
FAR = 1000.0
ALT_TOP = 20.0
ALT_BOT = -20.0
_SQ3 = 1.7320508075688772
IRX = 1.0 / (100.0 * _SQ3)
IRZ = 1.0 / (20.0 * _SQ3)
KXY = IRX * IRX
KZ = IRZ * IRZ


def _collide_body(o_hbm, d_hbm, nears_hbm, fars_hbm, o_v, d_v, n_v, f_v,
                  sio0, sio1, sid0, sid1, son0, son1, sof0, sof1):
    wid = lax.axis_index("s") * NC + lax.axis_index("c")
    w_base = wid * PER_W
    sio = (sio0, sio1)
    sid = (sid0, sid1)
    son = (son0, son1)
    sof = (sof0, sof1)

    def in_copies(ci, b):
        sl = pl.ds(w_base + ci * CHUNK, CHUNK)
        return (
            pltpu.make_async_copy(o_hbm.at[:, sl], o_v.at[b], sio[b]),
            pltpu.make_async_copy(d_hbm.at[:, sl], d_v.at[b], sid[b]),
        )

    def out_copies(ci, b):
        sl = pl.ds(w_base + ci * CHUNK, CHUNK)
        return (
            pltpu.make_async_copy(n_v.at[b], nears_hbm.at[sl], son[b]),
            pltpu.make_async_copy(f_v.at[b], fars_hbm.at[sl], sof[b]),
        )

    for cp in in_copies(0, 0):
        cp.start()

    def chunk_pair(ci2, _):
        for b in (0, 1):
            ci = ci2 * 2 + b
            nxt = ci + 1

            @pl.when(nxt < N_CHUNKS)
            def _():
                for cp in in_copies(nxt, 1 - b):
                    cp.start()

            for cp in in_copies(ci, b):
                cp.wait()

            @pl.when(ci >= 2)
            def _():
                for cp in out_copies(ci, b):
                    cp.wait()

            _compute_chunk(o_v, d_v, n_v, f_v, b)

            for cp in out_copies(ci, b):
                cp.start()
        return 0

    lax.fori_loop(0, N_CHUNKS // 2, chunk_pair, 0)
    for b in (0, 1):
        for cp in out_copies(N_CHUNKS - 2 + b, b):
            cp.wait()


def _compute_chunk(o_v, d_v, n_v, f_v, b):
        def grp(g, _):
            s = g * 16
            gs = pl.ds(s, 16)
            ox = o_v[b, 0, gs]
            oy = o_v[b, 1, gs]
            oz = o_v[b, 2, gs]
            dx = d_v[b, 0, gs]
            dy = d_v[b, 1, gs]
            dz = d_v[b, 2, gs]

            rdz = 1.0 / dz
            goes_down = dz < 0.0
            b1 = jnp.logical_and(oz > ALT_TOP, goes_down)
            b2 = jnp.logical_and(oz > ALT_BOT, goes_down)
            t1 = (ALT_TOP - oz) * rdz
            t2 = (ALT_BOT - oz) * rdz
            nears = jnp.where(b1, t1, NEAR)
            fars = jnp.where(b2, t2, FAR)

            a = KXY * (dx * dx + dy * dy) + KZ * (dz * dz)
            hb = KXY * (ox * dx + oy * dy) + KZ * (oz * dz)
            c = KXY * (ox * ox + oy * oy) + KZ * (oz * oz) - 1.0
            disc = hb * hb - a * c
            mask = disc > 0.0
            dsafe = jnp.where(mask, disc, 1.0)
            bits = lax.bitcast_convert_type(dsafe, jnp.int32)
            bits = jnp.int32(0x5F3759DF) - lax.shift_right_logical(bits, 1)
            y = lax.bitcast_convert_type(bits, jnp.float32)
            hx = 0.5 * dsafe
            y = y * (1.5 - hx * y * y)
            y = y * (1.5 - hx * y * y)
            y = y * (1.5 - hx * y * y)
            sq = dsafe * y
            sphere_far = jnp.where(mask, (sq - hb) * (1.0 / a), 0.0)

            fars2 = jnp.minimum(fars, sphere_far)
            nears2 = jnp.maximum(nears, NEAR)
            fars3 = jnp.minimum(jnp.maximum(fars2, nears2 + 1e-06), FAR)

            n_v[b, gs] = nears2
            f_v[b, gs] = fars3
            return 0

        lax.fori_loop(0, GROUPS, grp, 0, unroll=8)


@jax.jit
def _collide(o_t, d_t):
    mesh = plsc.VectorSubcoreMesh(core_axis_name="c", subcore_axis_name="s")
    fn = functools.partial(
        pl.kernel,
        mesh=mesh,
        out_type=(
            jax.ShapeDtypeStruct((N,), jnp.float32),
            jax.ShapeDtypeStruct((N,), jnp.float32),
        ),
        scratch_types=[
            pltpu.VMEM((2, 3, CHUNK), jnp.float32),
            pltpu.VMEM((2, 3, CHUNK), jnp.float32),
            pltpu.VMEM((2, CHUNK), jnp.float32),
            pltpu.VMEM((2, CHUNK), jnp.float32),
        ] + [pltpu.SemaphoreType.DMA] * 8,
    )(_collide_body)
    return fn(o_t, d_t)


def kernel(rays_o, rays_d):
    nears, fars = _collide(rays_o.T, rays_d.T)
    return nears.reshape(N, 1), fars.reshape(N, 1)

# --- scband reference (transcript-rebuilt; emitter-appended) ---
"""Pipeline reference for scband-near-far-collider-74371653698098 (READ-ONLY COPY).

The authoritative reference and input builder live on the scoring server;
editing this copy changes nothing except your own understanding.
"""

import jax, jax.numpy as jnp
import numpy as np

NEAR = 0.05
FAR = 1000.0
SCENE_BOUNDS = np.array([[-100.0, -100.0, -20.0], [100.0, 100.0, 20.0]], dtype=np.float32)
N_RAYS = 2097152


def setup_inputs(seed: int = 0) -> dict:
    key = jax.random.key(seed)
    k1, k2 = jax.random.split(key)
    rays_o = jax.random.normal(k1, (N_RAYS, 3), dtype=jnp.float32)
    rays_d = jax.random.normal(k2, (N_RAYS, 3), dtype=jnp.float32)
    return {"rays_o": rays_o, "rays_d": rays_d}


def _truncate_with_plane_intersection(rays_o, rays_d, altitude, default_bounds):
    starts_before = rays_o[..., 2] > altitude
    goes_down = rays_d[..., 2] < 0
    boundable = jnp.logical_and(starts_before, goes_down)
    denom = jnp.where(boundable, rays_d[..., 2], 1.0)
    t = (altitude - rays_o[..., 2]) / denom
    return jnp.where(boundable[..., None], t[..., None], default_bounds)


def _intersect_with_sphere(rays_o, rays_d, center, radius=1.0, near_plane=0.0):
    oc = rays_o - center
    a = jnp.sum(rays_d * rays_d, axis=-1, keepdims=True)
    b = 2.0 * jnp.sum(oc * rays_d, axis=-1, keepdims=True)
    c = jnp.sum(oc * oc, axis=-1, keepdims=True) - radius * radius
    discriminant = b * b - 4.0 * a * c
    mask = discriminant > 0
    discriminant = jnp.where(mask, discriminant, 0.0)
    sqrt_discriminant = jnp.sqrt(discriminant)
    nears = (-b - sqrt_discriminant) / (2.0 * a)
    fars = (-b + sqrt_discriminant) / (2.0 * a)
    nears = jnp.where(mask, nears, near_plane)
    fars = jnp.where(mask, fars, near_plane)
    return nears, fars


def reference(rays_o, rays_d):
    scene_bounds = jnp.asarray(SCENE_BOUNDS)
    near = jnp.float32(NEAR)
    far = jnp.float32(FAR)
    sphere_center = (scene_bounds[1] + scene_bounds[0]) * 0.5
    sphere_radius = (scene_bounds[1] - scene_bounds[0]) * np.sqrt(3.0) / 2.0

    n = rays_o.shape[0]
    nears = jnp.full((n, 1), near, dtype=jnp.float32)
    fars = jnp.full((n, 1), far, dtype=jnp.float32)

    nears = _truncate_with_plane_intersection(rays_o, rays_d, scene_bounds[1, 2], nears)
    fars = _truncate_with_plane_intersection(rays_o, rays_d, scene_bounds[0, 2], fars)

    rays_o_sphere = (rays_o - sphere_center) / sphere_radius
    rays_d_sphere = rays_d / sphere_radius
    _, sphere_fars = _intersect_with_sphere(rays_o_sphere, rays_d_sphere, jnp.zeros(3, dtype=jnp.float32))

    fars = jnp.minimum(fars, sphere_fars)
    nears = jnp.maximum(nears, near)
    fars = jnp.minimum(jnp.maximum(fars, nears + 1e-06), far)
    return nears.astype(jnp.float32), fars.astype(jnp.float32)

if __name__ == "__main__":
    import jax
    _d = setup_inputs()
    print(jax.jit(kernel)(*tuple(_d.values())))

</pallas_src>

<mosaic_0001>
#map = affine_map<(d0, d1) -> (0, 0)>
#map1 = affine_map<(d0, d1) -> (0)>
module attributes {stable_mosaic.version = 14 : i64} {
  func.func @_collide_body(%arg0: i32, %arg1: i32, %arg2: memref<3x2097152xf32, #tpu.memory_space<hbm>>, %arg3: memref<3x2097152xf32, #tpu.memory_space<hbm>>, %arg4: memref<2097152xf32, #tpu.memory_space<hbm>>, %arg5: memref<2097152xf32, #tpu.memory_space<hbm>>, %arg6: memref<2x3x4096xf32, #tpu.memory_space<vmem>>, %arg7: memref<2x3x4096xf32, #tpu.memory_space<vmem>>, %arg8: memref<2x4096xf32, #tpu.memory_space<vmem>>, %arg9: memref<2x4096xf32, #tpu.memory_space<vmem>>, %arg10: memref<!tpu.dma_semaphore, #tpu.memory_space<semaphore_mem>>, %arg11: memref<!tpu.dma_semaphore, #tpu.memory_space<semaphore_mem>>, %arg12: memref<!tpu.dma_semaphore, #tpu.memory_space<semaphore_mem>>, %arg13: memref<!tpu.dma_semaphore, #tpu.memory_space<semaphore_mem>>, %arg14: memref<!tpu.dma_semaphore, #tpu.memory_space<semaphore_mem>>, %arg15: memref<!tpu.dma_semaphore, #tpu.memory_space<semaphore_mem>>, %arg16: memref<!tpu.dma_semaphore, #tpu.memory_space<semaphore_mem>>, %arg17: memref<!tpu.dma_semaphore, #tpu.memory_space<semaphore_mem>>) attributes {dimension_semantics = [#tpu.dimension_semantics<core_parallel>, #tpu.dimension_semantics<subcore_parallel>], iteration_bounds = array<i64: 2, 16>, scalar_prefetch = 0 : i64, scratch_operands = 12 : i64, tpu.core_type = #tpu.core_type<sc_vector_subcore>, window_params = [{transform_indices = #map}, {transform_indices = #map}, {transform_indices = #map1}, {transform_indices = #map1}]} {
    %mul3A = arith.constant 2 : i32
    %mul3A_0 = arith.muli %arg1, %mul3A : i32
    %add3A = arith.addi %mul3A_0, %arg0 : i32
    %mul3A_1 = arith.constant 65536 : i32
    %mul3A_2 = arith.muli %add3A, %mul3A_1 : i32
    %add3A_3 = arith.constant 0 : i32
    %add3A_4 = arith.addi %mul3A_2, %add3A_3 : i32
    %dma_start3A = arith.constant 0 : i32
    %dma_start3A_5 = arith.constant 0 : i32
    %dma_start3A_6 = arith.constant 0 : i32
    %dma_start3A_7 = tpu.memref_slice %arg6[%dma_start3A, %dma_start3A_5, %dma_start3A_6] : memref<2x3x4096xf32, #tpu.memory_space<vmem>> -> memref<1x3x4096xf32, #tpu.memory_space<vmem>>
    %dma_start3A_8 = tpu.memref_squeeze %dma_start3A_7 : memref<1x3x4096xf32, #tpu.memory_space<vmem>> -> memref<3x4096xf32, #tpu.memory_space<vmem>>
    %dma_start3A_9 = arith.constant 0 : i32
    %dma_start3A_10 = tpu.memref_slice %arg2[%dma_start3A_9, %add3A_4] : memref<3x2097152xf32, #tpu.memory_space<hbm>> -> memref<3x4096xf32, #tpu.memory_space<hbm>>
    %dma_start3A_11 = arith.constant 0 : i32
    %dma_start3A_12 = arith.constant 0 : i32
    %dma_start3A_13 = tpu.memref_slice %arg6[%dma_start3A, %dma_start3A_11, %dma_start3A_12] : memref<2x3x4096xf32, #tpu.memory_space<vmem>> -> memref<1x3x4096xf32, #tpu.memory_space<vmem>>
    %dma_start3A_14 = tpu.memref_squeeze %dma_start3A_13 : memref<1x3x4096xf32, #tpu.memory_space<vmem>> -> memref<3x4096xf32, #tpu.memory_space<vmem>>
    %dma_start3A_15 = arith.constant 0 : i32
    %dma_start3A_16 = tpu.memref_slice %arg2[%dma_start3A_15, %add3A_4] : memref<3x2097152xf32, #tpu.memory_space<hbm>> -> memref<3x4096xf32, #tpu.memory_space<hbm>>
    tpu.enqueue_dma source(%dma_start3A_16 : memref<3x4096xf32, #tpu.memory_space<hbm>>) target(%dma_start3A_14 : memref<3x4096xf32, #tpu.memory_space<vmem>>) target_semaphore(%arg10 : memref<!tpu.dma_semaphore, #tpu.memory_space<semaphore_mem>>)
    %dma_start3A_17 = arith.constant 0 : i32
    %dma_start3A_18 = arith.constant 0 : i32
    %dma_start3A_19 = arith.constant 0 : i32
    %dma_start3A_20 = tpu.memref_slice %arg7[%dma_start3A_17, %dma_start3A_18, %dma_start3A_19] : memref<2x3x4096xf32, #tpu.memory_space<vmem>> -> memref<1x3x4096xf32, #tpu.memory_space<vmem>>
    %dma_start3A_21 = tpu.memref_squeeze %dma_start3A_20 : memref<1x3x4096xf32, #tpu.memory_space<vmem>> -> memref<3x4096xf32, #tpu.memory_space<vmem>>
    %dma_start3A_22 = arith.constant 0 : i32
    %dma_start3A_23 = tpu.memref_slice %arg3[%dma_start3A_22, %add3A_4] : memref<3x2097152xf32, #tpu.memory_space<hbm>> -> memref<3x4096xf32, #tpu.memory_space<hbm>>
    %dma_start3A_24 = arith.constant 0 : i32
    %dma_start3A_25 = arith.constant 0 : i32
    %dma_start3A_26 = tpu.memref_slice %arg7[%dma_start3A_17, %dma_start3A_24, %dma_start3A_25] : memref<2x3x4096xf32, #tpu.memory_space<vmem>> -> memref<1x3x4096xf32, #tpu.memory_space<vmem>>
    %dma_start3A_27 = tpu.memref_squeeze %dma_start3A_26 : memref<1x3x4096xf32, #tpu.memory_space<vmem>> -> memref<3x4096xf32, #tpu.memory_space<vmem>>
    %dma_start3A_28 = arith.constant 0 : i32
    %dma_start3A_29 = tpu.memref_slice %arg3[%dma_start3A_28, %add3A_4] : memref<3x2097152xf32, #tpu.memory_space<hbm>> -> memref<3x4096xf32, #tpu.memory_space<hbm>>
    tpu.enqueue_dma source(%dma_start3A_29 : memref<3x4096xf32, #tpu.memory_space<hbm>>) target(%dma_start3A_27 : memref<3x4096xf32, #tpu.memory_space<vmem>>) target_semaphore(%arg12 : memref<!tpu.dma_semaphore, #tpu.memory_space<semaphore_mem>>)
    %scan3A = arith.constant 0 : i32
    %scan3A_30 = arith.constant 0 : i32
    %scan3A_31 = arith.constant 8 : i32
    %scan3A_32 = arith.addi %scan3A_30, %scan3A_31 : i32
    %scan3A_33 = arith.constant 1 : i32
    %scan3A_34 = scf.for %scan3A_75 = %scan3A_30 to %scan3A_32 step %scan3A_33 iter_args(%scan3A_76 = %scan3A) -> (i32)  : i32 {
      %mul3A_77 = arith.constant 2 : i32
      %mul3A_78 = arith.muli %scan3A_75, %mul3A_77 : i32
      %add3A_79 = arith.constant 0 : i32
      %add3A_80 = arith.addi %mul3A_78, %add3A_79 : i32
      %add3A_81 = arith.constant 1 : i32
      %add3A_82 = arith.addi %add3A_80, %add3A_81 : i32
      %lt3A = arith.constant 16 : i32
      %lt3A_83 = arith.cmpi slt, %add3A_82, %lt3A : i32
      %convert_element_type3A = arith.extui %lt3A_83 : i1 to i32
      %cond3A = arith.constant 0 : i32
      %cond3A_84 = arith.cmpi ne, %convert_element_type3A, %cond3A : i32
      scf.if %cond3A_84 {
        %mul3A_220 = arith.constant 4096 : i32
        %mul3A_221 = arith.muli %add3A_82, %mul3A_220 : i32
        %add3A_222 = arith.addi %mul3A_2, %mul3A_221 : i32
        %dma_start3A_223 = arith.constant 1 : i32
        %dma_start3A_224 = arith.constant 0 : i32
        %dma_start3A_225 = arith.constant 0 : i32
        %dma_start3A_226 = tpu.memref_slice %arg6[%dma_start3A_223, %dma_start3A_224, %dma_start3A_225] : memref<2x3x4096xf32, #tpu.memory_space<vmem>> -> memref<1x3x4096xf32, #tpu.memory_space<vmem>>
        %dma_start3A_227 = tpu.memref_squeeze %dma_start3A_226 : memref<1x3x4096xf32, #tpu.memory_space<vmem>> -> memref<3x4096xf32, #tpu.memory_space<vmem>>
        %dma_start3A_228 = arith.constant 0 : i32
        %dma_start3A_229 = tpu.memref_slice %arg2[%dma_start3A_228, %add3A_222] : memref<3x2097152xf32, #tpu.memory_space<hbm>> -> memref<3x4096xf32, #tpu.memory_space<hbm>>
        %dma_start3A_230 = arith.constant 0 : i32
        %dma_start3A_231 = arith.constant 0 : i32
        %dma_start3A_232 = tpu.memref_slice %arg6[%dma_start3A_223, %dma_start3A_230, %dma_start3A_231] : memref<2x3x4096xf32, #tpu.memory_space<vmem>> -> memref<1x3x4096xf32, #tpu.memory_space<vmem>>
        %dma_start3A_233 = tpu.memref_squeeze %dma_start3A_232 : memref<1x3x4096xf32, #tpu.memory_space<vmem>> -> memref<3x4096xf32, #tpu.memory_space<vmem>>
        %dma_start3A_234 = arith.constant 0 : i32
        %dma_start3A_235 = tpu.memref_slice %arg2[%dma_start3A_234, %add3A_222] : memref<3x2097152xf32, #tpu.memory_space<hbm>> -> memref<3x4096xf32, #tpu.memory_space<hbm>>
        tpu.enqueue_dma source(%dma_start3A_235 : memref<3x4096xf32, #tpu.memory_space<hbm>>) target(%dma_start3A_233 : memref<3x4096xf32, #tpu.memory_space<vmem>>) target_semaphore(%arg11 : memref<!tpu.dma_semaphore, #tpu.memory_space<semaphore_mem>>)
        %dma_start3A_236 = arith.constant 1 : i32
        %dma_start3A_237 = arith.constant 0 : i32
        %dma_start3A_238 = arith.constant 0 : i32
        %dma_start3A_239 = tpu.memref_slice %arg7[%dma_start3A_236, %dma_start3A_237, %dma_start3A_238] : memref<2x3x4096xf32, #tpu.memory_space<vmem>> -> memref<1x3x4096xf32, #tpu.memory_space<vmem>>
        %dma_start3A_240 = tpu.memref_squeeze %dma_start3A_239 : memref<1x3x4096xf32, #tpu.memory_space<vmem>> -> memref<3x4096xf32, #tpu.memory_space<vmem>>
        %dma_start3A_241 = arith.constant 0 : i32
        %dma_start3A_242 = tpu.memref_slice %arg3[%dma_start3A_241, %add3A_222] : memref<3x2097152xf32, #tpu.memory_space<hbm>> -> memref<3x4096xf32, #tpu.memory_space<hbm>>
        %dma_start3A_243 = arith.constant 0 : i32
        %dma_start3A_244 = arith.constant 0 : i32
        %dma_start3A_245 = tpu.memref_slice %arg7[%dma_start3A_236, %dma_start3A_243, %dma_start3A_244] : memref<2x3x4096xf32, #tpu.memory_space<vmem>> -> memref<1x3x4096xf32, #tpu.memory_space<vmem>>
        %dma_start3A_246 = tpu.memref_squeeze %dma_start3A_245 : memref<1x3x4096xf32, #tpu.memory_space<vmem>> -> memref<3x4096xf32, #tpu.memory_space<vmem>>
        %dma_start3A_247 = arith.constant 0 : i32
        %dma_start3A_248 = tpu.memref_slice %arg3[%dma_start3A_247, %add3A_222] : memref<3x2097152xf32, #tpu.memory_space<hbm>> -> memref<3x4096xf32, #tpu.memory_space<hbm>>
        tpu.enqueue_dma source(%dma_start3A_248 : memref<3x4096xf32, #tpu.memory_space<hbm>>) target(%dma_start3A_246 : memref<3x4096xf32, #tpu.memory_space<vmem>>) target_semaphore(%arg13 : memref<!tpu.dma_semaphore, #tpu.memory_space<semaphore_mem>>)
      } else {
      }
      %mul3A_85 = arith.constant 4096 : i32
      %mul3A_86 = arith.muli %add3A_80, %mul3A_85 : i32
      %add3A_87 = arith.addi %mul3A_2, %mul3A_86 : i32
      %dma_wait3A_88 = arith.constant 0 : i32
      %dma_wait3A_89 = arith.constant 0 : i32
      %dma_wait3A_90 = arith.constant 0 : i32
      %dma_wait3A_91 = tpu.memref_slice %arg6[%dma_wait3A_88, %dma_wait3A_89, %dma_wait3A_90] : memref<2x3x4096xf32, #tpu.memory_space<vmem>> -> memref<1x3x4096xf32, #tpu.memory_space<vmem>>
      %dma_wait3A_92 = tpu.memref_squeeze %dma_wait3A_91 : memref<1x3x4096xf32, #tpu.memory_space<vmem>> -> memref<3x4096xf32, #tpu.memory_space<vmem>>
      %dma_wait3A_93 = arith.constant 0 : i32
      %dma_wait3A_94 = tpu.memref_slice %arg2[%dma_wait3A_93, %add3A_87] : memref<3x2097152xf32, #tpu.memory_space<hbm>> -> memref<3x4096xf32, #tpu.memory_space<hbm>>
      %dma_wait3A_95 = arith.constant 0 : i32
      %dma_wait3A_96 = arith.constant 0 : i32
      %dma_wait3A_97 = tpu.memref_slice %arg6[%dma_wait3A_88, %dma_wait3A_95, %dma_wait3A_96] : memref<2x3x4096xf32, #tpu.memory_space<vmem>> -> memref<1x3x4096xf32, #tpu.memory_space<vmem>>
      %dma_wait3A_98 = tpu.memref_squeeze %dma_wait3A_97 : memref<1x3x4096xf32, #tpu.memory_space<vmem>> -> memref<3x4096xf32, #tpu.memory_space<vmem>>
      %dma_wait3A_99 = arith.constant 0 : i32
      %dma_wait3A_100 = tpu.memref_slice %arg2[%dma_wait3A_99, %add3A_87] : memref<3x2097152xf32, #tpu.memory_space<hbm>> -> memref<3x4096xf32, #tpu.memory_space<hbm>>
      tpu.wait_dma2 semaphore(%arg10 : memref<!tpu.dma_semaphore, #tpu.memory_space<semaphore_mem>>) src(%dma_wait3A_100 : memref<3x4096xf32, #tpu.memory_space<hbm>>) dst(%dma_wait3A_98 : memref<3x4096xf32, #tpu.memory_space<vmem>>)
      %dma_wait3A_101 = arith.constant 0 : i32
      %dma_wait3A_102 = arith.constant 0 : i32
      %dma_wait3A_103 = arith.constant 0 : i32
      %dma_wait3A_104 = tpu.memref_slice %arg7[%dma_wait3A_101, %dma_wait3A_102, %dma_wait3A_103] : memref<2x3x4096xf32, #tpu.memory_space<vmem>> -> memref<1x3x4096xf32, #tpu.memory_space<vmem>>
      %dma_wait3A_105 = tpu.memref_squeeze %dma_wait3A_104 : memref<1x3x4096xf32, #tpu.memory_space<vmem>> -> memref<3x4096xf32, #tpu.memory_space<vmem>>
      %dma_wait3A_106 = arith.constant 0 : i32
      %dma_wait3A_107 = tpu.memref_slice %arg3[%dma_wait3A_106, %add3A_87] : memref<3x2097152xf32, #tpu.memory_space<hbm>> -> memref<3x4096xf32, #tpu.memory_space<hbm>>
      %dma_wait3A_108 = arith.constant 0 : i32
      %dma_wait3A_109 = arith.constant 0 : i32
      %dma_wait3A_110 = tpu.memref_slice %arg7[%dma_wait3A_101, %dma_wait3A_108, %dma_wait3A_109] : memref<2x3x4096xf32, #tpu.memory_space<vmem>> -> memref<1x3x4096xf32, #tpu.memory_space<vmem>>
      %dma_wait3A_111 = tpu.memref_squeeze %dma_wait3A_110 : memref<1x3x4096xf32, #tpu.memory_space<vmem>> -> memref<3x4096xf32, #tpu.memory_space<vmem>>
      %dma_wait3A_112 = arith.constant 0 : i32
      %dma_wait3A_113 = tpu.memref_slice %arg3[%dma_wait3A_112, %add3A_87] : memref<3x2097152xf32, #tpu.memory_space<hbm>> -> memref<3x4096xf32, #tpu.memory_space<hbm>>
      tpu.wait_dma2 semaphore(%arg12 : memref<!tpu.dma_semaphore, #tpu.memory_space<semaphore_mem>>) src(%dma_wait3A_113 : memref<3x4096xf32, #tpu.memory_space<hbm>>) dst(%dma_wait3A_111 : memref<3x4096xf32, #tpu.memory_space<vmem>>)
      %ge3A = arith.constant 2 : i32
      %ge3A_114 = arith.cmpi sge, %add3A_80, %ge3A : i32
      %convert_element_type3A_115 = arith.extui %ge3A_114 : i1 to i32
      %cond3A_116 = arith.constant 0 : i32
      %cond3A_117 = arith.cmpi ne, %convert_element_type3A_115, %cond3A_116 : i32
      scf.if %cond3A_117 {
        %mul3A_220 = arith.constant 4096 : i32
        %mul3A_221 = arith.muli %add3A_80, %mul3A_220 : i32
        %add3A_222 = arith.addi %mul3A_2, %mul3A_221 : i32
        %dma_wait3A_223 = arith.constant 0 : i32
        %dma_wait3A_224 = arith.constant 0 : i32
        %dma_wait3A_225 = tpu.memref_slice %arg8[%dma_wait3A_223, %dma_wait3A_224] : memref<2x4096xf32, #tpu.memory_space<vmem>> -> memref<1x4096xf32, #tpu.memory_space<vmem>>
        %dma_wait3A_226 = tpu.memref_squeeze %dma_wait3A_225 : memref<1x4096xf32, #tpu.memory_space<vmem>> -> memref<4096xf32, #tpu.memory_space<vmem>>
        %dma_wait3A_227 = tpu.memref_slice %arg4[%add3A_222] : memref<2097152xf32, #tpu.memory_space<hbm>> -> memref<4096xf32, #tpu.memory_space<hbm>>
        %dma_wait3A_228 = tpu.memref_slice %arg4[%add3A_222] : memref<2097152xf32, #tpu.memory_space<hbm>> -> memref<4096xf32, #tpu.memory_space<hbm>>
        %dma_wait3A_229 = arith.constant 0 : i32
        %dma_wait3A_230 = tpu.memref_slice %arg8[%dma_wait3A_223, %dma_wait3A_229] : memref<2x4096xf32, #tpu.memory_space<vmem>> -> memref<1x4096xf32, #tpu.memory_space<vmem>>
        %dma_wait3A_231 = tpu.memref_squeeze %dma_wait3A_230 : memref<1x4096xf32, #tpu.memory_space<vmem>> -> memref<4096xf32, #tpu.memory_space<vmem>>
        tpu.wait_dma2 semaphore(%arg14 : memref<!tpu.dma_semaphore, #tpu.memory_space<semaphore_mem>>) src(%dma_wait3A_231 : memref<4096xf32, #tpu.memory_space<vmem>>) dst(%dma_wait3A_228 : memref<4096xf32, #tpu.memory_space<hbm>>)
        %dma_wait3A_232 = arith.constant 0 : i32
        %dma_wait3A_233 = arith.constant 0 : i32
        %dma_wait3A_234 = tpu.memref_slice %arg9[%dma_wait3A_232, %dma_wait3A_233] : memref<2x4096xf32, #tpu.memory_space<vmem>> -> memref<1x4096xf32, #tpu.memory_space<vmem>>
        %dma_wait3A_235 = tpu.memref_squeeze %dma_wait3A_234 : memref<1x4096xf32, #tpu.memory_space<vmem>> -> memref<4096xf32, #tpu.memory_space<vmem>>
        %dma_wait3A_236 = tpu.memref_slice %arg5[%add3A_222] : memref<2097152xf32, #tpu.memory_space<hbm>> -> memref<4096xf32, #tpu.memory_space<hbm>>
        %dma_wait3A_237 = tpu.memref_slice %arg5[%add3A_222] : memref<2097152xf32, #tpu.memory_space<hbm>> -> memref<4096xf32, #tpu.memory_space<hbm>>
        %dma_wait3A_238 = arith.constant 0 : i32
        %dma_wait3A_239 = tpu.memref_slice %arg9[%dma_wait3A_232, %dma_wait3A_238] : memref<2x4096xf32, #tpu.memory_space<vmem>> -> memref<1x4096xf32, #tpu.memory_space<vmem>>
        %dma_wait3A_240 = tpu.memref_squeeze %dma_wait3A_239 : memref<1x4096xf32, #tpu.memory_space<vmem>> -> memref<4096xf32, #tpu.memory_space<vmem>>
        tpu.wait_dma2 semaphore(%arg16 : memref<!tpu.dma_semaphore, #tpu.memory_space<semaphore_mem>>) src(%dma_wait3A_240 : memref<4096xf32, #tpu.memory_space<vmem>>) dst(%dma_wait3A_237 : memref<4096xf32, #tpu.memory_space<hbm>>)
      } else {
      }
      %scan3A_118 = arith.constant 0 : i32
      %scan3A_119 = arith.constant 0 : i32
      %scan3A_120 = arith.constant 256 : i32
      %scan3A_121 = arith.addi %scan3A_119, %scan3A_120 : i32
      %scan3A_122 = arith.constant 8 : i32
      %scan3A_123 = scf.for %scan3A_220 = %scan3A_119 to %scan3A_121 step %scan3A_122 iter_args(%scan3A_221 = %scan3A_118) -> (i32)  : i32 {
        %mul3A_222 = arith.constant 16 : i32
        %mul3A_223 = arith.muli %scan3A_220, %mul3A_222 : i32
        %get3A = arith.constant 0 : i32
        %get3A_224 = arith.constant 0 : i32
        %get3A_225 = arith.index_cast %get3A : i32 to index
        %get3A_226 = arith.index_cast %get3A_224 : i32 to index
        %get3A_227 = arith.index_cast %mul3A_223 : i32 to index
        %get3A_228 = tpu.vector_load %arg6[%get3A_225, %get3A_226, %get3A_227] {strides = array<i32>} : memref<2x3x4096xf32, #tpu.memory_space<vmem>>, vector<1x1x16xf32>,
        %get3A_229 = vector.shape_cast %get3A_228 : vector<1x1x16xf32> to vector<16xf32>
        %get3A_230 = arith.constant 0 : i32
        %get3A_231 = arith.constant 1 : i32
        %get3A_232 = arith.index_cast %get3A_230 : i32 to index
        %get3A_233 = arith.index_cast %get3A_231 : i32 to index
        %get3A_234 = arith.index_cast %mul3A_223 : i32 to index
        %get3A_235 = tpu.vector_load %arg6[%get3A_232, %get3A_233, %get3A_234] {strides = array<i32>} : memref<2x3x4096xf32, #tpu.memory_space<vmem>>, vector<1x1x16xf32>,
        %get3A_236 = vector.shape_cast %get3A_235 : vector<1x1x16xf32> to vector<16xf32>
        %get3A_237 = arith.constant 0 : i32
        %get3A_238 = arith.constant 2 : i32
        %get3A_239 = arith.index_cast %get3A_237 : i32 to index
        %get3A_240 = arith.index_cast %get3A_238 : i32 to index
        %get3A_241 = arith.index_cast %mul3A_223 : i32 to index
        %get3A_242 = tpu.vector_load %arg6[%get3A_239, %get3A_240, %get3A_241] {strides = array<i32>} : memref<2x3x4096xf32, #tpu.memory_space<vmem>>, vector<1x1x16xf32>,
        %get3A_243 = vector.shape_cast %get3A_242 : vector<1x1x16xf32> to vector<16xf32>
        %get3A_244 = arith.constant 0 : i32
        %get3A_245 = arith.constant 0 : i32
        %get3A_246 = arith.index_cast %get3A_244 : i32 to index
        %get3A_247 = arith.index_cast %get3A_245 : i32 to index
        %get3A_248 = arith.index_cast %mul3A_223 : i32 to index
        %get3A_249 = tpu.vector_load %arg7[%get3A_246, %get3A_247, %get3A_248] {strides = array<i32>} : memref<2x3x4096xf32, #tpu.memory_space<vmem>>, vector<1x1x16xf32>,
        %get3A_250 = vector.shape_cast %get3A_249 : vector<1x1x16xf32> to vector<16xf32>
        %get3A_251 = arith.constant 0 : i32
        %get3A_252 = arith.constant 1 : i32
        %get3A_253 = arith.index_cast %get3A_251 : i32 to index
        %get3A_254 = arith.index_cast %get3A_252 : i32 to index
        %get3A_255 = arith.index_cast %mul3A_223 : i32 to index
        %get3A_256 = tpu.vector_load %arg7[%get3A_253, %get3A_254, %get3A_255] {strides = array<i32>} : memref<2x3x4096xf32, #tpu.memory_space<vmem>>, vector<1x1x16xf32>,
        %get3A_257 = vector.shape_cast %get3A_256 : vector<1x1x16xf32> to vector<16xf32>
        %get3A_258 = arith.constant 0 : i32
        %get3A_259 = arith.constant 2 : i32
        %get3A_260 = arith.index_cast %get3A_258 : i32 to index
        %get3A_261 = arith.index_cast %get3A_259 : i32 to index
        %get3A_262 = arith.index_cast %mul3A_223 : i32 to index
        %get3A_263 = tpu.vector_load %arg7[%get3A_260, %get3A_261, %get3A_262] {strides = array<i32>} : memref<2x3x4096xf32, #tpu.memory_space<vmem>>, vector<1x1x16xf32>,
        %get3A_264 = vector.shape_cast %get3A_263 : vector<1x1x16xf32> to vector<16xf32>
        %div3A = arith.constant 1.000000e+00 : f32
        %div3A_265 = vector.broadcast %div3A : f32 to vector<16xf32>
        %div3A_266 = arith.divf %div3A_265, %get3A_264 : vector<16xf32>
        %lt3A_267 = arith.constant 0.000000e+00 : f32
        %lt3A_268 = vector.broadcast %lt3A_267 : f32 to vector<16xf32>
        %lt3A_269 = arith.cmpf olt, %get3A_264, %lt3A_268 : vector<16xf32>
        %gt3A = arith.constant 2.000000e+01 : f32
        %gt3A_270 = vector.broadcast %gt3A : f32 to vector<16xf32>
        %gt3A_271 = arith.cmpf ogt, %get3A_243, %gt3A_270 : vector<16xf32>
        %and3A = arith.andi %gt3A_271, %lt3A_269 : vector<16xi1>
        %gt3A_272 = arith.constant -2.000000e+01 : f32
        %gt3A_273 = vector.broadcast %gt3A_272 : f32 to vector<16xf32>
        %gt3A_274 = arith.cmpf ogt, %get3A_243, %gt3A_273 : vector<16xf32>
        %and3A_275 = arith.andi %gt3A_274, %lt3A_269 : vector<16xi1>
        %sub3A = arith.constant 2.000000e+01 : f32
        %sub3A_276 = vector.broadcast %sub3A : f32 to vector<16xf32>
        %sub3A_277 = arith.subf %sub3A_276, %get3A_243 : vector<16xf32>
        %mul3A_278 = arith.mulf %sub3A_277, %div3A_266 : vector<16xf32>
        %sub3A_279 = arith.constant -2.000000e+01 : f32
        %sub3A_280 = vector.broadcast %sub3A_279 : f32 to vector<16xf32>
        %sub3A_281 = arith.subf %sub3A_280, %get3A_243 : vector<16xf32>
        %mul3A_282 = arith.mulf %sub3A_281, %div3A_266 : vector<16xf32>
        %jit3A = arith.constant 5.000000e-02 : f32
        %broadcast_in_dim3A = vector.broadcast %jit3A : f32 to vector<16xf32>
        %select_n3A = arith.select %and3A, %mul3A_278, %broadcast_in_dim3A : vector<16xi1>, vector<16xf32>
        %jit3A_283 = arith.constant 1.000000e+03 : f32
        %broadcast_in_dim3A_284 = vector.broadcast %jit3A_283 : f32 to vector<16xf32>
        %select_n3A_285 = arith.select %and3A_275, %mul3A_282, %broadcast_in_dim3A_284 : vector<16xi1>, vector<16xf32>
        %mul3A_286 = arith.mulf %get3A_250, %get3A_250 : vector<16xf32>
        %mul3A_287 = arith.mulf %get3A_257, %get3A_257 : vector<16xf32>
        %add3A_288 = arith.addf %mul3A_286, %mul3A_287 : vector<16xf32>
        %mul3A_289 = arith.constant 3.33333337E-5 : f32
        %mul3A_290 = vector.broadcast %mul3A_289 : f32 to vector<16xf32>
        %mul3A_291 = arith.mulf %mul3A_290, %add3A_288 : vector<16xf32>
        %mul3A_292 = arith.mulf %get3A_264, %get3A_264 : vector<16xf32>
        %mul3A_293 = arith.constant 8.33333353E-4 : f32
        %mul3A_294 = vector.broadcast %mul3A_293 : f32 to vector<16xf32>
        %mul3A_295 = arith.mulf %mul3A_294, %mul3A_292 : vector<16xf32>
        %add3A_296 = arith.addf %mul3A_291, %mul3A_295 : vector<16xf32>
        %mul3A_297 = arith.mulf %get3A_229, %get3A_250 : vector<16xf32>
        %mul3A_298 = arith.mulf %get3A_236, %get3A_257 : vector<16xf32>
        %add3A_299 = arith.addf %mul3A_297, %mul3A_298 : vector<16xf32>
        %mul3A_300 = arith.constant 3.33333337E-5 : f32
        %mul3A_301 = vector.broadcast %mul3A_300 : f32 to vector<16xf32>
        %mul3A_302 = arith.mulf %mul3A_301, %add3A_299 : vector<16xf32>
        %mul3A_303 = arith.mulf %get3A_243, %get3A_264 : vector<16xf32>
        %mul3A_304 = arith.constant 8.33333353E-4 : f32
        %mul3A_305 = vector.broadcast %mul3A_304 : f32 to vector<16xf32>
        %mul3A_306 = arith.mulf %mul3A_305, %mul3A_303 : vector<16xf32>
        %add3A_307 = arith.addf %mul3A_302, %mul3A_306 : vector<16xf32>
        %mul3A_308 = arith.mulf %get3A_229, %get3A_229 : vector<16xf32>
        %mul3A_309 = arith.mulf %get3A_236, %get3A_236 : vector<16xf32>
        %add3A_310 = arith.addf %mul3A_308, %mul3A_309 : vector<16xf32>
        %mul3A_311 = arith.constant 3.33333337E-5 : f32
        %mul3A_312 = vector.broadcast %mul3A_311 : f32 to vector<16xf32>
        %mul3A_313 = arith.mulf %mul3A_312, %add3A_310 : vector<16xf32>
        %mul3A_314 = arith.mulf %get3A_243, %get3A_243 : vector<16xf32>
        %mul3A_315 = arith.constant 8.33333353E-4 : f32
        %mul3A_316 = vector.broadcast %mul3A_315 : f32 to vector<16xf32>
        %mul3A_317 = arith.mulf %mul3A_316, %mul3A_314 : vector<16xf32>
        %add3A_318 = arith.addf %mul3A_313, %mul3A_317 : vector<16xf32>
        %sub3A_319 = arith.constant 1.000000e+00 : f32
        %sub3A_320 = vector.broadcast %sub3A_319 : f32 to vector<16xf32>
        %sub3A_321 = arith.subf %add3A_318, %sub3A_320 : vector<16xf32>
        %mul3A_322 = arith.mulf %add3A_307, %add3A_307 : vector<16xf32>
        %mul3A_323 = arith.mulf %add3A_296, %sub3A_321 : vector<16xf32>
        %sub3A_324 = arith.subf %mul3A_322, %mul3A_323 : vector<16xf32>
        %gt3A_325 = arith.constant 0.000000e+00 : f32
        %gt3A_326 = vector.broadcast %gt3A_325 : f32 to vector<16xf32>
        %gt3A_327 = arith.cmpf ogt, %sub3A_324, %gt3A_326 : vector<16xf32>
        %jit3A_328 = arith.constant 1.000000e+00 : f32
        %broadcast_in_dim3A_329 = vector.broadcast %jit3A_328 : f32 to vector<16xf32>
        %select_n3A_330 = arith.select %gt3A_327, %sub3A_324, %broadcast_in_dim3A_329 : vector<16xi1>, vector<16xf32>
        %bitcast_convert_type3A = tpu.bitcast %select_n3A_330 : vector<16xf32> -> vector<16xi32>
        %shift_right_logical3A = arith.constant 1 : i32
        %shift_right_logical3A_331 = vector.broadcast %shift_right_logical3A : i32 to vector<16xi32>
        %shift_right_logical3A_332 = arith.shrui %bitcast_convert_type3A, %shift_right_logical3A_331 : vector<16xi32>
        %sub3A_333 = arith.constant 1597463007 : i32
        %sub3A_334 = vector.broadcast %sub3A_333 : i32 to vector<16xi32>
        %sub3A_335 = arith.subi %sub3A_334, %shift_right_logical3A_332 : vector<16xi32>
        %bitcast_convert_type3A_336 = tpu.bitcast %sub3A_335 : vector<16xi32> -> vector<16xf32>
        %mul3A_337 = arith.constant 5.000000e-01 : f32
        %mul3A_338 = vector.broadcast %mul3A_337 : f32 to vector<16xf32>
        %mul3A_339 = arith.mulf %mul3A_338, %select_n3A_330 : vector<16xf32>
        %mul3A_340 = arith.mulf %mul3A_339, %bitcast_convert_type3A_336 : vector<16xf32>
        %mul3A_341 = arith.mulf %mul3A_340, %bitcast_convert_type3A_336 : vector<16xf32>
        %sub3A_342 = arith.constant 1.500000e+00 : f32
        %sub3A_343 = vector.broadcast %sub3A_342 : f32 to vector<16xf32>
        %sub3A_344 = arith.subf %sub3A_343, %mul3A_341 : vector<16xf32>
        %mul3A_345 = arith.mulf %bitcast_convert_type3A_336, %sub3A_344 : vector<16xf32>
        %mul3A_346 = arith.mulf %mul3A_339, %mul3A_345 : vector<16xf32>
        %mul3A_347 = arith.mulf %mul3A_346, %mul3A_345 : vector<16xf32>
        %sub3A_348 = arith.constant 1.500000e+00 : f32
        %sub3A_349 = vector.broadcast %sub3A_348 : f32 to vector<16xf32>
        %sub3A_350 = arith.subf %sub3A_349, %mul3A_347 : vector<16xf32>
        %mul3A_351 = arith.mulf %mul3A_345, %sub3A_350 : vector<16xf32>
        %mul3A_352 = arith.mulf %mul3A_339, %mul3A_351 : vector<16xf32>
        %mul3A_353 = arith.mulf %mul3A_352, %mul3A_351 : vector<16xf32>
        %sub3A_354 = arith.constant 1.500000e+00 : f32
        %sub3A_355 = vector.broadcast %sub3A_354 : f32 to vector<16xf32>
        %sub3A_356 = arith.subf %sub3A_355, %mul3A_353 : vector<16xf32>
        %mul3A_357 = arith.mulf %mul3A_351, %sub3A_356 : vector<16xf32>
        %mul3A_358 = arith.mulf %select_n3A_330, %mul3A_357 : vector<16xf32>
        %sub3A_359 = arith.subf %mul3A_358, %add3A_307 : vector<16xf32>
        %div3A_360 = arith.constant 1.000000e+00 : f32
        %div3A_361 = vector.broadcast %div3A_360 : f32 to vector<16xf32>
        %div3A_362 = arith.divf %div3A_361, %add3A_296 : vector<16xf32>
        %mul3A_363 = arith.mulf %sub3A_359, %div3A_362 : vector<16xf32>
        %jit3A_364 = arith.constant 0.000000e+00 : f32
        %broadcast_in_dim3A_365 = vector.broadcast %jit3A_364 : f32 to vector<16xf32>
        %select_n3A_366 = arith.select %gt3A_327, %mul3A_363, %broadcast_in_dim3A_365 : vector<16xi1>, vector<16xf32>
        %min3A = arith.minimumf %select_n3A_285, %select_n3A_366 : vector<16xf32>
        %max3A = arith.constant 5.000000e-02 : f32
        %max3A_367 = vector.broadcast %max3A : f32 to vector<16xf32>
        %max3A_368 = arith.maximumf %select_n3A, %max3A_367 : vector<16xf32>
        %add3A_369 = arith.constant 9.99999997E-7 : f32
        %add3A_370 = vector.broadcast %add3A_369 : f32 to vector<16xf32>
        %add3A_371 = arith.addf %max3A_368, %add3A_370 : vector<16xf32>
        %max3A_372 = arith.maximumf %min3A, %add3A_371 : vector<16xf32>
        %min3A_373 = arith.constant 1.000000e+03 : f32
        %min3A_374 = vector.broadcast %min3A_373 : f32 to vector<16xf32>
        %min3A_375 = arith.minimumf %max3A_372, %min3A_374 : vector<16xf32>
        %swap3A = arith.constant 0 : i32
        %swap3A_376 = arith.index_cast %swap3A : i32 to index
        %swap3A_377 = arith.index_cast %mul3A_223 : i32 to index
        %swap3A_378 = tpu.vector_load %arg8[%swap3A_376, %swap3A_377] {strides = array<i32>} : memref<2x4096xf32, #tpu.memory_space<vmem>>, vector<1x16xf32>,
        %swap3A_379 = vector.shape_cast %swap3A_378 : vector<1x16xf32> to vector<16xf32>
        %swap3A_380 = vector.shape_cast %max3A_368 : vector<16xf32> to vector<1x16xf32>
        tpu.vector_store %arg8[%swap3A_376, %swap3A_377], %swap3A_380 {strides = array<i32>} : memref<2x4096xf32, #tpu.memory_space<vmem>>, vector<1x16xf32>,
        %swap3A_381 = arith.constant 0 : i32
        %swap3A_382 = arith.index_cast %swap3A_381 : i32 to index
        %swap3A_383 = arith.index_cast %mul3A_223 : i32 to index
        %swap3A_384 = tpu.vector_load %arg9[%swap3A_382, %swap3A_383] {strides = array<i32>} : memref<2x4096xf32, #tpu.memory_space<vmem>>, vector<1x16xf32>,
        %swap3A_385 = vector.shape_cast %swap3A_384 : vector<1x16xf32> to vector<16xf32>
        %swap3A_386 = vector.shape_cast %min3A_375 : vector<16xf32> to vector<1x16xf32>
        tpu.vector_store %arg9[%swap3A_382, %swap3A_383], %swap3A_386 {strides = array<i32>} : memref<2x4096xf32, #tpu.memory_space<vmem>>, vector<1x16xf32>,
        %scan3A_387 = arith.constant 0 : i32
        %scan3A_388 = arith.constant 1 : i32
        %scan3A_389 = arith.addi %scan3A_220, %scan3A_388 : i32
        %mul3A_390 = arith.constant 16 : i32
        %mul3A_391 = arith.muli %scan3A_389, %mul3A_390 : i32
        %get3A_392 = arith.constant 0 : i32
        %get3A_393 = arith.constant 0 : i32
        %get3A_394 = arith.index_cast %get3A_392 : i32 to index
        %get3A_395 = arith.index_cast %get3A_393 : i32 to index
        %get3A_396 = arith.index_cast %mul3A_391 : i32 to index
        %get3A_397 = tpu.vector_load %arg6[%get3A_394, %get3A_395, %get3A_396] {strides = array<i32>} : memref<2x3x4096xf32, #tpu.memory_space<vmem>>, vector<1x1x16xf32>,
        %get3A_398 = vector.shape_cast %get3A_397 : vector<1x1x16xf32> to vector<16xf32>
        %get3A_399 = arith.constant 0 : i32
        %get3A_400 = arith.constant 1 : i32
        %get3A_401 = arith.index_cast %get3A_399 : i32 to index
        %get3A_402 = arith.index_cast %get3A_400 : i32 to index
        %get3A_403 = arith.index_cast %mul3A_391 : i32 to index
        %get3A_404 = tpu.vector_load %arg6[%get3A_401, %get3A_402, %get3A_403] {strides = array<i32>} : memref<2x3x4096xf32, #tpu.memory_space<vmem>>, vector<1x1x16xf32>,
        %get3A_405 = vector.shape_cast %get3A_404 : vector<1x1x16xf32> to vector<16xf32>
        %get3A_406 = arith.constant 0 : i32
        %get3A_407 = arith.constant 2 : i32
        %get3A_408 = arith.index_cast %get3A_406 : i32 to index
        %get3A_409 = arith.index_cast %get3A_407 : i32 to index
        %get3A_410 = arith.index_cast %mul3A_391 : i32 to index
        %get3A_411 = tpu.vector_load %arg6[%get3A_408, %get3A_409, %get3A_410] {strides = array<i32>} : memref<2x3x4096xf32, #tpu.memory_space<vmem>>, vector<1x1x16xf32>,
        %get3A_412 = vector.shape_cast %get3A_411 : vector<1x1x16xf32> to vector<16xf32>
        %get3A_413 = arith.constant 0 : i32
        %get3A_414 = arith.constant 0 : i32
        %get3A_415 = arith.index_cast %get3A_413 : i32 to index
        %get3A_416 = arith.index_cast %get3A_414 : i32 to index
        %get3A_417 = arith.index_cast %mul3A_391 : i32 to index
        %get3A_418 = tpu.vector_load %arg7[%get3A_415, %get3A_416, %get3A_417] {strides = array<i32>} : memref<2x3x4096xf32, #tpu.memory_space<vmem>>, vector<1x1x16xf32>,
        %get3A_419 = vector.shape_cast %get3A_418 : vector<1x1x16xf32> to vector<16xf32>
        %get3A_420 = arith.constant 0 : i32
        %get3A_421 = arith.constant 1 : i32
        %get3A_422 = arith.index_cast %get3A_420 : i32 to index
        %get3A_423 = arith.index_cast %get3A_421 : i32 to index
        %get3A_424 = arith.index_cast %mul3A_391 : i32 to index
        %get3A_425 = tpu.vector_load %arg7[%get3A_422, %get3A_423, %get3A_424] {strides = array<i32>} : memref<2x3x4096xf32, #tpu.memory_space<vmem>>, vector<1x1x16xf32>,
        %get3A_426 = vector.shape_cast %get3A_425 : vector<1x1x16xf32> to vector<16xf32>
        %get3A_427 = arith.constant 0 : i32
        %get3A_428 = arith.constant 2 : i32
        %get3A_429 = arith.index_cast %get3A_427 : i32 to index
        %get3A_430 = arith.index_cast %get3A_428 : i32 to index
        %get3A_431 = arith.index_cast %mul3A_391 : i32 to index
        %get3A_432 = tpu.vector_load %arg7[%get3A_429, %get3A_430, %get3A_431] {strides = array<i32>} : memref<2x3x4096xf32, #tpu.memory_space<vmem>>, vector<1x1x16xf32>,
        %get3A_433 = vector.shape_cast %get3A_432 : vector<1x1x16xf32> to vector<16xf32>
        %div3A_434 = arith.constant 1.000000e+00 : f32
        %div3A_435 = vector.broadcast %div3A_434 : f32 to vector<16xf32>
        %div3A_436 = arith.divf %div3A_435, %get3A_433 : vector<16xf32>
        %lt3A_437 = arith.constant 0.000000e+00 : f32
        %lt3A_438 = vector.broadcast %lt3A_437 : f32 to vector<16xf32>
        %lt3A_439 = arith.cmpf olt, %get3A_433, %lt3A_438 : vector<16xf32>
        %gt3A_440 = arith.constant 2.000000e+01 : f32
        %gt3A_441 = vector.broadcast %gt3A_440 : f32 to vector<16xf32>
        %gt3A_442 = arith.cmpf ogt, %get3A_412, %gt3A_441 : vector<16xf32>
        %and3A_443 = arith.andi %gt3A_442, %lt3A_439 : vector<16xi1>
        %gt3A_444 = arith.constant -2.000000e+01 : f32
        %gt3A_445 = vector.broadcast %gt3A_444 : f32 to vector<16xf32>
        %gt3A_446 = arith.cmpf ogt, %get3A_412, %gt3A_445 : vector<16xf32>
        %and3A_447 = arith.andi %gt3A_446, %lt3A_439 : vector<16xi1>
        %sub3A_448 = arith.constant 2.000000e+01 : f32
        %sub3A_449 = vector.broadcast %sub3A_448 : f32 to vector<16xf32>
        %sub3A_450 = arith.subf %sub3A_449, %get3A_412 : vector<16xf32>
        %mul3A_451 = arith.mulf %sub3A_450, %div3A_436 : vector<16xf32>
        %sub3A_452 = arith.constant -2.000000e+01 : f32
        %sub3A_453 = vector.broadcast %sub3A_452 : f32 to vector<16xf32>
        %sub3A_454 = arith.subf %sub3A_453, %get3A_412 : vector<16xf32>
        %mul3A_455 = arith.mulf %sub3A_454, %div3A_436 : vector<16xf32>
        %jit3A_456 = arith.constant 5.000000e-02 : f32
        %broadcast_in_dim3A_457 = vector.broadcast %jit3A_456 : f32 to vector<16xf32>
        %select_n3A_458 = arith.select %and3A_443, %mul3A_451, %broadcast_in_dim3A_457 : vector<16xi1>, vector<16xf32>
        %jit3A_459 = arith.constant 1.000000e+03 : f32
        %broadcast_in_dim3A_460 = vector.broadcast %jit3A_459 : f32 to vector<16xf32>
        %select_n3A_461 = arith.select %and3A_447, %mul3A_455, %broadcast_in_dim3A_460 : vector<16xi1>, vector<16xf32>
        %mul3A_462 = arith.mulf %get3A_419, %get3A_419 : vector<16xf32>
        %mul3A_463 = arith.mulf %get3A_426, %get3A_426 : vector<16xf32>
        %add3A_464 = arith.addf %mul3A_462, %mul3A_463 : vector<16xf32>
        %mul3A_465 = arith.constant 3.33333337E-5 : f32
        %mul3A_466 = vector.broadcast %mul3A_465 : f32 to vector<16xf32>
        %mul3A_467 = arith.mulf %mul3A_466, %add3A_464 : vector<16xf32>
        %mul3A_468 = arith.mulf %get3A_433, %get3A_433 : vector<16xf32>
        %mul3A_469 = arith.constant 8.33333353E-4 : f32
        %mul3A_470 = vector.broadcast %mul3A_469 : f32 to vector<16xf32>
        %mul3A_471 = arith.mulf %mul3A_470, %mul3A_468 : vector<16xf32>
        %add3A_472 = arith.addf %mul3A_467, %mul3A_471 : vector<16xf32>
        %mul3A_473 = arith.mulf %get3A_398, %get3A_419 : vector<16xf32>
        %mul3A_474 = arith.mulf %get3A_405, %get3A_426 : vector<16xf32>
        %add3A_475 = arith.addf %mul3A_473, %mul3A_474 : vector<16xf32>
        %mul3A_476 = arith.constant 3.33333337E-5 : f32
        %mul3A_477 = vector.broadcast %mul3A_476 : f32 to vector<16xf32>
        %mul3A_478 = arith.mulf %mul3A_477, %add3A_475 : vector<16xf32>
        %mul3A_479 = arith.mulf %get3A_412, %get3A_433 : vector<16xf32>
        %mul3A_480 = arith.constant 8.33333353E-4 : f32
        %mul3A_481 = vector.broadcast %mul3A_480 : f32 to vector<16xf32>
        %mul3A_482 = arith.mulf %mul3A_481, %mul3A_479 : vector<16xf32>
        %add3A_483 = arith.addf %mul3A_478, %mul3A_482 : vector<16xf32>
        %mul3A_484 = arith.mulf %get3A_398, %get3A_398 : vector<16xf32>
        %mul3A_485 = arith.mulf %get3A_405, %get3A_405 : vector<16xf32>
        %add3A_486 = arith.addf %mul3A_484, %mul3A_485 : vector<16xf32>
        %mul3A_487 = arith.constant 3.33333337E-5 : f32
        %mul3A_488 = vector.broadcast %mul3A_487 : f32 to vector<16xf32>
        %mul3A_489 = arith.mulf %mul3A_488, %add3A_486 : vector<16xf32>
        %mul3A_490 = arith.mulf %get3A_412, %get3A_412 : vector<16xf32>
        %mul3A_491 = arith.constant 8.33333353E-4 : f32
        %mul3A_492 = vector.broadcast %mul3A_491 : f32 to vector<16xf32>
        %mul3A_493 = arith.mulf %mul3A_492, %mul3A_490 : vector<16xf32>
        %add3A_494 = arith.addf %mul3A_489, %mul3A_493 : vector<16xf32>
        %sub3A_495 = arith.constant 1.000000e+00 : f32
        %sub3A_496 = vector.broadcast %sub3A_495 : f32 to vector<16xf32>
        %sub3A_497 = arith.subf %add3A_494, %sub3A_496 : vector<16xf32>
        %mul3A_498 = arith.mulf %add3A_483, %add3A_483 : vector<16xf32>
        %mul3A_499 = arith.mulf %add3A_472, %sub3A_497 : vector<16xf32>
        %sub3A_500 = arith.subf %mul3A_498, %mul3A_499 : vector<16xf32>
        %gt3A_501 = arith.constant 0.000000e+00 : f32
        %gt3A_502 = vector.broadcast %gt3A_501 : f32 to vector<16xf32>
        %gt3A_503 = arith.cmpf ogt, %sub3A_500, %gt3A_502 : vector<16xf32>
        %jit3A_504 = arith.constant 1.000000e+00 : f32
        %broadcast_in_dim3A_505 = vector.broadcast %jit3A_504 : f32 to vector<16xf32>
        %select_n3A_506 = arith.select %gt3A_503, %sub3A_500, %broadcast_in_dim3A_505 : vector<16xi1>, vector<16xf32>
        %bitcast_convert_type3A_507 = tpu.bitcast %select_n3A_506 : vector<16xf32> -> vector<16xi32>
        %shift_right_logical3A_508 = arith.constant 1 : i32
        %shift_right_logical3A_509 = vector.broadcast %shift_right_logical3A_508 : i32 to vector<16xi32>
        %shift_right_logical3A_510 = arith.shrui %bitcast_convert_type3A_507, %shift_right_logical3A_509 : vector<16xi32>
        %sub3A_511 = arith.constant 1597463007 : i32
        %sub3A_512 = vector.broadcast %sub3A_511 : i32 to vector<16xi32>
        %sub3A_513 = arith.subi %sub3A_512, %shift_right_logical3A_510 : vector<16xi32>
        %bitcast_convert_type3A_514 = tpu.bitcast %sub3A_513 : vector<16xi32> -> vector<16xf32>
        %mul3A_515 = arith.constant 5.000000e-01 : f32
        %mul3A_516 = vector.broadcast %mul3A_515 : f32 to vector<16xf32>
        %mul3A_517 = arith.mulf %mul3A_516, %select_n3A_506 : vector<16xf32>
        %mul3A_518 = arith.mulf %mul3A_517, %bitcast_convert_type3A_514 : vector<16xf32>
        %mul3A_519 = arith.mulf %mul3A_518, %bitcast_convert_type3A_514 : vector<16xf32>
        %sub3A_520 = arith.constant 1.500000e+00 : f32
        %sub3A_521 = vector.broadcast %sub3A_520 : f32 to vector<16xf32>
        %sub3A_522 = arith.subf %sub3A_521, %mul3A_519 : vector<16xf32>
        %mul3A_523 = arith.mulf %bitcast_convert_type3A_514, %sub3A_522 : vector<16xf32>
        %mul3A_524 = arith.mulf %mul3A_517, %mul3A_523 : vector<16xf32>
        %mul3A_525 = arith.mulf %mul3A_524, %mul3A_523 : vector<16xf32>
        %sub3A_526 = arith.constant 1.500000e+00 : f32
        %sub3A_527 = vector.broadcast %sub3A_526 : f32 to vector<16xf32>
        %sub3A_528 = arith.subf %sub3A_527, %mul3A_525 : vector<16xf32>
        %mul3A_529 = arith.mulf %mul3A_523, %sub3A_528 : vector<16xf32>
        %mul3A_530 = arith.mulf %mul3A_517, %mul3A_529 : vector<16xf32>
        %mul3A_531 = arith.mulf %mul3A_530, %mul3A_529 : vector<16xf32>
        %sub3A_532 = arith.constant 1.500000e+00 : f32
        %sub3A_533 = vector.broadcast %sub3A_532 : f32 to vector<16xf32>
        %sub3A_534 = arith.subf %sub3A_533, %mul3A_531 : vector<16xf32>
        %mul3A_535 = arith.mulf %mul3A_529, %sub3A_534 : vector<16xf32>
        %mul3A_536 = arith.mulf %select_n3A_506, %mul3A_535 : vector<16xf32>
        %sub3A_537 = arith.subf %mul3A_536, %add3A_483 : vector<16xf32>
        %div3A_538 = arith.constant 1.000000e+00 : f32
        %div3A_539 = vector.broadcast %div3A_538 : f32 to vector<16xf32>
        %div3A_540 = arith.divf %div3A_539, %add3A_472 : vector<16xf32>
        %mul3A_541 = arith.mulf %sub3A_537, %div3A_540 : vector<16xf32>
        %jit3A_542 = arith.constant 0.000000e+00 : f32
        %broadcast_in_dim3A_543 = vector.broadcast %jit3A_542 : f32 to vector<16xf32>
        %select_n3A_544 = arith.select %gt3A_503, %mul3A_541, %broadcast_in_dim3A_543 : vector<16xi1>, vector<16xf32>
        %min3A_545 = arith.minimumf %select_n3A_461, %select_n3A_544 : vector<16xf32>
        %max3A_546 = arith.constant 5.000000e-02 : f32
        %max3A_547 = vector.broadcast %max3A_546 : f32 to vector<16xf32>
        %max3A_548 = arith.maximumf %select_n3A_458, %max3A_547 : vector<16xf32>
        %add3A_549 = arith.constant 9.99999997E-7 : f32
        %add3A_550 = vector.broadcast %add3A_549 : f32 to vector<16xf32>
        %add3A_551 = arith.addf %max3A_548, %add3A_550 : vector<16xf32>
        %max3A_552 = arith.maximumf %min3A_545, %add3A_551 : vector<16xf32>
        %min3A_553 = arith.constant 1.000000e+03 : f32
        %min3A_554 = vector.broadcast %min3A_553 : f32 to vector<16xf32>
        %min3A_555 = arith.minimumf %max3A_552, %min3A_554 : vector<16xf32>
        %swap3A_556 = arith.constant 0 : i32
        %swap3A_557 = arith.index_cast %swap3A_556 : i32 to index
        %swap3A_558 = arith.index_cast %mul3A_391 : i32 to index
        %swap3A_559 = tpu.vector_load %arg8[%swap3A_557, %swap3A_558] {strides = array<i32>} : memref<2x4096xf32, #tpu.memory_space<vmem>>, vector<1x16xf32>,
        %swap3A_560 = vector.shape_cast %swap3A_559 : vector<1x16xf32> to vector<16xf32>
        %swap3A_561 = vector.shape_cast %max3A_548 : vector<16xf32> to vector<1x16xf32>
        tpu.vector_store %arg8[%swap3A_557, %swap3A_558], %swap3A_561 {strides = array<i32>} : memref<2x4096xf32, #tpu.memory_space<vmem>>, vector<1x16xf32>,
        %swap3A_562 = arith.constant 0 : i32
        %swap3A_563 = arith.index_cast %swap3A_562 : i32 to index
        %swap3A_564 = arith.index_cast %mul3A_391 : i32 to index
        %swap3A_565 = tpu.vector_load %arg9[%swap3A_563, %swap3A_564] {strides = array<i32>} : memref<2x4096xf32, #tpu.memory_space<vmem>>, vector<1x16xf32>,
        %swap3A_566 = vector.shape_cast %swap3A_565 : vector<1x16xf32> to vector<16xf32>
        %swap3A_567 = vector.shape_cast %min3A_555 : vector<16xf32> to vector<1x16xf32>
        tpu.vector_store %arg9[%swap3A_563, %swap3A_564], %swap3A_567 {strides = array<i32>} : memref<2x4096xf32, #tpu.memory_space<vmem>>, vector<1x16xf32>,
        %scan3A_568 = arith.constant 0 : i32
        %scan3A_569 = arith.constant 2 : i32
        %scan3A_570 = arith.addi %scan3A_220, %scan3A_569 : i32
        %mul3A_571 = arith.constant 16 : i32
        %mul3A_572 = arith.muli %scan3A_570, %mul3A_571 : i32
        %get3A_573 = arith.constant 0 : i32
        %get3A_574 = arith.constant 0 : i32
        %get3A_575 = arith.index_cast %get3A_573 : i32 to index
        %get3A_576 = arith.index_cast %get3A_574 : i32 to index
        %get3A_577 = arith.index_cast %mul3A_572 : i32 to index
        %get3A_578 = tpu.vector_load %arg6[%get3A_575, %get3A_576, %get3A_577] {strides = array<i32>} : memref<2x3x4096xf32, #tpu.memory_space<vmem>>, vector<1x1x16xf32>,
        %get3A_579 = vector.shape_cast %get3A_578 : vector<1x1x16xf32> to vector<16xf32>
        %get3A_580 = arith.constant 0 : i32
        %get3A_581 = arith.constant 1 : i32
        %get3A_582 = arith.index_cast %get3A_580 : i32 to index
        %get3A_583 = arith.index_cast %get3A_581 : i32 to index
        %get3A_584 = arith.index_cast %mul3A_572 : i32 to index
        %get3A_585 = tpu.vector_load %arg6[%get3A_582, %get3A_583, %get3A_584] {strides = array<i32>} : memref<2x3x4096xf32, #tpu.memory_space<vmem>>, vector<1x1x16xf32>,
        %get3A_586 = vector.shape_cast %get3A_585 : vector<1x1x16xf32> to vector<16xf32>
        %get3A_587 = arith.constant 0 : i32
        %get3A_588 = arith.constant 2 : i32
        %get3A_589 = arith.index_cast %get3A_587 : i32 to index
        %get3A_590 = arith.index_cast %get3A_588 : i32 to index
        %get3A_591 = arith.index_cast %mul3A_572 : i32 to index
        %get3A_592 = tpu.vector_load %arg6[%get3A_589, %get3A_590, %get3A_591] {strides = array<i32>} : memref<2x3x4096xf32, #tpu.memory_space<vmem>>, vector<1x1x16xf32>,
        %get3A_593 = vector.shape_cast %get3A_592 : vector<1x1x16xf32> to vector<16xf32>
        %get3A_594 = arith.constant 0 : i32
        %get3A_595 = arith.constant 0 : i32
        %get3A_596 = arith.index_cast %get3A_594 : i32 to index
        %get3A_597 = arith.index_cast %get3A_595 : i32 to index
        %get3A_598 = arith.index_cast %mul3A_572 : i32 to index
        %get3A_599 = tpu.vector_load %arg7[%get3A_596, %get3A_597, %get3A_598] {strides = array<i32>} : memref<2x3x4096xf32, #tpu.memory_space<vmem>>, vector<1x1x16xf32>,
        %get3A_600 = vector.shape_cast %get3A_599 : vector<1x1x16xf32> to vector<16xf32>
        %get3A_601 = arith.constant 0 : i32
        %get3A_602 = arith.constant 1 : i32
        %get3A_603 = arith.index_cast %get3A_601 : i32 to index
        %get3A_604 = arith.index_cast %get3A_602 : i32 to index
        %get3A_605 = arith.index_cast %mul3A_572 : i32 to index
        %get3A_606 = tpu.vector_load %arg7[%get3A_603, %get3A_604, %get3A_605] {strides = array<i32>} : memref<2x3x4096xf32, #tpu.memory_space<vmem>>, vector<1x1x16xf32>,
        %get3A_607 = vector.shape_cast %get3A_606 : vector<1x1x16xf32> to vector<16xf32>
        %get3A_608 = arith.constant 0 : i32
        %get3A_609 = arith.constant 2 : i32
        %get3A_610 = arith.index_cast %get3A_608 : i32 to index
        %get3A_611 = arith.index_cast %get3A_609 : i32 to index
        %get3A_612 = arith.index_cast %mul3A_572 : i32 to index
        %get3A_613 = tpu.vector_load %arg7[%get3A_610, %get3A_611, %get3A_612] {strides = array<i32>} : memref<2x3x4096xf32, #tpu.memory_space<vmem>>, vector<1x1x16xf32>,
        %get3A_614 = vector.shape_cast %get3A_613 : vector<1x1x16xf32> to vector<16xf32>
        %div3A_615 = arith.constant 1.000000e+00 : f32
        %div3A_616 = vector.broadcast %div3A_615 : f32 to vector<16xf32>
        %div3A_617 = arith.divf %div3A_616, %get3A_614 : vector<16xf32>
        %lt3A_618 = arith.constant 0.000000e+00 : f32
        %lt3A_619 = vector.broadcast %lt3A_618 : f32 to vector<16xf32>
        %lt3A_620 = arith.cmpf olt, %get3A_614, %lt3A_619 : vector<16xf32>
        %gt3A_621 = arith.constant 2.000000e+01 : f32
        %gt3A_622 = vector.broadcast %gt3A_621 : f32 to vector<16xf32>
        %gt3A_623 = arith.cmpf ogt, %get3A_593, %gt3A_622 : vector<16xf32>
        %and3A_624 = arith.andi %gt3A_623, %lt3A_620 : vector<16xi1>
        %gt3A_625 = arith.constant -2.000000e+01 : f32
        %gt3A_626 = vector.broadcast %gt3A_625 : f32 to vector<16xf32>
        %gt3A_627 = arith.cmpf ogt, %get3A_593, %gt3A_626 : vector<16xf32>
        %and3A_628 = arith.andi %gt3A_627, %lt3A_620 : vector<16xi1>
        %sub3A_629 = arith.constant 2.000000e+01 : f32
        %sub3A_630 = vector.broadcast %sub3A_629 : f32 to vector<16xf32>
        %sub3A_631 = arith.subf %sub3A_630, %get3A_593 : vector<16xf32>
        %mul3A_632 = arith.mulf %sub3A_631, %div3A_617 : vector<16xf32>
        %sub3A_633 = arith.constant -2.000000e+01 : f32
        %sub3A_634 = vector.broadcast %sub3A_633 : f32 to vector<16xf32>
        %sub3A_635 = arith.subf %sub3A_634, %get3A_593 : vector<16xf32>
        %mul3A_636 = arith.mulf %sub3A_635, %div3A_617 : vector<16xf32>
        %jit3A_637 = arith.constant 5.000000e-02 : f32
        %broadcast_in_dim3A_638 = vector.broadcast %jit3A_637 : f32 to vector<16xf32>
        %select_n3A_639 = arith.select %and3A_624, %mul3A_632, %broadcast_in_dim3A_638 : vector<16xi1>, vector<16xf32>
        %jit3A_640 = arith.constant 1.000000e+03 : f32
        %broadcast_in_dim3A_641 = vector.broadcast %jit3A_640 : f32 to vector<16xf32>
        %select_n3A_642 = arith.select %and3A_628, %mul3A_636, %broadcast_in_dim3A_641 : vector<16xi1>, vector<16xf32>
        %mul3A_643 = arith.mulf %get3A_600, %get3A_600 : vector<16xf32>
        %mul3A_644 = arith.mulf %get3A_607, %get3A_607 : vector<16xf32>
        %add3A_645 = arith.addf %mul3A_643, %mul3A_644 : vector<16xf32>
        %mul3A_646 = arith.constant 3.33333337E-5 : f32
        %mul3A_647 = vector.broadcast %mul3A_646 : f32 to vector<16xf32>
        %mul3A_648 = arith.mulf %mul3A_647, %add3A_645 : vector<16xf32>
        %mul3A_649 = arith.mulf %get3A_614, %get3A_614 : vector<16xf32>
        %mul3A_650 = arith.constant 8.33333353E-4 : f32
        %mul3A_651 = vector.broadcast %mul3A_650 : f32 to vector<16xf32>
        %mul3A_652 = arith.mulf %mul3A_651, %mul3A_649 : vector<16xf32>
        %add3A_653 = arith.addf %mul3A_648, %mul3A_652 : vector<16xf32>
        %mul3A_654 = arith.mulf %get3A_579, %get3A_600 : vector<16xf32>
        %mul3A_655 = arith.mulf %get3A_586, %get3A_607 : vector<16xf32>
        %add3A_656 = arith.addf %mul3A_654, %mul3A_655 : vector<16xf32>
        %mul3A_657 = arith.constant 3.33333337E-5 : f32
        %mul3A_658 = vector.broadcast %mul3A_657 : f32 to vector<16xf32>
        %mul3A_659 = arith.mulf %mul3A_658, %add3A_656 : vector<16xf32>
        %mul3A_660 = arith.mulf %get3A_593, %get3A_614 : vector<16xf32>
        %mul3A_661 = arith.constant 8.33333353E-4 : f32
        %mul3A_662 = vector.broadcast %mul3A_661 : f32 to vector<16xf32>
        %mul3A_663 = arith.mulf %mul3A_662, %mul3A_660 : vector<16xf32>
        %add3A_664 = arith.addf %mul3A_659, %mul3A_663 : vector<16xf32>
        %mul3A_665 = arith.mulf %get3A_579, %get3A_579 : vector<16xf32>
        %mul3A_666 = arith.mulf %get3A_586, %get3A_586 : vector<16xf32>
        %add3A_667 = arith.addf %mul3A_665, %mul3A_666 : vector<16xf32>
        %mul3A_668 = arith.constant 3.33333337E-5 : f32
        %mul3A_669 = vector.broadcast %mul3A_668 : f32 to vector<16xf32>
        %mul3A_670 = arith.mulf %mul3A_669, %add3A_667 : vector<16xf32>
        %mul3A_671 = arith.mulf %get3A_593, %get3A_593 : vector<16xf32>
        %mul3A_672 = arith.constant 8.33333353E-4 : f32
        %mul3A_673 = vector.broadcast %mul3A_672 : f32 to vector<16xf32>
        %mul3A_674 = arith.mulf %mul3A_673, %mul3A_671 : vector<16xf32>
        %add3A_675 = arith.addf %mul3A_670, %mul3A_674 : vector<16xf32>
        %sub3A_676 = arith.constant 1.000000e+00 : f32
        %sub3A_677 = vector.broadcast %sub3A_676 : f32 to vector<16xf32>
        %sub3A_678 = arith.subf %add3A_675, %sub3A_677 : vector<16xf32>
        %mul3A_679 = arith.mulf %add3A_664, %add3A_664 : vector<16xf32>
        %mul3A_680 = arith.mulf %add3A_653, %sub3A_678 : vector<16xf32>
        %sub3A_681 = arith.subf %mul3A_679, %mul3A_680 : vector<16xf32>
        %gt3A_682 = arith.constant 0.000000e+00 : f32
        %gt3A_683 = vector.broadcast %gt3A_682 : f32 to vector<16xf32>
        %gt3A_684 = arith.cmpf ogt, %sub3A_681, %gt3A_683 : vector<16xf32>
        %jit3A_685 = arith.constant 1.000000e+00 : f32
        %broadcast_in_dim3A_686 = vector.broadcast %jit3A_685 : f32 to vector<16xf32>
        %select_n3A_687 = arith.select %gt3A_684, %sub3A_681, %broadcast_in_dim3A_686 : vector<16xi1>, vector<16xf32>
        %bitcast_convert_type3A_688 = tpu.bitcast %select_n3A_687 : vector<16xf32> -> vector<16xi32>
        %shift_right_logical3A_689 = arith.constant 1 : i32
        %shift_right_logical3A_690 = vector.broadcast %shift_right_logical3A_689 : i32 to vector<16xi32>
        %shift_right_logical3A_691 = arith.shrui %bitcast_convert_type3A_688, %shift_right_logical3A_690 : vector<16xi32>
        %sub3A_692 = arith.constant 1597463007 : i32
        %sub3A_693 = vector.broadcast %sub3A_692 : i32 to vector<16xi32>
        %sub3A_694 = arith.subi %sub3A_693, %shift_right_logical3A_691 : vector<16xi32>
        %bitcast_convert_type3A_695 = tpu.bitcast %sub3A_694 : vector<16xi32> -> vector<16xf32>
        %mul3A_696 = arith.constant 5.000000e-01 : f32
        %mul3A_697 = vector.broadcast %mul3A_696 : f32 to vector<16xf32>
        %mul3A_698 = arith.mulf %mul3A_697, %select_n3A_687 : vector<16xf32>
        %mul3A_699 = arith.mulf %mul3A_698, %bitcast_convert_type3A_695 : vector<16xf32>
        %mul3A_700 = arith.mulf %mul3A_699, %bitcast_convert_type3A_695 : vector<16xf32>
        %sub3A_701 = arith.constant 1.500000e+00 : f32
        %sub3A_702 = vector.broadcast %sub3A_701 : f32 to vector<16xf32>
        %sub3A_703 = arith.subf %sub3A_702, %mul3A_700 : vector<16xf32>
        %mul3A_704 = arith.mulf %bitcast_convert_type3A_695, %sub3A_703 : vector<16xf32>
        %mul3A_705 = arith.mulf %mul3A_698, %mul3A_704 : vector<16xf32>
        %mul3A_706 = arith.mulf %mul3A_705, %mul3A_704 : vector<16xf32>
        %sub3A_707 = arith.constant 1.500000e+00 : f32
        %sub3A_708 = vector.broadcast %sub3A_707 : f32 to vector<16xf32>
        %sub3A_709 = arith.subf %sub3A_708, %mul3A_706 : vector<16xf32>
        %mul3A_710 = arith.mulf %mul3A_704, %sub3A_709 : vector<16xf32>
        %mul3A_711 = arith.mulf %mul3A_698, %mul3A_710 : vector<16xf32>
        %mul3A_712 = arith.mulf %mul3A_711, %mul3A_710 : vector<16xf32>
        %sub3A_713 = arith.constant 1.500000e+00 : f32
        %sub3A_714 = vector.broadcast %sub3A_713 : f32 to vector<16xf32>
        %sub3A_715 = arith.subf %sub3A_714, %mul3A_712 : vector<16xf32>
        %mul3A_716 = arith.mulf %mul3A_710, %sub3A_715 : vector<16xf32>
        %mul3A_717 = arith.mulf %select_n3A_687, %mul3A_716 : vector<16xf32>
        %sub3A_718 = arith.subf %mul3A_717, %add3A_664 : vector<16xf32>
        %div3A_719 = arith.constant 1.000000e+00 : f32
        %div3A_720 = vector.broadcast %div3A_719 : f32 to vector<16xf32>
        %div3A_721 = arith.divf %div3A_720, %add3A_653 : vector<16xf32>
        %mul3A_722 = arith.mulf %sub3A_718, %div3A_721 : vector<16xf32>
        %jit3A_723 = arith.constant 0.000000e+00 : f32
        %broadcast_in_dim3A_724 = vector.broadcast %jit3A_723 : f32 to vector<16xf32>
        %select_n3A_725 = arith.select %gt3A_684, %mul3A_722, %broadcast_in_dim3A_724 : vector<16xi1>, vector<16xf32>
        %min3A_726 = arith.minimumf %select_n3A_642, %select_n3A_725 : vector<16xf32>
        %max3A_727 = arith.constant 5.000000e-02 : f32
        %max3A_728 = vector.broadcast %max3A_727 : f32 to vector<16xf32>
        %max3A_729 = arith.maximumf %select_n3A_639, %max3A_728 : vector<16xf32>
        %add3A_730 = arith.constant 9.99999997E-7 : f32
        %add3A_731 = vector.broadcast %add3A_730 : f32 to vector<16xf32>
        %add3A_732 = arith.addf %max3A_729, %add3A_731 : vector<16xf32>
        %max3A_733 = arith.maximumf %min3A_726, %add3A_732 : vector<16xf32>
        %min3A_734 = arith.constant 1.000000e+03 : f32
        %min3A_735 = vector.broadcast %min3A_734 : f32 to vector<16xf32>
        %min3A_736 = arith.minimumf %max3A_733, %min3A_735 : vector<16xf32>
        %swap3A_737 = arith.constant 0 : i32
        %swap3A_738 = arith.index_cast %swap3A_737 : i32 to index
        %swap3A_739 = arith.index_cast %mul3A_572 : i32 to index
        %swap3A_740 = tpu.vector_load %arg8[%swap3A_738, %swap3A_739] {strides = array<i32>} : memref<2x4096xf32, #tpu.memory_space<vmem>>, vector<1x16xf32>,
        %swap3A_741 = vector.shape_cast %swap3A_740 : vector<1x16xf32> to vector<16xf32>
        %swap3A_742 = vector.shape_cast %max3A_729 : vector<16xf32> to vector<1x16xf32>
        tpu.vector_store %arg8[%swap3A_738, %swap3A_739], %swap3A_742 {strides = array<i32>} : memref<2x4096xf32, #tpu.memory_space<vmem>>, vector<1x16xf32>,
        %swap3A_743 = arith.constant 0 : i32
        %swap3A_744 = arith.index_cast %swap3A_743 : i32 to index
        %swap3A_745 = arith.index_cast %mul3A_572 : i32 to index
        %swap3A_746 = tpu.vector_load %arg9[%swap3A_744, %swap3A_745] {strides = array<i32>} : memref<2x4096xf32, #tpu.memory_space<vmem>>, vector<1x16xf32>,
        %swap3A_747 = vector.shape_cast %swap3A_746 : vector<1x16xf32> to vector<16xf32>
        %swap3A_748 = vector.shape_cast %min3A_736 : vector<16xf32> to vector<1x16xf32>
        tpu.vector_store %arg9[%swap3A_744, %swap3A_745], %swap3A_748 {strides = array<i32>} : memref<2x4096xf32, #tpu.memory_space<vmem>>, vector<1x16xf32>,
        %scan3A_749 = arith.constant 0 : i32
        %scan3A_750 = arith.constant 3 : i32
        %scan3A_751 = arith.addi %scan3A_220, %scan3A_750 : i32
        %mul3A_752 = arith.constant 16 : i32
        %mul3A_753 = arith.muli %scan3A_751, %mul3A_752 : i32
        %get3A_754 = arith.constant 0 : i32
        %get3A_755 = arith.constant 0 : i32
        %get3A_756 = arith.index_cast %get3A_754 : i32 to index
        %get3A_757 = arith.index_cast %get3A_755 : i32 to index
        %get3A_758 = arith.index_cast %mul3A_753 : i32 to index
        %get3A_759 = tpu.vector_load %arg6[%get3A_756, %get3A_757, %get3A_758] {strides = array<i32>} : memref<2x3x4096xf32, #tpu.memory_space<vmem>>, vector<1x1x16xf32>,
        %get3A_760 = vector.shape_cast %get3A_759 : vector<1x1x16xf32> to vector<16xf32>
        %get3A_761 = arith.constant 0 : i32
        %get3A_762 = arith.constant 1 : i32
        %get3A_763 = arith.index_cast %get3A_761 : i32 to index
        %get3A_764 = arith.index_cast %get3A_762 : i32 to index
        %get3A_765 = arith.index_cast %mul3A_753 : i32 to index
        %get3A_766 = tpu.vector_load %arg6[%get3A_763, %get3A_764, %get3A_765] {strides = array<i32>} : memref<2x3x4096xf32, #tpu.memory_space<vmem>>, vector<1x1x16xf32>,
        %get3A_767 = vector.shape_cast %get3A_766 : vector<1x1x16xf32> to vector<16xf32>
        %get3A_768 = arith.constant 0 : i32
        %get3A_769 = arith.constant 2 : i32
        %get3A_770 = arith.index_cast %get3A_768 : i32 to index
        %get3A_771 = arith.index_cast %get3A_769 : i32 to index
        %get3A_772 = arith.index_cast %mul3A_753 : i32 to index
        %get3A_773 = tpu.vector_load %arg6[%get3A_770, %get3A_771, %get3A_772] {strides = array<i32>} : memref<2x3x4096xf32, #tpu.memory_space<vmem>>, vector<1x1x16xf32>,
        %get3A_774 = vector.shape_cast %get3A_773 : vector<1x1x16xf32> to vector<16xf32>
        %get3A_775 = arith.constant 0 : i32
        %get3A_776 = arith.constant 0 : i32
        %get3A_777 = arith.index_cast %get3A_775 : i32 to index
        %get3A_778 = arith.index_cast %get3A_776 : i32 to index
        %get3A_779 = arith.index_cast %mul3A_753 : i32 to index
        %get3A_780 = tpu.vector_load %arg7[%get3A_777, %get3A_778, %get3A_779] {strides = array<i32>} : memref<2x3x4096xf32, #tpu.memory_space<vmem>>, vector<1x1x16xf32>,
        %get3A_781 = vector.shape_cast %get3A_780 : vector<1x1x16xf32> to vector<16xf32>
        %get3A_782 = arith.constant 0 : i32
        %get3A_783 = arith.constant 1 : i32
        %get3A_784 = arith.index_cast %get3A_782 : i32 to index
        %get3A_785 = arith.index_cast %get3A_783 : i32 to index
        %get3A_786 = arith.index_cast %mul3A_753 : i32 to index
        %get3A_787 = tpu.vector_load %arg7[%get3A_784, %get3A_785, %get3A_786] {strides = array<i32>} : memref<2x3x4096xf32, #tpu.memory_space<vmem>>, vector<1x1x16xf32>,
        %get3A_788 = vector.shape_cast %get3A_787 : vector<1x1x16xf32> to vector<16xf32>
        %get3A_789 = arith.constant 0 : i32
        %get3A_790 = arith.constant 2 : i32
        %get3A_791 = arith.index_cast %get3A_789 : i32 to index
        %get3A_792 = arith.index_cast %get3A_790 : i32 to index
        %get3A_793 = arith.index_cast %mul3A_753 : i32 to index
        %get3A_794 = tpu.vector_load %arg7[%get3A_791, %get3A_792, %get3A_793] {strides = array<i32>} : memref<2x3x4096xf32, #tpu.memory_space<vmem>>, vector<1x1x16xf32>,
        %get3A_795 = vector.shape_cast %get3A_794 : vector<1x1x16xf32> to vector<16xf32>
        %div3A_796 = arith.constant 1.000000e+00 : f32
        %div3A_797 = vector.broadcast %div3A_796 : f32 to vector<16xf32>
        %div3A_798 = arith.divf %div3A_797, %get3A_795 : vector<16xf32>
        %lt3A_799 = arith.constant 0.000000e+00 : f32
        %lt3A_800 = vector.broadcast %lt3A_799 : f32 to vector<16xf32>
        %lt3A_801 = arith.cmpf olt, %get3A_795, %lt3A_800 : vector<16xf32>
        %gt3A_802 = arith.constant 2.000000e+01 : f32
        %gt3A_803 = vector.broadcast %gt3A_802 : f32 to vector<16xf32>
        %gt3A_804 = arith.cmpf ogt, %get3A_774, %gt3A_803 : vector<16xf32>
        %and3A_805 = arith.andi %gt3A_804, %lt3A_801 : vector<16xi1>
        %gt3A_806 = arith.constant -2.000000e+01 : f32
        %gt3A_807 = vector.broadcast %gt3A_806 : f32 to vector<16xf32>
        %gt3A_808 = arith.cmpf ogt, %get3A_774, %gt3A_807 : vector<16xf32>
        %and3A_809 = arith.andi %gt3A_808, %lt3A_801 : vector<16xi1>
        %sub3A_810 = arith.constant 2.000000e+01 : f32
        %sub3A_811 = vector.broadcast %sub3A_810 : f32 to vector<16xf32>
        %sub3A_812 = arith.subf %sub3A_811, %get3A_774 : vector<16xf32>
        %mul3A_813 = arith.mulf %sub3A_812, %div3A_798 : vector<16xf32>
        %sub3A_814 = arith.constant -2.000000e+01 : f32
        %sub3A_815 = vector.broadcast %sub3A_814 : f32 to vector<16xf32>
        %sub3A_816 = arith.subf %sub3A_815, %get3A_774 : vector<16xf32>
        %mul3A_817 = arith.mulf %sub3A_816, %div3A_798 : vector<16xf32>
        %jit3A_818 = arith.constant 5.000000e-02 : f32
        %broadcast_in_dim3A_819 = vector.broadcast %jit3A_818 : f32 to vector<16xf32>
        %select_n3A_820 = arith.select %and3A_805, %mul3A_813, %broadcast_in_dim3A_819 : vector<16xi1>, vector<16xf32>
        %jit3A_821 = arith.constant 1.000000e+03 : f32
        %broadcast_in_dim3A_822 = vector.broadcast %jit3A_821 : f32 to vector<16xf32>
        %select_n3A_823 = arith.select %and3A_809, %mul3A_817, %broadcast_in_dim3A_822 : vector<16xi1>, vector<16xf32>
        %mul3A_824 = arith.mulf %get3A_781, %get3A_781 : vector<16xf32>
        %mul3A_825 = arith.mulf %get3A_788, %get3A_788 : vector<16xf32>
        %add3A_826 = arith.addf %mul3A_824, %mul3A_825 : vector<16xf32>
        %mul3A_827 = arith.constant 3.33333337E-5 : f32
        %mul3A_828 = vector.broadcast %mul3A_827 : f32 to vector<16xf32>
        %mul3A_829 = arith.mulf %mul3A_828, %add3A_826 : vector<16xf32>
        %mul3A_830 = arith.mulf %get3A_795, %get3A_795 : vector<16xf32>
        %mul3A_831 = arith.constant 8.33333353E-4 : f32
        %mul3A_832 = vector.broadcast %mul3A_831 : f32 to vector<16xf32>
        %mul3A_833 = arith.mulf %mul3A_832, %mul3A_830 : vector<16xf32>
        %add3A_834 = arith.addf %mul3A_829, %mul3A_833 : vector<16xf32>
        %mul3A_835 = arith.mulf %get3A_760, %get3A_781 : vector<16xf32>
        %mul3A_836 = arith.mulf %get3A_767, %get3A_788 : vector<16xf32>
        %add3A_837 = arith.addf %mul3A_835, %mul3A_836 : vector<16xf32>
        %mul3A_838 = arith.constant 3.33333337E-5 : f32
        %mul3A_839 = vector.broadcast %mul3A_838 : f32 to vector<16xf32>
        %mul3A_840 = arith.mulf %mul3A_839, %add3A_837 : vector<16xf32>
        %mul3A_841 = arith.mulf %get3A_774, %get3A_795 : vector<16xf32>
        %mul3A_842 = arith.constant 8.33333353E-4 : f32
        %mul3A_843 = vector.broadcast %mul3A_842 : f32 to vector<16xf32>
        %mul3A_844 = arith.mulf %mul3A_843, %mul3A_841 : vector<16xf32>
        %add3A_845 = arith.addf %mul3A_840, %mul3A_844 : vector<16xf32>
        %mul3A_846 = arith.mulf %get3A_760, %get3A_760 : vector<16xf32>
        %mul3A_847 = arith.mulf %get3A_767, %get3A_767 : vector<16xf32>
        %add3A_848 = arith.addf %mul3A_846, %mul3A_847 : vector<16xf32>
        %mul3A_849 = arith.constant 3.33333337E-5 : f32
        %mul3A_850 = vector.broadcast %mul3A_849 : f32 to vector<16xf32>
        %mul3A_851 = arith.mulf %mul3A_850, %add3A_848 : vector<16xf32>
        %mul3A_852 = arith.mulf %get3A_774, %get3A_774 : vector<16xf32>
        %mul3A_853 = arith.constant 8.33333353E-4 : f32
        %mul3A_854 = vector.broadcast %mul3A_853 : f32 to vector<16xf32>
        %mul3A_855 = arith.mulf %mul3A_854, %mul3A_852 : vector<16xf32>
        %add3A_856 = arith.addf %mul3A_851, %mul3A_855 : vector<16xf32>
        %sub3A_857 = arith.constant 1.000000e+00 : f32
        %sub3A_858 = vector.broadcast %sub3A_857 : f32 to vector<16xf32>
        %sub3A_859 = arith.subf %add3A_856, %sub3A_858 : vector<16xf32>
        %mul3A_860 = arith.mulf %add3A_845, %add3A_845 : vector<16xf32>
        %mul3A_861 = arith.mulf %add3A_834, %sub3A_859 : vector<16xf32>
        %sub3A_862 = arith.subf %mul3A_860, %mul3A_861 : vector<16xf32>
        %gt3A_863 = arith.constant 0.000000e+00 : f32
        %gt3A_864 = vector.broadcast %gt3A_863 : f32 to vector<16xf32>
        %gt3A_865 = arith.cmpf ogt, %sub3A_862, %gt3A_864 : vector<16xf32>
        %jit3A_866 = arith.constant 1.000000e+00 : f32
        %broadcast_in_dim3A_867 = vector.broadcast %jit3A_866 : f32 to vector<16xf32>
        %select_n3A_868 = arith.select %gt3A_865, %sub3A_862, %broadcast_in_dim3A_867 : vector<16xi1>, vector<16xf32>
        %bitcast_convert_type3A_869 = tpu.bitcast %select_n3A_868 : vector<16xf32> -> vector<16xi32>
        %shift_right_logical3A_870 = arith.constant 1 : i32
        %shift_right_logical3A_871 = vector.broadcast %shift_right_logical3A_870 : i32 to vector<16xi32>
        %shift_right_logical3A_872 = arith.shrui %bitcast_convert_type3A_869, %shift_right_logical3A_871 : vector<16xi32>
        %sub3A_873 = arith.constant 1597463007 : i32
        %sub3A_874 = vector.broadcast %sub3A_873 : i32 to vector<16xi32>
        %sub3A_875 = arith.subi %sub3A_874, %shift_right_logical3A_872 : vector<16xi32>
        %bitcast_convert_type3A_876 = tpu.bitcast %sub3A_875 : vector<16xi32> -> vector<16xf32>
        %mul3A_877 = arith.constant 5.000000e-01 : f32
        %mul3A_878 = vector.broadcast %mul3A_877 : f32 to vector<16xf32>
        %mul3A_879 = arith.mulf %mul3A_878, %select_n3A_868 : vector<16xf32>
        %mul3A_880 = arith.mulf %mul3A_879, %bitcast_convert_type3A_876 : vector<16xf32>
        %mul3A_881 = arith.mulf %mul3A_880, %bitcast_convert_type3A_876 : vector<16xf32>
        %sub3A_882 = arith.constant 1.500000e+00 : f32
        %sub3A_883 = vector.broadcast %sub3A_882 : f32 to vector<16xf32>
        %sub3A_884 = arith.subf %sub3A_883, %mul3A_881 : vector<16xf32>
        %mul3A_885 = arith.mulf %bitcast_convert_type3A_876, %sub3A_884 : vector<16xf32>
        %mul3A_886 = arith.mulf %mul3A_879, %mul3A_885 : vector<16xf32>
        %mul3A_887 = arith.mulf %mul3A_886, %mul3A_885 : vector<16xf32>
        %sub3A_888 = arith.constant 1.500000e+00 : f32
        %sub3A_889 = vector.broadcast %sub3A_888 : f32 to vector<16xf32>
        %sub3A_890 = arith.subf %sub3A_889, %mul3A_887 : vector<16xf32>
        %mul3A_891 = arith.mulf %mul3A_885, %sub3A_890 : vector<16xf32>
        %mul3A_892 = arith.mulf %mul3A_879, %mul3A_891 : vector<16xf32>
        %mul3A_893 = arith.mulf %mul3A_892, %mul3A_891 : vector<16xf32>
        %sub3A_894 = arith.constant 1.500000e+00 : f32
        %sub3A_895 = vector.broadcast %sub3A_894 : f32 to vector<16xf32>
        %sub3A_896 = arith.subf %sub3A_895, %mul3A_893 : vector<16xf32>
        %mul3A_897 = arith.mulf %mul3A_891, %sub3A_896 : vector<16xf32>
        %mul3A_898 = arith.mulf %select_n3A_868, %mul3A_897 : vector<16xf32>
        %sub3A_899 = arith.subf %mul3A_898, %add3A_845 : vector<16xf32>
        %div3A_900 = arith.constant 1.000000e+00 : f32
        %div3A_901 = vector.broadcast %div3A_900 : f32 to vector<16xf32>
        %div3A_902 = arith.divf %div3A_901, %add3A_834 : vector<16xf32>
        %mul3A_903 = arith.mulf %sub3A_899, %div3A_902 : vector<16xf32>
        %jit3A_904 = arith.constant 0.000000e+00 : f32
        %broadcast_in_dim3A_905 = vector.broadcast %jit3A_904 : f32 to vector<16xf32>
        %select_n3A_906 = arith.select %gt3A_865, %mul3A_903, %broadcast_in_dim3A_905 : vector<16xi1>, vector<16xf32>
        %min3A_907 = arith.minimumf %select_n3A_823, %select_n3A_906 : vector<16xf32>
        %max3A_908 = arith.constant 5.000000e-02 : f32
        %max3A_909 = vector.broadcast %max3A_908 : f32 to vector<16xf32>
        %max3A_910 = arith.maximumf %select_n3A_820, %max3A_909 : vector<16xf32>
        %add3A_911 = arith.constant 9.99999997E-7 : f32
        %add3A_912 = vector.broadcast %add3A_911 : f32 to vector<16xf32>
        %add3A_913 = arith.addf %max3A_910, %add3A_912 : vector<16xf32>
        %max3A_914 = arith.maximumf %min3A_907, %add3A_913 : vector<16xf32>
        %min3A_915 = arith.constant 1.000000e+03 : f32
        %min3A_916 = vector.broadcast %min3A_915 : f32 to vector<16xf32>
        %min3A_917 = arith.minimumf %max3A_914, %min3A_916 : vector<16xf32>
        %swap3A_918 = arith.constant 0 : i32
        %swap3A_919 = arith.index_cast %swap3A_918 : i32 to index
        %swap3A_920 = arith.index_cast %mul3A_753 : i32 to index
        %swap3A_921 = tpu.vector_load %arg8[%swap3A_919, %swap3A_920] {strides = array<i32>} : memref<2x4096xf32, #tpu.memory_space<vmem>>, vector<1x16xf32>,
        %swap3A_922 = vector.shape_cast %swap3A_921 : vector<1x16xf32> to vector<16xf32>
        %swap3A_923 = vector.shape_cast %max3A_910 : vector<16xf32> to vector<1x16xf32>
        tpu.vector_store %arg8[%swap3A_919, %swap3A_920], %swap3A_923 {strides = array<i32>} : memref<2x4096xf32, #tpu.memory_space<vmem>>, vector<1x16xf32>,
        %swap3A_924 = arith.constant 0 : i32
        %swap3A_925 = arith.index_cast %swap3A_924 : i32 to index
        %swap3A_926 = arith.index_cast %mul3A_753 : i32 to index
        %swap3A_927 = tpu.vector_load %arg9[%swap3A_925, %swap3A_926] {strides = array<i32>} : memref<2x4096xf32, #tpu.memory_space<vmem>>, vector<1x16xf32>,
        %swap3A_928 = vector.shape_cast %swap3A_927 : vector<1x16xf32> to vector<16xf32>
        %swap3A_929 = vector.shape_cast %min3A_917 : vector<16xf32> to vector<1x16xf32>
        tpu.vector_store %arg9[%swap3A_925, %swap3A_926], %swap3A_929 {strides = array<i32>} : memref<2x4096xf32, #tpu.memory_space<vmem>>, vector<1x16xf32>,
        %scan3A_930 = arith.constant 0 : i32
        %scan3A_931 = arith.constant 4 : i32
        %scan3A_932 = arith.addi %scan3A_220, %scan3A_931 : i32
        %mul3A_933 = arith.constant 16 : i32
        %mul3A_934 = arith.muli %scan3A_932, %mul3A_933 : i32
        %get3A_935 = arith.constant 0 : i32
        %get3A_936 = arith.constant 0 : i32
        %get3A_937 = arith.index_cast %get3A_935 : i32 to index
        %get3A_938 = arith.index_cast %get3A_936 : i32 to index
        %get3A_939 = arith.index_cast %mul3A_934 : i32 to index
        %get3A_940 = tpu.vector_load %arg6[%get3A_937, %get3A_938, %get3A_939] {strides = array<i32>} : memref<2x3x4096xf32, #tpu.memory_space<vmem>>, vector<1x1x16xf32>,
        %get3A_941 = vector.shape_cast %get3A_940 : vector<1x1x16xf32> to vector<16xf32>
        %get3A_942 = arith.constant 0 : i32
        %get3A_943 = arith.constant 1 : i32
        %get3A_944 = arith.index_cast %get3A_942 : i32 to index
        %get3A_945 = arith.index_cast %get3A_943 : i32 to index
        %get3A_946 = arith.index_cast %mul3A_934 : i32 to index
        %get3A_947 = tpu.vector_load %arg6[%get3A_944, %get3A_945, %get3A_946] {strides = array<i32>} : memref<2x3x4096xf32, #tpu.memory_space<vmem>>, vector<1x1x16xf32>,
        %get3A_948 = vector.shape_cast %get3A_947 : vector<1x1x16xf32> to vector<16xf32>
        %get3A_949 = arith.constant 0 : i32
        %get3A_950 = arith.constant 2 : i32
        %get3A_951 = arith.index_cast %get3A_949 : i32 to index
        %get3A_952 = arith.index_cast %get3A_950 : i32 to index
        %get3A_953 = arith.index_cast %mul3A_934 : i32 to index
        %get3A_954 = tpu.vector_load %arg6[%get3A_951, %get3A_952, %get3A_953] {strides = array<i32>} : memref<2x3x4096xf32, #tpu.memory_space<vmem>>, vector<1x1x16xf32>,
        %get3A_955 = vector.shape_cast %get3A_954 : vector<1x1x16xf32> to vector<16xf32>
        %get3A_956 = arith.constant 0 : i32
        %get3A_957 = arith.constant 0 : i32
        %get3A_958 = arith.index_cast %get3A_956 : i32 to index
        %get3A_959 = arith.index_cast %get3A_957 : i32 to index
        %get3A_960 = arith.index_cast %mul3A_934 : i32 to index
        %get3A_961 = tpu.vector_load %arg7[%get3A_958, %get3A_959, %get3A_960] {strides = array<i32>} : memref<2x3x4096xf32, #tpu.memory_space<vmem>>, vector<1x1x16xf32>,
        %get3A_962 = vector.shape_cast %get3A_961 : vector<1x1x16xf32> to vector<16xf32>
        %get3A_963 = arith.constant 0 : i32
        %get3A_964 = arith.constant 1 : i32
        %get3A_965 = arith.index_cast %get3A_963 : i32 to index
        %get3A_966 = arith.index_cast %get3A_964 : i32 to index
        %get3A_967 = arith.index_cast %mul3A_934 : i32 to index
        %get3A_968 = tpu.vector_load %arg7[%get3A_965, %get3A_966, %get3A_967] {strides = array<i32>} : memref<2x3x4096xf32, #tpu.memory_space<vmem>>, vector<1x1x16xf32>,
        %get3A_969 = vector.shape_cast %get3A_968 : vector<1x1x16xf32> to vector<16xf32>
        %get3A_970 = arith.constant 0 : i32
        %get3A_971 = arith.constant 2 : i32
        %get3A_972 = arith.index_cast %get3A_970 : i32 to index
        %get3A_973 = arith.index_cast %get3A_971 : i32 to index
        %get3A_974 = arith.index_cast %mul3A_934 : i32 to index
        %get3A_975 = tpu.vector_load %arg7[%get3A_972, %get3A_973, %get3A_974] {strides = array<i32>} : memref<2x3x4096xf32, #tpu.memory_space<vmem>>, vector<1x1x16xf32>,
        %get3A_976 = vector.shape_cast %get3A_975 : vector<1x1x16xf32> to vector<16xf32>
        %div3A_977 = arith.constant 1.000000e+00 : f32
        %div3A_978 = vector.broadcast %div3A_977 : f32 to vector<16xf32>
        %div3A_979 = arith.divf %div3A_978, %get3A_976 : vector<16xf32>
        %lt3A_980 = arith.constant 0.000000e+00 : f32
        %lt3A_981 = vector.broadcast %lt3A_980 : f32 to vector<16xf32>
        %lt3A_982 = arith.cmpf olt, %get3A_976, %lt3A_981 : vector<16xf32>
        %gt3A_983 = arith.constant 2.000000e+01 : f32
        %gt3A_984 = vector.broadcast %gt3A_983 : f32 to vector<16xf32>
        %gt3A_985 = arith.cmpf ogt, %get3A_955, %gt3A_984 : vector<16xf32>
        %and3A_986 = arith.andi %gt3A_985, %lt3A_982 : vector<16xi1>
        %gt3A_987 = arith.constant -2.000000e+01 : f32
        %gt3A_988 = vector.broadcast %gt3A_987 : f32 to vector<16xf32>
        %gt3A_989 = arith.cmpf ogt, %get3A_955, %gt3A_988 : vector<16xf32>
        %and3A_990 = arith.andi %gt3A_989, %lt3A_982 : vector<16xi1>
        %sub3A_991 = arith.constant 2.000000e+01 : f32
        %sub3A_992 = vector.broadcast %sub3A_991 : f32 to vector<16xf32>
        %sub3A_993 = arith.subf %sub3A_992, %get3A_955 : vector<16xf32>
        %mul3A_994 = arith.mulf %sub3A_993, %div3A_979 : vector<16xf32>
        %sub3A_995 = arith.constant -2.000000e+01 : f32
        %sub3A_996 = vector.broadcast %sub3A_995 : f32 to vector<16xf32>
        %sub3A_997 = arith.subf %sub3A_996, %get3A_955 : vector<16xf32>
        %mul3A_998 = arith.mulf %sub3A_997, %div3A_979 : vector<16xf32>
        %jit3A_999 = arith.constant 5.000000e-02 : f32
        %broadcast_in_dim3A_1000 = vector.broadcast %jit3A_999 : f32 to vector<16xf32>
        %select_n3A_1001 = arith.select %and3A_986, %mul3A_994, %broadcast_in_dim3A_1000 : vector<16xi1>, vector<16xf32>
        %jit3A_1002 = arith.constant 1.000000e+03 : f32
        %broadcast_in_dim3A_1003 = vector.broadcast %jit3A_1002 : f32 to vector<16xf32>
        %select_n3A_1004 = arith.select %and3A_990, %mul3A_998, %broadcast_in_dim3A_1003 : vector<16xi1>, vector<16xf32>
        %mul3A_1005 = arith.mulf %get3A_962, %get3A_962 : vector<16xf32>
        %mul3A_1006 = arith.mulf %get3A_969, %get3A_969 : vector<16xf32>
        %add3A_1007 = arith.addf %mul3A_1005, %mul3A_1006 : vector<16xf32>
        %mul3A_1008 = arith.constant 3.33333337E-5 : f32
        %mul3A_1009 = vector.broadcast %mul3A_1008 : f32 to vector<16xf32>
        %mul3A_1010 = arith.mulf %mul3A_1009, %add3A_1007 : vector<16xf32>
        %mul3A_1011 = arith.mulf %get3A_976, %get3A_976 : vector<16xf32>
        %mul3A_1012 = arith.constant 8.33333353E-4 : f32
        %mul3A_1013 = vector.broadcast %mul3A_1012 : f32 to vector<16xf32>
        %mul3A_1014 = arith.mulf %mul3A_1013, %mul3A_1011 : vector<16xf32>
        %add3A_1015 = arith.addf %mul3A_1010, %mul3A_1014 : vector<16xf32>
        %mul3A_1016 = arith.mulf %get3A_941, %get3A_962 : vector<16xf32>
        %mul3A_1017 = arith.mulf %get3A_948, %get3A_969 : vector<16xf32>
        %add3A_1018 = arith.addf %mul3A_1016, %mul3A_1017 : vector<16xf32>
        %mul3A_1019 = arith.constant 3.33333337E-5 : f32
        %mul3A_1020 = vector.broadcast %mul3A_1019 : f32 to vector<16xf32>
        %mul3A_1021 = arith.mulf %mul3A_1020, %add3A_1018 : vector<16xf32>
        %mul3A_1022 = arith.mulf %get3A_955, %get3A_976 : vector<16xf32>
        %mul3A_1023 = arith.constant 8.33333353E-4 : f32
        %mul3A_1024 = vector.broadcast %mul3A_1023 : f32 to vector<16xf32>
        %mul3A_1025 = arith.mulf %mul3A_1024, %mul3A_1022 : vector<16xf32>
        %add3A_1026 = arith.addf %mul3A_1021, %mul3A_1025 : vector<16xf32>
        %mul3A_1027 = arith.mulf %get3A_941, %get3A_941 : vector<16xf32>
        %mul3A_1028 = arith.mulf %get3A_948, %get3A_948 : vector<16xf32>
        %add3A_1029 = arith.addf %mul3A_1027, %mul3A_1028 : vector<16xf32>
        %mul3A_1030 = arith.constant 3.33333337E-5 : f32
        %mul3A_1031 = vector.broadcast %mul3A_1030 : f32 to vector<16xf32>
        %mul3A_1032 = arith.mulf %mul3A_1031, %add3A_1029 : vector<16xf32>
        %mul3A_1033 = arith.mulf %get3A_955, %get3A_955 : vector<16xf32>
        %mul3A_1034 = arith.constant 8.33333353E-4 : f32
        %mul3A_1035 = vector.broadcast %mul3A_1034 : f32 to vector<16xf32>
        %mul3A_1036 = arith.mulf %mul3A_1035, %mul3A_1033 : vector<16xf32>
        %add3A_1037 = arith.addf %mul3A_1032, %mul3A_1036 : vector<16xf32>
        %sub3A_1038 = arith.constant 1.000000e+00 : f32
        %sub3A_1039 = vector.broadcast %sub3A_1038 : f32 to vector<16xf32>
        %sub3A_1040 = arith.subf %add3A_1037, %sub3A_1039 : vector<16xf32>
        %mul3A_1041 = arith.mulf %add3A_1026, %add3A_1026 : vector<16xf32>
        %mul3A_1042 = arith.mulf %add3A_1015, %sub3A_1040 : vector<16xf32>
        %sub3A_1043 = arith.subf %mul3A_1041, %mul3A_1042 : vector<16xf32>
        %gt3A_1044 = arith.constant 0.000000e+00 : f32
        %gt3A_1045 = vector.broadcast %gt3A_1044 : f32 to vector<16xf32>
        %gt3A_1046 = arith.cmpf ogt, %sub3A_1043, %gt3A_1045 : vector<16xf32>
        %jit3A_1047 = arith.constant 1.000000e+00 : f32
        %broadcast_in_dim3A_1048 = vector.broadcast %jit3A_1047 : f32 to vector<16xf32>
        %select_n3A_1049 = arith.select %gt3A_1046, %sub3A_1043, %broadcast_in_dim3A_1048 : vector<16xi1>, vector<16xf32>
        %bitcast_convert_type3A_1050 = tpu.bitcast %select_n3A_1049 : vector<16xf32> -> vector<16xi32>
        %shift_right_logical3A_1051 = arith.constant 1 : i32
        %shift_right_logical3A_1052 = vector.broadcast %shift_right_logical3A_1051 : i32 to vector<16xi32>
        %shift_right_logical3A_1053 = arith.shrui %bitcast_convert_type3A_1050, %shift_right_logical3A_1052 : vector<16xi32>
        %sub3A_1054 = arith.constant 1597463007 : i32
        %sub3A_1055 = vector.broadcast %sub3A_1054 : i32 to vector<16xi32>
        %sub3A_1056 = arith.subi %sub3A_1055, %shift_right_logical3A_1053 : vector<16xi32>
        %bitcast_convert_type3A_1057 = tpu.bitcast %sub3A_1056 : vector<16xi32> -> vector<16xf32>
        %mul3A_1058 = arith.constant 5.000000e-01 : f32
        %mul3A_1059 = vector.broadcast %mul3A_1058 : f32 to vector<16xf32>
        %mul3A_1060 = arith.mulf %mul3A_1059, %select_n3A_1049 : vector<16xf32>
        %mul3A_1061 = arith.mulf %mul3A_1060, %bitcast_convert_type3A_1057 : vector<16xf32>
        %mul3A_1062 = arith.mulf %mul3A_1061, %bitcast_convert_type3A_1057 : vector<16xf32>
        %sub3A_1063 = arith.constant 1.500000e+00 : f32
        %sub3A_1064 = vector.broadcast %sub3A_1063 : f32 to vector<16xf32>
        %sub3A_1065 = arith.subf %sub3A_1064, %mul3A_1062 : vector<16xf32>
        %mul3A_1066 = arith.mulf %bitcast_convert_type3A_1057, %sub3A_1065 : vector<16xf32>
        %mul3A_1067 = arith.mulf %mul3A_1060, %mul3A_1066 : vector<16xf32>
        %mul3A_1068 = arith.mulf %mul3A_1067, %mul3A_1066 : vector<16xf32>
        %sub3A_1069 = arith.constant 1.500000e+00 : f32
        %sub3A_1070 = vector.broadcast %sub3A_1069 : f32 to vector<16xf32>
        %sub3A_1071 = arith.subf %sub3A_1070, %mul3A_1068 : vector<16xf32>
        %mul3A_1072 = arith.mulf %mul3A_1066, %sub3A_1071 : vector<16xf32>
        %mul3A_1073 = arith.mulf %mul3A_1060, %mul3A_1072 : vector<16xf32>
        %mul3A_1074 = arith.mulf %mul3A_1073, %mul3A_1072 : vector<16xf32>
        %sub3A_1075 = arith.constant 1.500000e+00 : f32
        %sub3A_1076 = vector.broadcast %sub3A_1075 : f32 to vector<16xf32>
        %sub3A_1077 = arith.subf %sub3A_1076, %mul3A_1074 : vector<16xf32>
        %mul3A_1078 = arith.mulf %mul3A_1072, %sub3A_1077 : vector<16xf32>
        %mul3A_1079 = arith.mulf %select_n3A_1049, %mul3A_1078 : vector<16xf32>
        %sub3A_1080 = arith.subf %mul3A_1079, %add3A_1026 : vector<16xf32>
        %div3A_1081 = arith.constant 1.000000e+00 : f32
        %div3A_1082 = vector.broadcast %div3A_1081 : f32 to vector<16xf32>
        %div3A_1083 = arith.divf %div3A_1082, %add3A_1015 : vector<16xf32>
        %mul3A_1084 = arith.mulf %sub3A_1080, %div3A_1083 : vector<16xf32>
        %jit3A_1085 = arith.constant 0.000000e+00 : f32
        %broadcast_in_dim3A_1086 = vector.broadcast %jit3A_1085 : f32 to vector<16xf32>
        %select_n3A_1087 = arith.select %gt3A_1046, %mul3A_1084, %broadcast_in_dim3A_1086 : vector<16xi1>, vector<16xf32>
        %min3A_1088 = arith.minimumf %select_n3A_1004, %select_n3A_1087 : vector<16xf32>
        %max3A_1089 = arith.constant 5.000000e-02 : f32
        %max3A_1090 = vector.broadcast %max3A_1089 : f32 to vector<16xf32>
        %max3A_1091 = arith.maximumf %select_n3A_1001, %max3A_1090 : vector<16xf32>
        %add3A_1092 = arith.constant 9.99999997E-7 : f32
        %add3A_1093 = vector.broadcast %add3A_1092 : f32 to vector<16xf32>
        %add3A_1094 = arith.addf %max3A_1091, %add3A_1093 : vector<16xf32>
        %max3A_1095 = arith.maximumf %min3A_1088, %add3A_1094 : vector<16xf32>
        %min3A_1096 = arith.constant 1.000000e+03 : f32
        %min3A_1097 = vector.broadcast %min3A_1096 : f32 to vector<16xf32>
        %min3A_1098 = arith.minimumf %max3A_1095, %min3A_1097 : vector<16xf32>
        %swap3A_1099 = arith.constant 0 : i32
        %swap3A_1100 = arith.index_cast %swap3A_1099 : i32 to index
        %swap3A_1101 = arith.index_cast %mul3A_934 : i32 to index
        %swap3A_1102 = tpu.vector_load %arg8[%swap3A_1100, %swap3A_1101] {strides = array<i32>} : memref<2x4096xf32, #tpu.memory_space<vmem>>, vector<1x16xf32>,
        %swap3A_1103 = vector.shape_cast %swap3A_1102 : vector<1x16xf32> to vector<16xf32>
        %swap3A_1104 = vector.shape_cast %max3A_1091 : vector<16xf32> to vector<1x16xf32>
        tpu.vector_store %arg8[%swap3A_1100, %swap3A_1101], %swap3A_1104 {strides = array<i32>} : memref<2x4096xf32, #tpu.memory_space<vmem>>, vector<1x16xf32>,
        %swap3A_1105 = arith.constant 0 : i32
        %swap3A_1106 = arith.index_cast %swap3A_1105 : i32 to index
        %swap3A_1107 = arith.index_cast %mul3A_934 : i32 to index
        %swap3A_1108 = tpu.vector_load %arg9[%swap3A_1106, %swap3A_1107] {strides = array<i32>} : memref<2x4096xf32, #tpu.memory_space<vmem>>, vector<1x16xf32>,
        %swap3A_1109 = vector.shape_cast %swap3A_1108 : vector<1x16xf32> to vector<16xf32>
        %swap3A_1110 = vector.shape_cast %min3A_1098 : vector<16xf32> to vector<1x16xf32>
        tpu.vector_store %arg9[%swap3A_1106, %swap3A_1107], %swap3A_1110 {strides = array<i32>} : memref<2x4096xf32, #tpu.memory_space<vmem>>, vector<1x16xf32>,
        %scan3A_1111 = arith.constant 0 : i32
        %scan3A_1112 = arith.constant 5 : i32
        %scan3A_1113 = arith.addi %scan3A_220, %scan3A_1112 : i32
        %mul3A_1114 = arith.constant 16 : i32
        %mul3A_1115 = arith.muli %scan3A_1113, %mul3A_1114 : i32
        %get3A_1116 = arith.constant 0 : i32
        %get3A_1117 = arith.constant 0 : i32
        %get3A_1118 = arith.index_cast %get3A_1116 : i32 to index
        %get3A_1119 = arith.index_cast %get3A_1117 : i32 to index
        %get3A_1120 = arith.index_cast %mul3A_1115 : i32 to index
        %get3A_1121 = tpu.vector_load %arg6[%get3A_1118, %get3A_1119, %get3A_1120] {strides = array<i32>} : memref<2x3x4096xf32, #tpu.memory_space<vmem>>, vector<1x1x16xf32>,
        %get3A_1122 = vector.shape_cast %get3A_1121 : vector<1x1x16xf32> to vector<16xf32>
        %get3A_1123 = arith.constant 0 : i32
        %get3A_1124 = arith.constant 1 : i32
        %get3A_1125 = arith.index_cast %get3A_1123 : i32 to index
        %get3A_1126 = arith.index_cast %get3A_1124 : i32 to index
        %get3A_1127 = arith.index_cast %mul3A_1115 : i32 to index
        %get3A_1128 = tpu.vector_load %arg6[%get3A_1125, %get3A_1126, %get3A_1127] {strides = array<i32>} : memref<2x3x4096xf32, #tpu.memory_space<vmem>>, vector<1x1x16xf32>,
        %get3A_1129 = vector.shape_cast %get3A_1128 : vector<1x1x16xf32> to vector<16xf32>
        %get3A_1130 = arith.constant 0 : i32
        %get3A_1131 = arith.constant 2 : i32
        %get3A_1132 = arith.index_cast %get3A_1130 : i32 to index
        %get3A_1133 = arith.index_cast %get3A_1131 : i32 to index
        %get3A_1134 = arith.index_cast %mul3A_1115 : i32 to index
        %get3A_1135 = tpu.vector_load %arg6[%get3A_1132, %get3A_1133, %get3A_1134] {strides = array<i32>} : memref<2x3x4096xf32, #tpu.memory_space<vmem>>, vector<1x1x16xf32>,
        %get3A_1136 = vector.shape_cast %get3A_1135 : vector<1x1x16xf32> to vector<16xf32>
        %get3A_1137 = arith.constant 0 : i32
        %get3A_1138 = arith.constant 0 : i32
        %get3A_1139 = arith.index_cast %get3A_1137 : i32 to index
        %get3A_1140 = arith.index_cast %get3A_1138 : i32 to index
        %get3A_1141 = arith.index_cast %mul3A_1115 : i32 to index
        %get3A_1142 = tpu.vector_load %arg7[%get3A_1139, %get3A_1140, %get3A_1141] {strides = array<i32>} : memref<2x3x4096xf32, #tpu.memory_space<vmem>>, vector<1x1x16xf32>,
        %get3A_1143 = vector.shape_cast %get3A_1142 : vector<1x1x16xf32> to vector<16xf32>
        %get3A_1144 = arith.constant 0 : i32
        %get3A_1145 = arith.constant 1 : i32
        %get3A_1146 = arith.index_cast %get3A_1144 : i32 to index
        %get3A_1147 = arith.index_cast %get3A_1145 : i32 to index
        %get3A_1148 = arith.index_cast %mul3A_1115 : i32 to index
        %get3A_1149 = tpu.vector_load %arg7[%get3A_1146, %get3A_1147, %get3A_1148] {strides = array<i32>} : memref<2x3x4096xf32, #tpu.memory_space<vmem>>, vector<1x1x16xf32>,
        %get3A_1150 = vector.shape_cast %get3A_1149 : vector<1x1x16xf32> to vector<16xf32>
        %get3A_1151 = arith.constant 0 : i32
        %get3A_1152 = arith.constant 2 : i32
        %get3A_1153 = arith.index_cast %get3A_1151 : i32 to index
        %get3A_1154 = arith.index_cast %get3A_1152 : i32 to index
        %get3A_1155 = arith.index_cast %mul3A_1115 : i32 to index
        %get3A_1156 = tpu.vector_load %arg7[%get3A_1153, %get3A_1154, %get3A_1155] {strides = array<i32>} : memref<2x3x4096xf32, #tpu.memory_space<vmem>>, vector<1x1x16xf32>,
        %get3A_1157 = vector.shape_cast %get3A_1156 : vector<1x1x16xf32> to vector<16xf32>
        %div3A_1158 = arith.constant 1.000000e+00 : f32
        %div3A_1159 = vector.broadcast %div3A_1158 : f32 to vector<16xf32>
        %div3A_1160 = arith.divf %div3A_1159, %get3A_1157 : vector<16xf32>
        %lt3A_1161 = arith.constant 0.000000e+00 : f32
        %lt3A_1162 = vector.broadcast %lt3A_1161 : f32 to vector<16xf32>
        %lt3A_1163 = arith.cmpf olt, %get3A_1157, %lt3A_1162 : vector<16xf32>
        %gt3A_1164 = arith.constant 2.000000e+01 : f32
        %gt3A_1165 = vector.broadcast %gt3A_1164 : f32 to vector<16xf32>
        %gt3A_1166 = arith.cmpf ogt, %get3A_1136, %gt3A_1165 : vector<16xf32>
        %and3A_1167 = arith.andi %gt3A_1166, %lt3A_1163 : vector<16xi1>
        %gt3A_1168 = arith.constant -2.000000e+01 : f32
        %gt3A_1169 = vector.broadcast %gt3A_1168 : f32 to vector<16xf32>
        %gt3A_1170 = arith.cmpf ogt, %get3A_1136, %gt3A_1169 : vector<16xf32>
        %and3A_1171 = arith.andi %gt3A_1170, %lt3A_1163 : vector<16xi1>
        %sub3A_1172 = arith.constant 2.000000e+01 : f32
        %sub3A_1173 = vector.broadcast %sub3A_1172 : f32 to vector<16xf32>
        %sub3A_1174 = arith.subf %sub3A_1173, %get3A_1136 : vector<16xf32>
        %mul3A_1175 = arith.mulf %sub3A_1174, %div3A_1160 : vector<16xf32>
        %sub3A_1176 = arith.constant -2.000000e+01 : f32
        %sub3A_1177 = vector.broadcast %sub3A_1176 : f32 to vector<16xf32>
        %sub3A_1178 = arith.subf %sub3A_1177, %get3A_1136 : vector<16xf32>
        %mul3A_1179 = arith.mulf %sub3A_1178, %div3A_1160 : vector<16xf32>
        %jit3A_1180 = arith.constant 5.000000e-02 : f32
        %broadcast_in_dim3A_1181 = vector.broadcast %jit3A_1180 : f32 to vector<16xf32>
        %select_n3A_1182 = arith.select %and3A_1167, %mul3A_1175, %broadcast_in_dim3A_1181 : vector<16xi1>, vector<16xf32>
        %jit3A_1183 = arith.constant 1.000000e+03 : f32
        %broadcast_in_dim3A_1184 = vector.broadcast %jit3A_1183 : f32 to vector<16xf32>
        %select_n3A_1185 = arith.select %and3A_1171, %mul3A_1179, %broadcast_in_dim3A_1184 : vector<16xi1>, vector<16xf32>
        %mul3A_1186 = arith.mulf %get3A_1143, %get3A_1143 : vector<16xf32>
        %mul3A_1187 = arith.mulf %get3A_1150, %get3A_1150 : vector<16xf32>
        %add3A_1188 = arith.addf %mul3A_1186, %mul3A_1187 : vector<16xf32>
        %mul3A_1189 = arith.constant 3.33333337E-5 : f32
        %mul3A_1190 = vector.broadcast %mul3A_1189 : f32 to vector<16xf32>
        %mul3A_1191 = arith.mulf %mul3A_1190, %add3A_1188 : vector<16xf32>
        %mul3A_1192 = arith.mulf %get3A_1157, %get3A_1157 : vector<16xf32>
        %mul3A_1193 = arith.constant 8.33333353E-4 : f32
        %mul3A_1194 = vector.broadcast %mul3A_1193 : f32 to vector<16xf32>
        %mul3A_1195 = arith.mulf %mul3A_1194, %mul3A_1192 : vector<16xf32>
        %add3A_1196 = arith.addf %mul3A_1191, %mul3A_1195 : vector<16xf32>
        %mul3A_1197 = arith.mulf %get3A_1122, %get3A_1143 : vector<16xf32>
        %mul3A_1198 = arith.mulf %get3A_1129, %get3A_1150 : vector<16xf32>
        %add3A_1199 = arith.addf %mul3A_1197, %mul3A_1198 : vector<16xf32>
        %mul3A_1200 = arith.constant 3.33333337E-5 : f32
        %mul3A_1201 = vector.broadcast %mul3A_1200 : f32 to vector<16xf32>
        %mul3A_1202 = arith.mulf %mul3A_1201, %add3A_1199 : vector<16xf32>
        %mul3A_1203 = arith.mulf %get3A_1136, %get3A_1157 : vector<16xf32>
        %mul3A_1204 = arith.constant 8.33333353E-4 : f32
        %mul3A_1205 = vector.broadcast %mul3A_1204 : f32 to vector<16xf32>
        %mul3A_1206 = arith.mulf %mul3A_1205, %mul3A_1203 : vector<16xf32>
        %add3A_1207 = arith.addf %mul3A_1202, %mul3A_1206 : vector<16xf32>
        %mul3A_1208 = arith.mulf %get3A_1122, %get3A_1122 : vector<16xf32>
        %mul3A_1209 = arith.mulf %get3A_1129, %get3A_1129 : vector<16xf32>
        %add3A_1210 = arith.addf %mul3A_1208, %mul3A_1209 : vector<16xf32>
        %mul3A_1211 = arith.constant 3.33333337E-5 : f32
        %mul3A_1212 = vector.broadcast %mul3A_1211 : f32 to vector<16xf32>
        %mul3A_1213 = arith.mulf %mul3A_1212, %add3A_1210 : vector<16xf32>
        %mul3A_1214 = arith.mulf %get3A_1136, %get3A_1136 : vector<16xf32>
        %mul3A_1215 = arith.constant 8.33333353E-4 : f32
        %mul3A_1216 = vector.broadcast %mul3A_1215 : f32 to vector<16xf32>
        %mul3A_1217 = arith.mulf %mul3A_1216, %mul3A_1214 : vector<16xf32>
        %add3A_1218 = arith.addf %mul3A_1213, %mul3A_1217 : vector<16xf32>
        %sub3A_1219 = arith.constant 1.000000e+00 : f32
        %sub3A_1220 = vector.broadcast %sub3A_1219 : f32 to vector<16xf32>
        %sub3A_1221 = arith.subf %add3A_1218, %sub3A_1220 : vector<16xf32>
        %mul3A_1222 = arith.mulf %add3A_1207, %add3A_1207 : vector<16xf32>
        %mul3A_1223 = arith.mulf %add3A_1196, %sub3A_1221 : vector<16xf32>
        %sub3A_1224 = arith.subf %mul3A_1222, %mul3A_1223 : vector<16xf32>
        %gt3A_1225 = arith.constant 0.000000e+00 : f32
        %gt3A_1226 = vector.broadcast %gt3A_1225 : f32 to vector<16xf32>
        %gt3A_1227 = arith.cmpf ogt, %sub3A_1224, %gt3A_1226 : vector<16xf32>
        %jit3A_1228 = arith.constant 1.000000e+00 : f32
        %broadcast_in_dim3A_1229 = vector.broadcast %jit3A_1228 : f32 to vector<16xf32>
        %select_n3A_1230 = arith.select %gt3A_1227, %sub3A_1224, %broadcast_in_dim3A_1229 : vector<16xi1>, vector<16xf32>
        %bitcast_convert_type3A_1231 = tpu.bitcast %select_n3A_1230 : vector<16xf32> -> vector<16xi32>
        %shift_right_logical3A_1232 = arith.constant 1 : i32
        %shift_right_logical3A_1233 = vector.broadcast %shift_right_logical3A_1232 : i32 to vector<16xi32>
        %shift_right_logical3A_1234 = arith.shrui %bitcast_convert_type3A_1231, %shift_right_logical3A_1233 : vector<16xi32>
        %sub3A_1235 = arith.constant 1597463007 : i32
        %sub3A_1236 = vector.broadcast %sub3A_1235 : i32 to vector<16xi32>
        %sub3A_1237 = arith.subi %sub3A_1236, %shift_right_logical3A_1234 : vector<16xi32>
        %bitcast_convert_type3A_1238 = tpu.bitcast %sub3A_1237 : vector<16xi32> -> vector<16xf32>
        %mul3A_1239 = arith.constant 5.000000e-01 : f32
        %mul3A_1240 = vector.broadcast %mul3A_1239 : f32 to vector<16xf32>
        %mul3A_1241 = arith.mulf %mul3A_1240, %select_n3A_1230 : vector<16xf32>
        %mul3A_1242 = arith.mulf %mul3A_1241, %bitcast_convert_type3A_1238 : vector<16xf32>
        %mul3A_1243 = arith.mulf %mul3A_1242, %bitcast_convert_type3A_1238 : vector<16xf32>
        %sub3A_1244 = arith.constant 1.500000e+00 : f32
        %sub3A_1245 = vector.broadcast %sub3A_1244 : f32 to vector<16xf32>
        %sub3A_1246 = arith.subf %sub3A_1245, %mul3A_1243 : vector<16xf32>
        %mul3A_1247 = arith.mulf %bitcast_convert_type3A_1238, %sub3A_1246 : vector<16xf32>
        %mul3A_1248 = arith.mulf %mul3A_1241, %mul3A_1247 : vector<16xf32>
        %mul3A_1249 = arith.mulf %mul3A_1248, %mul3A_1247 : vector<16xf32>
        %sub3A_1250 = arith.constant 1.500000e+00 : f32
        %sub3A_1251 = vector.broadcast %sub3A_1250 : f32 to vector<16xf32>
        %sub3A_1252 = arith.subf %sub3A_1251, %mul3A_1249 : vector<16xf32>
        %mul3A_1253 = arith.mulf %mul3A_1247, %sub3A_1252 : vector<16xf32>
        %mul3A_1254 = arith.mulf %mul3A_1241, %mul3A_1253 : vector<16xf32>
        %mul3A_1255 = arith.mulf %mul3A_1254, %mul3A_1253 : vector<16xf32>
        %sub3A_1256 = arith.constant 1.500000e+00 : f32
        %sub3A_1257 = vector.broadcast %sub3A_1256 : f32 to vector<16xf32>
        %sub3A_1258 = arith.subf %sub3A_1257, %mul3A_1255 : vector<16xf32>
        %mul3A_1259 = arith.mulf %mul3A_1253, %sub3A_1258 : vector<16xf32>
        %mul3A_1260 = arith.mulf %select_n3A_1230, %mul3A_1259 : vector<16xf32>
        %sub3A_1261 = arith.subf %mul3A_1260, %add3A_1207 : vector<16xf32>
        %div3A_1262 = arith.constant 1.000000e+00 : f32
        %div3A_1263 = vector.broadcast %div3A_1262 : f32 to vector<16xf32>
        %div3A_1264 = arith.divf %div3A_1263, %add3A_1196 : vector<16xf32>
        %mul3A_1265 = arith.mulf %sub3A_1261, %div3A_1264 : vector<16xf32>
        %jit3A_1266 = arith.constant 0.000000e+00 : f32
        %broadcast_in_dim3A_1267 = vector.broadcast %jit3A_1266 : f32 to vector<16xf32>
        %select_n3A_1268 = arith.select %gt3A_1227, %mul3A_1265, %broadcast_in_dim3A_1267 : vector<16xi1>, vector<16xf32>
        %min3A_1269 = arith.minimumf %select_n3A_1185, %select_n3A_1268 : vector<16xf32>
        %max3A_1270 = arith.constant 5.000000e-02 : f32
        %max3A_1271 = vector.broadcast %max3A_1270 : f32 to vector<16xf32>
        %max3A_1272 = arith.maximumf %select_n3A_1182, %max3A_1271 : vector<16xf32>
        %add3A_1273 = arith.constant 9.99999997E-7 : f32
        %add3A_1274 = vector.broadcast %add3A_1273 : f32 to vector<16xf32>
        %add3A_1275 = arith.addf %max3A_1272, %add3A_1274 : vector<16xf32>
        %max3A_1276 = arith.maximumf %min3A_1269, %add3A_1275 : vector<16xf32>
        %min3A_1277 = arith.constant 1.000000e+03 : f32
        %min3A_1278 = vector.broadcast %min3A_1277 : f32 to vector<16xf32>
        %min3A_1279 = arith.minimumf %max3A_1276, %min3A_1278 : vector<16xf32>
        %swap3A_1280 = arith.constant 0 : i32
        %swap3A_1281 = arith.index_cast %swap3A_1280 : i32 to index
        %swap3A_1282 = arith.index_cast %mul3A_1115 : i32 to index
        %swap3A_1283 = tpu.vector_load %arg8[%swap3A_1281, %swap3A_1282] {strides = array<i32>} : memref<2x4096xf32, #tpu.memory_space<vmem>>, vector<1x16xf32>,
        %swap3A_1284 = vector.shape_cast %swap3A_1283 : vector<1x16xf32> to vector<16xf32>
        %swap3A_1285 = vector.shape_cast %max3A_1272 : vector<16xf32> to vector<1x16xf32>
        tpu.vector_store %arg8[%swap3A_1281, %swap3A_1282], %swap3A_1285 {strides = array<i32>} : memref<2x4096xf32, #tpu.memory_space<vmem>>, vector<1x16xf32>,
        %swap3A_1286 = arith.constant 0 : i32
        %swap3A_1287 = arith.index_cast %swap3A_1286 : i32 to index
        %swap3A_1288 = arith.index_cast %mul3A_1115 : i32 to index
        %swap3A_1289 = tpu.vector_load %arg9[%swap3A_1287, %swap3A_1288] {strides = array<i32>} : memref<2x4096xf32, #tpu.memory_space<vmem>>, vector<1x16xf32>,
        %swap3A_1290 = vector.shape_cast %swap3A_1289 : vector<1x16xf32> to vector<16xf32>
        %swap3A_1291 = vector.shape_cast %min3A_1279 : vector<16xf32> to vector<1x16xf32>
        tpu.vector_store %arg9[%swap3A_1287, %swap3A_1288], %swap3A_1291 {strides = array<i32>} : memref<2x4096xf32, #tpu.memory_space<vmem>>, vector<1x16xf32>,
        %scan3A_1292 = arith.constant 0 : i32
        %scan3A_1293 = arith.constant 6 : i32
        %scan3A_1294 = arith.addi %scan3A_220, %scan3A_1293 : i32
        %mul3A_1295 = arith.constant 16 : i32
        %mul3A_1296 = arith.muli %scan3A_1294, %mul3A_1295 : i32
        %get3A_1297 = arith.constant 0 : i32
        %get3A_1298 = arith.constant 0 : i32
        %get3A_1299 = arith.index_cast %get3A_1297 : i32 to index
        %get3A_1300 = arith.index_cast %get3A_1298 : i32 to index
        %get3A_1301 = arith.index_cast %mul3A_1296 : i32 to index
        %get3A_1302 = tpu.vector_load %arg6[%get3A_1299, %get3A_1300, %get3A_1301] {strides = array<i32>} : memref<2x3x4096xf32, #tpu.memory_space<vmem>>, vector<1x1x16xf32>,
        %get3A_1303 = vector.shape_cast %get3A_1302 : vector<1x1x16xf32> to vector<16xf32>
        %get3A_1304 = arith.constant 0 : i32
        %get3A_1305 = arith.constant 1 : i32
        %get3A_1306 = arith.index_cast %get3A_1304 : i32 to index
        %get3A_1307 = arith.index_cast %get3A_1305 : i32 to index
        %get3A_1308 = arith.index_cast %mul3A_1296 : i32 to index
        %get3A_1309 = tpu.vector_load %arg6[%get3A_1306, %get3A_1307, %get3A_1308] {strides = array<i32>} : memref<2x3x4096xf32, #tpu.memory_space<vmem>>, vector<1x1x16xf32>,
        %get3A_1310 = vector.shape_cast %get3A_1309 : vector<1x1x16xf32> to vector<16xf32>
        %get3A_1311 = arith.constant 0 : i32
        %get3A_1312 = arith.constant 2 : i32
        %get3A_1313 = arith.index_cast %get3A_1311 : i32 to index
        %get3A_1314 = arith.index_cast %get3A_1312 : i32 to index
        %get3A_1315 = arith.index_cast %mul3A_1296 : i32 to index
        %get3A_1316 = tpu.vector_load %arg6[%get3A_1313, %get3A_1314, %get3A_1315] {strides = array<i32>} : memref<2x3x4096xf32, #tpu.memory_space<vmem>>, vector<1x1x16xf32>,
        %get3A_1317 = vector.shape_cast %get3A_1316 : vector<1x1x16xf32> to vector<16xf32>
        %get3A_1318 = arith.constant 0 : i32
        %get3A_1319 = arith.constant 0 : i32
        %get3A_1320 = arith.index_cast %get3A_1318 : i32 to index
        %get3A_1321 = arith.index_cast %get3A_1319 : i32 to index
        %get3A_1322 = arith.index_cast %mul3A_1296 : i32 to index
        %get3A_1323 = tpu.vector_load %arg7[%get3A_1320, %get3A_1321, %get3A_1322] {strides = array<i32>} : memref<2x3x4096xf32, #tpu.memory_space<vmem>>, vector<1x1x16xf32>,
        %get3A_1324 = vector.shape_cast %get3A_1323 : vector<1x1x16xf32> to vector<16xf32>
        %get3A_1325 = arith.constant 0 : i32
        %get3A_1326 = arith.constant 1 : i32
        %get3A_1327 = arith.index_cast %get3A_1325 : i32 to index
        %get3A_1328 = arith.index_cast %get3A_1326 : i32 to index
        %get3A_1329 = arith.index_cast %mul3A_1296 : i32 to index
        %get3A_1330 = tpu.vector_load %arg7[%get3A_1327, %get3A_1328, %get3A_1329] {strides = array<i32>} : memref<2x3x4096xf32, #tpu.memory_space<vmem>>, vector<1x1x16xf32>,
        %get3A_1331 = vector.shape_cast %get3A_1330 : vector<1x1x16xf32> to vector<16xf32>
        %get3A_1332 = arith.constant 0 : i32
        %get3A_1333 = arith.constant 2 : i32
        %get3A_1334 = arith.index_cast %get3A_1332 : i32 to index
        %get3A_1335 = arith.index_cast %get3A_1333 : i32 to index
        %get3A_1336 = arith.index_cast %mul3A_1296 : i32 to index
        %get3A_1337 = tpu.vector_load %arg7[%get3A_1334, %get3A_1335, %get3A_1336] {strides = array<i32>} : memref<2x3x4096xf32, #tpu.memory_space<vmem>>, vector<1x1x16xf32>,
        %get3A_1338 = vector.shape_cast %get3A_1337 : vector<1x1x16xf32> to vector<16xf32>
        %div3A_1339 = arith.constant 1.000000e+00 : f32
        %div3A_1340 = vector.broadcast %div3A_1339 : f32 to vector<16xf32>
        %div3A_1341 = arith.divf %div3A_1340, %get3A_1338 : vector<16xf32>
        %lt3A_1342 = arith.constant 0.000000e+00 : f32
        %lt3A_1343 = vector.broadcast %lt3A_1342 : f32 to vector<16xf32>
        %lt3A_1344 = arith.cmpf olt, %get3A_1338, %lt3A_1343 : vector<16xf32>
        %gt3A_1345 = arith.constant 2.000000e+01 : f32
        %gt3A_1346 = vector.broadcast %gt3A_1345 : f32 to vector<16xf32>
        %gt3A_1347 = arith.cmpf ogt, %get3A_1317, %gt3A_1346 : vector<16xf32>
        %and3A_1348 = arith.andi %gt3A_1347, %lt3A_1344 : vector<16xi1>
        %gt3A_1349 = arith.constant -2.000000e+01 : f32
        %gt3A_1350 = vector.broadcast %gt3A_1349 : f32 to vector<16xf32>
        %gt3A_1351 = arith.cmpf ogt, %get3A_1317, %gt3A_1350 : vector<16xf32>
        %and3A_1352 = arith.andi %gt3A_1351, %lt3A_1344 : vector<16xi1>
        %sub3A_1353 = arith.constant 2.000000e+01 : f32
        %sub3A_1354 = vector.broadcast %sub3A_1353 : f32 to vector<16xf32>
        %sub3A_1355 = arith.subf %sub3A_1354, %get3A_1317 : vector<16xf32>
        %mul3A_1356 = arith.mulf %sub3A_1355, %div3A_1341 : vector<16xf32>
        %sub3A_1357 = arith.constant -2.000000e+01 : f32
        %sub3A_1358 = vector.broadcast %sub3A_1357 : f32 to vector<16xf32>
        %sub3A_1359 = arith.subf %sub3A_1358, %get3A_1317 : vector<16xf32>
        %mul3A_1360 = arith.mulf %sub3A_1359, %div3A_1341 : vector<16xf32>
        %jit3A_1361 = arith.constant 5.000000e-02 : f32
        %broadcast_in_dim3A_1362 = vector.broadcast %jit3A_1361 : f32 to vector<16xf32>
        %select_n3A_1363 = arith.select %and3A_1348, %mul3A_1356, %broadcast_in_dim3A_1362 : vector<16xi1>, vector<16xf32>
        %jit3A_1364 = arith.constant 1.000000e+03 : f32
        %broadcast_in_dim3A_1365 = vector.broadcast %jit3A_1364 : f32 to vector<16xf32>
        %select_n3A_1366 = arith.select %and3A_1352, %mul3A_1360, %broadcast_in_dim3A_1365 : vector<16xi1>, vector<16xf32>
        %mul3A_1367 = arith.mulf %get3A_1324, %get3A_1324 : vector<16xf32>
        %mul3A_1368 = arith.mulf %get3A_1331, %get3A_1331 : vector<16xf32>
        %add3A_1369 = arith.addf %mul3A_1367, %mul3A_1368 : vector<16xf32>
        %mul3A_1370 = arith.constant 3.33333337E-5 : f32
        %mul3A_1371 = vector.broadcast %mul3A_1370 : f32 to vector<16xf32>
        %mul3A_1372 = arith.mulf %mul3A_1371, %add3A_1369 : vector<16xf32>
        %mul3A_1373 = arith.mulf %get3A_1338, %get3A_1338 : vector<16xf32>
        %mul3A_1374 = arith.constant 8.33333353E-4 : f32
        %mul3A_1375 = vector.broadcast %mul3A_1374 : f32 to vector<16xf32>
        %mul3A_1376 = arith.mulf %mul3A_1375, %mul3A_1373 : vector<16xf32>
        %add3A_1377 = arith.addf %mul3A_1372, %mul3A_1376 : vector<16xf32>
        %mul3A_1378 = arith.mulf %get3A_1303, %get3A_1324 : vector<16xf32>
        %mul3A_1379 = arith.mulf %get3A_1310, %get3A_1331 : vector<16xf32>
        %add3A_1380 = arith.addf %mul3A_1378, %mul3A_1379 : vector<16xf32>
        %mul3A_1381 = arith.constant 3.33333337E-5 : f32
        %mul3A_1382 = vector.broadcast %mul3A_1381 : f32 to vector<16xf32>
        %mul3A_1383 = arith.mulf %mul3A_1382, %add3A_1380 : vector<16xf32>
        %mul3A_1384 = arith.mulf %get3A_1317, %get3A_1338 : vector<16xf32>
        %mul3A_1385 = arith.constant 8.33333353E-4 : f32
        %mul3A_1386 = vector.broadcast %mul3A_1385 : f32 to vector<16xf32>
        %mul3A_1387 = arith.mulf %mul3A_1386, %mul3A_1384 : vector<16xf32>
        %add3A_1388 = arith.addf %mul3A_1383, %mul3A_1387 : vector<16xf32>
        %mul3A_1389 = arith.mulf %get3A_1303, %get3A_1303 : vector<16xf32>
        %mul3A_1390 = arith.mulf %get3A_1310, %get3A_1310 : vector<16xf32>
        %add3A_1391 = arith.addf %mul3A_1389, %mul3A_1390 : vector<16xf32>
        %mul3A_1392 = arith.constant 3.33333337E-5 : f32
        %mul3A_1393 = vector.broadcast %mul3A_1392 : f32 to vector<16xf32>
        %mul3A_1394 = arith.mulf %mul3A_1393, %add3A_1391 : vector<16xf32>
        %mul3A_1395 = arith.mulf %get3A_1317, %get3A_1317 : vector<16xf32>
        %mul3A_1396 = arith.constant 8.33333353E-4 : f32
        %mul3A_1397 = vector.broadcast %mul3A_1396 : f32 to vector<16xf32>
        %mul3A_1398 = arith.mulf %mul3A_1397, %mul3A_1395 : vector<16xf32>
        %add3A_1399 = arith.addf %mul3A_1394, %mul3A_1398 : vector<16xf32>
        %sub3A_1400 = arith.constant 1.000000e+00 : f32
        %sub3A_1401 = vector.broadcast %sub3A_1400 : f32 to vector<16xf32>
        %sub3A_1402 = arith.subf %add3A_1399, %sub3A_1401 : vector<16xf32>
        %mul3A_1403 = arith.mulf %add3A_1388, %add3A_1388 : vector<16xf32>
        %mul3A_1404 = arith.mulf %add3A_1377, %sub3A_1402 : vector<16xf32>
        %sub3A_1405 = arith.subf %mul3A_1403, %mul3A_1404 : vector<16xf32>
        %gt3A_1406 = arith.constant 0.000000e+00 : f32
        %gt3A_1407 = vector.broadcast %gt3A_1406 : f32 to vector<16xf32>
        %gt3A_1408 = arith.cmpf ogt, %sub3A_1405, %gt3A_1407 : vector<16xf32>
        %jit3A_1409 = arith.constant 1.000000e+00 : f32
        %broadcast_in_dim3A_1410 = vector.broadcast %jit3A_1409 : f32 to vector<16xf32>
        %select_n3A_1411 = arith.select %gt3A_1408, %sub3A_1405, %broadcast_in_dim3A_1410 : vector<16xi1>, vector<16xf32>
        %bitcast_convert_type3A_1412 = tpu.bitcast %select_n3A_1411 : vector<16xf32> -> vector<16xi32>
        %shift_right_logical3A_1413 = arith.constant 1 : i32
        %shift_right_logical3A_1414 = vector.broadcast %shift_right_logical3A_1413 : i32 to vector<16xi32>
        %shift_right_logical3A_1415 = arith.shrui %bitcast_convert_type3A_1412, %shift_right_logical3A_1414 : vector<16xi32>
        %sub3A_1416 = arith.constant 1597463007 : i32
        %sub3A_1417 = vector.broadcast %sub3A_1416 : i32 to vector<16xi32>
        %sub3A_1418 = arith.subi %sub3A_1417, %shift_right_logical3A_1415 : vector<16xi32>
        %bitcast_convert_type3A_1419 = tpu.bitcast %sub3A_1418 : vector<16xi32> -> vector<16xf32>
        %mul3A_1420 = arith.constant 5.000000e-01 : f32
        %mul3A_1421 = vector.broadcast %mul3A_1420 : f32 to vector<16xf32>
        %mul3A_1422 = arith.mulf %mul3A_1421, %select_n3A_1411 : vector<16xf32>
        %mul3A_1423 = arith.mulf %mul3A_1422, %bitcast_convert_type3A_1419 : vector<16xf32>
        %mul3A_1424 = arith.mulf %mul3A_1423, %bitcast_convert_type3A_1419 : vector<16xf32>
        %sub3A_1425 = arith.constant 1.500000e+00 : f32
        %sub3A_1426 = vector.broadcast %sub3A_1425 : f32 to vector<16xf32>
        %sub3A_1427 = arith.subf %sub3A_1426, %mul3A_1424 : vector<16xf32>
        %mul3A_1428 = arith.mulf %bitcast_convert_type3A_1419, %sub3A_1427 : vector<16xf32>
        %mul3A_1429 = arith.mulf %mul3A_1422, %mul3A_1428 : vector<16xf32>
        %mul3A_1430 = arith.mulf %mul3A_1429, %mul3A_1428 : vector<16xf32>
        %sub3A_1431 = arith.constant 1.500000e+00 : f32
        %sub3A_1432 = vector.broadcast %sub3A_1431 : f32 to vector<16xf32>
        %sub3A_1433 = arith.subf %sub3A_1432, %mul3A_1430 : vector<16xf32>
        %mul3A_1434 = arith.mulf %mul3A_1428, %sub3A_1433 : vector<16xf32>
        %mul3A_1435 = arith.mulf %mul3A_1422, %mul3A_1434 : vector<16xf32>
        %mul3A_1436 = arith.mulf %mul3A_1435, %mul3A_1434 : vector<16xf32>
        %sub3A_1437 = arith.constant 1.500000e+00 : f32
        %sub3A_1438 = vector.broadcast %sub3A_1437 : f32 to vector<16xf32>
        %sub3A_1439 = arith.subf %sub3A_1438, %mul3A_1436 : vector<16xf32>
        %mul3A_1440 = arith.mulf %mul3A_1434, %sub3A_1439 : vector<16xf32>
        %mul3A_1441 = arith.mulf %select_n3A_1411, %mul3A_1440 : vector<16xf32>
        %sub3A_1442 = arith.subf %mul3A_1441, %add3A_1388 : vector<16xf32>
        %div3A_1443 = arith.constant 1.000000e+00 : f32
        %div3A_1444 = vector.broadcast %div3A_1443 : f32 to vector<16xf32>
        %div3A_1445 = arith.divf %div3A_1444, %add3A_1377 : vector<16xf32>
        %mul3A_1446 = arith.mulf %sub3A_1442, %div3A_1445 : vector<16xf32>
        %jit3A_1447 = arith.constant 0.000000e+00 : f32
        %broadcast_in_dim3A_1448 = vector.broadcast %jit3A_1447 : f32 to vector<16xf32>
        %select_n3A_1449 = arith.select %gt3A_1408, %mul3A_1446, %broadcast_in_dim3A_1448 : vector<16xi1>, vector<16xf32>
        %min3A_1450 = arith.minimumf %select_n3A_1366, %select_n3A_1449 : vector<16xf32>
        %max3A_1451 = arith.constant 5.000000e-02 : f32
        %max3A_1452 = vector.broadcast %max3A_1451 : f32 to vector<16xf32>
        %max3A_1453 = arith.maximumf %select_n3A_1363, %max3A_1452 : vector<16xf32>
        %add3A_1454 = arith.constant 9.99999997E-7 : f32
        %add3A_1455 = vector.broadcast %add3A_1454 : f32 to vector<16xf32>
        %add3A_1456 = arith.addf %max3A_1453, %add3A_1455 : vector<16xf32>
        %max3A_1457 = arith.maximumf %min3A_1450, %add3A_1456 : vector<16xf32>
        %min3A_1458 = arith.constant 1.000000e+03 : f32
        %min3A_1459 = vector.broadcast %min3A_1458 : f32 to vector<16xf32>
        %min3A_1460 = arith.minimumf %max3A_1457, %min3A_1459 : vector<16xf32>
        %swap3A_1461 = arith.constant 0 : i32
        %swap3A_1462 = arith.index_cast %swap3A_1461 : i32 to index
        %swap3A_1463 = arith.index_cast %mul3A_1296 : i32 to index
        %swap3A_1464 = tpu.vector_load %arg8[%swap3A_1462, %swap3A_1463] {strides = array<i32>} : memref<2x4096xf32, #tpu.memory_space<vmem>>, vector<1x16xf32>,
        %swap3A_1465 = vector.shape_cast %swap3A_1464 : vector<1x16xf32> to vector<16xf32>
        %swap3A_1466 = vector.shape_cast %max3A_1453 : vector<16xf32> to vector<1x16xf32>
        tpu.vector_store %arg8[%swap3A_1462, %swap3A_1463], %swap3A_1466 {strides = array<i32>} : memref<2x4096xf32, #tpu.memory_space<vmem>>, vector<1x16xf32>,
        %swap3A_1467 = arith.constant 0 : i32
        %swap3A_1468 = arith.index_cast %swap3A_1467 : i32 to index
        %swap3A_1469 = arith.index_cast %mul3A_1296 : i32 to index
        %swap3A_1470 = tpu.vector_load %arg9[%swap3A_1468, %swap3A_1469] {strides = array<i32>} : memref<2x4096xf32, #tpu.memory_space<vmem>>, vector<1x16xf32>,
        %swap3A_1471 = vector.shape_cast %swap3A_1470 : vector<1x16xf32> to vector<16xf32>
        %swap3A_1472 = vector.shape_cast %min3A_1460 : vector<16xf32> to vector<1x16xf32>
        tpu.vector_store %arg9[%swap3A_1468, %swap3A_1469], %swap3A_1472 {strides = array<i32>} : memref<2x4096xf32, #tpu.memory_space<vmem>>, vector<1x16xf32>,
        %scan3A_1473 = arith.constant 0 : i32
        %scan3A_1474 = arith.constant 7 : i32
        %scan3A_1475 = arith.addi %scan3A_220, %scan3A_1474 : i32
        %mul3A_1476 = arith.constant 16 : i32
        %mul3A_1477 = arith.muli %scan3A_1475, %mul3A_1476 : i32
        %get3A_1478 = arith.constant 0 : i32
        %get3A_1479 = arith.constant 0 : i32
        %get3A_1480 = arith.index_cast %get3A_1478 : i32 to index
        %get3A_1481 = arith.index_cast %get3A_1479 : i32 to index
        %get3A_1482 = arith.index_cast %mul3A_1477 : i32 to index
        %get3A_1483 = tpu.vector_load %arg6[%get3A_1480, %get3A_1481, %get3A_1482] {strides = array<i32>} : memref<2x3x4096xf32, #tpu.memory_space<vmem>>, vector<1x1x16xf32>,
        %get3A_1484 = vector.shape_cast %get3A_1483 : vector<1x1x16xf32> to vector<16xf32>
        %get3A_1485 = arith.constant 0 : i32
        %get3A_1486 = arith.constant 1 : i32
        %get3A_1487 = arith.index_cast %get3A_1485 : i32 to index
        %get3A_1488 = arith.index_cast %get3A_1486 : i32 to index
        %get3A_1489 = arith.index_cast %mul3A_1477 : i32 to index
        %get3A_1490 = tpu.vector_load %arg6[%get3A_1487, %get3A_1488, %get3A_1489] {strides = array<i32>} : memref<2x3x4096xf32, #tpu.memory_space<vmem>>, vector<1x1x16xf32>,
        %get3A_1491 = vector.shape_cast %get3A_1490 : vector<1x1x16xf32> to vector<16xf32>
        %get3A_1492 = arith.constant 0 : i32
        %get3A_1493 = arith.constant 2 : i32
        %get3A_1494 = arith.index_cast %get3A_1492 : i32 to index
        %get3A_1495 = arith.index_cast %get3A_1493 : i32 to index
        %get3A_1496 = arith.index_cast %mul3A_1477 : i32 to index
        %get3A_1497 = tpu.vector_load %arg6[%get3A_1494, %get3A_1495, %get3A_1496] {strides = array<i32>} : memref<2x3x4096xf32, #tpu.memory_space<vmem>>, vector<1x1x16xf32>,
        %get3A_1498 = vector.shape_cast %get3A_1497 : vector<1x1x16xf32> to vector<16xf32>
        %get3A_1499 = arith.constant 0 : i32
        %get3A_1500 = arith.constant 0 : i32
        %get3A_1501 = arith.index_cast %get3A_1499 : i32 to index
        %get3A_1502 = arith.index_cast %get3A_1500 : i32 to index
        %get3A_1503 = arith.index_cast %mul3A_1477 : i32 to index
        %get3A_1504 = tpu.vector_load %arg7[%get3A_1501, %get3A_1502, %get3A_1503] {strides = array<i32>} : memref<2x3x4096xf32, #tpu.memory_space<vmem>>, vector<1x1x16xf32>,
        %get3A_1505 = vector.shape_cast %get3A_1504 : vector<1x1x16xf32> to vector<16xf32>
        %get3A_1506 = arith.constant 0 : i32
        %get3A_1507 = arith.constant 1 : i32
        %get3A_1508 = arith.index_cast %get3A_1506 : i32 to index
        %get3A_1509 = arith.index_cast %get3A_1507 : i32 to index
        %get3A_1510 = arith.index_cast %mul3A_1477 : i32 to index
        %get3A_1511 = tpu.vector_load %arg7[%get3A_1508, %get3A_1509, %get3A_1510] {strides = array<i32>} : memref<2x3x4096xf32, #tpu.memory_space<vmem>>, vector<1x1x16xf32>,
        %get3A_1512 = vector.shape_cast %get3A_1511 : vector<1x1x16xf32> to vector<16xf32>
        %get3A_1513 = arith.constant 0 : i32
        %get3A_1514 = arith.constant 2 : i32
        %get3A_1515 = arith.index_cast %get3A_1513 : i32 to index
        %get3A_1516 = arith.index_cast %get3A_1514 : i32 to index
        %get3A_1517 = arith.index_cast %mul3A_1477 : i32 to index
        %get3A_1518 = tpu.vector_load %arg7[%get3A_1515, %get3A_1516, %get3A_1517] {strides = array<i32>} : memref<2x3x4096xf32, #tpu.memory_space<vmem>>, vector<1x1x16xf32>,
        %get3A_1519 = vector.shape_cast %get3A_1518 : vector<1x1x16xf32> to vector<16xf32>
        %div3A_1520 = arith.constant 1.000000e+00 : f32
        %div3A_1521 = vector.broadcast %div3A_1520 : f32 to vector<16xf32>
        %div3A_1522 = arith.divf %div3A_1521, %get3A_1519 : vector<16xf32>
        %lt3A_1523 = arith.constant 0.000000e+00 : f32
        %lt3A_1524 = vector.broadcast %lt3A_1523 : f32 to vector<16xf32>
        %lt3A_1525 = arith.cmpf olt, %get3A_1519, %lt3A_1524 : vector<16xf32>
        %gt3A_1526 = arith.constant 2.000000e+01 : f32
        %gt3A_1527 = vector.broadcast %gt3A_1526 : f32 to vector<16xf32>
        %gt3A_1528 = arith.cmpf ogt, %get3A_1498, %gt3A_1527 : vector<16xf32>
        %and3A_1529 = arith.andi %gt3A_1528, %lt3A_1525 : vector<16xi1>
        %gt3A_1530 = arith.constant -2.000000e+01 : f32
        %gt3A_1531 = vector.broadcast %gt3A_1530 : f32 to vector<16xf32>
        %gt3A_1532 = arith.cmpf ogt, %get3A_1498, %gt3A_1531 : vector<16xf32>
        %and3A_1533 = arith.andi %gt3A_1532, %lt3A_1525 : vector<16xi1>
        %sub3A_1534 = arith.constant 2.000000e+01 : f32
        %sub3A_1535 = vector.broadcast %sub3A_1534 : f32 to vector<16xf32>
        %sub3A_1536 = arith.subf %sub3A_1535, %get3A_1498 : vector<16xf32>
        %mul3A_1537 = arith.mulf %sub3A_1536, %div3A_1522 : vector<16xf32>
        %sub3A_1538 = arith.constant -2.000000e+01 : f32
        %sub3A_1539 = vector.broadcast %sub3A_1538 : f32 to vector<16xf32>
        %sub3A_1540 = arith.subf %sub3A_1539, %get3A_1498 : vector<16xf32>
        %mul3A_1541 = arith.mulf %sub3A_1540, %div3A_1522 : vector<16xf32>
        %jit3A_1542 = arith.constant 5.000000e-02 : f32
        %broadcast_in_dim3A_1543 = vector.broadcast %jit3A_1542 : f32 to vector<16xf32>
        %select_n3A_1544 = arith.select %and3A_1529, %mul3A_1537, %broadcast_in_dim3A_1543 : vector<16xi1>, vector<16xf32>
        %jit3A_1545 = arith.constant 1.000000e+03 : f32
        %broadcast_in_dim3A_1546 = vector.broadcast %jit3A_1545 : f32 to vector<16xf32>
        %select_n3A_1547 = arith.select %and3A_1533, %mul3A_1541, %broadcast_in_dim3A_1546 : vector<16xi1>, vector<16xf32>
        %mul3A_1548 = arith.mulf %get3A_1505, %get3A_1505 : vector<16xf32>
        %mul3A_1549 = arith.mulf %get3A_1512, %get3A_1512 : vector<16xf32>
        %add3A_1550 = arith.addf %mul3A_1548, %mul3A_1549 : vector<16xf32>
        %mul3A_1551 = arith.constant 3.33333337E-5 : f32
        %mul3A_1552 = vector.broadcast %mul3A_1551 : f32 to vector<16xf32>
        %mul3A_1553 = arith.mulf %mul3A_1552, %add3A_1550 : vector<16xf32>
        %mul3A_1554 = arith.mulf %get3A_1519, %get3A_1519 : vector<16xf32>
        %mul3A_1555 = arith.constant 8.33333353E-4 : f32
        %mul3A_1556 = vector.broadcast %mul3A_1555 : f32 to vector<16xf32>
        %mul3A_1557 = arith.mulf %mul3A_1556, %mul3A_1554 : vector<16xf32>
        %add3A_1558 = arith.addf %mul3A_1553, %mul3A_1557 : vector<16xf32>
        %mul3A_1559 = arith.mulf %get3A_1484, %get3A_1505 : vector<16xf32>
        %mul3A_1560 = arith.mulf %get3A_1491, %get3A_1512 : vector<16xf32>
        %add3A_1561 = arith.addf %mul3A_1559, %mul3A_1560 : vector<16xf32>
        %mul3A_1562 = arith.constant 3.33333337E-5 : f32
        %mul3A_1563 = vector.broadcast %mul3A_1562 : f32 to vector<16xf32>
        %mul3A_1564 = arith.mulf %mul3A_1563, %add3A_1561 : vector<16xf32>
        %mul3A_1565 = arith.mulf %get3A_1498, %get3A_1519 : vector<16xf32>
        %mul3A_1566 = arith.constant 8.33333353E-4 : f32
        %mul3A_1567 = vector.broadcast %mul3A_1566 : f32 to vector<16xf32>
        %mul3A_1568 = arith.mulf %mul3A_1567, %mul3A_1565 : vector<16xf32>
        %add3A_1569 = arith.addf %mul3A_1564, %mul3A_1568 : vector<16xf32>
        %mul3A_1570 = arith.mulf %get3A_1484, %get3A_1484 : vector<16xf32>
        %mul3A_1571 = arith.mulf %get3A_1491, %get3A_1491 : vector<16xf32>
        %add3A_1572 = arith.addf %mul3A_1570, %mul3A_1571 : vector<16xf32>
        %mul3A_1573 = arith.constant 3.33333337E-5 : f32
        %mul3A_1574 = vector.broadcast %mul3A_1573 : f32 to vector<16xf32>
        %mul3A_1575 = arith.mulf %mul3A_1574, %add3A_1572 : vector<16xf32>
        %mul3A_1576 = arith.mulf %get3A_1498, %get3A_1498 : vector<16xf32>
        %mul3A_1577 = arith.constant 8.33333353E-4 : f32
        %mul3A_1578 = vector.broadcast %mul3A_1577 : f32 to vector<16xf32>
        %mul3A_1579 = arith.mulf %mul3A_1578, %mul3A_1576 : vector<16xf32>
        %add3A_1580 = arith.addf %mul3A_1575, %mul3A_1579 : vector<16xf32>
        %sub3A_1581 = arith.constant 1.000000e+00 : f32
        %sub3A_1582 = vector.broadcast %sub3A_1581 : f32 to vector<16xf32>
        %sub3A_1583 = arith.subf %add3A_1580, %sub3A_1582 : vector<16xf32>
        %mul3A_1584 = arith.mulf %add3A_1569, %add3A_1569 : vector<16xf32>
        %mul3A_1585 = arith.mulf %add3A_1558, %sub3A_1583 : vector<16xf32>
        %sub3A_1586 = arith.subf %mul3A_1584, %mul3A_1585 : vector<16xf32>
        %gt3A_1587 = arith.constant 0.000000e+00 : f32
        %gt3A_1588 = vector.broadcast %gt3A_1587 : f32 to vector<16xf32>
        %gt3A_1589 = arith.cmpf ogt, %sub3A_1586, %gt3A_1588 : vector<16xf32>
        %jit3A_1590 = arith.constant 1.000000e+00 : f32
        %broadcast_in_dim3A_1591 = vector.broadcast %jit3A_1590 : f32 to vector<16xf32>
        %select_n3A_1592 = arith.select %gt3A_1589, %sub3A_1586, %broadcast_in_dim3A_1591 : vector<16xi1>, vector<16xf32>
        %bitcast_convert_type3A_1593 = tpu.bitcast %select_n3A_1592 : vector<16xf32> -> vector<16xi32>
        %shift_right_logical3A_1594 = arith.constant 1 : i32
        %shift_right_logical3A_1595 = vector.broadcast %shift_right_logical3A_1594 : i32 to vector<16xi32>
        %shift_right_logical3A_1596 = arith.shrui %bitcast_convert_type3A_1593, %shift_right_logical3A_1595 : vector<16xi32>
        %sub3A_1597 = arith.constant 1597463007 : i32
        %sub3A_1598 = vector.broadcast %sub3A_1597 : i32 to vector<16xi32>
        %sub3A_1599 = arith.subi %sub3A_1598, %shift_right_logical3A_1596 : vector<16xi32>
        %bitcast_convert_type3A_1600 = tpu.bitcast %sub3A_1599 : vector<16xi32> -> vector<16xf32>
        %mul3A_1601 = arith.constant 5.000000e-01 : f32
        %mul3A_1602 = vector.broadcast %mul3A_1601 : f32 to vector<16xf32>
        %mul3A_1603 = arith.mulf %mul3A_1602, %select_n3A_1592 : vector<16xf32>
        %mul3A_1604 = arith.mulf %mul3A_1603, %bitcast_convert_type3A_1600 : vector<16xf32>
        %mul3A_1605 = arith.mulf %mul3A_1604, %bitcast_convert_type3A_1600 : vector<16xf32>
        %sub3A_1606 = arith.constant 1.500000e+00 : f32
        %sub3A_1607 = vector.broadcast %sub3A_1606 : f32 to vector<16xf32>
        %sub3A_1608 = arith.subf %sub3A_1607, %mul3A_1605 : vector<16xf32>
        %mul3A_1609 = arith.mulf %bitcast_convert_type3A_1600, %sub3A_1608 : vector<16xf32>
        %mul3A_1610 = arith.mulf %mul3A_1603, %mul3A_1609 : vector<16xf32>
        %mul3A_1611 = arith.mulf %mul3A_1610, %mul3A_1609 : vector<16xf32>
        %sub3A_1612 = arith.constant 1.500000e+00 : f32
        %sub3A_1613 = vector.broadcast %sub3A_1612 : f32 to vector<16xf32>
        %sub3A_1614 = arith.subf %sub3A_1613, %mul3A_1611 : vector<16xf32>
        %mul3A_1615 = arith.mulf %mul3A_1609, %sub3A_1614 : vector<16xf32>
        %mul3A_1616 = arith.mulf %mul3A_1603, %mul3A_1615 : vector<16xf32>
        %mul3A_1617 = arith.mulf %mul3A_1616, %mul3A_1615 : vector<16xf32>
        %sub3A_1618 = arith.constant 1.500000e+00 : f32
        %sub3A_1619 = vector.broadcast %sub3A_1618 : f32 to vector<16xf32>
        %sub3A_1620 = arith.subf %sub3A_1619, %mul3A_1617 : vector<16xf32>
        %mul3A_1621 = arith.mulf %mul3A_1615, %sub3A_1620 : vector<16xf32>
        %mul3A_1622 = arith.mulf %select_n3A_1592, %mul3A_1621 : vector<16xf32>
        %sub3A_1623 = arith.subf %mul3A_1622, %add3A_1569 : vector<16xf32>
        %div3A_1624 = arith.constant 1.000000e+00 : f32
        %div3A_1625 = vector.broadcast %div3A_1624 : f32 to vector<16xf32>
        %div3A_1626 = arith.divf %div3A_1625, %add3A_1558 : vector<16xf32>
        %mul3A_1627 = arith.mulf %sub3A_1623, %div3A_1626 : vector<16xf32>
        %jit3A_1628 = arith.constant 0.000000e+00 : f32
        %broadcast_in_dim3A_1629 = vector.broadcast %jit3A_1628 : f32 to vector<16xf32>
        %select_n3A_1630 = arith.select %gt3A_1589, %mul3A_1627, %broadcast_in_dim3A_1629 : vector<16xi1>, vector<16xf32>
        %min3A_1631 = arith.minimumf %select_n3A_1547, %select_n3A_1630 : vector<16xf32>
        %max3A_1632 = arith.constant 5.000000e-02 : f32
        %max3A_1633 = vector.broadcast %max3A_1632 : f32 to vector<16xf32>
        %max3A_1634 = arith.maximumf %select_n3A_1544, %max3A_1633 : vector<16xf32>
        %add3A_1635 = arith.constant 9.99999997E-7 : f32
        %add3A_1636 = vector.broadcast %add3A_1635 : f32 to vector<16xf32>
        %add3A_1637 = arith.addf %max3A_1634, %add3A_1636 : vector<16xf32>
        %max3A_1638 = arith.maximumf %min3A_1631, %add3A_1637 : vector<16xf32>
        %min3A_1639 = arith.constant 1.000000e+03 : f32
        %min3A_1640 = vector.broadcast %min3A_1639 : f32 to vector<16xf32>
        %min3A_1641 = arith.minimumf %max3A_1638, %min3A_1640 : vector<16xf32>
        %swap3A_1642 = arith.constant 0 : i32
        %swap3A_1643 = arith.index_cast %swap3A_1642 : i32 to index
        %swap3A_1644 = arith.index_cast %mul3A_1477 : i32 to index
        %swap3A_1645 = tpu.vector_load %arg8[%swap3A_1643, %swap3A_1644] {strides = array<i32>} : memref<2x4096xf32, #tpu.memory_space<vmem>>, vector<1x16xf32>,
        %swap3A_1646 = vector.shape_cast %swap3A_1645 : vector<1x16xf32> to vector<16xf32>
        %swap3A_1647 = vector.shape_cast %max3A_1634 : vector<16xf32> to vector<1x16xf32>
        tpu.vector_store %arg8[%swap3A_1643, %swap3A_1644], %swap3A_1647 {strides = array<i32>} : memref<2x4096xf32, #tpu.memory_space<vmem>>, vector<1x16xf32>,
        %swap3A_1648 = arith.constant 0 : i32
        %swap3A_1649 = arith.index_cast %swap3A_1648 : i32 to index
        %swap3A_1650 = arith.index_cast %mul3A_1477 : i32 to index
        %swap3A_1651 = tpu.vector_load %arg9[%swap3A_1649, %swap3A_1650] {strides = array<i32>} : memref<2x4096xf32, #tpu.memory_space<vmem>>, vector<1x16xf32>,
        %swap3A_1652 = vector.shape_cast %swap3A_1651 : vector<1x16xf32> to vector<16xf32>
        %swap3A_1653 = vector.shape_cast %min3A_1641 : vector<16xf32> to vector<1x16xf32>
        tpu.vector_store %arg9[%swap3A_1649, %swap3A_1650], %swap3A_1653 {strides = array<i32>} : memref<2x4096xf32, #tpu.memory_space<vmem>>, vector<1x16xf32>,
        %scan3A_1654 = arith.constant 0 : i32
        scf.yield %scan3A_1654 : i32
      }
      %scan3A_124 = arith.constant 256 : i32
      %mul3A_125 = arith.constant 4096 : i32
      %mul3A_126 = arith.muli %add3A_80, %mul3A_125 : i32
      %add3A_127 = arith.addi %mul3A_2, %mul3A_126 : i32
      %dma_start3A_128 = arith.constant 0 : i32
      %dma_start3A_129 = arith.constant 0 : i32
      %dma_start3A_130 = tpu.memref_slice %arg8[%dma_start3A_128, %dma_start3A_129] : memref<2x4096xf32, #tpu.memory_space<vmem>> -> memref<1x4096xf32, #tpu.memory_space<vmem>>
      %dma_start3A_131 = tpu.memref_squeeze %dma_start3A_130 : memref<1x4096xf32, #tpu.memory_space<vmem>> -> memref<4096xf32, #tpu.memory_space<vmem>>
      %dma_start3A_132 = tpu.memref_slice %arg4[%add3A_127] : memref<2097152xf32, #tpu.memory_space<hbm>> -> memref<4096xf32, #tpu.memory_space<hbm>>
      %dma_start3A_133 = tpu.memref_slice %arg4[%add3A_127] : memref<2097152xf32, #tpu.memory_space<hbm>> -> memref<4096xf32, #tpu.memory_space<hbm>>
      %dma_start3A_134 = arith.constant 0 : i32
      %dma_start3A_135 = tpu.memref_slice %arg8[%dma_start3A_128, %dma_start3A_134] : memref<2x4096xf32, #tpu.memory_space<vmem>> -> memref<1x4096xf32, #tpu.memory_space<vmem>>
      %dma_start3A_136 = tpu.memref_squeeze %dma_start3A_135 : memref<1x4096xf32, #tpu.memory_space<vmem>> -> memref<4096xf32, #tpu.memory_space<vmem>>
      tpu.enqueue_dma source(%dma_start3A_136 : memref<4096xf32, #tpu.memory_space<vmem>>) target(%dma_start3A_133 : memref<4096xf32, #tpu.memory_space<hbm>>) target_semaphore(%arg14 : memref<!tpu.dma_semaphore, #tpu.memory_space<semaphore_mem>>)
      %dma_start3A_137 = arith.constant 0 : i32
      %dma_start3A_138 = arith.constant 0 : i32
      %dma_start3A_139 = tpu.memref_slice %arg9[%dma_start3A_137, %dma_start3A_138] : memref<2x4096xf32, #tpu.memory_space<vmem>> -> memref<1x4096xf32, #tpu.memory_space<vmem>>
      %dma_start3A_140 = tpu.memref_squeeze %dma_start3A_139 : memref<1x4096xf32, #tpu.memory_space<vmem>> -> memref<4096xf32, #tpu.memory_space<vmem>>
      %dma_start3A_141 = tpu.memref_slice %arg5[%add3A_127] : memref<2097152xf32, #tpu.memory_space<hbm>> -> memref<4096xf32, #tpu.memory_space<hbm>>
      %dma_start3A_142 = tpu.memref_slice %arg5[%add3A_127] : memref<2097152xf32, #tpu.memory_space<hbm>> -> memref<4096xf32, #tpu.memory_space<hbm>>
      %dma_start3A_143 = arith.constant 0 : i32
      %dma_start3A_144 = tpu.memref_slice %arg9[%dma_start3A_137, %dma_start3A_143] : memref<2x4096xf32, #tpu.memory_space<vmem>> -> memref<1x4096xf32, #tpu.memory_space<vmem>>
      %dma_start3A_145 = tpu.memref_squeeze %dma_start3A_144 : memref<1x4096xf32, #tpu.memory_space<vmem>> -> memref<4096xf32, #tpu.memory_space<vmem>>
      tpu.enqueue_dma source(%dma_start3A_145 : memref<4096xf32, #tpu.memory_space<vmem>>) target(%dma_start3A_142 : memref<4096xf32, #tpu.memory_space<hbm>>) target_semaphore(%arg16 : memref<!tpu.dma_semaphore, #tpu.memory_space<semaphore_mem>>)
      %mul3A_146 = arith.constant 2 : i32
      %mul3A_147 = arith.muli %scan3A_75, %mul3A_146 : i32
      %add3A_148 = arith.constant 1 : i32
      %add3A_149 = arith.addi %mul3A_147, %add3A_148 : i32
      %add3A_150 = arith.constant 1 : i32
      %add3A_151 = arith.addi %add3A_149, %add3A_150 : i32
      %lt3A_152 = arith.constant 16 : i32
      %lt3A_153 = arith.cmpi slt, %add3A_151, %lt3A_152 : i32
      %convert_element_type3A_154 = arith.extui %lt3A_153 : i1 to i32
      %cond3A_155 = arith.constant 0 : i32
      %cond3A_156 = arith.cmpi ne, %convert_element_type3A_154, %cond3A_155 : i32
      scf.if %cond3A_156 {
        %mul3A_220 = arith.constant 4096 : i32
        %mul3A_221 = arith.muli %add3A_151, %mul3A_220 : i32
        %add3A_222 = arith.addi %mul3A_2, %mul3A_221 : i32
        %dma_start3A_223 = arith.constant 0 : i32
        %dma_start3A_224 = arith.constant 0 : i32
        %dma_start3A_225 = arith.constant 0 : i32
        %dma_start3A_226 = tpu.memref_slice %arg6[%dma_start3A_223, %dma_start3A_224, %dma_start3A_225] : memref<2x3x4096xf32, #tpu.memory_space<vmem>> -> memref<1x3x4096xf32, #tpu.memory_space<vmem>>
        %dma_start3A_227 = tpu.memref_squeeze %dma_start3A_226 : memref<1x3x4096xf32, #tpu.memory_space<vmem>> -> memref<3x4096xf32, #tpu.memory_space<vmem>>
        %dma_start3A_228 = arith.constant 0 : i32
        %dma_start3A_229 = tpu.memref_slice %arg2[%dma_start3A_228, %add3A_222] : memref<3x2097152xf32, #tpu.memory_space<hbm>> -> memref<3x4096xf32, #tpu.memory_space<hbm>>
        %dma_start3A_230 = arith.constant 0 : i32
        %dma_start3A_231 = arith.constant 0 : i32
        %dma_start3A_232 = tpu.memref_slice %arg6[%dma_start3A_223, %dma_start3A_230, %dma_start3A_231] : memref<2x3x4096xf32, #tpu.memory_space<vmem>> -> memref<1x3x4096xf32, #tpu.memory_space<vmem>>
        %dma_start3A_233 = tpu.memref_squeeze %dma_start3A_232 : memref<1x3x4096xf32, #tpu.memory_space<vmem>> -> memref<3x4096xf32, #tpu.memory_space<vmem>>
        %dma_start3A_234 = arith.constant 0 : i32
        %dma_start3A_235 = tpu.memref_slice %arg2[%dma_start3A_234, %add3A_222] : memref<3x2097152xf32, #tpu.memory_space<hbm>> -> memref<3x4096xf32, #tpu.memory_space<hbm>>
        tpu.enqueue_dma source(%dma_start3A_235 : memref<3x4096xf32, #tpu.memory_space<hbm>>) target(%dma_start3A_233 : memref<3x4096xf32, #tpu.memory_space<vmem>>) target_semaphore(%arg10 : memref<!tpu.dma_semaphore, #tpu.memory_space<semaphore_mem>>)
        %dma_start3A_236 = arith.constant 0 : i32
        %dma_start3A_237 = arith.constant 0 : i32
        %dma_start3A_238 = arith.constant 0 : i32
        %dma_start3A_239 = tpu.memref_slice %arg7[%dma_start3A_236, %dma_start3A_237, %dma_start3A_238] : memref<2x3x4096xf32, #tpu.memory_space<vmem>> -> memref<1x3x4096xf32, #tpu.memory_space<vmem>>
        %dma_start3A_240 = tpu.memref_squeeze %dma_start3A_239 : memref<1x3x4096xf32, #tpu.memory_space<vmem>> -> memref<3x4096xf32, #tpu.memory_space<vmem>>
        %dma_start3A_241 = arith.constant 0 : i32
        %dma_start3A_242 = tpu.memref_slice %arg3[%dma_start3A_241, %add3A_222] : memref<3x2097152xf32, #tpu.memory_space<hbm>> -> memref<3x4096xf32, #tpu.memory_space<hbm>>
        %dma_start3A_243 = arith.constant 0 : i32
        %dma_start3A_244 = arith.constant 0 : i32
        %dma_start3A_245 = tpu.memref_slice %arg7[%dma_start3A_236, %dma_start3A_243, %dma_start3A_244] : memref<2x3x4096xf32, #tpu.memory_space<vmem>> -> memref<1x3x4096xf32, #tpu.memory_space<vmem>>
        %dma_start3A_246 = tpu.memref_squeeze %dma_start3A_245 : memref<1x3x4096xf32, #tpu.memory_space<vmem>> -> memref<3x4096xf32, #tpu.memory_space<vmem>>
        %dma_start3A_247 = arith.constant 0 : i32
        %dma_start3A_248 = tpu.memref_slice %arg3[%dma_start3A_247, %add3A_222] : memref<3x2097152xf32, #tpu.memory_space<hbm>> -> memref<3x4096xf32, #tpu.memory_space<hbm>>
        tpu.enqueue_dma source(%dma_start3A_248 : memref<3x4096xf32, #tpu.memory_space<hbm>>) target(%dma_start3A_246 : memref<3x4096xf32, #tpu.memory_space<vmem>>) target_semaphore(%arg12 : memref<!tpu.dma_semaphore, #tpu.memory_space<semaphore_mem>>)
      } else {
      }
      %mul3A_157 = arith.constant 4096 : i32
      %mul3A_158 = arith.muli %add3A_149, %mul3A_157 : i32
      %add3A_159 = arith.addi %mul3A_2, %mul3A_158 : i32
      %dma_wait3A_160 = arith.constant 1 : i32
      %dma_wait3A_161 = arith.constant 0 : i32
      %dma_wait3A_162 = arith.constant 0 : i32
      %dma_wait3A_163 = tpu.memref_slice %arg6[%dma_wait3A_160, %dma_wait3A_161, %dma_wait3A_162] : memref<2x3x4096xf32, #tpu.memory_space<vmem>> -> memref<1x3x4096xf32, #tpu.memory_space<vmem>>
      %dma_wait3A_164 = tpu.memref_squeeze %dma_wait3A_163 : memref<1x3x4096xf32, #tpu.memory_space<vmem>> -> memref<3x4096xf32, #tpu.memory_space<vmem>>
      %dma_wait3A_165 = arith.constant 0 : i32
      %dma_wait3A_166 = tpu.memref_slice %arg2[%dma_wait3A_165, %add3A_159] : memref<3x2097152xf32, #tpu.memory_space<hbm>> -> memref<3x4096xf32, #tpu.memory_space<hbm>>
      %dma_wait3A_167 = arith.constant 0 : i32
      %dma_wait3A_168 = arith.constant 0 : i32
      %dma_wait3A_169 = tpu.memref_slice %arg6[%dma_wait3A_160, %dma_wait3A_167, %dma_wait3A_168] : memref<2x3x4096xf32, #tpu.memory_space<vmem>> -> memref<1x3x4096xf32, #tpu.memory_space<vmem>>
      %dma_wait3A_170 = tpu.memref_squeeze %dma_wait3A_169 : memref<1x3x4096xf32, #tpu.memory_space<vmem>> -> memref<3x4096xf32, #tpu.memory_space<vmem>>
      %dma_wait3A_171 = arith.constant 0 : i32
      %dma_wait3A_172 = tpu.memref_slice %arg2[%dma_wait3A_171, %add3A_159] : memref<3x2097152xf32, #tpu.memory_space<hbm>> -> memref<3x4096xf32, #tpu.memory_space<hbm>>
      tpu.wait_dma2 semaphore(%arg11 : memref<!tpu.dma_semaphore, #tpu.memory_space<semaphore_mem>>) src(%dma_wait3A_172 : memref<3x4096xf32, #tpu.memory_space<hbm>>) dst(%dma_wait3A_170 : memref<3x4096xf32, #tpu.memory_space<vmem>>)
      %dma_wait3A_173 = arith.constant 1 : i32
      %dma_wait3A_174 = arith.constant 0 : i32
      %dma_wait3A_175 = arith.constant 0 : i32
      %dma_wait3A_176 = tpu.memref_slice %arg7[%dma_wait3A_173, %dma_wait3A_174, %dma_wait3A_175] : memref<2x3x4096xf32, #tpu.memory_space<vmem>> -> memref<1x3x4096xf32, #tpu.memory_space<vmem>>
      %dma_wait3A_177 = tpu.memref_squeeze %dma_wait3A_176 : memref<1x3x4096xf32, #tpu.memory_space<vmem>> -> memref<3x4096xf32, #tpu.memory_space<vmem>>
      %dma_wait3A_178 = arith.constant 0 : i32
      %dma_wait3A_179 = tpu.memref_slice %arg3[%dma_wait3A_178, %add3A_159] : memref<3x2097152xf32, #tpu.memory_space<hbm>> -> memref<3x4096xf32, #tpu.memory_space<hbm>>
      %dma_wait3A_180 = arith.constant 0 : i32
      %dma_wait3A_181 = arith.constant 0 : i32
      %dma_wait3A_182 = tpu.memref_slice %arg7[%dma_wait3A_173, %dma_wait3A_180, %dma_wait3A_181] : memref<2x3x4096xf32, #tpu.memory_space<vmem>> -> memref<1x3x4096xf32, #tpu.memory_space<vmem>>
      %dma_wait3A_183 = tpu.memref_squeeze %dma_wait3A_182 : memref<1x3x4096xf32, #tpu.memory_space<vmem>> -> memref<3x4096xf32, #tpu.memory_space<vmem>>
      %dma_wait3A_184 = arith.constant 0 : i32
      %dma_wait3A_185 = tpu.memref_slice %arg3[%dma_wait3A_184, %add3A_159] : memref<3x2097152xf32, #tpu.memory_space<hbm>> -> memref<3x4096xf32, #tpu.memory_space<hbm>>
      tpu.wait_dma2 semaphore(%arg13 : memref<!tpu.dma_semaphore, #tpu.memory_space<semaphore_mem>>) src(%dma_wait3A_185 : memref<3x4096xf32, #tpu.memory_space<hbm>>) dst(%dma_wait3A_183 : memref<3x4096xf32, #tpu.memory_space<vmem>>)
      %ge3A_186 = arith.constant 2 : i32
      %ge3A_187 = arith.cmpi sge, %add3A_149, %ge3A_186 : i32
      %convert_element_type3A_188 = arith.extui %ge3A_187 : i1 to i32
      %cond3A_189 = arith.constant 0 : i32
      %cond3A_190 = arith.cmpi ne, %convert_element_type3A_188, %cond3A_189 : i32
      scf.if %cond3A_190 {
        %mul3A_220 = arith.constant 4096 : i32
        %mul3A_221 = arith.muli %add3A_149, %mul3A_220 : i32
        %add3A_222 = arith.addi %mul3A_2, %mul3A_221 : i32
        %dma_wait3A_223 = arith.constant 1 : i32
        %dma_wait3A_224 = arith.constant 0 : i32
        %dma_wait3A_225 = tpu.memref_slice %arg8[%dma_wait3A_223, %dma_wait3A_224] : memref<2x4096xf32, #tpu.memory_space<vmem>> -> memref<1x4096xf32, #tpu.memory_space<vmem>>
        %dma_wait3A_226 = tpu.memref_squeeze %dma_wait3A_225 : memref<1x4096xf32, #tpu.memory_space<vmem>> -> memref<4096xf32, #tpu.memory_space<vmem>>
        %dma_wait3A_227 = tpu.memref_slice %arg4[%add3A_222] : memref<2097152xf32, #tpu.memory_space<hbm>> -> memref<4096xf32, #tpu.memory_space<hbm>>
        %dma_wait3A_228 = tpu.memref_slice %arg4[%add3A_222] : memref<2097152xf32, #tpu.memory_space<hbm>> -> memref<4096xf32, #tpu.memory_space<hbm>>
        %dma_wait3A_229 = arith.constant 0 : i32
        %dma_wait3A_230 = tpu.memref_slice %arg8[%dma_wait3A_223, %dma_wait3A_229] : memref<2x4096xf32, #tpu.memory_space<vmem>> -> memref<1x4096xf32, #tpu.memory_space<vmem>>
        %dma_wait3A_231 = tpu.memref_squeeze %dma_wait3A_230 : memref<1x4096xf32, #tpu.memory_space<vmem>> -> memref<4096xf32, #tpu.memory_space<vmem>>
        tpu.wait_dma2 semaphore(%arg15 : memref<!tpu.dma_semaphore, #tpu.memory_space<semaphore_mem>>) src(%dma_wait3A_231 : memref<4096xf32, #tpu.memory_space<vmem>>) dst(%dma_wait3A_228 : memref<4096xf32, #tpu.memory_space<hbm>>)
        %dma_wait3A_232 = arith.constant 1 : i32
        %dma_wait3A_233 = arith.constant 0 : i32
        %dma_wait3A_234 = tpu.memref_slice %arg9[%dma_wait3A_232, %dma_wait3A_233] : memref<2x4096xf32, #tpu.memory_space<vmem>> -> memref<1x4096xf32, #tpu.memory_space<vmem>>
        %dma_wait3A_235 = tpu.memref_squeeze %dma_wait3A_234 : memref<1x4096xf32, #tpu.memory_space<vmem>> -> memref<4096xf32, #tpu.memory_space<vmem>>
        %dma_wait3A_236 = tpu.memref_slice %arg5[%add3A_222] : memref<2097152xf32, #tpu.memory_space<hbm>> -> memref<4096xf32, #tpu.memory_space<hbm>>
        %dma_wait3A_237 = tpu.memref_slice %arg5[%add3A_222] : memref<2097152xf32, #tpu.memory_space<hbm>> -> memref<4096xf32, #tpu.memory_space<hbm>>
        %dma_wait3A_238 = arith.constant 0 : i32
        %dma_wait3A_239 = tpu.memref_slice %arg9[%dma_wait3A_232, %dma_wait3A_238] : memref<2x4096xf32, #tpu.memory_space<vmem>> -> memref<1x4096xf32, #tpu.memory_space<vmem>>
        %dma_wait3A_240 = tpu.memref_squeeze %dma_wait3A_239 : memref<1x4096xf32, #tpu.memory_space<vmem>> -> memref<4096xf32, #tpu.memory_space<vmem>>
        tpu.wait_dma2 semaphore(%arg17 : memref<!tpu.dma_semaphore, #tpu.memory_space<semaphore_mem>>) src(%dma_wait3A_240 : memref<4096xf32, #tpu.memory_space<vmem>>) dst(%dma_wait3A_237 : memref<4096xf32, #tpu.memory_space<hbm>>)
      } else {
      }
      %scan3A_191 = arith.constant 0 : i32
      %scan3A_192 = arith.constant 0 : i32
      %scan3A_193 = arith.constant 256 : i32
      %scan3A_194 = arith.addi %scan3A_192, %scan3A_193 : i32
      %scan3A_195 = arith.constant 8 : i32
      %scan3A_196 = scf.for %scan3A_220 = %scan3A_192 to %scan3A_194 step %scan3A_195 iter_args(%scan3A_221 = %scan3A_191) -> (i32)  : i32 {
        %mul3A_222 = arith.constant 16 : i32
        %mul3A_223 = arith.muli %scan3A_220, %mul3A_222 : i32
        %get3A = arith.constant 1 : i32
        %get3A_224 = arith.constant 0 : i32
        %get3A_225 = arith.index_cast %get3A : i32 to index
        %get3A_226 = arith.index_cast %get3A_224 : i32 to index
        %get3A_227 = arith.index_cast %mul3A_223 : i32 to index
        %get3A_228 = tpu.vector_load %arg6[%get3A_225, %get3A_226, %get3A_227] {strides = array<i32>} : memref<2x3x4096xf32, #tpu.memory_space<vmem>>, vector<1x1x16xf32>,
        %get3A_229 = vector.shape_cast %get3A_228 : vector<1x1x16xf32> to vector<16xf32>
        %get3A_230 = arith.constant 1 : i32
        %get3A_231 = arith.constant 1 : i32
        %get3A_232 = arith.index_cast %get3A_230 : i32 to index
        %get3A_233 = arith.index_cast %get3A_231 : i32 to index
        %get3A_234 = arith.index_cast %mul3A_223 : i32 to index
        %get3A_235 = tpu.vector_load %arg6[%get3A_232, %get3A_233, %get3A_234] {strides = array<i32>} : memref<2x3x4096xf32, #tpu.memory_space<vmem>>, vector<1x1x16xf32>,
        %get3A_236 = vector.shape_cast %get3A_235 : vector<1x1x16xf32> to vector<16xf32>
        %get3A_237 = arith.constant 1 : i32
        %get3A_238 = arith.constant 2 : i32
        %get3A_239 = arith.index_cast %get3A_237 : i32 to index
        %get3A_240 = arith.index_cast %get3A_238 : i32 to index
        %get3A_241 = arith.index_cast %mul3A_223 : i32 to index
        %get3A_242 = tpu.vector_load %arg6[%get3A_239, %get3A_240, %get3A_241] {strides = array<i32>} : memref<2x3x4096xf32, #tpu.memory_space<vmem>>, vector<1x1x16xf32>,
        %get3A_243 = vector.shape_cast %get3A_242 : vector<1x1x16xf32> to vector<16xf32>
        %get3A_244 = arith.constant 1 : i32
        %get3A_245 = arith.constant 0 : i32
        %get3A_246 = arith.index_cast %get3A_244 : i32 to index
        %get3A_247 = arith.index_cast %get3A_245 : i32 to index
        %get3A_248 = arith.index_cast %mul3A_223 : i32 to index
        %get3A_249 = tpu.vector_load %arg7[%get3A_246, %get3A_247, %get3A_248] {strides = array<i32>} : memref<2x3x4096xf32, #tpu.memory_space<vmem>>, vector<1x1x16xf32>,
        %get3A_250 = vector.shape_cast %get3A_249 : vector<1x1x16xf32> to vector<16xf32>
        %get3A_251 = arith.constant 1 : i32
        %get3A_252 = arith.constant 1 : i32
        %get3A_253 = arith.index_cast %get3A_251 : i32 to index
        %get3A_254 = arith.index_cast %get3A_252 : i32 to index
        %get3A_255 = arith.index_cast %mul3A_223 : i32 to index
        %get3A_256 = tpu.vector_load %arg7[%get3A_253, %get3A_254, %get3A_255] {strides = array<i32>} : memref<2x3x4096xf32, #tpu.memory_space<vmem>>, vector<1x1x16xf32>,
        %get3A_257 = vector.shape_cast %get3A_256 : vector<1x1x16xf32> to vector<16xf32>
        %get3A_258 = arith.constant 1 : i32
        %get3A_259 = arith.constant 2 : i32
        %get3A_260 = arith.index_cast %get3A_258 : i32 to index
        %get3A_261 = arith.index_cast %get3A_259 : i32 to index
        %get3A_262 = arith.index_cast %mul3A_223 : i32 to index
        %get3A_263 = tpu.vector_load %arg7[%get3A_260, %get3A_261, %get3A_262] {strides = array<i32>} : memref<2x3x4096xf32, #tpu.memory_space<vmem>>, vector<1x1x16xf32>,
        %get3A_264 = vector.shape_cast %get3A_263 : vector<1x1x16xf32> to vector<16xf32>
        %div3A = arith.constant 1.000000e+00 : f32
        %div3A_265 = vector.broadcast %div3A : f32 to vector<16xf32>
        %div3A_266 = arith.divf %div3A_265, %get3A_264 : vector<16xf32>
        %lt3A_267 = arith.constant 0.000000e+00 : f32
        %lt3A_268 = vector.broadcast %lt3A_267 : f32 to vector<16xf32>
        %lt3A_269 = arith.cmpf olt, %get3A_264, %lt3A_268 : vector<16xf32>
        %gt3A = arith.constant 2.000000e+01 : f32
        %gt3A_270 = vector.broadcast %gt3A : f32 to vector<16xf32>
        %gt3A_271 = arith.cmpf ogt, %get3A_243, %gt3A_270 : vector<16xf32>
        %and3A = arith.andi %gt3A_271, %lt3A_269 : vector<16xi1>
        %gt3A_272 = arith.constant -2.000000e+01 : f32
        %gt3A_273 = vector.broadcast %gt3A_272 : f32 to vector<16xf32>
        %gt3A_274 = arith.cmpf ogt, %get3A_243, %gt3A_273 : vector<16xf32>
        %and3A_275 = arith.andi %gt3A_274, %lt3A_269 : vector<16xi1>
        %sub3A = arith.constant 2.000000e+01 : f32
        %sub3A_276 = vector.broadcast %sub3A : f32 to vector<16xf32>
        %sub3A_277 = arith.subf %sub3A_276, %get3A_243 : vector<16xf32>
        %mul3A_278 = arith.mulf %sub3A_277, %div3A_266 : vector<16xf32>
        %sub3A_279 = arith.constant -2.000000e+01 : f32
        %sub3A_280 = vector.broadcast %sub3A_279 : f32 to vector<16xf32>
        %sub3A_281 = arith.subf %sub3A_280, %get3A_243 : vector<16xf32>
        %mul3A_282 = arith.mulf %sub3A_281, %div3A_266 : vector<16xf32>
        %jit3A = arith.constant 5.000000e-02 : f32
        %broadcast_in_dim3A = vector.broadcast %jit3A : f32 to vector<16xf32>
        %select_n3A = arith.select %and3A, %mul3A_278, %broadcast_in_dim3A : vector<16xi1>, vector<16xf32>
        %jit3A_283 = arith.constant 1.000000e+03 : f32
        %broadcast_in_dim3A_284 = vector.broadcast %jit3A_283 : f32 to vector<16xf32>
        %select_n3A_285 = arith.select %and3A_275, %mul3A_282, %broadcast_in_dim3A_284 : vector<16xi1>, vector<16xf32>
        %mul3A_286 = arith.mulf %get3A_250, %get3A_250 : vector<16xf32>
        %mul3A_287 = arith.mulf %get3A_257, %get3A_257 : vector<16xf32>
        %add3A_288 = arith.addf %mul3A_286, %mul3A_287 : vector<16xf32>
        %mul3A_289 = arith.constant 3.33333337E-5 : f32
        %mul3A_290 = vector.broadcast %mul3A_289 : f32 to vector<16xf32>
        %mul3A_291 = arith.mulf %mul3A_290, %add3A_288 : vector<16xf32>
        %mul3A_292 = arith.mulf %get3A_264, %get3A_264 : vector<16xf32>
        %mul3A_293 = arith.constant 8.33333353E-4 : f32
        %mul3A_294 = vector.broadcast %mul3A_293 : f32 to vector<16xf32>
        %mul3A_295 = arith.mulf %mul3A_294, %mul3A_292 : vector<16xf32>
        %add3A_296 = arith.addf %mul3A_291, %mul3A_295 : vector<16xf32>
        %mul3A_297 = arith.mulf %get3A_229, %get3A_250 : vector<16xf32>
        %mul3A_298 = arith.mulf %get3A_236, %get3A_257 : vector<16xf32>
        %add3A_299 = arith.addf %mul3A_297, %mul3A_298 : vector<16xf32>
        %mul3A_300 = arith.constant 3.33333337E-5 : f32
        %mul3A_301 = vector.broadcast %mul3A_300 : f32 to vector<16xf32>
        %mul3A_302 = arith.mulf %mul3A_301, %add3A_299 : vector<16xf32>
        %mul3A_303 = arith.mulf %get3A_243, %get3A_264 : vector<16xf32>
        %mul3A_304 = arith.constant 8.33333353E-4 : f32
        %mul3A_305 = vector.broadcast %mul3A_304 : f32 to vector<16xf32>
        %mul3A_306 = arith.mulf %mul3A_305, %mul3A_303 : vector<16xf32>
        %add3A_307 = arith.addf %mul3A_302, %mul3A_306 : vector<16xf32>
        %mul3A_308 = arith.mulf %get3A_229, %get3A_229 : vector<16xf32>
        %mul3A_309 = arith.mulf %get3A_236, %get3A_236 : vector<16xf32>
        %add3A_310 = arith.addf %mul3A_308, %mul3A_309 : vector<16xf32>
        %mul3A_311 = arith.constant 3.33333337E-5 : f32
        %mul3A_312 = vector.broadcast %mul3A_311 : f32 to vector<16xf32>
        %mul3A_313 = arith.mulf %mul3A_312, %add3A_310 : vector<16xf32>
        %mul3A_314 = arith.mulf %get3A_243, %get3A_243 : vector<16xf32>
        %mul3A_315 = arith.constant 8.33333353E-4 : f32
        %mul3A_316 = vector.broadcast %mul3A_315 : f32 to vector<16xf32>
        %mul3A_317 = arith.mulf %mul3A_316, %mul3A_314 : vector<16xf32>
        %add3A_318 = arith.addf %mul3A_313, %mul3A_317 : vector<16xf32>
        %sub3A_319 = arith.constant 1.000000e+00 : f32
        %sub3A_320 = vector.broadcast %sub3A_319 : f32 to vector<16xf32>
        %sub3A_321 = arith.subf %add3A_318, %sub3A_320 : vector<16xf32>
        %mul3A_322 = arith.mulf %add3A_307, %add3A_307 : vector<16xf32>
        %mul3A_323 = arith.mulf %add3A_296, %sub3A_321 : vector<16xf32>
        %sub3A_324 = arith.subf %mul3A_322, %mul3A_323 : vector<16xf32>
        %gt3A_325 = arith.constant 0.000000e+00 : f32
        %gt3A_326 = vector.broadcast %gt3A_325 : f32 to vector<16xf32>
        %gt3A_327 = arith.cmpf ogt, %sub3A_324, %gt3A_326 : vector<16xf32>
        %jit3A_328 = arith.constant 1.000000e+00 : f32
        %broadcast_in_dim3A_329 = vector.broadcast %jit3A_328 : f32 to vector<16xf32>
        %select_n3A_330 = arith.select %gt3A_327, %sub3A_324, %broadcast_in_dim3A_329 : vector<16xi1>, vector<16xf32>
        %bitcast_convert_type3A = tpu.bitcast %select_n3A_330 : vector<16xf32> -> vector<16xi32>
        %shift_right_logical3A = arith.constant 1 : i32
        %shift_right_logical3A_331 = vector.broadcast %shift_right_logical3A : i32 to vector<16xi32>
        %shift_right_logical3A_332 = arith.shrui %bitcast_convert_type3A, %shift_right_logical3A_331 : vector<16xi32>
        %sub3A_333 = arith.constant 1597463007 : i32
        %sub3A_334 = vector.broadcast %sub3A_333 : i32 to vector<16xi32>
        %sub3A_335 = arith.subi %sub3A_334, %shift_right_logical3A_332 : vector<16xi32>
        %bitcast_convert_type3A_336 = tpu.bitcast %sub3A_335 : vector<16xi32> -> vector<16xf32>
        %mul3A_337 = arith.constant 5.000000e-01 : f32
        %mul3A_338 = vector.broadcast %mul3A_337 : f32 to vector<16xf32>
        %mul3A_339 = arith.mulf %mul3A_338, %select_n3A_330 : vector<16xf32>
        %mul3A_340 = arith.mulf %mul3A_339, %bitcast_convert_type3A_336 : vector<16xf32>
        %mul3A_341 = arith.mulf %mul3A_340, %bitcast_convert_type3A_336 : vector<16xf32>
        %sub3A_342 = arith.constant 1.500000e+00 : f32
        %sub3A_343 = vector.broadcast %sub3A_342 : f32 to vector<16xf32>
        %sub3A_344 = arith.subf %sub3A_343, %mul3A_341 : vector<16xf32>
        %mul3A_345 = arith.mulf %bitcast_convert_type3A_336, %sub3A_344 : vector<16xf32>
        %mul3A_346 = arith.mulf %mul3A_339, %mul3A_345 : vector<16xf32>
        %mul3A_347 = arith.mulf %mul3A_346, %mul3A_345 : vector<16xf32>
        %sub3A_348 = arith.constant 1.500000e+00 : f32
        %sub3A_349 = vector.broadcast %sub3A_348 : f32 to vector<16xf32>
        %sub3A_350 = arith.subf %sub3A_349, %mul3A_347 : vector<16xf32>
        %mul3A_351 = arith.mulf %mul3A_345, %sub3A_350 : vector<16xf32>
        %mul3A_352 = arith.mulf %mul3A_339, %mul3A_351 : vector<16xf32>
        %mul3A_353 = arith.mulf %mul3A_352, %mul3A_351 : vector<16xf32>
        %sub3A_354 = arith.constant 1.500000e+00 : f32
        %sub3A_355 = vector.broadcast %sub3A_354 : f32 to vector<16xf32>
        %sub3A_356 = arith.subf %sub3A_355, %mul3A_353 : vector<16xf32>
        %mul3A_357 = arith.mulf %mul3A_351, %sub3A_356 : vector<16xf32>
        %mul3A_358 = arith.mulf %select_n3A_330, %mul3A_357 : vector<16xf32>
        %sub3A_359 = arith.subf %mul3A_358, %add3A_307 : vector<16xf32>
        %div3A_360 = arith.constant 1.000000e+00 : f32
        %div3A_361 = vector.broadcast %div3A_360 : f32 to vector<16xf32>
        %div3A_362 = arith.divf %div3A_361, %add3A_296 : vector<16xf32>
        %mul3A_363 = arith.mulf %sub3A_359, %div3A_362 : vector<16xf32>
        %jit3A_364 = arith.constant 0.000000e+00 : f32
        %broadcast_in_dim3A_365 = vector.broadcast %jit3A_364 : f32 to vector<16xf32>
        %select_n3A_366 = arith.select %gt3A_327, %mul3A_363, %broadcast_in_dim3A_365 : vector<16xi1>, vector<16xf32>
        %min3A = arith.minimumf %select_n3A_285, %select_n3A_366 : vector<16xf32>
        %max3A = arith.constant 5.000000e-02 : f32
        %max3A_367 = vector.broadcast %max3A : f32 to vector<16xf32>
        %max3A_368 = arith.maximumf %select_n3A, %max3A_367 : vector<16xf32>
        %add3A_369 = arith.constant 9.99999997E-7 : f32
        %add3A_370 = vector.broadcast %add3A_369 : f32 to vector<16xf32>
        %add3A_371 = arith.addf %max3A_368, %add3A_370 : vector<16xf32>
        %max3A_372 = arith.maximumf %min3A, %add3A_371 : vector<16xf32>
        %min3A_373 = arith.constant 1.000000e+03 : f32
        %min3A_374 = vector.broadcast %min3A_373 : f32 to vector<16xf32>
        %min3A_375 = arith.minimumf %max3A_372, %min3A_374 : vector<16xf32>
        %swap3A = arith.constant 1 : i32
        %swap3A_376 = arith.index_cast %swap3A : i32 to index
        %swap3A_377 = arith.index_cast %mul3A_223 : i32 to index
        %swap3A_378 = tpu.vector_load %arg8[%swap3A_376, %swap3A_377] {strides = array<i32>} : memref<2x4096xf32, #tpu.memory_space<vmem>>, vector<1x16xf32>,
        %swap3A_379 = vector.shape_cast %swap3A_378 : vector<1x16xf32> to vector<16xf32>
        %swap3A_380 = vector.shape_cast %max3A_368 : vector<16xf32> to vector<1x16xf32>
        tpu.vector_store %arg8[%swap3A_376, %swap3A_377], %swap3A_380 {strides = array<i32>} : memref<2x4096xf32, #tpu.memory_space<vmem>>, vector<1x16xf32>,
        %swap3A_381 = arith.constant 1 : i32
        %swap3A_382 = arith.index_cast %swap3A_381 : i32 to index
        %swap3A_383 = arith.index_cast %mul3A_223 : i32 to index
        %swap3A_384 = tpu.vector_load %arg9[%swap3A_382, %swap3A_383] {strides = array<i32>} : memref<2x4096xf32, #tpu.memory_space<vmem>>, vector<1x16xf32>,
        %swap3A_385 = vector.shape_cast %swap3A_384 : vector<1x16xf32> to vector<16xf32>
        %swap3A_386 = vector.shape_cast %min3A_375 : vector<16xf32> to vector<1x16xf32>
        tpu.vector_store %arg9[%swap3A_382, %swap3A_383], %swap3A_386 {strides = array<i32>} : memref<2x4096xf32, #tpu.memory_space<vmem>>, vector<1x16xf32>,
        %scan3A_387 = arith.constant 0 : i32
        %scan3A_388 = arith.constant 1 : i32
        %scan3A_389 = arith.addi %scan3A_220, %scan3A_388 : i32
        %mul3A_390 = arith.constant 16 : i32
        %mul3A_391 = arith.muli %scan3A_389, %mul3A_390 : i32
        %get3A_392 = arith.constant 1 : i32
        %get3A_393 = arith.constant 0 : i32
        %get3A_394 = arith.index_cast %get3A_392 : i32 to index
        %get3A_395 = arith.index_cast %get3A_393 : i32 to index
        %get3A_396 = arith.index_cast %mul3A_391 : i32 to index
        %get3A_397 = tpu.vector_load %arg6[%get3A_394, %get3A_395, %get3A_396] {strides = array<i32>} : memref<2x3x4096xf32, #tpu.memory_space<vmem>>, vector<1x1x16xf32>,
        %get3A_398 = vector.shape_cast %get3A_397 : vector<1x1x16xf32> to vector<16xf32>
        %get3A_399 = arith.constant 1 : i32
        %get3A_400 = arith.constant 1 : i32
        %get3A_401 = arith.index_cast %get3A_399 : i32 to index
        %get3A_402 = arith.index_cast %get3A_400 : i32 to index
        %get3A_403 = arith.index_cast %mul3A_391 : i32 to index
        %get3A_404 = tpu.vector_load %arg6[%get3A_401, %get3A_402, %get3A_403] {strides = array<i32>} : memref<2x3x4096xf32, #tpu.memory_space<vmem>>, vector<1x1x16xf32>,
        %get3A_405 = vector.shape_cast %get3A_404 : vector<1x1x16xf32> to vector<16xf32>
        %get3A_406 = arith.constant 1 : i32
        %get3A_407 = arith.constant 2 : i32
        %get3A_408 = arith.index_cast %get3A_406 : i32 to index
        %get3A_409 = arith.index_cast %get3A_407 : i32 to index
        %get3A_410 = arith.index_cast %mul3A_391 : i32 to index
        %get3A_411 = tpu.vector_load %arg6[%get3A_408, %get3A_409, %get3A_410] {strides = array<i32>} : memref<2x3x4096xf32, #tpu.memory_space<vmem>>, vector<1x1x16xf32>,
        %get3A_412 = vector.shape_cast %get3A_411 : vector<1x1x16xf32> to vector<16xf32>
        %get3A_413 = arith.constant 1 : i32
        %get3A_414 = arith.constant 0 : i32
        %get3A_415 = arith.index_cast %get3A_413 : i32 to index
        %get3A_416 = arith.index_cast %get3A_414 : i32 to index
        %get3A_417 = arith.index_cast %mul3A_391 : i32 to index
        %get3A_418 = tpu.vector_load %arg7[%get3A_415, %get3A_416, %get3A_417] {strides = array<i32>} : memref<2x3x4096xf32, #tpu.memory_space<vmem>>, vector<1x1x16xf32>,
        %get3A_419 = vector.shape_cast %get3A_418 : vector<1x1x16xf32> to vector<16xf32>
        %get3A_420 = arith.constant 1 : i32
        %get3A_421 = arith.constant 1 : i32
        %get3A_422 = arith.index_cast %get3A_420 : i32 to index
        %get3A_423 = arith.index_cast %get3A_421 : i32 to index
        %get3A_424 = arith.index_cast %mul3A_391 : i32 to index
        %get3A_425 = tpu.vector_load %arg7[%get3A_422, %get3A_423, %get3A_424] {strides = array<i32>} : memref<2x3x4096xf32, #tpu.memory_space<vmem>>, vector<1x1x16xf32>,
        %get3A_426 = vector.shape_cast %get3A_425 : vector<1x1x16xf32> to vector<16xf32>
        %get3A_427 = arith.constant 1 : i32
        %get3A_428 = arith.constant 2 : i32
        %get3A_429 = arith.index_cast %get3A_427 : i32 to index
        %get3A_430 = arith.index_cast %get3A_428 : i32 to index
        %get3A_431 = arith.index_cast %mul3A_391 : i32 to index
        %get3A_432 = tpu.vector_load %arg7[%get3A_429, %get3A_430, %get3A_431] {strides = array<i32>} : memref<2x3x4096xf32, #tpu.memory_space<vmem>>, vector<1x1x16xf32>,
        %get3A_433 = vector.shape_cast %get3A_432 : vector<1x1x16xf32> to vector<16xf32>
        %div3A_434 = arith.constant 1.000000e+00 : f32
        %div3A_435 = vector.broadcast %div3A_434 : f32 to vector<16xf32>
        %div3A_436 = arith.divf %div3A_435, %get3A_433 : vector<16xf32>
        %lt3A_437 = arith.constant 0.000000e+00 : f32
        %lt3A_438 = vector.broadcast %lt3A_437 : f32 to vector<16xf32>
        %lt3A_439 = arith.cmpf olt, %get3A_433, %lt3A_438 : vector<16xf32>
        %gt3A_440 = arith.constant 2.000000e+01 : f32
        %gt3A_441 = vector.broadcast %gt3A_440 : f32 to vector<16xf32>
        %gt3A_442 = arith.cmpf ogt, %get3A_412, %gt3A_441 : vector<16xf32>
        %and3A_443 = arith.andi %gt3A_442, %lt3A_439 : vector<16xi1>
        %gt3A_444 = arith.constant -2.000000e+01 : f32
        %gt3A_445 = vector.broadcast %gt3A_444 : f32 to vector<16xf32>
        %gt3A_446 = arith.cmpf ogt, %get3A_412, %gt3A_445 : vector<16xf32>
        %and3A_447 = arith.andi %gt3A_446, %lt3A_439 : vector<16xi1>
        %sub3A_448 = arith.constant 2.000000e+01 : f32
        %sub3A_449 = vector.broadcast %sub3A_448 : f32 to vector<16xf32>
        %sub3A_450 = arith.subf %sub3A_449, %get3A_412 : vector<16xf32>
        %mul3A_451 = arith.mulf %sub3A_450, %div3A_436 : vector<16xf32>
        %sub3A_452 = arith.constant -2.000000e+01 : f32
        %sub3A_453 = vector.broadcast %sub3A_452 : f32 to vector<16xf32>
        %sub3A_454 = arith.subf %sub3A_453, %get3A_412 : vector<16xf32>
        %mul3A_455 = arith.mulf %sub3A_454, %div3A_436 : vector<16xf32>
        %jit3A_456 = arith.constant 5.000000e-02 : f32
        %broadcast_in_dim3A_457 = vector.broadcast %jit3A_456 : f32 to vector<16xf32>
        %select_n3A_458 = arith.select %and3A_443, %mul3A_451, %broadcast_in_dim3A_457 : vector<16xi1>, vector<16xf32>
        %jit3A_459 = arith.constant 1.000000e+03 : f32
        %broadcast_in_dim3A_460 = vector.broadcast %jit3A_459 : f32 to vector<16xf32>
        %select_n3A_461 = arith.select %and3A_447, %mul3A_455, %broadcast_in_dim3A_460 : vector<16xi1>, vector<16xf32>
        %mul3A_462 = arith.mulf %get3A_419, %get3A_419 : vector<16xf32>
        %mul3A_463 = arith.mulf %get3A_426, %get3A_426 : vector<16xf32>
        %add3A_464 = arith.addf %mul3A_462, %mul3A_463 : vector<16xf32>
        %mul3A_465 = arith.constant 3.33333337E-5 : f32
        %mul3A_466 = vector.broadcast %mul3A_465 : f32 to vector<16xf32>
        %mul3A_467 = arith.mulf %mul3A_466, %add3A_464 : vector<16xf32>
        %mul3A_468 = arith.mulf %get3A_433, %get3A_433 : vector<16xf32>
        %mul3A_469 = arith.constant 8.33333353E-4 : f32
        %mul3A_470 = vector.broadcast %mul3A_469 : f32 to vector<16xf32>
        %mul3A_471 = arith.mulf %mul3A_470, %mul3A_468 : vector<16xf32>
        %add3A_472 = arith.addf %mul3A_467, %mul3A_471 : vector<16xf32>
        %mul3A_473 = arith.mulf %get3A_398, %get3A_419 : vector<16xf32>
        %mul3A_474 = arith.mulf %get3A_405, %get3A_426 : vector<16xf32>
        %add3A_475 = arith.addf %mul3A_473, %mul3A_474 : vector<16xf32>
        %mul3A_476 = arith.constant 3.33333337E-5 : f32
        %mul3A_477 = vector.broadcast %mul3A_476 : f32 to vector<16xf32>
        %mul3A_478 = arith.mulf %mul3A_477, %add3A_475 : vector<16xf32>
        %mul3A_479 = arith.mulf %get3A_412, %get3A_433 : vector<16xf32>
        %mul3A_480 = arith.constant 8.33333353E-4 : f32
        %mul3A_481 = vector.broadcast %mul3A_480 : f32 to vector<16xf32>
        %mul3A_482 = arith.mulf %mul3A_481, %mul3A_479 : vector<16xf32>
        %add3A_483 = arith.addf %mul3A_478, %mul3A_482 : vector<16xf32>
        %mul3A_484 = arith.mulf %get3A_398, %get3A_398 : vector<16xf32>
        %mul3A_485 = arith.mulf %get3A_405, %get3A_405 : vector<16xf32>
        %add3A_486 = arith.addf %mul3A_484, %mul3A_485 : vector<16xf32>
        %mul3A_487 = arith.constant 3.33333337E-5 : f32
        %mul3A_488 = vector.broadcast %mul3A_487 : f32 to vector<16xf32>
        %mul3A_489 = arith.mulf %mul3A_488, %add3A_486 : vector<16xf32>
        %mul3A_490 = arith.mulf %get3A_412, %get3A_412 : vector<16xf32>
        %mul3A_491 = arith.constant 8.33333353E-4 : f32
        %mul3A_492 = vector.broadcast %mul3A_491 : f32 to vector<16xf32>
        %mul3A_493 = arith.mulf %mul3A_492, %mul3A_490 : vector<16xf32>
        %add3A_494 = arith.addf %mul3A_489, %mul3A_493 : vector<16xf32>
        %sub3A_495 = arith.constant 1.000000e+00 : f32
        %sub3A_496 = vector.broadcast %sub3A_495 : f32 to vector<16xf32>
        %sub3A_497 = arith.subf %add3A_494, %sub3A_496 : vector<16xf32>
        %mul3A_498 = arith.mulf %add3A_483, %add3A_483 : vector<16xf32>
        %mul3A_499 = arith.mulf %add3A_472, %sub3A_497 : vector<16xf32>
        %sub3A_500 = arith.subf %mul3A_498, %mul3A_499 : vector<16xf32>
        %gt3A_501 = arith.constant 0.000000e+00 : f32
        %gt3A_502 = vector.broadcast %gt3A_501 : f32 to vector<16xf32>
        %gt3A_503 = arith.cmpf ogt, %sub3A_500, %gt3A_502 : vector<16xf32>
        %jit3A_504 = arith.constant 1.000000e+00 : f32
        %broadcast_in_dim3A_505 = vector.broadcast %jit3A_504 : f32 to vector<16xf32>
        %select_n3A_506 = arith.select %gt3A_503, %sub3A_500, %broadcast_in_dim3A_505 : vector<16xi1>, vector<16xf32>
        %bitcast_convert_type3A_507 = tpu.bitcast %select_n3A_506 : vector<16xf32> -> vector<16xi32>
        %shift_right_logical3A_508 = arith.constant 1 : i32
        %shift_right_logical3A_509 = vector.broadcast %shift_right_logical3A_508 : i32 to vector<16xi32>
        %shift_right_logical3A_510 = arith.shrui %bitcast_convert_type3A_507, %shift_right_logical3A_509 : vector<16xi32>
        %sub3A_511 = arith.constant 1597463007 : i32
        %sub3A_512 = vector.broadcast %sub3A_511 : i32 to vector<16xi32>
        %sub3A_513 = arith.subi %sub3A_512, %shift_right_logical3A_510 : vector<16xi32>
        %bitcast_convert_type3A_514 = tpu.bitcast %sub3A_513 : vector<16xi32> -> vector<16xf32>
        %mul3A_515 = arith.constant 5.000000e-01 : f32
        %mul3A_516 = vector.broadcast %mul3A_515 : f32 to vector<16xf32>
        %mul3A_517 = arith.mulf %mul3A_516, %select_n3A_506 : vector<16xf32>
        %mul3A_518 = arith.mulf %mul3A_517, %bitcast_convert_type3A_514 : vector<16xf32>
        %mul3A_519 = arith.mulf %mul3A_518, %bitcast_convert_type3A_514 : vector<16xf32>
        %sub3A_520 = arith.constant 1.500000e+00 : f32
        %sub3A_521 = vector.broadcast %sub3A_520 : f32 to vector<16xf32>
        %sub3A_522 = arith.subf %sub3A_521, %mul3A_519 : vector<16xf32>
        %mul3A_523 = arith.mulf %bitcast_convert_type3A_514, %sub3A_522 : vector<16xf32>
        %mul3A_524 = arith.mulf %mul3A_517, %mul3A_523 : vector<16xf32>
        %mul3A_525 = arith.mulf %mul3A_524, %mul3A_523 : vector<16xf32>
        %sub3A_526 = arith.constant 1.500000e+00 : f32
        %sub3A_527 = vector.broadcast %sub3A_526 : f32 to vector<16xf32>
        %sub3A_528 = arith.subf %sub3A_527, %mul3A_525 : vector<16xf32>
        %mul3A_529 = arith.mulf %mul3A_523, %sub3A_528 : vector<16xf32>
        %mul3A_530 = arith.mulf %mul3A_517, %mul3A_529 : vector<16xf32>
        %mul3A_531 = arith.mulf %mul3A_530, %mul3A_529 : vector<16xf32>
        %sub3A_532 = arith.constant 1.500000e+00 : f32
        %sub3A_533 = vector.broadcast %sub3A_532 : f32 to vector<16xf32>
        %sub3A_534 = arith.subf %sub3A_533, %mul3A_531 : vector<16xf32>
        %mul3A_535 = arith.mulf %mul3A_529, %sub3A_534 : vector<16xf32>
        %mul3A_536 = arith.mulf %select_n3A_506, %mul3A_535 : vector<16xf32>
        %sub3A_537 = arith.subf %mul3A_536, %add3A_483 : vector<16xf32>
        %div3A_538 = arith.constant 1.000000e+00 : f32
        %div3A_539 = vector.broadcast %div3A_538 : f32 to vector<16xf32>
        %div3A_540 = arith.divf %div3A_539, %add3A_472 : vector<16xf32>
        %mul3A_541 = arith.mulf %sub3A_537, %div3A_540 : vector<16xf32>
        %jit3A_542 = arith.constant 0.000000e+00 : f32
        %broadcast_in_dim3A_543 = vector.broadcast %jit3A_542 : f32 to vector<16xf32>
        %select_n3A_544 = arith.select %gt3A_503, %mul3A_541, %broadcast_in_dim3A_543 : vector<16xi1>, vector<16xf32>
        %min3A_545 = arith.minimumf %select_n3A_461, %select_n3A_544 : vector<16xf32>
        %max3A_546 = arith.constant 5.000000e-02 : f32
        %max3A_547 = vector.broadcast %max3A_546 : f32 to vector<16xf32>
        %max3A_548 = arith.maximumf %select_n3A_458, %max3A_547 : vector<16xf32>
        %add3A_549 = arith.constant 9.99999997E-7 : f32
        %add3A_550 = vector.broadcast %add3A_549 : f32 to vector<16xf32>
        %add3A_551 = arith.addf %max3A_548, %add3A_550 : vector<16xf32>
        %max3A_552 = arith.maximumf %min3A_545, %add3A_551 : vector<16xf32>
        %min3A_553 = arith.constant 1.000000e+03 : f32
        %min3A_554 = vector.broadcast %min3A_553 : f32 to vector<16xf32>
        %min3A_555 = arith.minimumf %max3A_552, %min3A_554 : vector<16xf32>
        %swap3A_556 = arith.constant 1 : i32
        %swap3A_557 = arith.index_cast %swap3A_556 : i32 to index
        %swap3A_558 = arith.index_cast %mul3A_391 : i32 to index
        %swap3A_559 = tpu.vector_load %arg8[%swap3A_557, %swap3A_558] {strides = array<i32>} : memref<2x4096xf32, #tpu.memory_space<vmem>>, vector<1x16xf32>,
        %swap3A_560 = vector.shape_cast %swap3A_559 : vector<1x16xf32> to vector<16xf32>
        %swap3A_561 = vector.shape_cast %max3A_548 : vector<16xf32> to vector<1x16xf32>
        tpu.vector_store %arg8[%swap3A_557, %swap3A_558], %swap3A_561 {strides = array<i32>} : memref<2x4096xf32, #tpu.memory_space<vmem>>, vector<1x16xf32>,
        %swap3A_562 = arith.constant 1 : i32
        %swap3A_563 = arith.index_cast %swap3A_562 : i32 to index
        %swap3A_564 = arith.index_cast %mul3A_391 : i32 to index
        %swap3A_565 = tpu.vector_load %arg9[%swap3A_563, %swap3A_564] {strides = array<i32>} : memref<2x4096xf32, #tpu.memory_space<vmem>>, vector<1x16xf32>,
        %swap3A_566 = vector.shape_cast %swap3A_565 : vector<1x16xf32> to vector<16xf32>
        %swap3A_567 = vector.shape_cast %min3A_555 : vector<16xf32> to vector<1x16xf32>
        tpu.vector_store %arg9[%swap3A_563, %swap3A_564], %swap3A_567 {strides = array<i32>} : memref<2x4096xf32, #tpu.memory_space<vmem>>, vector<1x16xf32>,
        %scan3A_568 = arith.constant 0 : i32
        %scan3A_569 = arith.constant 2 : i32
        %scan3A_570 = arith.addi %scan3A_220, %scan3A_569 : i32
        %mul3A_571 = arith.constant 16 : i32
        %mul3A_572 = arith.muli %scan3A_570, %mul3A_571 : i32
        %get3A_573 = arith.constant 1 : i32
        %get3A_574 = arith.constant 0 : i32
        %get3A_575 = arith.index_cast %get3A_573 : i32 to index
        %get3A_576 = arith.index_cast %get3A_574 : i32 to index
        %get3A_577 = arith.index_cast %mul3A_572 : i32 to index
        %get3A_578 = tpu.vector_load %arg6[%get3A_575, %get3A_576, %get3A_577] {strides = array<i32>} : memref<2x3x4096xf32, #tpu.memory_space<vmem>>, vector<1x1x16xf32>,
        %get3A_579 = vector.shape_cast %get3A_578 : vector<1x1x16xf32> to vector<16xf32>
        %get3A_580 = arith.constant 1 : i32
        %get3A_581 = arith.constant 1 : i32
        %get3A_582 = arith.index_cast %get3A_580 : i32 to index
        %get3A_583 = arith.index_cast %get3A_581 : i32 to index
        %get3A_584 = arith.index_cast %mul3A_572 : i32 to index
        %get3A_585 = tpu.vector_load %arg6[%get3A_582, %get3A_583, %get3A_584] {strides = array<i32>} : memref<2x3x4096xf32, #tpu.memory_space<vmem>>, vector<1x1x16xf32>,
        %get3A_586 = vector.shape_cast %get3A_585 : vector<1x1x16xf32> to vector<16xf32>
        %get3A_587 = arith.constant 1 : i32
        %get3A_588 = arith.constant 2 : i32
        %get3A_589 = arith.index_cast %get3A_587 : i32 to index
        %get3A_590 = arith.index_cast %get3A_588 : i32 to index
        %get3A_591 = arith.index_cast %mul3A_572 : i32 to index
        %get3A_592 = tpu.vector_load %arg6[%get3A_589, %get3A_590, %get3A_591] {strides = array<i32>} : memref<2x3x4096xf32, #tpu.memory_space<vmem>>, vector<1x1x16xf32>,
        %get3A_593 = vector.shape_cast %get3A_592 : vector<1x1x16xf32> to vector<16xf32>
        %get3A_594 = arith.constant 1 : i32
        %get3A_595 = arith.constant 0 : i32
        %get3A_596 = arith.index_cast %get3A_594 : i32 to index
        %get3A_597 = arith.index_cast %get3A_595 : i32 to index
        %get3A_598 = arith.index_cast %mul3A_572 : i32 to index
        %get3A_599 = tpu.vector_load %arg7[%get3A_596, %get3A_597, %get3A_598] {strides = array<i32>} : memref<2x3x4096xf32, #tpu.memory_space<vmem>>, vector<1x1x16xf32>,
        %get3A_600 = vector.shape_cast %get3A_599 : vector<1x1x16xf32> to vector<16xf32>
        %get3A_601 = arith.constant 1 : i32
        %get3A_602 = arith.constant 1 : i32
        %get3A_603 = arith.index_cast %get3A_601 : i32 to index
        %get3A_604 = arith.index_cast %get3A_602 : i32 to index
        %get3A_605 = arith.index_cast %mul3A_572 : i32 to index
        %get3A_606 = tpu.vector_load %arg7[%get3A_603, %get3A_604, %get3A_605] {strides = array<i32>} : memref<2x3x4096xf32, #tpu.memory_space<vmem>>, vector<1x1x16xf32>,
        %get3A_607 = vector.shape_cast %get3A_606 : vector<1x1x16xf32> to vector<16xf32>
        %get3A_608 = arith.constant 1 : i32
        %get3A_609 = arith.constant 2 : i32
        %get3A_610 = arith.index_cast %get3A_608 : i32 to index
        %get3A_611 = arith.index_cast %get3A_609 : i32 to index
        %get3A_612 = arith.index_cast %mul3A_572 : i32 to index
        %get3A_613 = tpu.vector_load %arg7[%get3A_610, %get3A_611, %get3A_612] {strides = array<i32>} : memref<2x3x4096xf32, #tpu.memory_space<vmem>>, vector<1x1x16xf32>,
        %get3A_614 = vector.shape_cast %get3A_613 : vector<1x1x16xf32> to vector<16xf32>
        %div3A_615 = arith.constant 1.000000e+00 : f32
        %div3A_616 = vector.broadcast %div3A_615 : f32 to vector<16xf32>
        %div3A_617 = arith.divf %div3A_616, %get3A_614 : vector<16xf32>
        %lt3A_618 = arith.constant 0.000000e+00 : f32
        %lt3A_619 = vector.broadcast %lt3A_618 : f32 to vector<16xf32>
        %lt3A_620 = arith.cmpf olt, %get3A_614, %lt3A_619 : vector<16xf32>
        %gt3A_621 = arith.constant 2.000000e+01 : f32
        %gt3A_622 = vector.broadcast %gt3A_621 : f32 to vector<16xf32>
        %gt3A_623 = arith.cmpf ogt, %get3A_593, %gt3A_622 : vector<16xf32>
        %and3A_624 = arith.andi %gt3A_623, %lt3A_620 : vector<16xi1>
        %gt3A_625 = arith.constant -2.000000e+01 : f32
        %gt3A_626 = vector.broadcast %gt3A_625 : f32 to vector<16xf32>
        %gt3A_627 = arith.cmpf ogt, %get3A_593, %gt3A_626 : vector<16xf32>
        %and3A_628 = arith.andi %gt3A_627, %lt3A_620 : vector<16xi1>
        %sub3A_629 = arith.constant 2.000000e+01 : f32
        %sub3A_630 = vector.broadcast %sub3A_629 : f32 to vector<16xf32>
        %sub3A_631 = arith.subf %sub3A_630, %get3A_593 : vector<16xf32>
        %mul3A_632 = arith.mulf %sub3A_631, %div3A_617 : vector<16xf32>
        %sub3A_633 = arith.constant -2.000000e+01 : f32
        %sub3A_634 = vector.broadcast %sub3A_633 : f32 to vector<16xf32>
        %sub3A_635 = arith.subf %sub3A_634, %get3A_593 : vector<16xf32>
        %mul3A_636 = arith.mulf %sub3A_635, %div3A_617 : vector<16xf32>
        %jit3A_637 = arith.constant 5.000000e-02 : f32
        %broadcast_in_dim3A_638 = vector.broadcast %jit3A_637 : f32 to vector<16xf32>
        %select_n3A_639 = arith.select %and3A_624, %mul3A_632, %broadcast_in_dim3A_638 : vector<16xi1>, vector<16xf32>
        %jit3A_640 = arith.constant 1.000000e+03 : f32
        %broadcast_in_dim3A_641 = vector.broadcast %jit3A_640 : f32 to vector<16xf32>
        %select_n3A_642 = arith.select %and3A_628, %mul3A_636, %broadcast_in_dim3A_641 : vector<16xi1>, vector<16xf32>
        %mul3A_643 = arith.mulf %get3A_600, %get3A_600 : vector<16xf32>
        %mul3A_644 = arith.mulf %get3A_607, %get3A_607 : vector<16xf32>
        %add3A_645 = arith.addf %mul3A_643, %mul3A_644 : vector<16xf32>
        %mul3A_646 = arith.constant 3.33333337E-5 : f32
        %mul3A_647 = vector.broadcast %mul3A_646 : f32 to vector<16xf32>
        %mul3A_648 = arith.mulf %mul3A_647, %add3A_645 : vector<16xf32>
        %mul3A_649 = arith.mulf %get3A_614, %get3A_614 : vector<16xf32>
        %mul3A_650 = arith.constant 8.33333353E-4 : f32
        %mul3A_651 = vector.broadcast %mul3A_650 : f32 to vector<16xf32>
        %mul3A_652 = arith.mulf %mul3A_651, %mul3A_649 : vector<16xf32>
        %add3A_653 = arith.addf %mul3A_648, %mul3A_652 : vector<16xf32>
        %mul3A_654 = arith.mulf %get3A_579, %get3A_600 : vector<16xf32>
        %mul3A_655 = arith.mulf %get3A_586, %get3A_607 : vector<16xf32>
        %add3A_656 = arith.addf %mul3A_654, %mul3A_655 : vector<16xf32>
        %mul3A_657 = arith.constant 3.33333337E-5 : f32
        %mul3A_658 = vector.broadcast %mul3A_657 : f32 to vector<16xf32>
        %mul3A_659 = arith.mulf %mul3A_658, %add3A_656 : vector<16xf32>
        %mul3A_660 = arith.mulf %get3A_593, %get3A_614 : vector<16xf32>
        %mul3A_661 = arith.constant 8.33333353E-4 : f32
        %mul3A_662 = vector.broadcast %mul3A_661 : f32 to vector<16xf32>
        %mul3A_663 = arith.mulf %mul3A_662, %mul3A_660 : vector<16xf32>
        %add3A_664 = arith.addf %mul3A_659, %mul3A_663 : vector<16xf32>
        %mul3A_665 = arith.mulf %get3A_579, %get3A_579 : vector<16xf32>
        %mul3A_666 = arith.mulf %get3A_586, %get3A_586 : vector<16xf32>
        %add3A_667 = arith.addf %mul3A_665, %mul3A_666 : vector<16xf32>
        %mul3A_668 = arith.constant 3.33333337E-5 : f32
        %mul3A_669 = vector.broadcast %mul3A_668 : f32 to vector<16xf32>
        %mul3A_670 = arith.mulf %mul3A_669, %add3A_667 : vector<16xf32>
        %mul3A_671 = arith.mulf %get3A_593, %get3A_593 : vector<16xf32>
        %mul3A_672 = arith.constant 8.33333353E-4 : f32
        %mul3A_673 = vector.broadcast %mul3A_672 : f32 to vector<16xf32>
        %mul3A_674 = arith.mulf %mul3A_673, %mul3A_671 : vector<16xf32>
        %add3A_675 = arith.addf %mul3A_670, %mul3A_674 : vector<16xf32>
        %sub3A_676 = arith.constant 1.000000e+00 : f32
        %sub3A_677 = vector.broadcast %sub3A_676 : f32 to vector<16xf32>
        %sub3A_678 = arith.subf %add3A_675, %sub3A_677 : vector<16xf32>
        %mul3A_679 = arith.mulf %add3A_664, %add3A_664 : vector<16xf32>
        %mul3A_680 = arith.mulf %add3A_653, %sub3A_678 : vector<16xf32>
        %sub3A_681 = arith.subf %mul3A_679, %mul3A_680 : vector<16xf32>
        %gt3A_682 = arith.constant 0.000000e+00 : f32
        %gt3A_683 = vector.broadcast %gt3A_682 : f32 to vector<16xf32>
        %gt3A_684 = arith.cmpf ogt, %sub3A_681, %gt3A_683 : vector<16xf32>
        %jit3A_685 = arith.constant 1.000000e+00 : f32
        %broadcast_in_dim3A_686 = vector.broadcast %jit3A_685 : f32 to vector<16xf32>
        %select_n3A_687 = arith.select %gt3A_684, %sub3A_681, %broadcast_in_dim3A_686 : vector<16xi1>, vector<16xf32>
        %bitcast_convert_type3A_688 = tpu.bitcast %select_n3A_687 : vector<16xf32> -> vector<16xi32>
        %shift_right_logical3A_689 = arith.constant 1 : i32
        %shift_right_logical3A_690 = vector.broadcast %shift_right_logical3A_689 : i32 to vector<16xi32>
        %shift_right_logical3A_691 = arith.shrui %bitcast_convert_type3A_688, %shift_right_logical3A_690 : vector<16xi32>
        %sub3A_692 = arith.constant 1597463007 : i32
        %sub3A_693 = vector.broadcast %sub3A_692 : i32 to vector<16xi32>
        %sub3A_694 = arith.subi %sub3A_693, %shift_right_logical3A_691 : vector<16xi32>
        %bitcast_convert_type3A_695 = tpu.bitcast %sub3A_694 : vector<16xi32> -> vector<16xf32>
        %mul3A_696 = arith.constant 5.000000e-01 : f32
        %mul3A_697 = vector.broadcast %mul3A_696 : f32 to vector<16xf32>
        %mul3A_698 = arith.mulf %mul3A_697, %select_n3A_687 : vector<16xf32>
        %mul3A_699 = arith.mulf %mul3A_698, %bitcast_convert_type3A_695 : vector<16xf32>
        %mul3A_700 = arith.mulf %mul3A_699, %bitcast_convert_type3A_695 : vector<16xf32>
        %sub3A_701 = arith.constant 1.500000e+00 : f32
        %sub3A_702 = vector.broadcast %sub3A_701 : f32 to vector<16xf32>
        %sub3A_703 = arith.subf %sub3A_702, %mul3A_700 : vector<16xf32>
        %mul3A_704 = arith.mulf %bitcast_convert_type3A_695, %sub3A_703 : vector<16xf32>
        %mul3A_705 = arith.mulf %mul3A_698, %mul3A_704 : vector<16xf32>
        %mul3A_706 = arith.mulf %mul3A_705, %mul3A_704 : vector<16xf32>
        %sub3A_707 = arith.constant 1.500000e+00 : f32
        %sub3A_708 = vector.broadcast %sub3A_707 : f32 to vector<16xf32>
        %sub3A_709 = arith.subf %sub3A_708, %mul3A_706 : vector<16xf32>
        %mul3A_710 = arith.mulf %mul3A_704, %sub3A_709 : vector<16xf32>
        %mul3A_711 = arith.mulf %mul3A_698, %mul3A_710 : vector<16xf32>
        %mul3A_712 = arith.mulf %mul3A_711, %mul3A_710 : vector<16xf32>
        %sub3A_713 = arith.constant 1.500000e+00 : f32
        %sub3A_714 = vector.broadcast %sub3A_713 : f32 to vector<16xf32>
        %sub3A_715 = arith.subf %sub3A_714, %mul3A_712 : vector<16xf32>
        %mul3A_716 = arith.mulf %mul3A_710, %sub3A_715 : vector<16xf32>
        %mul3A_717 = arith.mulf %select_n3A_687, %mul3A_716 : vector<16xf32>
        %sub3A_718 = arith.subf %mul3A_717, %add3A_664 : vector<16xf32>
        %div3A_719 = arith.constant 1.000000e+00 : f32
        %div3A_720 = vector.broadcast %div3A_719 : f32 to vector<16xf32>
        %div3A_721 = arith.divf %div3A_720, %add3A_653 : vector<16xf32>
        %mul3A_722 = arith.mulf %sub3A_718, %div3A_721 : vector<16xf32>
        %jit3A_723 = arith.constant 0.000000e+00 : f32
        %broadcast_in_dim3A_724 = vector.broadcast %jit3A_723 : f32 to vector<16xf32>
        %select_n3A_725 = arith.select %gt3A_684, %mul3A_722, %broadcast_in_dim3A_724 : vector<16xi1>, vector<16xf32>
        %min3A_726 = arith.minimumf %select_n3A_642, %select_n3A_725 : vector<16xf32>
        %max3A_727 = arith.constant 5.000000e-02 : f32
        %max3A_728 = vector.broadcast %max3A_727 : f32 to vector<16xf32>
        %max3A_729 = arith.maximumf %select_n3A_639, %max3A_728 : vector<16xf32>
        %add3A_730 = arith.constant 9.99999997E-7 : f32
        %add3A_731 = vector.broadcast %add3A_730 : f32 to vector<16xf32>
        %add3A_732 = arith.addf %max3A_729, %add3A_731 : vector<16xf32>
        %max3A_733 = arith.maximumf %min3A_726, %add3A_732 : vector<16xf32>
        %min3A_734 = arith.constant 1.000000e+03 : f32
        %min3A_735 = vector.broadcast %min3A_734 : f32 to vector<16xf32>
        %min3A_736 = arith.minimumf %max3A_733, %min3A_735 : vector<16xf32>
        %swap3A_737 = arith.constant 1 : i32
        %swap3A_738 = arith.index_cast %swap3A_737 : i32 to index
        %swap3A_739 = arith.index_cast %mul3A_572 : i32 to index
        %swap3A_740 = tpu.vector_load %arg8[%swap3A_738, %swap3A_739] {strides = array<i32>} : memref<2x4096xf32, #tpu.memory_space<vmem>>, vector<1x16xf32>,
        %swap3A_741 = vector.shape_cast %swap3A_740 : vector<1x16xf32> to vector<16xf32>
        %swap3A_742 = vector.shape_cast %max3A_729 : vector<16xf32> to vector<1x16xf32>
        tpu.vector_store %arg8[%swap3A_738, %swap3A_739], %swap3A_742 {strides = array<i32>} : memref<2x4096xf32, #tpu.memory_space<vmem>>, vector<1x16xf32>,
        %swap3A_743 = arith.constant 1 : i32
        %swap3A_744 = arith.index_cast %swap3A_743 : i32 to index
        %swap3A_745 = arith.index_cast %mul3A_572 : i32 to index
        %swap3A_746 = tpu.vector_load %arg9[%swap3A_744, %swap3A_745] {strides = array<i32>} : memref<2x4096xf32, #tpu.memory_space<vmem>>, vector<1x16xf32>,
        %swap3A_747 = vector.shape_cast %swap3A_746 : vector<1x16xf32> to vector<16xf32>
        %swap3A_748 = vector.shape_cast %min3A_736 : vector<16xf32> to vector<1x16xf32>
        tpu.vector_store %arg9[%swap3A_744, %swap3A_745], %swap3A_748 {strides = array<i32>} : memref<2x4096xf32, #tpu.memory_space<vmem>>, vector<1x16xf32>,
        %scan3A_749 = arith.constant 0 : i32
        %scan3A_750 = arith.constant 3 : i32
        %scan3A_751 = arith.addi %scan3A_220, %scan3A_750 : i32
        %mul3A_752 = arith.constant 16 : i32
        %mul3A_753 = arith.muli %scan3A_751, %mul3A_752 : i32
        %get3A_754 = arith.constant 1 : i32
        %get3A_755 = arith.constant 0 : i32
        %get3A_756 = arith.index_cast %get3A_754 : i32 to index
        %get3A_757 = arith.index_cast %get3A_755 : i32 to index
        %get3A_758 = arith.index_cast %mul3A_753 : i32 to index
        %get3A_759 = tpu.vector_load %arg6[%get3A_756, %get3A_757, %get3A_758] {strides = array<i32>} : memref<2x3x4096xf32, #tpu.memory_space<vmem>>, vector<1x1x16xf32>,
        %get3A_760 = vector.shape_cast %get3A_759 : vector<1x1x16xf32> to vector<16xf32>
        %get3A_761 = arith.constant 1 : i32
        %get3A_762 = arith.constant 1 : i32
        %get3A_763 = arith.index_cast %get3A_761 : i32 to index
        %get3A_764 = arith.index_cast %get3A_762 : i32 to index
        %get3A_765 = arith.index_cast %mul3A_753 : i32 to index
        %get3A_766 = tpu.vector_load %arg6[%get3A_763, %get3A_764, %get3A_765] {strides = array<i32>} : memref<2x3x4096xf32, #tpu.memory_space<vmem>>, vector<1x1x16xf32>,
        %get3A_767 = vector.shape_cast %get3A_766 : vector<1x1x16xf32> to vector<16xf32>
        %get3A_768 = arith.constant 1 : i32
        %get3A_769 = arith.constant 2 : i32
        %get3A_770 = arith.index_cast %get3A_768 : i32 to index
        %get3A_771 = arith.index_cast %get3A_769 : i32 to index
        %get3A_772 = arith.index_cast %mul3A_753 : i32 to index
        %get3A_773 = tpu.vector_load %arg6[%get3A_770, %get3A_771, %get3A_772] {strides = array<i32>} : memref<2x3x4096xf32, #tpu.memory_space<vmem>>, vector<1x1x16xf32>,
        %get3A_774 = vector.shape_cast %get3A_773 : vector<1x1x16xf32> to vector<16xf32>
        %get3A_775 = arith.constant 1 : i32
        %get3A_776 = arith.constant 0 : i32
        %get3A_777 = arith.index_cast %get3A_775 : i32 to index
        %get3A_778 = arith.index_cast %get3A_776 : i32 to index
        %get3A_779 = arith.index_cast %mul3A_753 : i32 to index
        %get3A_780 = tpu.vector_load %arg7[%get3A_777, %get3A_778, %get3A_779] {strides = array<i32>} : memref<2x3x4096xf32, #tpu.memory_space<vmem>>, vector<1x1x16xf32>,
        %get3A_781 = vector.shape_cast %get3A_780 : vector<1x1x16xf32> to vector<16xf32>
        %get3A_782 = arith.constant 1 : i32
        %get3A_783 = arith.constant 1 : i32
        %get3A_784 = arith.index_cast %get3A_782 : i32 to index
        %get3A_785 = arith.index_cast %get3A_783 : i32 to index
        %get3A_786 = arith.index_cast %mul3A_753 : i32 to index
        %get3A_787 = tpu.vector_load %arg7[%get3A_784, %get3A_785, %get3A_786] {strides = array<i32>} : memref<2x3x4096xf32, #tpu.memory_space<vmem>>, vector<1x1x16xf32>,
        %get3A_788 = vector.shape_cast %get3A_787 : vector<1x1x16xf32> to vector<16xf32>
        %get3A_789 = arith.constant 1 : i32
        %get3A_790 = arith.constant 2 : i32
        %get3A_791 = arith.index_cast %get3A_789 : i32 to index
        %get3A_792 = arith.index_cast %get3A_790 : i32 to index
        %get3A_793 = arith.index_cast %mul3A_753 : i32 to index
        %get3A_794 = tpu.vector_load %arg7[%get3A_791, %get3A_792, %get3A_793] {strides = array<i32>} : memref<2x3x4096xf32, #tpu.memory_space<vmem>>, vector<1x1x16xf32>,
        %get3A_795 = vector.shape_cast %get3A_794 : vector<1x1x16xf32> to vector<16xf32>
        %div3A_796 = arith.constant 1.000000e+00 : f32
        %div3A_797 = vector.broadcast %div3A_796 : f32 to vector<16xf32>
        %div3A_798 = arith.divf %div3A_797, %get3A_795 : vector<16xf32>
        %lt3A_799 = arith.constant 0.000000e+00 : f32
        %lt3A_800 = vector.broadcast %lt3A_799 : f32 to vector<16xf32>
        %lt3A_801 = arith.cmpf olt, %get3A_795, %lt3A_800 : vector<16xf32>
        %gt3A_802 = arith.constant 2.000000e+01 : f32
        %gt3A_803 = vector.broadcast %gt3A_802 : f32 to vector<16xf32>
        %gt3A_804 = arith.cmpf ogt, %get3A_774, %gt3A_803 : vector<16xf32>
        %and3A_805 = arith.andi %gt3A_804, %lt3A_801 : vector<16xi1>
        %gt3A_806 = arith.constant -2.000000e+01 : f32
        %gt3A_807 = vector.broadcast %gt3A_806 : f32 to vector<16xf32>
        %gt3A_808 = arith.cmpf ogt, %get3A_774, %gt3A_807 : vector<16xf32>
        %and3A_809 = arith.andi %gt3A_808, %lt3A_801 : vector<16xi1>
        %sub3A_810 = arith.constant 2.000000e+01 : f32
        %sub3A_811 = vector.broadcast %sub3A_810 : f32 to vector<16xf32>
        %sub3A_812 = arith.subf %sub3A_811, %get3A_774 : vector<16xf32>
        %mul3A_813 = arith.mulf %sub3A_812, %div3A_798 : vector<16xf32>
        %sub3A_814 = arith.constant -2.000000e+01 : f32
        %sub3A_815 = vector.broadcast %sub3A_814 : f32 to vector<16xf32>
        %sub3A_816 = arith.subf %sub3A_815, %get3A_774 : vector<16xf32>
        %mul3A_817 = arith.mulf %sub3A_816, %div3A_798 : vector<16xf32>
        %jit3A_818 = arith.constant 5.000000e-02 : f32
        %broadcast_in_dim3A_819 = vector.broadcast %jit3A_818 : f32 to vector<16xf32>
        %select_n3A_820 = arith.select %and3A_805, %mul3A_813, %broadcast_in_dim3A_819 : vector<16xi1>, vector<16xf32>
        %jit3A_821 = arith.constant 1.000000e+03 : f32
        %broadcast_in_dim3A_822 = vector.broadcast %jit3A_821 : f32 to vector<16xf32>
        %select_n3A_823 = arith.select %and3A_809, %mul3A_817, %broadcast_in_dim3A_822 : vector<16xi1>, vector<16xf32>
        %mul3A_824 = arith.mulf %get3A_781, %get3A_781 : vector<16xf32>
        %mul3A_825 = arith.mulf %get3A_788, %get3A_788 : vector<16xf32>
        %add3A_826 = arith.addf %mul3A_824, %mul3A_825 : vector<16xf32>
        %mul3A_827 = arith.constant 3.33333337E-5 : f32
        %mul3A_828 = vector.broadcast %mul3A_827 : f32 to vector<16xf32>
        %mul3A_829 = arith.mulf %mul3A_828, %add3A_826 : vector<16xf32>
        %mul3A_830 = arith.mulf %get3A_795, %get3A_795 : vector<16xf32>
        %mul3A_831 = arith.constant 8.33333353E-4 : f32
        %mul3A_832 = vector.broadcast %mul3A_831 : f32 to vector<16xf32>
        %mul3A_833 = arith.mulf %mul3A_832, %mul3A_830 : vector<16xf32>
        %add3A_834 = arith.addf %mul3A_829, %mul3A_833 : vector<16xf32>
        %mul3A_835 = arith.mulf %get3A_760, %get3A_781 : vector<16xf32>
        %mul3A_836 = arith.mulf %get3A_767, %get3A_788 : vector<16xf32>
        %add3A_837 = arith.addf %mul3A_835, %mul3A_836 : vector<16xf32>
        %mul3A_838 = arith.constant 3.33333337E-5 : f32
        %mul3A_839 = vector.broadcast %mul3A_838 : f32 to vector<16xf32>
        %mul3A_840 = arith.mulf %mul3A_839, %add3A_837 : vector<16xf32>
        %mul3A_841 = arith.mulf %get3A_774, %get3A_795 : vector<16xf32>
        %mul3A_842 = arith.constant 8.33333353E-4 : f32
        %mul3A_843 = vector.broadcast %mul3A_842 : f32 to vector<16xf32>
        %mul3A_844 = arith.mulf %mul3A_843, %mul3A_841 : vector<16xf32>
        %add3A_845 = arith.addf %mul3A_840, %mul3A_844 : vector<16xf32>
        %mul3A_846 = arith.mulf %get3A_760, %get3A_760 : vector<16xf32>
        %mul3A_847 = arith.mulf %get3A_767, %get3A_767 : vector<16xf32>
        %add3A_848 = arith.addf %mul3A_846, %mul3A_847 : vector<16xf32>
        %mul3A_849 = arith.constant 3.33333337E-5 : f32
        %mul3A_850 = vector.broadcast %mul3A_849 : f32 to vector<16xf32>
        %mul3A_851 = arith.mulf %mul3A_850, %add3A_848 : vector<16xf32>
        %mul3A_852 = arith.mulf %get3A_774, %get3A_774 : vector<16xf32>
        %mul3A_853 = arith.constant 8.33333353E-4 : f32
        %mul3A_854 = vector.broadcast %mul3A_853 : f32 to vector<16xf32>
        %mul3A_855 = arith.mulf %mul3A_854, %mul3A_852 : vector<16xf32>
        %add3A_856 = arith.addf %mul3A_851, %mul3A_855 : vector<16xf32>
        %sub3A_857 = arith.constant 1.000000e+00 : f32
        %sub3A_858 = vector.broadcast %sub3A_857 : f32 to vector<16xf32>
        %sub3A_859 = arith.subf %add3A_856, %sub3A_858 : vector<16xf32>
        %mul3A_860 = arith.mulf %add3A_845, %add3A_845 : vector<16xf32>
        %mul3A_861 = arith.mulf %add3A_834, %sub3A_859 : vector<16xf32>
        %sub3A_862 = arith.subf %mul3A_860, %mul3A_861 : vector<16xf32>
        %gt3A_863 = arith.constant 0.000000e+00 : f32
        %gt3A_864 = vector.broadcast %gt3A_863 : f32 to vector<16xf32>
        %gt3A_865 = arith.cmpf ogt, %sub3A_862, %gt3A_864 : vector<16xf32>
        %jit3A_866 = arith.constant 1.000000e+00 : f32
        %broadcast_in_dim3A_867 = vector.broadcast %jit3A_866 : f32 to vector<16xf32>
        %select_n3A_868 = arith.select %gt3A_865, %sub3A_862, %broadcast_in_dim3A_867 : vector<16xi1>, vector<16xf32>
        %bitcast_convert_type3A_869 = tpu.bitcast %select_n3A_868 : vector<16xf32> -> vector<16xi32>
        %shift_right_logical3A_870 = arith.constant 1 : i32
        %shift_right_logical3A_871 = vector.broadcast %shift_right_logical3A_870 : i32 to vector<16xi32>
        %shift_right_logical3A_872 = arith.shrui %bitcast_convert_type3A_869, %shift_right_logical3A_871 : vector<16xi32>
        %sub3A_873 = arith.constant 1597463007 : i32
        %sub3A_874 = vector.broadcast %sub3A_873 : i32 to vector<16xi32>
        %sub3A_875 = arith.subi %sub3A_874, %shift_right_logical3A_872 : vector<16xi32>
        %bitcast_convert_type3A_876 = tpu.bitcast %sub3A_875 : vector<16xi32> -> vector<16xf32>
        %mul3A_877 = arith.constant 5.000000e-01 : f32
        %mul3A_878 = vector.broadcast %mul3A_877 : f32 to vector<16xf32>
        %mul3A_879 = arith.mulf %mul3A_878, %select_n3A_868 : vector<16xf32>
        %mul3A_880 = arith.mulf %mul3A_879, %bitcast_convert_type3A_876 : vector<16xf32>
        %mul3A_881 = arith.mulf %mul3A_880, %bitcast_convert_type3A_876 : vector<16xf32>
        %sub3A_882 = arith.constant 1.500000e+00 : f32
        %sub3A_883 = vector.broadcast %sub3A_882 : f32 to vector<16xf32>
        %sub3A_884 = arith.subf %sub3A_883, %mul3A_881 : vector<16xf32>
        %mul3A_885 = arith.mulf %bitcast_convert_type3A_876, %sub3A_884 : vector<16xf32>
        %mul3A_886 = arith.mulf %mul3A_879, %mul3A_885 : vector<16xf32>
        %mul3A_887 = arith.mulf %mul3A_886, %mul3A_885 : vector<16xf32>
        %sub3A_888 = arith.constant 1.500000e+00 : f32
        %sub3A_889 = vector.broadcast %sub3A_888 : f32 to vector<16xf32>
        %sub3A_890 = arith.subf %sub3A_889, %mul3A_887 : vector<16xf32>
        %mul3A_891 = arith.mulf %mul3A_885, %sub3A_890 : vector<16xf32>
        %mul3A_892 = arith.mulf %mul3A_879, %mul3A_891 : vector<16xf32>
        %mul3A_893 = arith.mulf %mul3A_892, %mul3A_891 : vector<16xf32>
        %sub3A_894 = arith.constant 1.500000e+00 : f32
        %sub3A_895 = vector.broadcast %sub3A_894 : f32 to vector<16xf32>
        %sub3A_896 = arith.subf %sub3A_895, %mul3A_893 : vector<16xf32>
        %mul3A_897 = arith.mulf %mul3A_891, %sub3A_896 : vector<16xf32>
        %mul3A_898 = arith.mulf %select_n3A_868, %mul3A_897 : vector<16xf32>
        %sub3A_899 = arith.subf %mul3A_898, %add3A_845 : vector<16xf32>
        %div3A_900 = arith.constant 1.000000e+00 : f32
        %div3A_901 = vector.broadcast %div3A_900 : f32 to vector<16xf32>
        %div3A_902 = arith.divf %div3A_901, %add3A_834 : vector<16xf32>
        %mul3A_903 = arith.mulf %sub3A_899, %div3A_902 : vector<16xf32>
        %jit3A_904 = arith.constant 0.000000e+00 : f32
        %broadcast_in_dim3A_905 = vector.broadcast %jit3A_904 : f32 to vector<16xf32>
        %select_n3A_906 = arith.select %gt3A_865, %mul3A_903, %broadcast_in_dim3A_905 : vector<16xi1>, vector<16xf32>
        %min3A_907 = arith.minimumf %select_n3A_823, %select_n3A_906 : vector<16xf32>
        %max3A_908 = arith.constant 5.000000e-02 : f32
        %max3A_909 = vector.broadcast %max3A_908 : f32 to vector<16xf32>
        %max3A_910 = arith.maximumf %select_n3A_820, %max3A_909 : vector<16xf32>
        %add3A_911 = arith.constant 9.99999997E-7 : f32
        %add3A_912 = vector.broadcast %add3A_911 : f32 to vector<16xf32>
        %add3A_913 = arith.addf %max3A_910, %add3A_912 : vector<16xf32>
        %max3A_914 = arith.maximumf %min3A_907, %add3A_913 : vector<16xf32>
        %min3A_915 = arith.constant 1.000000e+03 : f32
        %min3A_916 = vector.broadcast %min3A_915 : f32 to vector<16xf32>
        %min3A_917 = arith.minimumf %max3A_914, %min3A_916 : vector<16xf32>
        %swap3A_918 = arith.constant 1 : i32
        %swap3A_919 = arith.index_cast %swap3A_918 : i32 to index
        %swap3A_920 = arith.index_cast %mul3A_753 : i32 to index
        %swap3A_921 = tpu.vector_load %arg8[%swap3A_919, %swap3A_920] {strides = array<i32>} : memref<2x4096xf32, #tpu.memory_space<vmem>>, vector<1x16xf32>,
        %swap3A_922 = vector.shape_cast %swap3A_921 : vector<1x16xf32> to vector<16xf32>
        %swap3A_923 = vector.shape_cast %max3A_910 : vector<16xf32> to vector<1x16xf32>
        tpu.vector_store %arg8[%swap3A_919, %swap3A_920], %swap3A_923 {strides = array<i32>} : memref<2x4096xf32, #tpu.memory_space<vmem>>, vector<1x16xf32>,
        %swap3A_924 = arith.constant 1 : i32
        %swap3A_925 = arith.index_cast %swap3A_924 : i32 to index
        %swap3A_926 = arith.index_cast %mul3A_753 : i32 to index
        %swap3A_927 = tpu.vector_load %arg9[%swap3A_925, %swap3A_926] {strides = array<i32>} : memref<2x4096xf32, #tpu.memory_space<vmem>>, vector<1x16xf32>,
        %swap3A_928 = vector.shape_cast %swap3A_927 : vector<1x16xf32> to vector<16xf32>
        %swap3A_929 = vector.shape_cast %min3A_917 : vector<16xf32> to vector<1x16xf32>
        tpu.vector_store %arg9[%swap3A_925, %swap3A_926], %swap3A_929 {strides = array<i32>} : memref<2x4096xf32, #tpu.memory_space<vmem>>, vector<1x16xf32>,
        %scan3A_930 = arith.constant 0 : i32
        %scan3A_931 = arith.constant 4 : i32
        %scan3A_932 = arith.addi %scan3A_220, %scan3A_931 : i32
        %mul3A_933 = arith.constant 16 : i32
        %mul3A_934 = arith.muli %scan3A_932, %mul3A_933 : i32
        %get3A_935 = arith.constant 1 : i32
        %get3A_936 = arith.constant 0 : i32
        %get3A_937 = arith.index_cast %get3A_935 : i32 to index
        %get3A_938 = arith.index_cast %get3A_936 : i32 to index
        %get3A_939 = arith.index_cast %mul3A_934 : i32 to index
        %get3A_940 = tpu.vector_load %arg6[%get3A_937, %get3A_938, %get3A_939] {strides = array<i32>} : memref<2x3x4096xf32, #tpu.memory_space<vmem>>, vector<1x1x16xf32>,
        %get3A_941 = vector.shape_cast %get3A_940 : vector<1x1x16xf32> to vector<16xf32>
        %get3A_942 = arith.constant 1 : i32
        %get3A_943 = arith.constant 1 : i32
        %get3A_944 = arith.index_cast %get3A_942 : i32 to index
        %get3A_945 = arith.index_cast %get3A_943 : i32 to index
        %get3A_946 = arith.index_cast %mul3A_934 : i32 to index
        %get3A_947 = tpu.vector_load %arg6[%get3A_944, %get3A_945, %get3A_946] {strides = array<i32>} : memref<2x3x4096xf32, #tpu.memory_space<vmem>>, vector<1x1x16xf32>,
        %get3A_948 = vector.shape_cast %get3A_947 : vector<1x1x16xf32> to vector<16xf32>
        %get3A_949 = arith.constant 1 : i32
        %get3A_950 = arith.constant 2 : i32
        %get3A_951 = arith.index_cast %get3A_949 : i32 to index
        %get3A_952 = arith.index_cast %get3A_950 : i32 to index
        %get3A_953 = arith.index_cast %mul3A_934 : i32 to index
        %get3A_954 = tpu.vector_load %arg6[%get3A_951, %get3A_952, %get3A_953] {strides = array<i32>} : memref<2x3x4096xf32, #tpu.memory_space<vmem>>, vector<1x1x16xf32>,
        %get3A_955 = vector.shape_cast %get3A_954 : vector<1x1x16xf32> to vector<16xf32>
        %get3A_956 = arith.constant 1 : i32
        %get3A_957 = arith.constant 0 : i32
        %get3A_958 = arith.index_cast %get3A_956 : i32 to index
        %get3A_959 = arith.index_cast %get3A_957 : i32 to index
        %get3A_960 = arith.index_cast %mul3A_934 : i32 to index
        %get3A_961 = tpu.vector_load %arg7[%get3A_958, %get3A_959, %get3A_960] {strides = array<i32>} : memref<2x3x4096xf32, #tpu.memory_space<vmem>>, vector<1x1x16xf32>,
        %get3A_962 = vector.shape_cast %get3A_961 : vector<1x1x16xf32> to vector<16xf32>
        %get3A_963 = arith.constant 1 : i32
        %get3A_964 = arith.constant 1 : i32
        %get3A_965 = arith.index_cast %get3A_963 : i32 to index
        %get3A_966 = arith.index_cast %get3A_964 : i32 to index
        %get3A_967 = arith.index_cast %mul3A_934 : i32 to index
        %get3A_968 = tpu.vector_load %arg7[%get3A_965, %get3A_966, %get3A_967] {strides = array<i32>} : memref<2x3x4096xf32, #tpu.memory_space<vmem>>, vector<1x1x16xf32>,
        %get3A_969 = vector.shape_cast %get3A_968 : vector<1x1x16xf32> to vector<16xf32>
        %get3A_970 = arith.constant 1 : i32
        %get3A_971 = arith.constant 2 : i32
        %get3A_972 = arith.index_cast %get3A_970 : i32 to index
        %get3A_973 = arith.index_cast %get3A_971 : i32 to index
        %get3A_974 = arith.index_cast %mul3A_934 : i32 to index
        %get3A_975 = tpu.vector_load %arg7[%get3A_972, %get3A_973, %get3A_974] {strides = array<i32>} : memref<2x3x4096xf32, #tpu.memory_space<vmem>>, vector<1x1x16xf32>,
        %get3A_976 = vector.shape_cast %get3A_975 : vector<1x1x16xf32> to vector<16xf32>
        %div3A_977 = arith.constant 1.000000e+00 : f32
        %div3A_978 = vector.broadcast %div3A_977 : f32 to vector<16xf32>
        %div3A_979 = arith.divf %div3A_978, %get3A_976 : vector<16xf32>
        %lt3A_980 = arith.constant 0.000000e+00 : f32
        %lt3A_981 = vector.broadcast %lt3A_980 : f32 to vector<16xf32>
        %lt3A_982 = arith.cmpf olt, %get3A_976, %lt3A_981 : vector<16xf32>
        %gt3A_983 = arith.constant 2.000000e+01 : f32
        %gt3A_984 = vector.broadcast %gt3A_983 : f32 to vector<16xf32>
        %gt3A_985 = arith.cmpf ogt, %get3A_955, %gt3A_984 : vector<16xf32>
        %and3A_986 = arith.andi %gt3A_985, %lt3A_982 : vector<16xi1>
        %gt3A_987 = arith.constant -2.000000e+01 : f32
        %gt3A_988 = vector.broadcast %gt3A_987 : f32 to vector<16xf32>
        %gt3A_989 = arith.cmpf ogt, %get3A_955, %gt3A_988 : vector<16xf32>
        %and3A_990 = arith.andi %gt3A_989, %lt3A_982 : vector<16xi1>
        %sub3A_991 = arith.constant 2.000000e+01 : f32
        %sub3A_992 = vector.broadcast %sub3A_991 : f32 to vector<16xf32>
        %sub3A_993 = arith.subf %sub3A_992, %get3A_955 : vector<16xf32>
        %mul3A_994 = arith.mulf %sub3A_993, %div3A_979 : vector<16xf32>
        %sub3A_995 = arith.constant -2.000000e+01 : f32
        %sub3A_996 = vector.broadcast %sub3A_995 : f32 to vector<16xf32>
        %sub3A_997 = arith.subf %sub3A_996, %get3A_955 : vector<16xf32>
        %mul3A_998 = arith.mulf %sub3A_997, %div3A_979 : vector<16xf32>
        %jit3A_999 = arith.constant 5.000000e-02 : f32
        %broadcast_in_dim3A_1000 = vector.broadcast %jit3A_999 : f32 to vector<16xf32>
        %select_n3A_1001 = arith.select %and3A_986, %mul3A_994, %broadcast_in_dim3A_1000 : vector<16xi1>, vector<16xf32>
        %jit3A_1002 = arith.constant 1.000000e+03 : f32
        %broadcast_in_dim3A_1003 = vector.broadcast %jit3A_1002 : f32 to vector<16xf32>
        %select_n3A_1004 = arith.select %and3A_990, %mul3A_998, %broadcast_in_dim3A_1003 : vector<16xi1>, vector<16xf32>
        %mul3A_1005 = arith.mulf %get3A_962, %get3A_962 : vector<16xf32>
        %mul3A_1006 = arith.mulf %get3A_969, %get3A_969 : vector<16xf32>
        %add3A_1007 = arith.addf %mul3A_1005, %mul3A_1006 : vector<16xf32>
        %mul3A_1008 = arith.constant 3.33333337E-5 : f32
        %mul3A_1009 = vector.broadcast %mul3A_1008 : f32 to vector<16xf32>
        %mul3A_1010 = arith.mulf %mul3A_1009, %add3A_1007 : vector<16xf32>
        %mul3A_1011 = arith.mulf %get3A_976, %get3A_976 : vector<16xf32>
        %mul3A_1012 = arith.constant 8.33333353E-4 : f32
        %mul3A_1013 = vector.broadcast %mul3A_1012 : f32 to vector<16xf32>
        %mul3A_1014 = arith.mulf %mul3A_1013, %mul3A_1011 : vector<16xf32>
        %add3A_1015 = arith.addf %mul3A_1010, %mul3A_1014 : vector<16xf32>
        %mul3A_1016 = arith.mulf %get3A_941, %get3A_962 : vector<16xf32>
        %mul3A_1017 = arith.mulf %get3A_948, %get3A_969 : vector<16xf32>
        %add3A_1018 = arith.addf %mul3A_1016, %mul3A_1017 : vector<16xf32>
        %mul3A_1019 = arith.constant 3.33333337E-5 : f32
        %mul3A_1020 = vector.broadcast %mul3A_1019 : f32 to vector<16xf32>
        %mul3A_1021 = arith.mulf %mul3A_1020, %add3A_1018 : vector<16xf32>
        %mul3A_1022 = arith.mulf %get3A_955, %get3A_976 : vector<16xf32>
        %mul3A_1023 = arith.constant 8.33333353E-4 : f32
        %mul3A_1024 = vector.broadcast %mul3A_1023 : f32 to vector<16xf32>
        %mul3A_1025 = arith.mulf %mul3A_1024, %mul3A_1022 : vector<16xf32>
        %add3A_1026 = arith.addf %mul3A_1021, %mul3A_1025 : vector<16xf32>
        %mul3A_1027 = arith.mulf %get3A_941, %get3A_941 : vector<16xf32>
        %mul3A_1028 = arith.mulf %get3A_948, %get3A_948 : vector<16xf32>
        %add3A_1029 = arith.addf %mul3A_1027, %mul3A_1028 : vector<16xf32>
        %mul3A_1030 = arith.constant 3.33333337E-5 : f32
        %mul3A_1031 = vector.broadcast %mul3A_1030 : f32 to vector<16xf32>
        %mul3A_1032 = arith.mulf %mul3A_1031, %add3A_1029 : vector<16xf32>
        %mul3A_1033 = arith.mulf %get3A_955, %get3A_955 : vector<16xf32>
        %mul3A_1034 = arith.constant 8.33333353E-4 : f32
        %mul3A_1035 = vector.broadcast %mul3A_1034 : f32 to vector<16xf32>
        %mul3A_1036 = arith.mulf %mul3A_1035, %mul3A_1033 : vector<16xf32>
        %add3A_1037 = arith.addf %mul3A_1032, %mul3A_1036 : vector<16xf32>
        %sub3A_1038 = arith.constant 1.000000e+00 : f32
        %sub3A_1039 = vector.broadcast %sub3A_1038 : f32 to vector<16xf32>
        %sub3A_1040 = arith.subf %add3A_1037, %sub3A_1039 : vector<16xf32>
        %mul3A_1041 = arith.mulf %add3A_1026, %add3A_1026 : vector<16xf32>
        %mul3A_1042 = arith.mulf %add3A_1015, %sub3A_1040 : vector<16xf32>
        %sub3A_1043 = arith.subf %mul3A_1041, %mul3A_1042 : vector<16xf32>
        %gt3A_1044 = arith.constant 0.000000e+00 : f32
        %gt3A_1045 = vector.broadcast %gt3A_1044 : f32 to vector<16xf32>
        %gt3A_1046 = arith.cmpf ogt, %sub3A_1043, %gt3A_1045 : vector<16xf32>
        %jit3A_1047 = arith.constant 1.000000e+00 : f32
        %broadcast_in_dim3A_1048 = vector.broadcast %jit3A_1047 : f32 to vector<16xf32>
        %select_n3A_1049 = arith.select %gt3A_1046, %sub3A_1043, %broadcast_in_dim3A_1048 : vector<16xi1>, vector<16xf32>
        %bitcast_convert_type3A_1050 = tpu.bitcast %select_n3A_1049 : vector<16xf32> -> vector<16xi32>
        %shift_right_logical3A_1051 = arith.constant 1 : i32
        %shift_right_logical3A_1052 = vector.broadcast %shift_right_logical3A_1051 : i32 to vector<16xi32>
        %shift_right_logical3A_1053 = arith.shrui %bitcast_convert_type3A_1050, %shift_right_logical3A_1052 : vector<16xi32>
        %sub3A_1054 = arith.constant 1597463007 : i32
        %sub3A_1055 = vector.broadcast %sub3A_1054 : i32 to vector<16xi32>
        %sub3A_1056 = arith.subi %sub3A_1055, %shift_right_logical3A_1053 : vector<16xi32>
        %bitcast_convert_type3A_1057 = tpu.bitcast %sub3A_1056 : vector<16xi32> -> vector<16xf32>
        %mul3A_1058 = arith.constant 5.000000e-01 : f32
        %mul3A_1059 = vector.broadcast %mul3A_1058 : f32 to vector<16xf32>
        %mul3A_1060 = arith.mulf %mul3A_1059, %select_n3A_1049 : vector<16xf32>
        %mul3A_1061 = arith.mulf %mul3A_1060, %bitcast_convert_type3A_1057 : vector<16xf32>
        %mul3A_1062 = arith.mulf %mul3A_1061, %bitcast_convert_type3A_1057 : vector<16xf32>
        %sub3A_1063 = arith.constant 1.500000e+00 : f32
        %sub3A_1064 = vector.broadcast %sub3A_1063 : f32 to vector<16xf32>
        %sub3A_1065 = arith.subf %sub3A_1064, %mul3A_1062 : vector<16xf32>
        %mul3A_1066 = arith.mulf %bitcast_convert_type3A_1057, %sub3A_1065 : vector<16xf32>
        %mul3A_1067 = arith.mulf %mul3A_1060, %mul3A_1066 : vector<16xf32>
        %mul3A_1068 = arith.mulf %mul3A_1067, %mul3A_1066 : vector<16xf32>
        %sub3A_1069 = arith.constant 1.500000e+00 : f32
        %sub3A_1070 = vector.broadcast %sub3A_1069 : f32 to vector<16xf32>
        %sub3A_1071 = arith.subf %sub3A_1070, %mul3A_1068 : vector<16xf32>
        %mul3A_1072 = arith.mulf %mul3A_1066, %sub3A_1071 : vector<16xf32>
        %mul3A_1073 = arith.mulf %mul3A_1060, %mul3A_1072 : vector<16xf32>
        %mul3A_1074 = arith.mulf %mul3A_1073, %mul3A_1072 : vector<16xf32>
        %sub3A_1075 = arith.constant 1.500000e+00 : f32
        %sub3A_1076 = vector.broadcast %sub3A_1075 : f32 to vector<16xf32>
        %sub3A_1077 = arith.subf %sub3A_1076, %mul3A_1074 : vector<16xf32>
        %mul3A_1078 = arith.mulf %mul3A_1072, %sub3A_1077 : vector<16xf32>
        %mul3A_1079 = arith.mulf %select_n3A_1049, %mul3A_1078 : vector<16xf32>
        %sub3A_1080 = arith.subf %mul3A_1079, %add3A_1026 : vector<16xf32>
        %div3A_1081 = arith.constant 1.000000e+00 : f32
        %div3A_1082 = vector.broadcast %div3A_1081 : f32 to vector<16xf32>
        %div3A_1083 = arith.divf %div3A_1082, %add3A_1015 : vector<16xf32>
        %mul3A_1084 = arith.mulf %sub3A_1080, %div3A_1083 : vector<16xf32>
        %jit3A_1085 = arith.constant 0.000000e+00 : f32
        %broadcast_in_dim3A_1086 = vector.broadcast %jit3A_1085 : f32 to vector<16xf32>
        %select_n3A_1087 = arith.select %gt3A_1046, %mul3A_1084, %broadcast_in_dim3A_1086 : vector<16xi1>, vector<16xf32>
        %min3A_1088 = arith.minimumf %select_n3A_1004, %select_n3A_1087 : vector<16xf32>
        %max3A_1089 = arith.constant 5.000000e-02 : f32
        %max3A_1090 = vector.broadcast %max3A_1089 : f32 to vector<16xf32>
        %max3A_1091 = arith.maximumf %select_n3A_1001, %max3A_1090 : vector<16xf32>
        %add3A_1092 = arith.constant 9.99999997E-7 : f32
        %add3A_1093 = vector.broadcast %add3A_1092 : f32 to vector<16xf32>
        %add3A_1094 = arith.addf %max3A_1091, %add3A_1093 : vector<16xf32>
        %max3A_1095 = arith.maximumf %min3A_1088, %add3A_1094 : vector<16xf32>
        %min3A_1096 = arith.constant 1.000000e+03 : f32
        %min3A_1097 = vector.broadcast %min3A_1096 : f32 to vector<16xf32>
        %min3A_1098 = arith.minimumf %max3A_1095, %min3A_1097 : vector<16xf32>
        %swap3A_1099 = arith.constant 1 : i32
        %swap3A_1100 = arith.index_cast %swap3A_1099 : i32 to index
        %swap3A_1101 = arith.index_cast %mul3A_934 : i32 to index
        %swap3A_1102 = tpu.vector_load %arg8[%swap3A_1100, %swap3A_1101] {strides = array<i32>} : memref<2x4096xf32, #tpu.memory_space<vmem>>, vector<1x16xf32>,
        %swap3A_1103 = vector.shape_cast %swap3A_1102 : vector<1x16xf32> to vector<16xf32>
        %swap3A_1104 = vector.shape_cast %max3A_1091 : vector<16xf32> to vector<1x16xf32>
        tpu.vector_store %arg8[%swap3A_1100, %swap3A_1101], %swap3A_1104 {strides = array<i32>} : memref<2x4096xf32, #tpu.memory_space<vmem>>, vector<1x16xf32>,
        %swap3A_1105 = arith.constant 1 : i32
        %swap3A_1106 = arith.index_cast %swap3A_1105 : i32 to index
        %swap3A_1107 = arith.index_cast %mul3A_934 : i32 to index
        %swap3A_1108 = tpu.vector_load %arg9[%swap3A_1106, %swap3A_1107] {strides = array<i32>} : memref<2x4096xf32, #tpu.memory_space<vmem>>, vector<1x16xf32>,
        %swap3A_1109 = vector.shape_cast %swap3A_1108 : vector<1x16xf32> to vector<16xf32>
        %swap3A_1110 = vector.shape_cast %min3A_1098 : vector<16xf32> to vector<1x16xf32>
        tpu.vector_store %arg9[%swap3A_1106, %swap3A_1107], %swap3A_1110 {strides = array<i32>} : memref<2x4096xf32, #tpu.memory_space<vmem>>, vector<1x16xf32>,
        %scan3A_1111 = arith.constant 0 : i32
        %scan3A_1112 = arith.constant 5 : i32
        %scan3A_1113 = arith.addi %scan3A_220, %scan3A_1112 : i32
        %mul3A_1114 = arith.constant 16 : i32
        %mul3A_1115 = arith.muli %scan3A_1113, %mul3A_1114 : i32
        %get3A_1116 = arith.constant 1 : i32
        %get3A_1117 = arith.constant 0 : i32
        %get3A_1118 = arith.index_cast %get3A_1116 : i32 to index
        %get3A_1119 = arith.index_cast %get3A_1117 : i32 to index
        %get3A_1120 = arith.index_cast %mul3A_1115 : i32 to index
        %get3A_1121 = tpu.vector_load %arg6[%get3A_1118, %get3A_1119, %get3A_1120] {strides = array<i32>} : memref<2x3x4096xf32, #tpu.memory_space<vmem>>, vector<1x1x16xf32>,
        %get3A_1122 = vector.shape_cast %get3A_1121 : vector<1x1x16xf32> to vector<16xf32>
        %get3A_1123 = arith.constant 1 : i32
        %get3A_1124 = arith.constant 1 : i32
        %get3A_1125 = arith.index_cast %get3A_1123 : i32 to index
        %get3A_1126 = arith.index_cast %get3A_1124 : i32 to index
        %get3A_1127 = arith.index_cast %mul3A_1115 : i32 to index
        %get3A_1128 = tpu.vector_load %arg6[%get3A_1125, %get3A_1126, %get3A_1127] {strides = array<i32>} : memref<2x3x4096xf32, #tpu.memory_space<vmem>>, vector<1x1x16xf32>,
        %get3A_1129 = vector.shape_cast %get3A_1128 : vector<1x1x16xf32> to vector<16xf32>
        %get3A_1130 = arith.constant 1 : i32
        %get3A_1131 = arith.constant 2 : i32
        %get3A_1132 = arith.index_cast %get3A_1130 : i32 to index
        %get3A_1133 = arith.index_cast %get3A_1131 : i32 to index
        %get3A_1134 = arith.index_cast %mul3A_1115 : i32 to index
        %get3A_1135 = tpu.vector_load %arg6[%get3A_1132, %get3A_1133, %get3A_1134] {strides = array<i32>} : memref<2x3x4096xf32, #tpu.memory_space<vmem>>, vector<1x1x16xf32>,
        %get3A_1136 = vector.shape_cast %get3A_1135 : vector<1x1x16xf32> to vector<16xf32>
        %get3A_1137 = arith.constant 1 : i32
        %get3A_1138 = arith.constant 0 : i32
        %get3A_1139 = arith.index_cast %get3A_1137 : i32 to index
        %get3A_1140 = arith.index_cast %get3A_1138 : i32 to index
        %get3A_1141 = arith.index_cast %mul3A_1115 : i32 to index
        %get3A_1142 = tpu.vector_load %arg7[%get3A_1139, %get3A_1140, %get3A_1141] {strides = array<i32>} : memref<2x3x4096xf32, #tpu.memory_space<vmem>>, vector<1x1x16xf32>,
        %get3A_1143 = vector.shape_cast %get3A_1142 : vector<1x1x16xf32> to vector<16xf32>
        %get3A_1144 = arith.constant 1 : i32
        %get3A_1145 = arith.constant 1 : i32
        %get3A_1146 = arith.index_cast %get3A_1144 : i32 to index
        %get3A_1147 = arith.index_cast %get3A_1145 : i32 to index
        %get3A_1148 = arith.index_cast %mul3A_1115 : i32 to index
        %get3A_1149 = tpu.vector_load %arg7[%get3A_1146, %get3A_1147, %get3A_1148] {strides = array<i32>} : memref<2x3x4096xf32, #tpu.memory_space<vmem>>, vector<1x1x16xf32>,
        %get3A_1150 = vector.shape_cast %get3A_1149 : vector<1x1x16xf32> to vector<16xf32>
        %get3A_1151 = arith.constant 1 : i32
        %get3A_1152 = arith.constant 2 : i32
        %get3A_1153 = arith.index_cast %get3A_1151 : i32 to index
        %get3A_1154 = arith.index_cast %get3A_1152 : i32 to index
        %get3A_1155 = arith.index_cast %mul3A_1115 : i32 to index
        %get3A_1156 = tpu.vector_load %arg7[%get3A_1153, %get3A_1154, %get3A_1155] {strides = array<i32>} : memref<2x3x4096xf32, #tpu.memory_space<vmem>>, vector<1x1x16xf32>,
        %get3A_1157 = vector.shape_cast %get3A_1156 : vector<1x1x16xf32> to vector<16xf32>
        %div3A_1158 = arith.constant 1.000000e+00 : f32
        %div3A_1159 = vector.broadcast %div3A_1158 : f32 to vector<16xf32>
        %div3A_1160 = arith.divf %div3A_1159, %get3A_1157 : vector<16xf32>
        %lt3A_1161 = arith.constant 0.000000e+00 : f32
        %lt3A_1162 = vector.broadcast %lt3A_1161 : f32 to vector<16xf32>
        %lt3A_1163 = arith.cmpf olt, %get3A_1157, %lt3A_1162 : vector<16xf32>
        %gt3A_1164 = arith.constant 2.000000e+01 : f32
        %gt3A_1165 = vector.broadcast %gt3A_1164 : f32 to vector<16xf32>
        %gt3A_1166 = arith.cmpf ogt, %get3A_1136, %gt3A_1165 : vector<16xf32>
        %and3A_1167 = arith.andi %gt3A_1166, %lt3A_1163 : vector<16xi1>
        %gt3A_1168 = arith.constant -2.000000e+01 : f32
        %gt3A_1169 = vector.broadcast %gt3A_1168 : f32 to vector<16xf32>
        %gt3A_1170 = arith.cmpf ogt, %get3A_1136, %gt3A_1169 : vector<16xf32>
        %and3A_1171 = arith.andi %gt3A_1170, %lt3A_1163 : vector<16xi1>
        %sub3A_1172 = arith.constant 2.000000e+01 : f32
        %sub3A_1173 = vector.broadcast %sub3A_1172 : f32 to vector<16xf32>
        %sub3A_1174 = arith.subf %sub3A_1173, %get3A_1136 : vector<16xf32>
        %mul3A_1175 = arith.mulf %sub3A_1174, %div3A_1160 : vector<16xf32>
        %sub3A_1176 = arith.constant -2.000000e+01 : f32
        %sub3A_1177 = vector.broadcast %sub3A_1176 : f32 to vector<16xf32>
        %sub3A_1178 = arith.subf %sub3A_1177, %get3A_1136 : vector<16xf32>
        %mul3A_1179 = arith.mulf %sub3A_1178, %div3A_1160 : vector<16xf32>
        %jit3A_1180 = arith.constant 5.000000e-02 : f32
        %broadcast_in_dim3A_1181 = vector.broadcast %jit3A_1180 : f32 to vector<16xf32>
        %select_n3A_1182 = arith.select %and3A_1167, %mul3A_1175, %broadcast_in_dim3A_1181 : vector<16xi1>, vector<16xf32>
        %jit3A_1183 = arith.constant 1.000000e+03 : f32
        %broadcast_in_dim3A_1184 = vector.broadcast %jit3A_1183 : f32 to vector<16xf32>
        %select_n3A_1185 = arith.select %and3A_1171, %mul3A_1179, %broadcast_in_dim3A_1184 : vector<16xi1>, vector<16xf32>
        %mul3A_1186 = arith.mulf %get3A_1143, %get3A_1143 : vector<16xf32>
        %mul3A_1187 = arith.mulf %get3A_1150, %get3A_1150 : vector<16xf32>
        %add3A_1188 = arith.addf %mul3A_1186, %mul3A_1187 : vector<16xf32>
        %mul3A_1189 = arith.constant 3.33333337E-5 : f32
        %mul3A_1190 = vector.broadcast %mul3A_1189 : f32 to vector<16xf32>
        %mul3A_1191 = arith.mulf %mul3A_1190, %add3A_1188 : vector<16xf32>
        %mul3A_1192 = arith.mulf %get3A_1157, %get3A_1157 : vector<16xf32>
        %mul3A_1193 = arith.constant 8.33333353E-4 : f32
        %mul3A_1194 = vector.broadcast %mul3A_1193 : f32 to vector<16xf32>
        %mul3A_1195 = arith.mulf %mul3A_1194, %mul3A_1192 : vector<16xf32>
        %add3A_1196 = arith.addf %mul3A_1191, %mul3A_1195 : vector<16xf32>
        %mul3A_1197 = arith.mulf %get3A_1122, %get3A_1143 : vector<16xf32>
        %mul3A_1198 = arith.mulf %get3A_1129, %get3A_1150 : vector<16xf32>
        %add3A_1199 = arith.addf %mul3A_1197, %mul3A_1198 : vector<16xf32>
        %mul3A_1200 = arith.constant 3.33333337E-5 : f32
        %mul3A_1201 = vector.broadcast %mul3A_1200 : f32 to vector<16xf32>
        %mul3A_1202 = arith.mulf %mul3A_1201, %add3A_1199 : vector<16xf32>
        %mul3A_1203 = arith.mulf %get3A_1136, %get3A_1157 : vector<16xf32>
        %mul3A_1204 = arith.constant 8.33333353E-4 : f32
        %mul3A_1205 = vector.broadcast %mul3A_1204 : f32 to vector<16xf32>
        %mul3A_1206 = arith.mulf %mul3A_1205, %mul3A_1203 : vector<16xf32>
        %add3A_1207 = arith.addf %mul3A_1202, %mul3A_1206 : vector<16xf32>
        %mul3A_1208 = arith.mulf %get3A_1122, %get3A_1122 : vector<16xf32>
        %mul3A_1209 = arith.mulf %get3A_1129, %get3A_1129 : vector<16xf32>
        %add3A_1210 = arith.addf %mul3A_1208, %mul3A_1209 : vector<16xf32>
        %mul3A_1211 = arith.constant 3.33333337E-5 : f32
        %mul3A_1212 = vector.broadcast %mul3A_1211 : f32 to vector<16xf32>
        %mul3A_1213 = arith.mulf %mul3A_1212, %add3A_1210 : vector<16xf32>
        %mul3A_1214 = arith.mulf %get3A_1136, %get3A_1136 : vector<16xf32>
        %mul3A_1215 = arith.constant 8.33333353E-4 : f32
        %mul3A_1216 = vector.broadcast %mul3A_1215 : f32 to vector<16xf32>
        %mul3A_1217 = arith.mulf %mul3A_1216, %mul3A_1214 : vector<16xf32>
        %add3A_1218 = arith.addf %mul3A_1213, %mul3A_1217 : vector<16xf32>
        %sub3A_1219 = arith.constant 1.000000e+00 : f32
        %sub3A_1220 = vector.broadcast %sub3A_1219 : f32 to vector<16xf32>
        %sub3A_1221 = arith.subf %add3A_1218, %sub3A_1220 : vector<16xf32>
        %mul3A_1222 = arith.mulf %add3A_1207, %add3A_1207 : vector<16xf32>
        %mul3A_1223 = arith.mulf %add3A_1196, %sub3A_1221 : vector<16xf32>
        %sub3A_1224 = arith.subf %mul3A_1222, %mul3A_1223 : vector<16xf32>
        %gt3A_1225 = arith.constant 0.000000e+00 : f32
        %gt3A_1226 = vector.broadcast %gt3A_1225 : f32 to vector<16xf32>
        %gt3A_1227 = arith.cmpf ogt, %sub3A_1224, %gt3A_1226 : vector<16xf32>
        %jit3A_1228 = arith.constant 1.000000e+00 : f32
        %broadcast_in_dim3A_1229 = vector.broadcast %jit3A_1228 : f32 to vector<16xf32>
        %select_n3A_1230 = arith.select %gt3A_1227, %sub3A_1224, %broadcast_in_dim3A_1229 : vector<16xi1>, vector<16xf32>
        %bitcast_convert_type3A_1231 = tpu.bitcast %select_n3A_1230 : vector<16xf32> -> vector<16xi32>
        %shift_right_logical3A_1232 = arith.constant 1 : i32
        %shift_right_logical3A_1233 = vector.broadcast %shift_right_logical3A_1232 : i32 to vector<16xi32>
        %shift_right_logical3A_1234 = arith.shrui %bitcast_convert_type3A_1231, %shift_right_logical3A_1233 : vector<16xi32>
        %sub3A_1235 = arith.constant 1597463007 : i32
        %sub3A_1236 = vector.broadcast %sub3A_1235 : i32 to vector<16xi32>
        %sub3A_1237 = arith.subi %sub3A_1236, %shift_right_logical3A_1234 : vector<16xi32>
        %bitcast_convert_type3A_1238 = tpu.bitcast %sub3A_1237 : vector<16xi32> -> vector<16xf32>
        %mul3A_1239 = arith.constant 5.000000e-01 : f32
        %mul3A_1240 = vector.broadcast %mul3A_1239 : f32 to vector<16xf32>
        %mul3A_1241 = arith.mulf %mul3A_1240, %select_n3A_1230 : vector<16xf32>
        %mul3A_1242 = arith.mulf %mul3A_1241, %bitcast_convert_type3A_1238 : vector<16xf32>
        %mul3A_1243 = arith.mulf %mul3A_1242, %bitcast_convert_type3A_1238 : vector<16xf32>
        %sub3A_1244 = arith.constant 1.500000e+00 : f32
        %sub3A_1245 = vector.broadcast %sub3A_1244 : f32 to vector<16xf32>
        %sub3A_1246 = arith.subf %sub3A_1245, %mul3A_1243 : vector<16xf32>
        %mul3A_1247 = arith.mulf %bitcast_convert_type3A_1238, %sub3A_1246 : vector<16xf32>
        %mul3A_1248 = arith.mulf %mul3A_1241, %mul3A_1247 : vector<16xf32>
        %mul3A_1249 = arith.mulf %mul3A_1248, %mul3A_1247 : vector<16xf32>
        %sub3A_1250 = arith.constant 1.500000e+00 : f32
        %sub3A_1251 = vector.broadcast %sub3A_1250 : f32 to vector<16xf32>
        %sub3A_1252 = arith.subf %sub3A_1251, %mul3A_1249 : vector<16xf32>
        %mul3A_1253 = arith.mulf %mul3A_1247, %sub3A_1252 : vector<16xf32>
        %mul3A_1254 = arith.mulf %mul3A_1241, %mul3A_1253 : vector<16xf32>
        %mul3A_1255 = arith.mulf %mul3A_1254, %mul3A_1253 : vector<16xf32>
        %sub3A_1256 = arith.constant 1.500000e+00 : f32
        %sub3A_1257 = vector.broadcast %sub3A_1256 : f32 to vector<16xf32>
        %sub3A_1258 = arith.subf %sub3A_1257, %mul3A_1255 : vector<16xf32>
        %mul3A_1259 = arith.mulf %mul3A_1253, %sub3A_1258 : vector<16xf32>
        %mul3A_1260 = arith.mulf %select_n3A_1230, %mul3A_1259 : vector<16xf32>
        %sub3A_1261 = arith.subf %mul3A_1260, %add3A_1207 : vector<16xf32>
        %div3A_1262 = arith.constant 1.000000e+00 : f32
        %div3A_1263 = vector.broadcast %div3A_1262 : f32 to vector<16xf32>
        %div3A_1264 = arith.divf %div3A_1263, %add3A_1196 : vector<16xf32>
        %mul3A_1265 = arith.mulf %sub3A_1261, %div3A_1264 : vector<16xf32>
        %jit3A_1266 = arith.constant 0.000000e+00 : f32
        %broadcast_in_dim3A_1267 = vector.broadcast %jit3A_1266 : f32 to vector<16xf32>
        %select_n3A_1268 = arith.select %gt3A_1227, %mul3A_1265, %broadcast_in_dim3A_1267 : vector<16xi1>, vector<16xf32>
        %min3A_1269 = arith.minimumf %select_n3A_1185, %select_n3A_1268 : vector<16xf32>
        %max3A_1270 = arith.constant 5.000000e-02 : f32
        %max3A_1271 = vector.broadcast %max3A_1270 : f32 to vector<16xf32>
        %max3A_1272 = arith.maximumf %select_n3A_1182, %max3A_1271 : vector<16xf32>
        %add3A_1273 = arith.constant 9.99999997E-7 : f32
        %add3A_1274 = vector.broadcast %add3A_1273 : f32 to vector<16xf32>
        %add3A_1275 = arith.addf %max3A_1272, %add3A_1274 : vector<16xf32>
        %max3A_1276 = arith.maximumf %min3A_1269, %add3A_1275 : vector<16xf32>
        %min3A_1277 = arith.constant 1.000000e+03 : f32
        %min3A_1278 = vector.broadcast %min3A_1277 : f32 to vector<16xf32>
        %min3A_1279 = arith.minimumf %max3A_1276, %min3A_1278 : vector<16xf32>
        %swap3A_1280 = arith.constant 1 : i32
        %swap3A_1281 = arith.index_cast %swap3A_1280 : i32 to index
        %swap3A_1282 = arith.index_cast %mul3A_1115 : i32 to index
        %swap3A_1283 = tpu.vector_load %arg8[%swap3A_1281, %swap3A_1282] {strides = array<i32>} : memref<2x4096xf32, #tpu.memory_space<vmem>>, vector<1x16xf32>,
        %swap3A_1284 = vector.shape_cast %swap3A_1283 : vector<1x16xf32> to vector<16xf32>
        %swap3A_1285 = vector.shape_cast %max3A_1272 : vector<16xf32> to vector<1x16xf32>
        tpu.vector_store %arg8[%swap3A_1281, %swap3A_1282], %swap3A_1285 {strides = array<i32>} : memref<2x4096xf32, #tpu.memory_space<vmem>>, vector<1x16xf32>,
        %swap3A_1286 = arith.constant 1 : i32
        %swap3A_1287 = arith.index_cast %swap3A_1286 : i32 to index
        %swap3A_1288 = arith.index_cast %mul3A_1115 : i32 to index
        %swap3A_1289 = tpu.vector_load %arg9[%swap3A_1287, %swap3A_1288] {strides = array<i32>} : memref<2x4096xf32, #tpu.memory_space<vmem>>, vector<1x16xf32>,
        %swap3A_1290 = vector.shape_cast %swap3A_1289 : vector<1x16xf32> to vector<16xf32>
        %swap3A_1291 = vector.shape_cast %min3A_1279 : vector<16xf32> to vector<1x16xf32>
        tpu.vector_store %arg9[%swap3A_1287, %swap3A_1288], %swap3A_1291 {strides = array<i32>} : memref<2x4096xf32, #tpu.memory_space<vmem>>, vector<1x16xf32>,
        %scan3A_1292 = arith.constant 0 : i32
        %scan3A_1293 = arith.constant 6 : i32
        %scan3A_1294 = arith.addi %scan3A_220, %scan3A_1293 : i32
        %mul3A_1295 = arith.constant 16 : i32
        %mul3A_1296 = arith.muli %scan3A_1294, %mul3A_1295 : i32
        %get3A_1297 = arith.constant 1 : i32
        %get3A_1298 = arith.constant 0 : i32
        %get3A_1299 = arith.index_cast %get3A_1297 : i32 to index
        %get3A_1300 = arith.index_cast %get3A_1298 : i32 to index
        %get3A_1301 = arith.index_cast %mul3A_1296 : i32 to index
        %get3A_1302 = tpu.vector_load %arg6[%get3A_1299, %get3A_1300, %get3A_1301] {strides = array<i32>} : memref<2x3x4096xf32, #tpu.memory_space<vmem>>, vector<1x1x16xf32>,
        %get3A_1303 = vector.shape_cast %get3A_1302 : vector<1x1x16xf32> to vector<16xf32>
        %get3A_1304 = arith.constant 1 : i32
        %get3A_1305 = arith.constant 1 : i32
        %get3A_1306 = arith.index_cast %get3A_1304 : i32 to index
        %get3A_1307 = arith.index_cast %get3A_1305 : i32 to index
        %get3A_1308 = arith.index_cast %mul3A_1296 : i32 to index
        %get3A_1309 = tpu.vector_load %arg6[%get3A_1306, %get3A_1307, %get3A_1308] {strides = array<i32>} : memref<2x3x4096xf32, #tpu.memory_space<vmem>>, vector<1x1x16xf32>,
        %get3A_1310 = vector.shape_cast %get3A_1309 : vector<1x1x16xf32> to vector<16xf32>
        %get3A_1311 = arith.constant 1 : i32
        %get3A_1312 = arith.constant 2 : i32
        %get3A_1313 = arith.index_cast %get3A_1311 : i32 to index
        %get3A_1314 = arith.index_cast %get3A_1312 : i32 to index
        %get3A_1315 = arith.index_cast %mul3A_1296 : i32 to index
        %get3A_1316 = tpu.vector_load %arg6[%get3A_1313, %get3A_1314, %get3A_1315] {strides = array<i32>} : memref<2x3x4096xf32, #tpu.memory_space<vmem>>, vector<1x1x16xf32>,
        %get3A_1317 = vector.shape_cast %get3A_1316 : vector<1x1x16xf32> to vector<16xf32>
        %get3A_1318 = arith.constant 1 : i32
        %get3A_1319 = arith.constant 0 : i32
        %get3A_1320 = arith.index_cast %get3A_1318 : i32 to index
        %get3A_1321 = arith.index_cast %get3A_1319 : i32 to index
        %get3A_1322 = arith.index_cast %mul3A_1296 : i32 to index
        %get3A_1323 = tpu.vector_load %arg7[%get3A_1320, %get3A_1321, %get3A_1322] {strides = array<i32>} : memref<2x3x4096xf32, #tpu.memory_space<vmem>>, vector<1x1x16xf32>,
        %get3A_1324 = vector.shape_cast %get3A_1323 : vector<1x1x16xf32> to vector<16xf32>
        %get3A_1325 = arith.constant 1 : i32
        %get3A_1326 = arith.constant 1 : i32
        %get3A_1327 = arith.index_cast %get3A_1325 : i32 to index
        %get3A_1328 = arith.index_cast %get3A_1326 : i32 to index
        %get3A_1329 = arith.index_cast %mul3A_1296 : i32 to index
        %get3A_1330 = tpu.vector_load %arg7[%get3A_1327, %get3A_1328, %get3A_1329] {strides = array<i32>} : memref<2x3x4096xf32, #tpu.memory_space<vmem>>, vector<1x1x16xf32>,
        %get3A_1331 = vector.shape_cast %get3A_1330 : vector<1x1x16xf32> to vector<16xf32>
        %get3A_1332 = arith.constant 1 : i32
        %get3A_1333 = arith.constant 2 : i32
        %get3A_1334 = arith.index_cast %get3A_1332 : i32 to index
        %get3A_1335 = arith.index_cast %get3A_1333 : i32 to index
        %get3A_1336 = arith.index_cast %mul3A_1296 : i32 to index
        %get3A_1337 = tpu.vector_load %arg7[%get3A_1334, %get3A_1335, %get3A_1336] {strides = array<i32>} : memref<2x3x4096xf32, #tpu.memory_space<vmem>>, vector<1x1x16xf32>,
        %get3A_1338 = vector.shape_cast %get3A_1337 : vector<1x1x16xf32> to vector<16xf32>
        %div3A_1339 = arith.constant 1.000000e+00 : f32
        %div3A_1340 = vector.broadcast %div3A_1339 : f32 to vector<16xf32>
        %div3A_1341 = arith.divf %div3A_1340, %get3A_1338 : vector<16xf32>
        %lt3A_1342 = arith.constant 0.000000e+00 : f32
        %lt3A_1343 = vector.broadcast %lt3A_1342 : f32 to vector<16xf32>
        %lt3A_1344 = arith.cmpf olt, %get3A_1338, %lt3A_1343 : vector<16xf32>
        %gt3A_1345 = arith.constant 2.000000e+01 : f32
        %gt3A_1346 = vector.broadcast %gt3A_1345 : f32 to vector<16xf32>
        %gt3A_1347 = arith.cmpf ogt, %get3A_1317, %gt3A_1346 : vector<16xf32>
        %and3A_1348 = arith.andi %gt3A_1347, %lt3A_1344 : vector<16xi1>
        %gt3A_1349 = arith.constant -2.000000e+01 : f32
        %gt3A_1350 = vector.broadcast %gt3A_1349 : f32 to vector<16xf32>
        %gt3A_1351 = arith.cmpf ogt, %get3A_1317, %gt3A_1350 : vector<16xf32>
        %and3A_1352 = arith.andi %gt3A_1351, %lt3A_1344 : vector<16xi1>
        %sub3A_1353 = arith.constant 2.000000e+01 : f32
        %sub3A_1354 = vector.broadcast %sub3A_1353 : f32 to vector<16xf32>
        %sub3A_1355 = arith.subf %sub3A_1354, %get3A_1317 : vector<16xf32>
        %mul3A_1356 = arith.mulf %sub3A_1355, %div3A_1341 : vector<16xf32>
        %sub3A_1357 = arith.constant -2.000000e+01 : f32
        %sub3A_1358 = vector.broadcast %sub3A_1357 : f32 to vector<16xf32>
        %sub3A_1359 = arith.subf %sub3A_1358, %get3A_1317 : vector<16xf32>
        %mul3A_1360 = arith.mulf %sub3A_1359, %div3A_1341 : vector<16xf32>
        %jit3A_1361 = arith.constant 5.000000e-02 : f32
        %broadcast_in_dim3A_1362 = vector.broadcast %jit3A_1361 : f32 to vector<16xf32>
        %select_n3A_1363 = arith.select %and3A_1348, %mul3A_1356, %broadcast_in_dim3A_1362 : vector<16xi1>, vector<16xf32>
        %jit3A_1364 = arith.constant 1.000000e+03 : f32
        %broadcast_in_dim3A_1365 = vector.broadcast %jit3A_1364 : f32 to vector<16xf32>
        %select_n3A_1366 = arith.select %and3A_1352, %mul3A_1360, %broadcast_in_dim3A_1365 : vector<16xi1>, vector<16xf32>
        %mul3A_1367 = arith.mulf %get3A_1324, %get3A_1324 : vector<16xf32>
        %mul3A_1368 = arith.mulf %get3A_1331, %get3A_1331 : vector<16xf32>
        %add3A_1369 = arith.addf %mul3A_1367, %mul3A_1368 : vector<16xf32>
        %mul3A_1370 = arith.constant 3.33333337E-5 : f32
        %mul3A_1371 = vector.broadcast %mul3A_1370 : f32 to vector<16xf32>
        %mul3A_1372 = arith.mulf %mul3A_1371, %add3A_1369 : vector<16xf32>
        %mul3A_1373 = arith.mulf %get3A_1338, %get3A_1338 : vector<16xf32>
        %mul3A_1374 = arith.constant 8.33333353E-4 : f32
        %mul3A_1375 = vector.broadcast %mul3A_1374 : f32 to vector<16xf32>
        %mul3A_1376 = arith.mulf %mul3A_1375, %mul3A_1373 : vector<16xf32>
        %add3A_1377 = arith.addf %mul3A_1372, %mul3A_1376 : vector<16xf32>
        %mul3A_1378 = arith.mulf %get3A_1303, %get3A_1324 : vector<16xf32>
        %mul3A_1379 = arith.mulf %get3A_1310, %get3A_1331 : vector<16xf32>
        %add3A_1380 = arith.addf %mul3A_1378, %mul3A_1379 : vector<16xf32>
        %mul3A_1381 = arith.constant 3.33333337E-5 : f32
        %mul3A_1382 = vector.broadcast %mul3A_1381 : f32 to vector<16xf32>
        %mul3A_1383 = arith.mulf %mul3A_1382, %add3A_1380 : vector<16xf32>
        %mul3A_1384 = arith.mulf %get3A_1317, %get3A_1338 : vector<16xf32>
        %mul3A_1385 = arith.constant 8.33333353E-4 : f32
        %mul3A_1386 = vector.broadcast %mul3A_1385 : f32 to vector<16xf32>
        %mul3A_1387 = arith.mulf %mul3A_1386, %mul3A_1384 : vector<16xf32>
        %add3A_1388 = arith.addf %mul3A_1383, %mul3A_1387 : vector<16xf32>
        %mul3A_1389 = arith.mulf %get3A_1303, %get3A_1303 : vector<16xf32>
        %mul3A_1390 = arith.mulf %get3A_1310, %get3A_1310 : vector<16xf32>
        %add3A_1391 = arith.addf %mul3A_1389, %mul3A_1390 : vector<16xf32>
        %mul3A_1392 = arith.constant 3.33333337E-5 : f32
        %mul3A_1393 = vector.broadcast %mul3A_1392 : f32 to vector<16xf32>
        %mul3A_1394 = arith.mulf %mul3A_1393, %add3A_1391 : vector<16xf32>
        %mul3A_1395 = arith.mulf %get3A_1317, %get3A_1317 : vector<16xf32>
        %mul3A_1396 = arith.constant 8.33333353E-4 : f32
        %mul3A_1397 = vector.broadcast %mul3A_1396 : f32 to vector<16xf32>
        %mul3A_1398 = arith.mulf %mul3A_1397, %mul3A_1395 : vector<16xf32>
        %add3A_1399 = arith.addf %mul3A_1394, %mul3A_1398 : vector<16xf32>
        %sub3A_1400 = arith.constant 1.000000e+00 : f32
        %sub3A_1401 = vector.broadcast %sub3A_1400 : f32 to vector<16xf32>
        %sub3A_1402 = arith.subf %add3A_1399, %sub3A_1401 : vector<16xf32>
        %mul3A_1403 = arith.mulf %add3A_1388, %add3A_1388 : vector<16xf32>
        %mul3A_1404 = arith.mulf %add3A_1377, %sub3A_1402 : vector<16xf32>
        %sub3A_1405 = arith.subf %mul3A_1403, %mul3A_1404 : vector<16xf32>
        %gt3A_1406 = arith.constant 0.000000e+00 : f32
        %gt3A_1407 = vector.broadcast %gt3A_1406 : f32 to vector<16xf32>
        %gt3A_1408 = arith.cmpf ogt, %sub3A_1405, %gt3A_1407 : vector<16xf32>
        %jit3A_1409 = arith.constant 1.000000e+00 : f32
        %broadcast_in_dim3A_1410 = vector.broadcast %jit3A_1409 : f32 to vector<16xf32>
        %select_n3A_1411 = arith.select %gt3A_1408, %sub3A_1405, %broadcast_in_dim3A_1410 : vector<16xi1>, vector<16xf32>
        %bitcast_convert_type3A_1412 = tpu.bitcast %select_n3A_1411 : vector<16xf32> -> vector<16xi32>
        %shift_right_logical3A_1413 = arith.constant 1 : i32
        %shift_right_logical3A_1414 = vector.broadcast %shift_right_logical3A_1413 : i32 to vector<16xi32>
        %shift_right_logical3A_1415 = arith.shrui %bitcast_convert_type3A_1412, %shift_right_logical3A_1414 : vector<16xi32>
        %sub3A_1416 = arith.constant 1597463007 : i32
        %sub3A_1417 = vector.broadcast %sub3A_1416 : i32 to vector<16xi32>
        %sub3A_1418 = arith.subi %sub3A_1417, %shift_right_logical3A_1415 : vector<16xi32>
        %bitcast_convert_type3A_1419 = tpu.bitcast %sub3A_1418 : vector<16xi32> -> vector<16xf32>
        %mul3A_1420 = arith.constant 5.000000e-01 : f32
        %mul3A_1421 = vector.broadcast %mul3A_1420 : f32 to vector<16xf32>
        %mul3A_1422 = arith.mulf %mul3A_1421, %select_n3A_1411 : vector<16xf32>
        %mul3A_1423 = arith.mulf %mul3A_1422, %bitcast_convert_type3A_1419 : vector<16xf32>
        %mul3A_1424 = arith.mulf %mul3A_1423, %bitcast_convert_type3A_1419 : vector<16xf32>
        %sub3A_1425 = arith.constant 1.500000e+00 : f32
        %sub3A_1426 = vector.broadcast %sub3A_1425 : f32 to vector<16xf32>
        %sub3A_1427 = arith.subf %sub3A_1426, %mul3A_1424 : vector<16xf32>
        %mul3A_1428 = arith.mulf %bitcast_convert_type3A_1419, %sub3A_1427 : vector<16xf32>
        %mul3A_1429 = arith.mulf %mul3A_1422, %mul3A_1428 : vector<16xf32>
        %mul3A_1430 = arith.mulf %mul3A_1429, %mul3A_1428 : vector<16xf32>
        %sub3A_1431 = arith.constant 1.500000e+00 : f32
        %sub3A_1432 = vector.broadcast %sub3A_1431 : f32 to vector<16xf32>
        %sub3A_1433 = arith.subf %sub3A_1432, %mul3A_1430 : vector<16xf32>
        %mul3A_1434 = arith.mulf %mul3A_1428, %sub3A_1433 : vector<16xf32>
        %mul3A_1435 = arith.mulf %mul3A_1422, %mul3A_1434 : vector<16xf32>
        %mul3A_1436 = arith.mulf %mul3A_1435, %mul3A_1434 : vector<16xf32>
        %sub3A_1437 = arith.constant 1.500000e+00 : f32
        %sub3A_1438 = vector.broadcast %sub3A_1437 : f32 to vector<16xf32>
        %sub3A_1439 = arith.subf %sub3A_1438, %mul3A_1436 : vector<16xf32>
        %mul3A_1440 = arith.mulf %mul3A_1434, %sub3A_1439 : vector<16xf32>
        %mul3A_1441 = arith.mulf %select_n3A_1411, %mul3A_1440 : vector<16xf32>
        %sub3A_1442 = arith.subf %mul3A_1441, %add3A_1388 : vector<16xf32>
        %div3A_1443 = arith.constant 1.000000e+00 : f32
        %div3A_1444 = vector.broadcast %div3A_1443 : f32 to vector<16xf32>
        %div3A_1445 = arith.divf %div3A_1444, %add3A_1377 : vector<16xf32>
        %mul3A_1446 = arith.mulf %sub3A_1442, %div3A_1445 : vector<16xf32>
        %jit3A_1447 = arith.constant 0.000000e+00 : f32
        %broadcast_in_dim3A_1448 = vector.broadcast %jit3A_1447 : f32 to vector<16xf32>
        %select_n3A_1449 = arith.select %gt3A_1408, %mul3A_1446, %broadcast_in_dim3A_1448 : vector<16xi1>, vector<16xf32>
        %min3A_1450 = arith.minimumf %select_n3A_1366, %select_n3A_1449 : vector<16xf32>
        %max3A_1451 = arith.constant 5.000000e-02 : f32
        %max3A_1452 = vector.broadcast %max3A_1451 : f32 to vector<16xf32>
        %max3A_1453 = arith.maximumf %select_n3A_1363, %max3A_1452 : vector<16xf32>
        %add3A_1454 = arith.constant 9.99999997E-7 : f32
        %add3A_1455 = vector.broadcast %add3A_1454 : f32 to vector<16xf32>
        %add3A_1456 = arith.addf %max3A_1453, %add3A_1455 : vector<16xf32>
        %max3A_1457 = arith.maximumf %min3A_1450, %add3A_1456 : vector<16xf32>
        %min3A_1458 = arith.constant 1.000000e+03 : f32
        %min3A_1459 = vector.broadcast %min3A_1458 : f32 to vector<16xf32>
        %min3A_1460 = arith.minimumf %max3A_1457, %min3A_1459 : vector<16xf32>
        %swap3A_1461 = arith.constant 1 : i32
        %swap3A_1462 = arith.index_cast %swap3A_1461 : i32 to index
        %swap3A_1463 = arith.index_cast %mul3A_1296 : i32 to index
        %swap3A_1464 = tpu.vector_load %arg8[%swap3A_1462, %swap3A_1463] {strides = array<i32>} : memref<2x4096xf32, #tpu.memory_space<vmem>>, vector<1x16xf32>,
        %swap3A_1465 = vector.shape_cast %swap3A_1464 : vector<1x16xf32> to vector<16xf32>
        %swap3A_1466 = vector.shape_cast %max3A_1453 : vector<16xf32> to vector<1x16xf32>
        tpu.vector_store %arg8[%swap3A_1462, %swap3A_1463], %swap3A_1466 {strides = array<i32>} : memref<2x4096xf32, #tpu.memory_space<vmem>>, vector<1x16xf32>,
        %swap3A_1467 = arith.constant 1 : i32
        %swap3A_1468 = arith.index_cast %swap3A_1467 : i32 to index
        %swap3A_1469 = arith.index_cast %mul3A_1296 : i32 to index
        %swap3A_1470 = tpu.vector_load %arg9[%swap3A_1468, %swap3A_1469] {strides = array<i32>} : memref<2x4096xf32, #tpu.memory_space<vmem>>, vector<1x16xf32>,
        %swap3A_1471 = vector.shape_cast %swap3A_1470 : vector<1x16xf32> to vector<16xf32>
        %swap3A_1472 = vector.shape_cast %min3A_1460 : vector<16xf32> to vector<1x16xf32>
        tpu.vector_store %arg9[%swap3A_1468, %swap3A_1469], %swap3A_1472 {strides = array<i32>} : memref<2x4096xf32, #tpu.memory_space<vmem>>, vector<1x16xf32>,
        %scan3A_1473 = arith.constant 0 : i32
        %scan3A_1474 = arith.constant 7 : i32
        %scan3A_1475 = arith.addi %scan3A_220, %scan3A_1474 : i32
        %mul3A_1476 = arith.constant 16 : i32
        %mul3A_1477 = arith.muli %scan3A_1475, %mul3A_1476 : i32
        %get3A_1478 = arith.constant 1 : i32
        %get3A_1479 = arith.constant 0 : i32
        %get3A_1480 = arith.index_cast %get3A_1478 : i32 to index
        %get3A_1481 = arith.index_cast %get3A_1479 : i32 to index
        %get3A_1482 = arith.index_cast %mul3A_1477 : i32 to index
        %get3A_1483 = tpu.vector_load %arg6[%get3A_1480, %get3A_1481, %get3A_1482] {strides = array<i32>} : memref<2x3x4096xf32, #tpu.memory_space<vmem>>, vector<1x1x16xf32>,
        %get3A_1484 = vector.shape_cast %get3A_1483 : vector<1x1x16xf32> to vector<16xf32>
        %get3A_1485 = arith.constant 1 : i32
        %get3A_1486 = arith.constant 1 : i32
        %get3A_1487 = arith.index_cast %get3A_1485 : i32 to index
        %get3A_1488 = arith.index_cast %get3A_1486 : i32 to index
        %get3A_1489 = arith.index_cast %mul3A_1477 : i32 to index
        %get3A_1490 = tpu.vector_load %arg6[%get3A_1487, %get3A_1488, %get3A_1489] {strides = array<i32>} : memref<2x3x4096xf32, #tpu.memory_space<vmem>>, vector<1x1x16xf32>,
        %get3A_1491 = vector.shape_cast %get3A_1490 : vector<1x1x16xf32> to vector<16xf32>
        %get3A_1492 = arith.constant 1 : i32
        %get3A_1493 = arith.constant 2 : i32
        %get3A_1494 = arith.index_cast %get3A_1492 : i32 to index
        %get3A_1495 = arith.index_cast %get3A_1493 : i32 to index
        %get3A_1496 = arith.index_cast %mul3A_1477 : i32 to index
        %get3A_1497 = tpu.vector_load %arg6[%get3A_1494, %get3A_1495, %get3A_1496] {strides = array<i32>} : memref<2x3x4096xf32, #tpu.memory_space<vmem>>, vector<1x1x16xf32>,
        %get3A_1498 = vector.shape_cast %get3A_1497 : vector<1x1x16xf32> to vector<16xf32>
        %get3A_1499 = arith.constant 1 : i32
        %get3A_1500 = arith.constant 0 : i32
        %get3A_1501 = arith.index_cast %get3A_1499 : i32 to index
        %get3A_1502 = arith.index_cast %get3A_1500 : i32 to index
        %get3A_1503 = arith.index_cast %mul3A_1477 : i32 to index
        %get3A_1504 = tpu.vector_load %arg7[%get3A_1501, %get3A_1502, %get3A_1503] {strides = array<i32>} : memref<2x3x4096xf32, #tpu.memory_space<vmem>>, vector<1x1x16xf32>,
        %get3A_1505 = vector.shape_cast %get3A_1504 : vector<1x1x16xf32> to vector<16xf32>
        %get3A_1506 = arith.constant 1 : i32
        %get3A_1507 = arith.constant 1 : i32
        %get3A_1508 = arith.index_cast %get3A_1506 : i32 to index
        %get3A_1509 = arith.index_cast %get3A_1507 : i32 to index
        %get3A_1510 = arith.index_cast %mul3A_1477 : i32 to index
        %get3A_1511 = tpu.vector_load %arg7[%get3A_1508, %get3A_1509, %get3A_1510] {strides = array<i32>} : memref<2x3x4096xf32, #tpu.memory_space<vmem>>, vector<1x1x16xf32>,
        %get3A_1512 = vector.shape_cast %get3A_1511 : vector<1x1x16xf32> to vector<16xf32>
        %get3A_1513 = arith.constant 1 : i32
        %get3A_1514 = arith.constant 2 : i32
        %get3A_1515 = arith.index_cast %get3A_1513 : i32 to index
        %get3A_1516 = arith.index_cast %get3A_1514 : i32 to index
        %get3A_1517 = arith.index_cast %mul3A_1477 : i32 to index
        %get3A_1518 = tpu.vector_load %arg7[%get3A_1515, %get3A_1516, %get3A_1517] {strides = array<i32>} : memref<2x3x4096xf32, #tpu.memory_space<vmem>>, vector<1x1x16xf32>,
        %get3A_1519 = vector.shape_cast %get3A_1518 : vector<1x1x16xf32> to vector<16xf32>
        %div3A_1520 = arith.constant 1.000000e+00 : f32
        %div3A_1521 = vector.broadcast %div3A_1520 : f32 to vector<16xf32>
        %div3A_1522 = arith.divf %div3A_1521, %get3A_1519 : vector<16xf32>
        %lt3A_1523 = arith.constant 0.000000e+00 : f32
        %lt3A_1524 = vector.broadcast %lt3A_1523 : f32 to vector<16xf32>
        %lt3A_1525 = arith.cmpf olt, %get3A_1519, %lt3A_1524 : vector<16xf32>
        %gt3A_1526 = arith.constant 2.000000e+01 : f32
        %gt3A_1527 = vector.broadcast %gt3A_1526 : f32 to vector<16xf32>
        %gt3A_1528 = arith.cmpf ogt, %get3A_1498, %gt3A_1527 : vector<16xf32>
        %and3A_1529 = arith.andi %gt3A_1528, %lt3A_1525 : vector<16xi1>
        %gt3A_1530 = arith.constant -2.000000e+01 : f32
        %gt3A_1531 = vector.broadcast %gt3A_1530 : f32 to vector<16xf32>
        %gt3A_1532 = arith.cmpf ogt, %get3A_1498, %gt3A_1531 : vector<16xf32>
        %and3A_1533 = arith.andi %gt3A_1532, %lt3A_1525 : vector<16xi1>
        %sub3A_1534 = arith.constant 2.000000e+01 : f32
        %sub3A_1535 = vector.broadcast %sub3A_1534 : f32 to vector<16xf32>
        %sub3A_1536 = arith.subf %sub3A_1535, %get3A_1498 : vector<16xf32>
        %mul3A_1537 = arith.mulf %sub3A_1536, %div3A_1522 : vector<16xf32>
        %sub3A_1538 = arith.constant -2.000000e+01 : f32
        %sub3A_1539 = vector.broadcast %sub3A_1538 : f32 to vector<16xf32>
        %sub3A_1540 = arith.subf %sub3A_1539, %get3A_1498 : vector<16xf32>
        %mul3A_1541 = arith.mulf %sub3A_1540, %div3A_1522 : vector<16xf32>
        %jit3A_1542 = arith.constant 5.000000e-02 : f32
        %broadcast_in_dim3A_1543 = vector.broadcast %jit3A_1542 : f32 to vector<16xf32>
        %select_n3A_1544 = arith.select %and3A_1529, %mul3A_1537, %broadcast_in_dim3A_1543 : vector<16xi1>, vector<16xf32>
        %jit3A_1545 = arith.constant 1.000000e+03 : f32
        %broadcast_in_dim3A_1546 = vector.broadcast %jit3A_1545 : f32 to vector<16xf32>
        %select_n3A_1547 = arith.select %and3A_1533, %mul3A_1541, %broadcast_in_dim3A_1546 : vector<16xi1>, vector<16xf32>
        %mul3A_1548 = arith.mulf %get3A_1505, %get3A_1505 : vector<16xf32>
        %mul3A_1549 = arith.mulf %get3A_1512, %get3A_1512 : vector<16xf32>
        %add3A_1550 = arith.addf %mul3A_1548, %mul3A_1549 : vector<16xf32>
        %mul3A_1551 = arith.constant 3.33333337E-5 : f32
        %mul3A_1552 = vector.broadcast %mul3A_1551 : f32 to vector<16xf32>
        %mul3A_1553 = arith.mulf %mul3A_1552, %add3A_1550 : vector<16xf32>
        %mul3A_1554 = arith.mulf %get3A_1519, %get3A_1519 : vector<16xf32>
        %mul3A_1555 = arith.constant 8.33333353E-4 : f32
        %mul3A_1556 = vector.broadcast %mul3A_1555 : f32 to vector<16xf32>
        %mul3A_1557 = arith.mulf %mul3A_1556, %mul3A_1554 : vector<16xf32>
        %add3A_1558 = arith.addf %mul3A_1553, %mul3A_1557 : vector<16xf32>
        %mul3A_1559 = arith.mulf %get3A_1484, %get3A_1505 : vector<16xf32>
        %mul3A_1560 = arith.mulf %get3A_1491, %get3A_1512 : vector<16xf32>
        %add3A_1561 = arith.addf %mul3A_1559, %mul3A_1560 : vector<16xf32>
        %mul3A_1562 = arith.constant 3.33333337E-5 : f32
        %mul3A_1563 = vector.broadcast %mul3A_1562 : f32 to vector<16xf32>
        %mul3A_1564 = arith.mulf %mul3A_1563, %add3A_1561 : vector<16xf32>
        %mul3A_1565 = arith.mulf %get3A_1498, %get3A_1519 : vector<16xf32>
        %mul3A_1566 = arith.constant 8.33333353E-4 : f32
        %mul3A_1567 = vector.broadcast %mul3A_1566 : f32 to vector<16xf32>
        %mul3A_1568 = arith.mulf %mul3A_1567, %mul3A_1565 : vector<16xf32>
        %add3A_1569 = arith.addf %mul3A_1564, %mul3A_1568 : vector<16xf32>
        %mul3A_1570 = arith.mulf %get3A_1484, %get3A_1484 : vector<16xf32>
        %mul3A_1571 = arith.mulf %get3A_1491, %get3A_1491 : vector<16xf32>
        %add3A_1572 = arith.addf %mul3A_1570, %mul3A_1571 : vector<16xf32>
        %mul3A_1573 = arith.constant 3.33333337E-5 : f32
        %mul3A_1574 = vector.broadcast %mul3A_1573 : f32 to vector<16xf32>
        %mul3A_1575 = arith.mulf %mul3A_1574, %add3A_1572 : vector<16xf32>
        %mul3A_1576 = arith.mulf %get3A_1498, %get3A_1498 : vector<16xf32>
        %mul3A_1577 = arith.constant 8.33333353E-4 : f32
        %mul3A_1578 = vector.broadcast %mul3A_1577 : f32 to vector<16xf32>
        %mul3A_1579 = arith.mulf %mul3A_1578, %mul3A_1576 : vector<16xf32>
        %add3A_1580 = arith.addf %mul3A_1575, %mul3A_1579 : vector<16xf32>
        %sub3A_1581 = arith.constant 1.000000e+00 : f32
        %sub3A_1582 = vector.broadcast %sub3A_1581 : f32 to vector<16xf32>
        %sub3A_1583 = arith.subf %add3A_1580, %sub3A_1582 : vector<16xf32>
        %mul3A_1584 = arith.mulf %add3A_1569, %add3A_1569 : vector<16xf32>
        %mul3A_1585 = arith.mulf %add3A_1558, %sub3A_1583 : vector<16xf32>
        %sub3A_1586 = arith.subf %mul3A_1584, %mul3A_1585 : vector<16xf32>
        %gt3A_1587 = arith.constant 0.000000e+00 : f32
        %gt3A_1588 = vector.broadcast %gt3A_1587 : f32 to vector<16xf32>
        %gt3A_1589 = arith.cmpf ogt, %sub3A_1586, %gt3A_1588 : vector<16xf32>
        %jit3A_1590 = arith.constant 1.000000e+00 : f32
        %broadcast_in_dim3A_1591 = vector.broadcast %jit3A_1590 : f32 to vector<16xf32>
        %select_n3A_1592 = arith.select %gt3A_1589, %sub3A_1586, %broadcast_in_dim3A_1591 : vector<16xi1>, vector<16xf32>
        %bitcast_convert_type3A_1593 = tpu.bitcast %select_n3A_1592 : vector<16xf32> -> vector<16xi32>
        %shift_right_logical3A_1594 = arith.constant 1 : i32
        %shift_right_logical3A_1595 = vector.broadcast %shift_right_logical3A_1594 : i32 to vector<16xi32>
        %shift_right_logical3A_1596 = arith.shrui %bitcast_convert_type3A_1593, %shift_right_logical3A_1595 : vector<16xi32>
        %sub3A_1597 = arith.constant 1597463007 : i32
        %sub3A_1598 = vector.broadcast %sub3A_1597 : i32 to vector<16xi32>
        %sub3A_1599 = arith.subi %sub3A_1598, %shift_right_logical3A_1596 : vector<16xi32>
        %bitcast_convert_type3A_1600 = tpu.bitcast %sub3A_1599 : vector<16xi32> -> vector<16xf32>
        %mul3A_1601 = arith.constant 5.000000e-01 : f32
        %mul3A_1602 = vector.broadcast %mul3A_1601 : f32 to vector<16xf32>
        %mul3A_1603 = arith.mulf %mul3A_1602, %select_n3A_1592 : vector<16xf32>
        %mul3A_1604 = arith.mulf %mul3A_1603, %bitcast_convert_type3A_1600 : vector<16xf32>
        %mul3A_1605 = arith.mulf %mul3A_1604, %bitcast_convert_type3A_1600 : vector<16xf32>
        %sub3A_1606 = arith.constant 1.500000e+00 : f32
        %sub3A_1607 = vector.broadcast %sub3A_1606 : f32 to vector<16xf32>
        %sub3A_1608 = arith.subf %sub3A_1607, %mul3A_1605 : vector<16xf32>
        %mul3A_1609 = arith.mulf %bitcast_convert_type3A_1600, %sub3A_1608 : vector<16xf32>
        %mul3A_1610 = arith.mulf %mul3A_1603, %mul3A_1609 : vector<16xf32>
        %mul3A_1611 = arith.mulf %mul3A_1610, %mul3A_1609 : vector<16xf32>
        %sub3A_1612 = arith.constant 1.500000e+00 : f32
        %sub3A_1613 = vector.broadcast %sub3A_1612 : f32 to vector<16xf32>
        %sub3A_1614 = arith.subf %sub3A_1613, %mul3A_1611 : vector<16xf32>
        %mul3A_1615 = arith.mulf %mul3A_1609, %sub3A_1614 : vector<16xf32>
        %mul3A_1616 = arith.mulf %mul3A_1603, %mul3A_1615 : vector<16xf32>
        %mul3A_1617 = arith.mulf %mul3A_1616, %mul3A_1615 : vector<16xf32>
        %sub3A_1618 = arith.constant 1.500000e+00 : f32
        %sub3A_1619 = vector.broadcast %sub3A_1618 : f32 to vector<16xf32>
        %sub3A_1620 = arith.subf %sub3A_1619, %mul3A_1617 : vector<16xf32>
        %mul3A_1621 = arith.mulf %mul3A_1615, %sub3A_1620 : vector<16xf32>
        %mul3A_1622 = arith.mulf %select_n3A_1592, %mul3A_1621 : vector<16xf32>
        %sub3A_1623 = arith.subf %mul3A_1622, %add3A_1569 : vector<16xf32>
        %div3A_1624 = arith.constant 1.000000e+00 : f32
        %div3A_1625 = vector.broadcast %div3A_1624 : f32 to vector<16xf32>
        %div3A_1626 = arith.divf %div3A_1625, %add3A_1558 : vector<16xf32>
        %mul3A_1627 = arith.mulf %sub3A_1623, %div3A_1626 : vector<16xf32>
        %jit3A_1628 = arith.constant 0.000000e+00 : f32
        %broadcast_in_dim3A_1629 = vector.broadcast %jit3A_1628 : f32 to vector<16xf32>
        %select_n3A_1630 = arith.select %gt3A_1589, %mul3A_1627, %broadcast_in_dim3A_1629 : vector<16xi1>, vector<16xf32>
        %min3A_1631 = arith.minimumf %select_n3A_1547, %select_n3A_1630 : vector<16xf32>
        %max3A_1632 = arith.constant 5.000000e-02 : f32
        %max3A_1633 = vector.broadcast %max3A_1632 : f32 to vector<16xf32>
        %max3A_1634 = arith.maximumf %select_n3A_1544, %max3A_1633 : vector<16xf32>
        %add3A_1635 = arith.constant 9.99999997E-7 : f32
        %add3A_1636 = vector.broadcast %add3A_1635 : f32 to vector<16xf32>
        %add3A_1637 = arith.addf %max3A_1634, %add3A_1636 : vector<16xf32>
        %max3A_1638 = arith.maximumf %min3A_1631, %add3A_1637 : vector<16xf32>
        %min3A_1639 = arith.constant 1.000000e+03 : f32
        %min3A_1640 = vector.broadcast %min3A_1639 : f32 to vector<16xf32>
        %min3A_1641 = arith.minimumf %max3A_1638, %min3A_1640 : vector<16xf32>
        %swap3A_1642 = arith.constant 1 : i32
        %swap3A_1643 = arith.index_cast %swap3A_1642 : i32 to index
        %swap3A_1644 = arith.index_cast %mul3A_1477 : i32 to index
        %swap3A_1645 = tpu.vector_load %arg8[%swap3A_1643, %swap3A_1644] {strides = array<i32>} : memref<2x4096xf32, #tpu.memory_space<vmem>>, vector<1x16xf32>,
        %swap3A_1646 = vector.shape_cast %swap3A_1645 : vector<1x16xf32> to vector<16xf32>
        %swap3A_1647 = vector.shape_cast %max3A_1634 : vector<16xf32> to vector<1x16xf32>
        tpu.vector_store %arg8[%swap3A_1643, %swap3A_1644], %swap3A_1647 {strides = array<i32>} : memref<2x4096xf32, #tpu.memory_space<vmem>>, vector<1x16xf32>,
        %swap3A_1648 = arith.constant 1 : i32
        %swap3A_1649 = arith.index_cast %swap3A_1648 : i32 to index
        %swap3A_1650 = arith.index_cast %mul3A_1477 : i32 to index
        %swap3A_1651 = tpu.vector_load %arg9[%swap3A_1649, %swap3A_1650] {strides = array<i32>} : memref<2x4096xf32, #tpu.memory_space<vmem>>, vector<1x16xf32>,
        %swap3A_1652 = vector.shape_cast %swap3A_1651 : vector<1x16xf32> to vector<16xf32>
        %swap3A_1653 = vector.shape_cast %min3A_1641 : vector<16xf32> to vector<1x16xf32>
        tpu.vector_store %arg9[%swap3A_1649, %swap3A_1650], %swap3A_1653 {strides = array<i32>} : memref<2x4096xf32, #tpu.memory_space<vmem>>, vector<1x16xf32>,
        %scan3A_1654 = arith.constant 0 : i32
        scf.yield %scan3A_1654 : i32
      }
      %scan3A_197 = arith.constant 256 : i32
      %mul3A_198 = arith.constant 4096 : i32
      %mul3A_199 = arith.muli %add3A_149, %mul3A_198 : i32
      %add3A_200 = arith.addi %mul3A_2, %mul3A_199 : i32
      %dma_start3A_201 = arith.constant 1 : i32
      %dma_start3A_202 = arith.constant 0 : i32
      %dma_start3A_203 = tpu.memref_slice %arg8[%dma_start3A_201, %dma_start3A_202] : memref<2x4096xf32, #tpu.memory_space<vmem>> -> memref<1x4096xf32, #tpu.memory_space<vmem>>
      %dma_start3A_204 = tpu.memref_squeeze %dma_start3A_203 : memref<1x4096xf32, #tpu.memory_space<vmem>> -> memref<4096xf32, #tpu.memory_space<vmem>>
      %dma_start3A_205 = tpu.memref_slice %arg4[%add3A_200] : memref<2097152xf32, #tpu.memory_space<hbm>> -> memref<4096xf32, #tpu.memory_space<hbm>>
      %dma_start3A_206 = tpu.memref_slice %arg4[%add3A_200] : memref<2097152xf32, #tpu.memory_space<hbm>> -> memref<4096xf32, #tpu.memory_space<hbm>>
      %dma_start3A_207 = arith.constant 0 : i32
      %dma_start3A_208 = tpu.memref_slice %arg8[%dma_start3A_201, %dma_start3A_207] : memref<2x4096xf32, #tpu.memory_space<vmem>> -> memref<1x4096xf32, #tpu.memory_space<vmem>>
      %dma_start3A_209 = tpu.memref_squeeze %dma_start3A_208 : memref<1x4096xf32, #tpu.memory_space<vmem>> -> memref<4096xf32, #tpu.memory_space<vmem>>
      tpu.enqueue_dma source(%dma_start3A_209 : memref<4096xf32, #tpu.memory_space<vmem>>) target(%dma_start3A_206 : memref<4096xf32, #tpu.memory_space<hbm>>) target_semaphore(%arg15 : memref<!tpu.dma_semaphore, #tpu.memory_space<semaphore_mem>>)
      %dma_start3A_210 = arith.constant 1 : i32
      %dma_start3A_211 = arith.constant 0 : i32
      %dma_start3A_212 = tpu.memref_slice %arg9[%dma_start3A_210, %dma_start3A_211] : memref<2x4096xf32, #tpu.memory_space<vmem>> -> memref<1x4096xf32, #tpu.memory_space<vmem>>
      %dma_start3A_213 = tpu.memref_squeeze %dma_start3A_212 : memref<1x4096xf32, #tpu.memory_space<vmem>> -> memref<4096xf32, #tpu.memory_space<vmem>>
      %dma_start3A_214 = tpu.memref_slice %arg5[%add3A_200] : memref<2097152xf32, #tpu.memory_space<hbm>> -> memref<4096xf32, #tpu.memory_space<hbm>>
      %dma_start3A_215 = tpu.memref_slice %arg5[%add3A_200] : memref<2097152xf32, #tpu.memory_space<hbm>> -> memref<4096xf32, #tpu.memory_space<hbm>>
      %dma_start3A_216 = arith.constant 0 : i32
      %dma_start3A_217 = tpu.memref_slice %arg9[%dma_start3A_210, %dma_start3A_216] : memref<2x4096xf32, #tpu.memory_space<vmem>> -> memref<1x4096xf32, #tpu.memory_space<vmem>>
      %dma_start3A_218 = tpu.memref_squeeze %dma_start3A_217 : memref<1x4096xf32, #tpu.memory_space<vmem>> -> memref<4096xf32, #tpu.memory_space<vmem>>
      tpu.enqueue_dma source(%dma_start3A_218 : memref<4096xf32, #tpu.memory_space<vmem>>) target(%dma_start3A_215 : memref<4096xf32, #tpu.memory_space<hbm>>) target_semaphore(%arg17 : memref<!tpu.dma_semaphore, #tpu.memory_space<semaphore_mem>>)
      %scan3A_219 = arith.constant 0 : i32
      scf.yield %scan3A_219 : i32
    }
    %scan3A_35 = arith.constant 8 : i32
    %add3A_36 = arith.constant 57344 : i32
    %add3A_37 = arith.addi %mul3A_2, %add3A_36 : i32
    %dma_wait3A = arith.constant 0 : i32
    %dma_wait3A_38 = arith.constant 0 : i32
    %dma_wait3A_39 = tpu.memref_slice %arg8[%dma_wait3A, %dma_wait3A_38] : memref<2x4096xf32, #tpu.memory_space<vmem>> -> memref<1x4096xf32, #tpu.memory_space<vmem>>
    %dma_wait3A_40 = tpu.memref_squeeze %dma_wait3A_39 : memref<1x4096xf32, #tpu.memory_space<vmem>> -> memref<4096xf32, #tpu.memory_space<vmem>>
    %dma_wait3A_41 = tpu.memref_slice %arg4[%add3A_37] : memref<2097152xf32, #tpu.memory_space<hbm>> -> memref<4096xf32, #tpu.memory_space<hbm>>
    %dma_wait3A_42 = tpu.memref_slice %arg4[%add3A_37] : memref<2097152xf32, #tpu.memory_space<hbm>> -> memref<4096xf32, #tpu.memory_space<hbm>>
    %dma_wait3A_43 = arith.constant 0 : i32
    %dma_wait3A_44 = tpu.memref_slice %arg8[%dma_wait3A, %dma_wait3A_43] : memref<2x4096xf32, #tpu.memory_space<vmem>> -> memref<1x4096xf32, #tpu.memory_space<vmem>>
    %dma_wait3A_45 = tpu.memref_squeeze %dma_wait3A_44 : memref<1x4096xf32, #tpu.memory_space<vmem>> -> memref<4096xf32, #tpu.memory_space<vmem>>
    tpu.wait_dma2 semaphore(%arg14 : memref<!tpu.dma_semaphore, #tpu.memory_space<semaphore_mem>>) src(%dma_wait3A_45 : memref<4096xf32, #tpu.memory_space<vmem>>) dst(%dma_wait3A_42 : memref<4096xf32, #tpu.memory_space<hbm>>)
    %dma_wait3A_46 = arith.constant 0 : i32
    %dma_wait3A_47 = arith.constant 0 : i32
    %dma_wait3A_48 = tpu.memref_slice %arg9[%dma_wait3A_46, %dma_wait3A_47] : memref<2x4096xf32, #tpu.memory_space<vmem>> -> memref<1x4096xf32, #tpu.memory_space<vmem>>
    %dma_wait3A_49 = tpu.memref_squeeze %dma_wait3A_48 : memref<1x4096xf32, #tpu.memory_space<vmem>> -> memref<4096xf32, #tpu.memory_space<vmem>>
    %dma_wait3A_50 = tpu.memref_slice %arg5[%add3A_37] : memref<2097152xf32, #tpu.memory_space<hbm>> -> memref<4096xf32, #tpu.memory_space<hbm>>
    %dma_wait3A_51 = tpu.memref_slice %arg5[%add3A_37] : memref<2097152xf32, #tpu.memory_space<hbm>> -> memref<4096xf32, #tpu.memory_space<hbm>>
    %dma_wait3A_52 = arith.constant 0 : i32
    %dma_wait3A_53 = tpu.memref_slice %arg9[%dma_wait3A_46, %dma_wait3A_52] : memref<2x4096xf32, #tpu.memory_space<vmem>> -> memref<1x4096xf32, #tpu.memory_space<vmem>>
    %dma_wait3A_54 = tpu.memref_squeeze %dma_wait3A_53 : memref<1x4096xf32, #tpu.memory_space<vmem>> -> memref<4096xf32, #tpu.memory_space<vmem>>
    tpu.wait_dma2 semaphore(%arg16 : memref<!tpu.dma_semaphore, #tpu.memory_space<semaphore_mem>>) src(%dma_wait3A_54 : memref<4096xf32, #tpu.memory_space<vmem>>) dst(%dma_wait3A_51 : memref<4096xf32, #tpu.memory_space<hbm>>)
    %add3A_55 = arith.constant 61440 : i32
    %add3A_56 = arith.addi %mul3A_2, %add3A_55 : i32
    %dma_wait3A_57 = arith.constant 1 : i32
    %dma_wait3A_58 = arith.constant 0 : i32
    %dma_wait3A_59 = tpu.memref_slice %arg8[%dma_wait3A_57, %dma_wait3A_58] : memref<2x4096xf32, #tpu.memory_space<vmem>> -> memref<1x4096xf32, #tpu.memory_space<vmem>>
    %dma_wait3A_60 = tpu.memref_squeeze %dma_wait3A_59 : memref<1x4096xf32, #tpu.memory_space<vmem>> -> memref<4096xf32, #tpu.memory_space<vmem>>
    %dma_wait3A_61 = tpu.memref_slice %arg4[%add3A_56] : memref<2097152xf32, #tpu.memory_space<hbm>> -> memref<4096xf32, #tpu.memory_space<hbm>>
    %dma_wait3A_62 = tpu.memref_slice %arg4[%add3A_56] : memref<2097152xf32, #tpu.memory_space<hbm>> -> memref<4096xf32, #tpu.memory_space<hbm>>
    %dma_wait3A_63 = arith.constant 0 : i32
    %dma_wait3A_64 = tpu.memref_slice %arg8[%dma_wait3A_57, %dma_wait3A_63] : memref<2x4096xf32, #tpu.memory_space<vmem>> -> memref<1x4096xf32, #tpu.memory_space<vmem>>
    %dma_wait3A_65 = tpu.memref_squeeze %dma_wait3A_64 : memref<1x4096xf32, #tpu.memory_space<vmem>> -> memref<4096xf32, #tpu.memory_space<vmem>>
    tpu.wait_dma2 semaphore(%arg15 : memref<!tpu.dma_semaphore, #tpu.memory_space<semaphore_mem>>) src(%dma_wait3A_65 : memref<4096xf32, #tpu.memory_space<vmem>>) dst(%dma_wait3A_62 : memref<4096xf32, #tpu.memory_space<hbm>>)
    %dma_wait3A_66 = arith.constant 1 : i32
    %dma_wait3A_67 = arith.constant 0 : i32
    %dma_wait3A_68 = tpu.memref_slice %arg9[%dma_wait3A_66, %dma_wait3A_67] : memref<2x4096xf32, #tpu.memory_space<vmem>> -> memref<1x4096xf32, #tpu.memory_space<vmem>>
    %dma_wait3A_69 = tpu.memref_squeeze %dma_wait3A_68 : memref<1x4096xf32, #tpu.memory_space<vmem>> -> memref<4096xf32, #tpu.memory_space<vmem>>
    %dma_wait3A_70 = tpu.memref_slice %arg5[%add3A_56] : memref<2097152xf32, #tpu.memory_space<hbm>> -> memref<4096xf32, #tpu.memory_space<hbm>>
    %dma_wait3A_71 = tpu.memref_slice %arg5[%add3A_56] : memref<2097152xf32, #tpu.memory_space<hbm>> -> memref<4096xf32, #tpu.memory_space<hbm>>
    %dma_wait3A_72 = arith.constant 0 : i32
    %dma_wait3A_73 = tpu.memref_slice %arg9[%dma_wait3A_66, %dma_wait3A_72] : memref<2x4096xf32, #tpu.memory_space<vmem>> -> memref<1x4096xf32, #tpu.memory_space<vmem>>
    %dma_wait3A_74 = tpu.memref_squeeze %dma_wait3A_73 : memref<1x4096xf32, #tpu.memory_space<vmem>> -> memref<4096xf32, #tpu.memory_space<vmem>>
    tpu.wait_dma2 semaphore(%arg17 : memref<!tpu.dma_semaphore, #tpu.memory_space<semaphore_mem>>) src(%dma_wait3A_74 : memref<4096xf32, #tpu.memory_space<vmem>>) dst(%dma_wait3A_71 : memref<4096xf32, #tpu.memory_space<hbm>>)
    return
  }
}

</mosaic_0001>

<sc_bundles>
// kernel: _collide.3.cloned.1.call-start
scs
__scs_entry_jumppad:
0x0: {  	(pc) =	sbr.rel $0x88, $3  }
0x1: {  	(tag) =	ssettag $0x0;
	lr =	simm.s32 $0x1  }
0x2: {  	[smem:$0x3F9F] =	sst lr;
	_ =	strace $0xD0000000  }
0x3: {  	_ = 	snop  }
0x4: {  	_ = 	snop  }
0x5: {  	_ = 	snop  }
0x6: {  	_ = 	snop  }
0x7: {  	_ = 	snop  }
__scs_overlays_trampoline_lowered:
0x8: {  	[smem:$0x3FAE] =	sst s0  }
0x9: {  	[smem:$0x3FAF] =	sst s1  }
0xa: {  	[smem:$0x3FB0] =	sst s2  }
0xb: {  	[smem:$0x3FB1] =	sst s3  }
0xc: {  	[smem:$0x3FB2] =	sst s4  }
0xd: {  	[smem:$0x3FB3] =	sst s5  }
0xe: {  	[smem:$0x3FB4] =	sst s6  }
0xf: {  	[smem:$0x3FB5] =	sst s7  }
0x10: {  	[smem:$0x3FB6] =	sst s8  }
0x11: {  	[smem:$0x3FB7] =	sst s9;
	s0 =	simm.s32 @!p0 $0x0  }
0x12: {  	s1 =	sld [smem:$0x3F9D];
	s0 =	simm.s32 @p0 $0x1  }
0x13: {  	[smem:$0x3FB8] =	sst s0;
	s0 =	simm.s32 @!p1 $0x0  }
0x14: {  	s2 =	sld [smem:$0x3F9C];
	s0 =	simm.s32 @p1 $0x1  }
0x15: {  	[smem:$0x3FB9] =	sst s0;
	s0 =	simm.s32 @!p2 $0x0  }
0x16: {  	s3 =	sld [smem:$0x3FDB];
	s0 =	simm.s32 @p2 $0x1  }
0x17: {  	s4 =	simm.s32 $0x1BF5;
	[smem:$0x3FBB] =	sst s0  }
0x18: {  	s0 =	sld [smem:$0x3F9E];
	_ =	swait.ge [sflag:s4], $0x0  }
0x19: {  	s7 =	sld [smem:$0x3F9F]  }
0x1a: {  	s8 =	sadd.s32 $0xFFFFE003, lr  }
0x1b: {  	s9 =	sadd.s32 $0xFFFFFEF7, lr;
	s5 =	simm.s32 $0xFFFFFFFF;
	p2 =	slt.u32 s8, $0xFFFFF086  }
0x1c: {  	p1 =	slt.u32 s9, $0xF7A;
	s5 =	simm.s32 @!p2 $0x0  }
0x1d: {  	s5 =	simm.s32 @p1 $0x1;
	p0 =	seq.s32 s7, s2  }
0x1e: {  	s7 =	smul.u32 @!p0 $0xF7A, s2;
	p2 =	seq.s32 @!p0 s5, $0x0  }
0x1f: {  	s9 =	smul.u32 $0xF7A, s1;
	s8 =	simm.s32 @!p0 $0x1BF5;
	p2 =	por !p2, p0  }
0x20: {  	[sflag:s8] =	ssyncset.s32 @!p0 $0xFFFFF086;
	s6 =	sadd.s32 @!p0 s3, s7;
	s7 =	simm.s32 @!p0 $0x108  }
0x21: {  	s3 =	sadd.s32 s3, s9;
	s6 =	sadd.s32 @!p0 $0x88, s6;
	s7 =	simm.s32 @p2 $0x1082  }
0x22: {  	[simem:s7], [sflag:s8] =	dma.local @!p0 [hbm:s6], $0xF7A  }
0x23: {  	s9 =	sor.u32 $0xD0000000, s2;
	s6 =	simm.s32 $0x108;
	_ =	swait.ge @!p0 [sflag:s8], $0x0  }
0x24: {  	s3 =	sadd.s32 $0x88, s3;
	s6 =	simm.s32 @!p1 $0x1082;
	[sflag:s4] =	ssyncset.s32 $0xFFFFF086  }
0x25: {  	[simem:s6], [sflag:s4] =	dma.local [hbm:s3], $0xF7A  }
0x26: {  	[smem:$0x3F9F] =	sst s1;
	(tag) =	ssettag s2;
	_ =	strace s9  }
0x27: {  	s1 =	sld [smem:$0x3FAF]  }
0x28: {  	s2 =	sld [smem:$0x3FB0]  }
0x29: {  	s4 =	sld [smem:$0x3FB2]  }
0x2a: {  	p0 =	seq.s32 s5, $0x0;
	s5 =	sld [smem:$0x3FB3]  }
0x2b: {  	s6 =	sld [smem:$0x3FB4]  }
0x2c: {  	s7 =	sld [smem:$0x3FB5]  }
0x2d: {  	s3 =	simm.s32 $0x108;
	s8 =	sld [smem:$0x3FB6]  }
0x2e: {  	s3 =	simm.s32 @!p0 $0x1082;
	s9 =	sld [smem:$0x3FB7]  }
0x2f: {  	lr =	sadd.s32 s0, s3;
	s0 =	sld [smem:$0x3FAE]  }
0x30: {  	s3 =	sld [smem:$0x3FB1]  }
0x31: {  	[smem:$0x3FBA] =	sst s10  }
0x32: {  	s10 =	sld [smem:$0x3FB8];
	_ =	sdelay $0x3  }
0x33: {  	p0 =	seq.s32 s10, $0x1;
	s10 =	sld [smem:$0x3FBA];
	_ =	sdelay $0x3  }
0x34: {  	[smem:$0x3FBA] =	sst s10  }
0x35: {  	s10 =	sld [smem:$0x3FB9];
	_ =	sdelay $0x3  }
0x36: {  	p1 =	seq.s32 s10, $0x1;
	s10 =	sld [smem:$0x3FBA];
	_ =	sdelay $0x3  }
0x37: {  	[smem:$0x3FBA] =	sst s10  }
0x38: {  	s10 =	sld [smem:$0x3FBB]  }
0x39: {  	_ = 	snop;
	(pc) =	sbr.ind lr, $3  }
0x3a: {  	_ = 	snop  }
0x3b: {  	_ = 	snop  }
0x3c: {  	p2 =	seq.s32 s10, $0x1;
	s10 =	sld [smem:$0x3FBA]  }
0x3d: {  	_ =	shalt  }
0x3e: {  	_ =	shalt  }
0x3f: {  	_ =	shalt  }
0x40: {  	_ =	shalt  }
0x41: {  	_ =	shalt  }
0x42: {  	_ =	shalt  }
0x43: {  	_ =	shalt  }
0x44: {  	_ =	shalt  }
0x45: {  	_ =	shalt  }
0x46: {  	_ =	shalt  }
0x47: {  	_ =	shalt  }
0x48: {  	_ =	shalt  }
0x49: {  	_ =	shalt  }
0x4a: {  	_ =	shalt  }
0x4b: {  	_ =	shalt  }
0x4c: {  	_ =	shalt  }
0x4d: {  	_ =	shalt  }
0x4e: {  	_ =	shalt  }
0x4f: {  	_ =	shalt  }
0x50: {  	_ =	shalt  }
0x51: {  	_ =	shalt  }
0x52: {  	_ =	shalt  }
0x53: {  	_ =	shalt  }
0x54: {  	_ =	shalt  }
0x55: {  	_ =	shalt  }
0x56: {  	_ =	shalt  }
0x57: {  	_ =	shalt  }
0x58: {  	_ =	shalt  }
0x59: {  	_ =	shalt  }
0x5a: {  	_ =	shalt  }
0x5b: {  	_ =	shalt  }
0x5c: {  	_ =	shalt  }
0x5d: {  	_ =	shalt  }
0x5e: {  	_ =	shalt  }
0x5f: {  	_ =	shalt  }
0x60: {  	_ =	shalt  }
0x61: {  	_ =	shalt  }
0x62: {  	_ =	shalt  }
0x63: {  	_ =	shalt  }
0x64: {  	_ =	shalt  }
0x65: {  	_ =	shalt  }
0x66: {  	_ =	shalt  }
0x67: {  	_ =	shalt  }
0x68: {  	_ =	shalt  }
0x69: {  	_ =	shalt  }
0x6a: {  	_ =	shalt  }
0x6b: {  	_ =	shalt  }
0x6c: {  	_ =	shalt  }
0x6d: {  	_ =	shalt  }
0x6e: {  	_ =	shalt  }
0x6f: {  	_ =	shalt  }
0x70: {  	_ =	shalt  }
0x71: {  	_ =	shalt  }
0x72: {  	_ =	shalt  }
0x73: {  	_ =	shalt  }
0x74: {  	_ =	shalt  }
0x75: {  	_ =	shalt  }
0x76: {  	_ =	shalt  }
0x77: {  	_ =	shalt  }
0x78: {  	_ =	shalt  }
0x79: {  	_ =	shalt  }
0x7a: {  	_ =	shalt  }
0x7b: {  	_ =	shalt  }
0x7c: {  	_ =	shalt  }
0x7d: {  	_ =	shalt  }
0x7e: {  	_ =	shalt  }
0x7f: {  	_ =	shalt  }
0x80: {  	_ =	shalt  }
0x81: {  	_ =	shalt  }
0x82: {  	_ =	shalt  }
0x83: {  	_ =	shalt  }
0x84: {  	_ =	shalt  }
0x85: {  	_ =	shalt  }
0x86: {  	_ =	shalt  }
0x87: {  	_ =	shalt  }
.Lfunc_end0:
.L_simem_size_0:
called_computation_lowered:
.L_overlay_start_0:
0x88: {  	s2 =	sld [smem:$0x3FD9]  }
0x89: {  	s3 =	sld [smem:$0x3FFE];
	_ =	sdelay $0x1  }
0x8a: {  	s1 =	srdreg.scid  }
0x8b: {  	s0 =	sand.u32 $0x1, s1  }
0x8c: {  	s15 =	sshll.u32 s0, $0xA;
	s2 =	sadd.s32 s3, s2  }
0x8d: {  	s2 =	sadd.s32 s2, s15  }
0x8e: {  	[smem:$0x3FC6] =	sst s2  }
0x8f: {  	_ = 	snop  }
0x90: {  	s2 =	sld [smem:$0x3FD0];
	_ =	sdelay $0x1  }
0x91: {  	s16 =	sld [smem:$0x3FC9]  }
0x92: {  	s5 =	simm.s32 $0xA;
	s6 =	simm.s32 $0x10;
	s4 =	sld [smem:$0x3FC8]  }
0x93: {  	[smem:s6], [sflag:s5] =	dma.local [hbm:s2], $0x1  }
0x94: {  	_ =	swait.eq [sflag:s5], $0x1  }
0x95: {  	[sflag:s5] =	ssyncset.done $0x0  }
0x96: {  	s17 =	sld [smem:$0x10];
	[sflag:s5] =	ssyncadd.s32 $0xFFFFFFFF  }
0x97: {  	s18 =	sld [smem:$0x11];
	(tm) =	ssettm $0x1  }
0x98: {  	s19 =	sld [smem:$0x3FFB];
	_ =	sdelay $0x3  }
0x99: {  	_ =	strace s19  }
0x9a: {  	s6 =	sld [smem:$0x3FFC];
	_ =	sdelay $0x3  }
0x9b: {  	_ =	strace s6  }
0x9c: {  	s6 =	sld [smem:$0x3FFD];
	_ =	sdelay $0x3  }
0x9d: {  	_ =	strace s6  }
0x9e: {  	_ =	strace $0x8FFFFFFF  }
0x9f: {  	s20 =	sld [smem:$0x3FDB];
	_ =	sdelay $0x1  }
0xa0: {  	s7 =	simm.s32 $_scs_section_size  }
0xa1: {  	s8 =	simm.s32 $_size__tile_overlayer_lowered;
	s9 =	simm.s32 $_tile_overlayer_lowered  }
0xa2: {  	s23 =	simm.s32 $0x1BFF;
	s22 =	sshll.u32 s9, $0x1;
	s6 =	sadd.s32 s7, s20  }
0xa3: {  	s10 =	simm.s32 $0x0;
	s21 =	sshll.u32 s8, $0x1;
	s8 =	sadd.s32 s22, s6  }
0xa4: {  	[timem:s10], [sflag:s23] =	dma.local [hbm:s8], s21  }
0xa5: {  	_ =	swait.ge [sflag:s23], s21  }
0xa6: {  	s7 =	ssub.s32 $0x0, s21;
	[sflag:s23] =	ssyncset.done $0x0  }
0xa7: {  	[sflag:s23] =	ssyncadd.s32 s7;
	_ =	sdelay $0x1  }
0xa8: {  	s24 =	simm.s32 $0x1B8B  }
0xa9: {  	_ =	swait.ge [sflag:s24], $0x1  }
0xaa: {  	[sflag:s24] =	ssyncset.done $0x0  }
0xab: {  	s25 =	simm.s32 $0x1B8E;
	[sflag:s24] =	ssyncadd.s32 $0xFFFFFFFF  }
0xac: {  	s26 =	simm.s32 $execute0_lowered;
	[smem:$0x3FD2] =	sst s25  }
0xad: {  	s7 =	sshll.u32 s26, $0x1;
	_ =	strace $0x80000046;
	[dreg:$0x1] =	wrdreg $0xFFFFFFFF  }
0xae: {  	s28 =	simm.s32 $_size_execute0_lowered;
	s6 =	sadd.s32 s6, s7;
	[dreg:$0x0] =	wrdreg $0x0  }
0xaf: {  	s7 =	sshll.u32 s28, $0x1;
	[dreg:$0x2] =	wrdreg s6  }
0xb0: {  	[dreg:$0x3] =	wrdreg s7  }
0xb1: {  	[dreg:$0x4] =	wrdreg $0xC0  }
0xb2: {  	_ =	task [dreg:s10], $0x5FFFF  }
0xb3: {  	[dreg:$0x1] =	wrdreg $0xFFFFFFFF  }
0xb4: {  	[dreg:$0x0] =	wrdreg $0x60  }
0xb5: {  	[dreg:$0x2] =	wrdreg s16  }
0xb6: {  	[dreg:$0x3] =	wrdreg s4  }
0xb7: {  	[dreg:$0x4] =	wrdreg s17  }
0xb8: {  	[dreg:$0x5] =	wrdreg s18  }
0xb9: {  	[dreg:$0x6] =	wrdreg $0x9  }
0xba: {  	_ =	task.clear_ibuf [dreg:s10], $0x7FFFF;
	_ =	strace $0x90000046  }
0xbb: {  	s29 =	simm.s32 $0x9;
	_ =	strace $0x80000048  }
0xbc: {  	_ =	swait.ge [sflag:s29], $0x1  }
0xbd: {  	[sflag:s29] =	ssyncadd.s32 $0xFFFFFFFF  }
0xbe: {  	_ =	strace $0x90000048  }
0xbf: {  	_ =	sfence  }
0xc0: {  	s30 =	sld [smem:$0x0];
	_ =	sdelay $0x2  }
0xc1: {  	s31 =	sshll.u32 s1, $0xD;
	s1 =	sshrl.u32 s1, $0x2  }
0xc2: {  	s3 =	sand.u32 $0x4000, s31;
	s1 =	sadd.s32 s1, s30  }
0xc3: {  	s0 =	sor.u32 s3, s0;
	s1 =	sshll.u32 s1, $0x11  }
0xc4: {  	s0 =	sor.u32 s1, s0  }
0xc5: {  	s0 =	sadd.s32 $0x8F2B, s0  }
0xc6: {  	[sflag:s0] =	ssyncadd.remote.s32 $0x1  }
0xc7: {  	_ =	sfence.sel $0xFFFF  }
0xc8: {  	[dreg:$0x0] =	wrdreg $0xFFFFFFFF;
	(pc) =	sbr.abs _section_cstart, $3  }
0xc9: {  	[dreg:$0x1] =	wrdreg $0xFFFFFFFF  }
0xca: {  	_ =	task.clear_ibuf [dreg:s10], $0x2FFFF;
	_ =	strace $0x9FFFFFFF  }
0xcb: {  	(tm) =	ssettm $0x7FFFFFFF  }
tec
execute0_lowered:
.L_overlay_start_1:
0x0: {  	(tag) =	ssettag $0x1  }
0x1: {  	s1 =	rddreg [dreg:$0x0]  }
0x2: {  	s2 =	rddreg [dreg:$0x1]  }
0x3: {  	s4 =	rddreg [dreg:$0x2]  }
0x4: {  	s5 =	rddreg [dreg:$0x3]  }
0x5: {  	s0 =	srdreg.scid;
	s3 =	stileid.u32;
	s6 =	simm.s32 $0x0  }
0x6: {  	s13 =	simm.s32 $0x8000;
	s14 =	simm.s32 $0x4000;
	s15 =	simm.s32 $0xC000  }
0x7: {  	s16 =	simm.s32 $0x1;
	s17 =	simm.s32 $0x3;
	s18 =	simm.s32 $0x2  }
0x8: {  	s19 =	simm.s32 $0x4;
	s20 =	simm.s32 $0x5;
	s21 =	simm.s32 $0x7  }
0x9: {  	s22 =	simm.s32 $0x6;
	s23 =	simm.s32 $0x8;
	s0 =	sand.u32 $0x1, s0  }
0xa: {  	s24 =	simm.s32 $0x0;
	s3 =	sshll.u32 s3, $0x11;
	s7 =	sshll.u32 s0, $0x10  }
0xb: {  	[smem:$0x7FF] =	sst s6;
	s0 =	ssub.s32 $0x2, s0;
	s7 =	sor.u32 s7, s3  }
0xc: {  	_ =	strace $0x80000047;
	s31 =	sshrl.u32 s0, $0x1;
	s10 =	sshrl.u32 s7, $0x1  }
0xd: {  	s0 =	ssub.s32 s0, s31;
	s9 =	sshll.u32 s7, $0x2;
	s8 =	sadd.s32 s1, s10  }
0xe: {  	s10 =	sadd.s32 s2, s10;
	s11 =	sor.u32 $0x8000, s9;
	s12 =	smax.u32 s0, $0x1  }
.LBB2_1:
0xf: {  	[tilespmem:s6], [sflag:$0x1] =	stream.linear.gather [hbm4b:s8+s6], $0x4000, $0x38;
	[tilespmem:$0x14000] =	vst v63  }
0x10: {  	s25 =	simm.s32 $0x0  }
0x11: {  	[tilespmem:s13], [sflag:$0x3] =	stream.linear.gather [hbm4b:s10+s6], $0x4000, $0x38;
	[tilespmem:$0x14000] =	vst v63  }
.LBB2_2:
0x12: {  	s26 =	sshllo.u32 s25, $0x1  }
0x13: {  	s0 =	sshll.u32 s26, $0xE  }
0x14: {  	s0 =	sadd.s32 s9, s0  }
0x15: {  	s0 =	sshrl.u32 s0, $0x3  }
0x16: {  	s3 =	sadd.s32 s1, s0  }
0x17: {  	[tilespmem:s14], [sflag:$0x2] =	stream.linear.gather [hbm4b:s3+s6], $0x4000, $0x38;
	[tilespmem:$0x14000] =	vst v63  }
0x18: {  	s0 =	sadd.s32 s2, s0  }
0x19: {  	[tilespmem:s15], [sflag:$0x4] =	stream.linear.gather [hbm4b:s0+s6], $0x4000, $0x38;
	[tilespmem:$0x14000] =	vst v63  }
0x1a: {  	_ =	swait.ge [sflag:s16], $0x4000  }
0x1b: {  	[sflag:s16] =	ssyncset.done $0x0  }
0x1c: {  	[sflag:s16] =	ssyncadd.s32 $0xFFFFC000  }
0x1d: {  	_ =	swait.ge [sflag:s17], $0x4000  }
0x1e: {  	p0 =	seq.s32 s25, $0x0;
	[sflag:s17] =	ssyncset.done $0x0  }
0x1f: {  	s0 =	simm.s32 @!p0 $0x5;
	[sflag:s17] =	ssyncadd.s32 $0xFFFFC000  }
0x20: {  	_ =	swait.ge @!p0 [sflag:s0], $0x1000  }
0x21: {  	[sflag:s0] =	ssyncset.done @!p0 $0x0  }
0x22: {  	s29 =	simm.s32 $0xFFFFFFF8;
	[sflag:s0] =	ssyncadd.s32 @!p0 $0xFFFFF000;
	s0 =	simm.s32 @!p0 $0x7  }
0x23: {  	s30 =	simm.s32 $0xC0;
	s3 =	sshll.u32 s25, $0xD;
	_ =	swait.ge @!p0 [sflag:s0], $0x1000  }
0x24: {  	s31 =	simm.s32 $0x80C0;
	s28 =	sadd.s32 s7, s3;
	[sflag:s0] =	ssyncset.done @!p0 $0x0  }
0x25: {  	s3 =	simm.s32 $0x10040;
	[sflag:s0] =	ssyncadd.s32 @!p0 $0xFFFFF000;
	s0 =	simm.s32 $0x12040  }
.LBB2_3:
0x26: {  	v0 =	vld [tilespmem:s30+$0xFFFFFF40]  }
0x27: {  	v1 =	vld [tilespmem:s31+$0xFFFFFF40]  }
0x28: {  	v2 =	vld [tilespmem:s30+$0xFFFFFFC0]  }
0x29: {  	v3 =	vld [tilespmem:s31+$0xFFFFFFC0]  }
0x2a: {  	v4 =	vld [tilespmem:s30+$0x40]  }
0x2b: {  	v5 =	vld [tilespmem:s31+$0x40]  }
0x2c: {  	v6 =	vmul.f32 v1, v1  }
0x2d: {  	v7 =	vmul.f32 v0, v0;
	v8 =	vmul.f32 v2, v2  }
0x2e: {  	v9 =	vmul.f32 v3, v3;
	v0 =	vmul.f32 v1, v0  }
0x2f: {  	v49 =	vmul.f32 v3, v2;
	v51 =	vmul.f32 v4, v4;
	v50 =	vadd.f32 v8, v7  }
0x30: {  	v52 =	vmul.f32 v5, v5;
	v53 =	vmul.f32 v5, v4;
	v6 =	vadd.f32 v9, v6  }
0x31: {  	v0 =	vadd.f32 v49, v0;
	v55 =	vmul.f32 $8.333333530e-04, v51;
	v54 =	vmul.f32 $3.333333370e-05, v50  }
0x32: {  	v57 =	vmul.f32 $8.333333530e-04, v52;
	v56 =	vmul.f32 $3.333333370e-05, v6  }
0x33: {  	v58 =	vmul.f32 $8.333333530e-04, v53;
	v0 =	vmul.f32 $3.333333370e-05, v0;
	v1 =	vadd.f32 v55, v54  }
0x34: {  	v59 =	vadd.f32 v57, v56  }
0x35: {  	v0 =	vadd.f32 v58, v0;
	v1 =	vadd.f32 $-1.000000000e+00, v1;
	_ =	sdelay $0x1  }
0x36: {  	v60 =	vmul.f32 v0, v0;
	v1 =	vmul.f32 v59, v1;
	_ =	sdelay $0x1  }
0x37: {  	v1 =	vsub.f32 v60, v1;
	_ =	sdelay $0x1  }
0x38: {  	vm0 =	vgt.f32 v1, $0.0e+00  }
0x39: {  	v1 =	vnsel vm0, $0x3F800000, v1  }
0x3a: {  	v61 =	vshrl.u32 v1, $0x1;
	v62 =	vmul.f32 $5.000000000e-01, v1  }
0x3b: {  	v3 =	vsub.s32 $0x5F3759DF, v61  }
0x3c: {  	v63 =	vmul.f32 v3, v62;
	_ =	sdelay $0x1  }
0x3d: {  	v7 =	vmul.f32 v3, v63;
	_ =	sdelay $0x1  }
0x3e: {  	v7 =	vsub.f32 $1.500000000e+00, v7;
	_ =	sdelay $0x1  }
0x3f: {  	v3 =	vmul.f32 v3, v7;
	_ =	sdelay $0x1  }
0x40: {  	v7 =	vmul.f32 v3, v62;
	_ =	sdelay $0x1  }
0x41: {  	v7 =	vmul.f32 v7, v3;
	_ =	sdelay $0x1  }
0x42: {  	v7 =	vsub.f32 $1.500000000e+00, v7;
	_ =	sdelay $0x1  }
0x43: {  	v3 =	vmul.f32 v7, v3;
	_ =	sdelay $0x1  }
0x44: {  	(erf) = vrcp.f32 v5;
	v6 =	vmul.f32 v3, v62;
	_ =	sdelay $0x1  }
0x45: {  	(erf) = vrcp.f32 v59;
	v6 =	vmul.f32 v6, v3;
	_ =	sdelay $0x1  }
0x46: {  	v9 =	vsub.f32 $1.500000000e+00, v6;
	_ =	sdelay $0x1  }
0x47: {  	v2 =	vmul.f32 v9, v3;
	_ =	sdelay $0x1  }
0x48: {  	v10 =	vsub.f32 $2.000000000e+01, v4;
	v1 =	vmul.f32 v2, v1  }
0x49: {  	vm1 =	vlt.f32 v5, $0.0e+00;
	vm2 =	vgt.f32 v4, $2.000000000e+01;
	v11 =	vpop (erf)  }
0x4a: {  	v12 =	vsub.f32 $-2.000000000e+01, v4;
	v3 =	vmul.f32 v11, v10;
	v0 =	vsub.f32 v1, v0  }
0x4b: {  	vm3 =	vgt.f32 v4, $-2.000000000e+01;
	vm2 =	vmand vm2, vm1;
	v13 =	vpop (erf)  }
0x4c: {  	v2 =	vmul.f32 v11, v12;
	v14 =	vmax.f32 v3, $5.000000070e-02;
	v0 =	vmul.f32 v0, v13  }
0x4d: {  	vm1 =	vmand vm3, vm1;
	v1 =	vnsel vm2, $0x3D4CCCCD, v14  }
0x4e: {  	v2 =	vnsel vm1, $0x447A0000, v2;
	v15 =	vadd.f32 $9.999999970e-07, v1;
	v0 =	vnsel vm0, $0x0, v0  }
0x4f: {  	v0 =	vmin.f32 v2, v0  }
0x50: {  	v0 =	vmax.f32 v0, v15  }
0x51: {  	[tilespmem:s3+$0xFFFFFFC0] =	vst v1;
	v0 =	vmin.f32 v0, $1.000000000e+03  }
0x52: {  	[tilespmem:s0+$0xFFFFFFC0] =	vst v0  }
0x53: {  	v0 =	vld [tilespmem:s30+$0xFFFFFF50]  }
0x54: {  	v1 =	vld [tilespmem:s31+$0xFFFFFF50]  }
0x55: {  	v16 =	vld [tilespmem:s30+$0xFFFFFFD0]  }
0x56: {  	v17 =	vld [tilespmem:s31+$0xFFFFFFD0]  }
0x57: {  	v18 =	vld [tilespmem:s30+$0x50]  }
0x58: {  	v19 =	vld [tilespmem:s31+$0x50]  }
0x59: {  	v20 =	vmul.f32 v1, v1  }
0x5a: {  	v21 =	vmul.f32 v0, v0;
	v22 =	vmul.f32 v16, v16  }
0x5b: {  	v23 =	vmul.f32 v17, v17;
	v0 =	vmul.f32 v1, v0  }
0x5c: {  	v24 =	vmul.f32 v17, v16;
	v26 =	vmul.f32 v18, v18;
	v25 =	vadd.f32 v22, v21  }
0x5d: {  	v27 =	vmul.f32 v19, v19;
	v28 =	vmul.f32 v19, v18;
	v6 =	vadd.f32 v23, v20  }
0x5e: {  	v0 =	vadd.f32 v24, v0;
	v30 =	vmul.f32 $8.333333530e-04, v26;
	v29 =	vmul.f32 $3.333333370e-05, v25  }
0x5f: {  	v32 =	vmul.f32 $8.333333530e-04, v27;
	v31 =	vmul.f32 $3.333333370e-05, v6  }
0x60: {  	v33 =	vmul.f32 $8.333333530e-04, v28;
	v0 =	vmul.f32 $3.333333370e-05, v0;
	v1 =	vadd.f32 v30, v29  }
0x61: {  	v34 =	vadd.f32 v32, v31  }
0x62: {  	v0 =	vadd.f32 v33, v0;
	v1 =	vadd.f32 $-1.000000000e+00, v1;
	_ =	sdelay $0x1  }
0x63: {  	v35 =	vmul.f32 v0, v0;
	v1 =	vmul.f32 v34, v1;
	_ =	sdelay $0x1  }
0x64: {  	v1 =	vsub.f32 v35, v1;
	_ =	sdelay $0x1  }
0x65: {  	vm8 =	vgt.f32 v1, $0.0e+00  }
0x66: {  	v1 =	vnsel vm8, $0x3F800000, v1  }
0x67: {  	v36 =	vshrl.u32 v1, $0x1;
	v37 =	vmul.f32 $5.000000000e-01, v1  }
0x68: {  	v3 =	vsub.s32 $0x5F3759DF, v36  }
0x69: {  	v38 =	vmul.f32 v3, v37;
	_ =	sdelay $0x1  }
0x6a: {  	v7 =	vmul.f32 v3, v38;
	_ =	sdelay $0x1  }
0x6b: {  	v7 =	vsub.f32 $1.500000000e+00, v7;
	_ =	sdelay $0x1  }
0x6c: {  	v3 =	vmul.f32 v3, v7;
	_ =	sdelay $0x1  }
0x6d: {  	v7 =	vmul.f32 v3, v37;
	_ =	sdelay $0x1  }
0x6e: {  	v7 =	vmul.f32 v7, v3;
	_ =	sdelay $0x1  }
0x6f: {  	v7 =	vsub.f32 $1.500000000e+00, v7;
	_ =	sdelay $0x1  }
0x70: {  	v3 =	vmul.f32 v7, v3;
	_ =	sdelay $0x1  }
0x71: {  	(erf) = vrcp.f32 v19;
	v6 =	vmul.f32 v3, v37;
	_ =	sdelay $0x1  }
0x72: {  	(erf) = vrcp.f32 v34;
	v6 =	vmul.f32 v6, v3;
	_ =	sdelay $0x1  }
0x73: {  	v39 =	vsub.f32 $1.500000000e+00, v6;
	_ =	sdelay $0x1  }
0x74: {  	v2 =	vmul.f32 v39, v3;
	_ =	sdelay $0x1  }
0x75: {  	v40 =	vsub.f32 $2.000000000e+01, v18;
	v1 =	vmul.f32 v2, v1  }
0x76: {  	vm9 =	vlt.f32 v19, $0.0e+00;
	vm10 =	vgt.f32 v18, $2.000000000e+01;
	v41 =	vpop (erf)  }
0x77: {  	v42 =	vsub.f32 $-2.000000000e+01, v18;
	v3 =	vmul.f32 v41, v40;
	v0 =	vsub.f32 v1, v0  }
0x78: {  	vm11 =	vgt.f32 v18, $-2.000000000e+01;
	vm2 =	vmand vm10, vm9;
	v43 =	vpop (erf)  }
0x79: {  	v2 =	vmul.f32 v41, v42;
	v44 =	vmax.f32 v3, $5.000000070e-02;
	v0 =	vmul.f32 v0, v43  }
0x7a: {  	vm1 =	vmand vm11, vm9;
	v1 =	vnsel vm2, $0x3D4CCCCD, v44  }
0x7b: {  	v2 =	vnsel vm1, $0x447A0000, v2;
	v45 =	vadd.f32 $9.999999970e-07, v1;
	v0 =	vnsel vm8, $0x0, v0  }
0x7c: {  	v0 =	vmin.f32 v2, v0  }
0x7d: {  	v0 =	vmax.f32 v0, v45  }
0x7e: {  	[tilespmem:s3+$0xFFFFFFD0] =	vst v1;
	v0 =	vmin.f32 v0, $1.000000000e+03  }
0x7f: {  	[tilespmem:s0+$0xFFFFFFD0] =	vst v0  }
0x80: {  	v0 =	vld [tilespmem:s30+$0xFFFFFF60]  }
0x81: {  	v1 =	vld [tilespmem:s31+$0xFFFFFF60]  }
0x82: {  	v46 =	vld [tilespmem:s30+$0xFFFFFFE0]  }
0x83: {  	v47 =	vld [tilespmem:s31+$0xFFFFFFE0]  }
0x84: {  	v48 =	vld [tilespmem:s30+$0x60]  }
0x85: {  	v49 =	vld [tilespmem:s31+$0x60]  }
0x86: {  	v50 =	vmul.f32 v1, v1  }
0x87: {  	v51 =	vmul.f32 v0, v0;
	v52 =	vmul.f32 v46, v46  }
0x88: {  	v53 =	vmul.f32 v47, v47;
	v0 =	vmul.f32 v1, v0  }
0x89: {  	v54 =	vmul.f32 v47, v46;
	v56 =	vmul.f32 v48, v48;
	v55 =	vadd.f32 v52, v51  }
0x8a: {  	v57 =	vmul.f32 v49, v49;
	v58 =	vmul.f32 v49, v48;
	v6 =	vadd.f32 v53, v50  }
0x8b: {  	v0 =	vadd.f32 v54, v0;
	v60 =	vmul.f32 $8.333333530e-04, v56;
	v59 =	vmul.f32 $3.333333370e-05, v55  }
0x8c: {  	v62 =	vmul.f32 $8.333333530e-04, v57;
	v61 =	vmul.f32 $3.333333370e-05, v6  }
0x8d: {  	v63 =	vmul.f32 $8.333333530e-04, v58;
	v0 =	vmul.f32 $3.333333370e-05, v0;
	v1 =	vadd.f32 v60, v59  }
0x8e: {  	v9 =	vadd.f32 v62, v61  }
0x8f: {  	v0 =	vadd.f32 v63, v0;
	v1 =	vadd.f32 $-1.000000000e+00, v1;
	_ =	sdelay $0x1  }
0x90: {  	v10 =	vmul.f32 v0, v0;
	v1 =	vmul.f32 v9, v1;
	_ =	sdelay $0x1  }
0x91: {  	v1 =	vsub.f32 v10, v1;
	_ =	sdelay $0x1  }
0x92: {  	vm12 =	vgt.f32 v1, $0.0e+00  }
0x93: {  	v1 =	vnsel vm12, $0x3F800000, v1  }
0x94: {  	v11 =	vshrl.u32 v1, $0x1;
	v12 =	vmul.f32 $5.000000000e-01, v1  }
0x95: {  	v3 =	vsub.s32 $0x5F3759DF, v11  }
0x96: {  	v13 =	vmul.f32 v3, v12;
	_ =	sdelay $0x1  }
0x97: {  	v7 =	vmul.f32 v3, v13;
	_ =	sdelay $0x1  }
0x98: {  	v7 =	vsub.f32 $1.500000000e+00, v7;
	_ =	sdelay $0x1  }
0x99: {  	v3 =	vmul.f32 v3, v7;
	_ =	sdelay $0x1  }
0x9a: {  	v7 =	vmul.f32 v3, v12;
	_ =	sdelay $0x1  }
0x9b: {  	v7 =	vmul.f32 v7, v3;
	_ =	sdelay $0x1  }
0x9c: {  	v7 =	vsub.f32 $1.500000000e+00, v7;
	_ =	sdelay $0x1  }
0x9d: {  	v3 =	vmul.f32 v7, v3;
	_ =	sdelay $0x1  }
0x9e: {  	(erf) = vrcp.f32 v49;
	v6 =	vmul.f32 v3, v12;
	_ =	sdelay $0x1  }
0x9f: {  	(erf) = vrcp.f32 v9;
	v6 =	vmul.f32 v6, v3;
	_ =	sdelay $0x1  }
0xa0: {  	v14 =	vsub.f32 $1.500000000e+00, v6;
	_ =	sdelay $0x1  }
0xa1: {  	v2 =	vmul.f32 v14, v3;
	_ =	sdelay $0x1  }
0xa2: {  	v15 =	vsub.f32 $2.000000000e+01, v48;
	v1 =	vmul.f32 v2, v1  }
0xa3: {  	vm13 =	vlt.f32 v49, $0.0e+00;
	vm14 =	vgt.f32 v48, $2.000000000e+01;
	v16 =	vpop (erf)  }
0xa4: {  	v17 =	vsub.f32 $-2.000000000e+01, v48;
	v3 =	vmul.f32 v16, v15;
	v0 =	vsub.f32 v1, v0  }
0xa5: {  	vm15 =	vgt.f32 v48, $-2.000000000e+01;
	vm2 =	vmand vm14, vm13;
	v18 =	vpop (erf)  }
0xa6: {  	v2 =	vmul.f32 v16, v17;
	v19 =	vmax.f32 v3, $5.000000070e-02;
	v0 =	vmul.f32 v0, v18  }
0xa7: {  	vm1 =	vmand vm15, vm13;
	v1 =	vnsel vm2, $0x3D4CCCCD, v19  }
0xa8: {  	v2 =	vnsel vm1, $0x447A0000, v2;
	v20 =	vadd.f32 $9.999999970e-07, v1;
	v0 =	vnsel vm12, $0x0, v0  }
0xa9: {  	v0 =	vmin.f32 v2, v0  }
0xaa: {  	v0 =	vmax.f32 v0, v20  }
0xab: {  	[tilespmem:s3+$0xFFFFFFE0] =	vst v1;
	v0 =	vmin.f32 v0, $1.000000000e+03  }
0xac: {  	[tilespmem:s0+$0xFFFFFFE0] =	vst v0  }
0xad: {  	v0 =	vld [tilespmem:s30+$0xFFFFFF70]  }
0xae: {  	v1 =	vld [tilespmem:s31+$0xFFFFFF70]  }
0xaf: {  	v21 =	vld [tilespmem:s30+$0xFFFFFFF0]  }
0xb0: {  	v22 =	vld [tilespmem:s31+$0xFFFFFFF0]  }
0xb1: {  	v23 =	vld [tilespmem:s30+$0x70]  }
0xb2: {  	v24 =	vld [tilespmem:s31+$0x70]  }
0xb3: {  	v25 =	vmul.f32 v1, v1  }
0xb4: {  	v26 =	vmul.f32 v0, v0;
	v27 =	vmul.f32 v21, v21  }
0xb5: {  	v28 =	vmul.f32 v22, v22;
	v0 =	vmul.f32 v1, v0  }
0xb6: {  	v29 =	vmul.f32 v22, v21;
	v31 =	vmul.f32 v23, v23;
	v30 =	vadd.f32 v27, v26  }
0xb7: {  	v32 =	vmul.f32 v24, v24;
	v33 =	vmul.f32 v24, v23;
	v6 =	vadd.f32 v28, v25  }
0xb8: {  	v0 =	vadd.f32 v29, v0;
	v35 =	vmul.f32 $8.333333530e-04, v31;
	v34 =	vmul.f32 $3.333333370e-05, v30  }
0xb9: {  	v37 =	vmul.f32 $8.333333530e-04, v32;
	v36 =	vmul.f32 $3.333333370e-05, v6  }
0xba: {  	v38 =	vmul.f32 $8.333333530e-04, v33;
	v0 =	vmul.f32 $3.333333370e-05, v0;
	v1 =	vadd.f32 v35, v34  }
0xbb: {  	v39 =	vadd.f32 v37, v36  }
0xbc: {  	v0 =	vadd.f32 v38, v0;
	v1 =	vadd.f32 $-1.000000000e+00, v1;
	_ =	sdelay $0x1  }
0xbd: {  	v40 =	vmul.f32 v0, v0;
	v1 =	vmul.f32 v39, v1;
	_ =	sdelay $0x1  }
0xbe: {  	v1 =	vsub.f32 v40, v1;
	_ =	sdelay $0x1  }
0xbf: {  	vm6 =	vgt.f32 v1, $0.0e+00  }
0xc0: {  	v1 =	vnsel vm6, $0x3F800000, v1  }
0xc1: {  	v41 =	vshrl.u32 v1, $0x1;
	v42 =	vmul.f32 $5.000000000e-01, v1  }
0xc2: {  	v3 =	vsub.s32 $0x5F3759DF, v41  }
0xc3: {  	v43 =	vmul.f32 v3, v42;
	_ =	sdelay $0x1  }
0xc4: {  	v7 =	vmul.f32 v3, v43;
	_ =	sdelay $0x1  }
0xc5: {  	v7 =	vsub.f32 $1.500000000e+00, v7;
	_ =	sdelay $0x1  }
0xc6: {  	v3 =	vmul.f32 v3, v7;
	_ =	sdelay $0x1  }
0xc7: {  	v7 =	vmul.f32 v3, v42;
	_ =	sdelay $0x1  }
0xc8: {  	v7 =	vmul.f32 v7, v3;
	_ =	sdelay $0x1  }
0xc9: {  	v7 =	vsub.f32 $1.500000000e+00, v7;
	_ =	sdelay $0x1  }
0xca: {  	v3 =	vmul.f32 v7, v3;
	_ =	sdelay $0x1  }
0xcb: {  	(erf) = vrcp.f32 v24;
	v6 =	vmul.f32 v3, v42;
	_ =	sdelay $0x1  }
0xcc: {  	(erf) = vrcp.f32 v39;
	v6 =	vmul.f32 v6, v3;
	_ =	sdelay $0x1  }
0xcd: {  	v44 =	vsub.f32 $1.500000000e+00, v6;
	_ =	sdelay $0x1  }
0xce: {  	v2 =	vmul.f32 v44, v3;
	_ =	sdelay $0x1  }
0xcf: {  	v45 =	vsub.f32 $2.000000000e+01, v23;
	v1 =	vmul.f32 v2, v1  }
0xd0: {  	vm7 =	vlt.f32 v24, $0.0e+00;
	vm8 =	vgt.f32 v23, $2.000000000e+01;
	v46 =	vpop (erf)  }
0xd1: {  	v47 =	vsub.f32 $-2.000000000e+01, v23;
	v3 =	vmul.f32 v46, v45;
	v0 =	vsub.f32 v1, v0  }
0xd2: {  	vm9 =	vgt.f32 v23, $-2.000000000e+01;
	vm2 =	vmand vm8, vm7;
	v48 =	vpop (erf)  }
0xd3: {  	v2 =	vmul.f32 v46, v47;
	v49 =	vmax.f32 v3, $5.000000070e-02;
	v0 =	vmul.f32 v0, v48  }
0xd4: {  	vm1 =	vmand vm9, vm7;
	v1 =	vnsel vm2, $0x3D4CCCCD, v49  }
0xd5: {  	v2 =	vnsel vm1, $0x447A0000, v2;
	v50 =	vadd.f32 $9.999999970e-07, v1;
	v0 =	vnsel vm6, $0x0, v0  }
0xd6: {  	v0 =	vmin.f32 v2, v0  }
0xd7: {  	v0 =	vmax.f32 v0, v50  }
0xd8: {  	[tilespmem:s3+$0xFFFFFFF0] =	vst v1;
	v0 =	vmin.f32 v0, $1.000000000e+03  }
0xd9: {  	[tilespmem:s0+$0xFFFFFFF0] =	vst v0  }
0xda: {  	v0 =	vld [tilespmem:s30+$0xFFFFFF80]  }
0xdb: {  	v1 =	vld [tilespmem:s31+$0xFFFFFF80]  }
0xdc: {  	v51 =	vld [tilespmem:s30+$0x0]  }
0xdd: {  	v52 =	vld [tilespmem:s31+$0x0]  }
0xde: {  	v53 =	vld [tilespmem:s30+$0x80]  }
0xdf: {  	v54 =	vld [tilespmem:s31+$0x80]  }
0xe0: {  	v55 =	vmul.f32 v1, v1  }
0xe1: {  	v56 =	vmul.f32 v0, v0;
	v57 =	vmul.f32 v51, v51  }
0xe2: {  	v58 =	vmul.f32 v52, v52;
	v0 =	vmul.f32 v1, v0  }
0xe3: {  	v59 =	vmul.f32 v52, v51;
	v61 =	vmul.f32 v53, v53;
	v60 =	vadd.f32 v57, v56  }
0xe4: {  	v62 =	vmul.f32 v54, v54;
	v63 =	vmul.f32 v54, v53;
	v6 =	vadd.f32 v58, v55  }
0xe5: {  	v0 =	vadd.f32 v59, v0;
	v10 =	vmul.f32 $8.333333530e-04, v61;
	v9 =	vmul.f32 $3.333333370e-05, v60  }
0xe6: {  	v12 =	vmul.f32 $8.333333530e-04, v62;
	v11 =	vmul.f32 $3.333333370e-05, v6  }
0xe7: {  	v13 =	vmul.f32 $8.333333530e-04, v63;
	v0 =	vmul.f32 $3.333333370e-05, v0;
	v1 =	vadd.f32 v10, v9  }
0xe8: {  	v14 =	vadd.f32 v12, v11  }
0xe9: {  	v0 =	vadd.f32 v13, v0;
	v1 =	vadd.f32 $-1.000000000e+00, v1;
	_ =	sdelay $0x1  }
0xea: {  	v15 =	vmul.f32 v0, v0;
	v1 =	vmul.f32 v14, v1;
	_ =	sdelay $0x1  }
0xeb: {  	v1 =	vsub.f32 v15, v1;
	_ =	sdelay $0x1  }
0xec: {  	vm10 =	vgt.f32 v1, $0.0e+00  }
0xed: {  	v1 =	vnsel vm10, $0x3F800000, v1  }
0xee: {  	v16 =	vshrl.u32 v1, $0x1;
	v17 =	vmul.f32 $5.000000000e-01, v1  }
0xef: {  	v3 =	vsub.s32 $0x5F3759DF, v16  }
0xf0: {  	v18 =	vmul.f32 v3, v17;
	_ =	sdelay $0x1  }
0xf1: {  	v7 =	vmul.f32 v3, v18;
	_ =	sdelay $0x1  }
0xf2: {  	v7 =	vsub.f32 $1.500000000e+00, v7;
	_ =	sdelay $0x1  }
0xf3: {  	v3 =	vmul.f32 v3, v7;
	_ =	sdelay $0x1  }
0xf4: {  	v7 =	vmul.f32 v3, v17;
	_ =	sdelay $0x1  }
0xf5: {  	v7 =	vmul.f32 v7, v3;
	_ =	sdelay $0x1  }
0xf6: {  	v7 =	vsub.f32 $1.500000000e+00, v7;
	_ =	sdelay $0x1  }
0xf7: {  	v3 =	vmul.f32 v7, v3;
	_ =	sdelay $0x1  }
0xf8: {  	(erf) = vrcp.f32 v54;
	v6 =	vmul.f32 v3, v17;
	_ =	sdelay $0x1  }
0xf9: {  	(erf) = vrcp.f32 v14;
	v6 =	vmul.f32 v6, v3;
	_ =	sdelay $0x1  }
0xfa: {  	v19 =	vsub.f32 $1.500000000e+00, v6;
	_ =	sdelay $0x1  }
0xfb: {  	v2 =	vmul.f32 v19, v3;
	_ =	sdelay $0x1  }
0xfc: {  	v20 =	vsub.f32 $2.000000000e+01, v53;
	v1 =	vmul.f32 v2, v1  }
0xfd: {  	vm11 =	vlt.f32 v54, $0.0e+00;
	vm12 =	vgt.f32 v53, $2.000000000e+01;
	v21 =	vpop (erf)  }
0xfe: {  	v22 =	vsub.f32 $-2.000000000e+01, v53;
	v3 =	vmul.f32 v21, v20;
	v0 =	vsub.f32 v1, v0  }
0xff: {  	vm13 =	vgt.f32 v53, $-2.000000000e+01;
	vm2 =	vmand vm12, vm11;
	v23 =	vpop (erf)  }
0x100: {  	v2 =	vmul.f32 v21, v22;
	v24 =	vmax.f32 v3, $5.000000070e-02;
	v0 =	vmul.f32 v0, v23  }
0x101: {  	vm1 =	vmand vm13, vm11;
	v1 =	vnsel vm2, $0x3D4CCCCD, v24  }
0x102: {  	v2 =	vnsel vm1, $0x447A0000, v2;
	v25 =	vadd.f32 $9.999999970e-07, v1;
	v0 =	vnsel vm10, $0x0, v0  }
0x103: {  	v0 =	vmin.f32 v2, v0  }
0x104: {  	v0 =	vmax.f32 v0, v25  }
0x105: {  	[tilespmem:s3+$0x0] =	vst v1;
	v0 =	vmin.f32 v0, $1.000000000e+03  }
0x106: {  	[tilespmem:s0+$0x0] =	vst v0  }
0x107: {  	v0 =	vld [tilespmem:s30+$0xFFFFFF90]  }
0x108: {  	v1 =	vld [tilespmem:s31+$0xFFFFFF90]  }
0x109: {  	v26 =	vld [tilespmem:s30+$0x10]  }
0x10a: {  	v27 =	vld [tilespmem:s31+$0x10]  }
0x10b: {  	v28 =	vld [tilespmem:s30+$0x90]  }
0x10c: {  	v29 =	vld [tilespmem:s31+$0x90]  }
0x10d: {  	v30 =	vmul.f32 v1, v1  }
0x10e: {  	v31 =	vmul.f32 v0, v0;
	v32 =	vmul.f32 v26, v26  }
0x10f: {  	v33 =	vmul.f32 v27, v27;
	v0 =	vmul.f32 v1, v0  }
0x110: {  	v34 =	vmul.f32 v27, v26;
	v36 =	vmul.f32 v28, v28;
	v35 =	vadd.f32 v32, v31  }
0x111: {  	v37 =	vmul.f32 v29, v29;
	v38 =	vmul.f32 v29, v28;
	v6 =	vadd.f32 v33, v30  }
0x112: {  	v0 =	vadd.f32 v34, v0;
	v40 =	vmul.f32 $8.333333530e-04, v36;
	v39 =	vmul.f32 $3.333333370e-05, v35  }
0x113: {  	v42 =	vmul.f32 $8.333333530e-04, v37;
	v41 =	vmul.f32 $3.333333370e-05, v6  }
0x114: {  	v43 =	vmul.f32 $8.333333530e-04, v38;
	v0 =	vmul.f32 $3.333333370e-05, v0;
	v1 =	vadd.f32 v40, v39  }
0x115: {  	v44 =	vadd.f32 v42, v41  }
0x116: {  	v0 =	vadd.f32 v43, v0;
	v1 =	vadd.f32 $-1.000000000e+00, v1;
	_ =	sdelay $0x1  }
0x117: {  	v45 =	vmul.f32 v0, v0;
	v1 =	vmul.f32 v44, v1;
	_ =	sdelay $0x1  }
0x118: {  	v1 =	vsub.f32 v45, v1;
	_ =	sdelay $0x1  }
0x119: {  	vm14 =	vgt.f32 v1, $0.0e+00  }
0x11a: {  	v1 =	vnsel vm14, $0x3F800000, v1  }
0x11b: {  	v46 =	vshrl.u32 v1, $0x1;
	v47 =	vmul.f32 $5.000000000e-01, v1  }
0x11c: {  	v3 =	vsub.s32 $0x5F3759DF, v46  }
0x11d: {  	v48 =	vmul.f32 v3, v47;
	_ =	sdelay $0x1  }
0x11e: {  	v7 =	vmul.f32 v3, v48;
	_ =	sdelay $0x1  }
0x11f: {  	v7 =	vsub.f32 $1.500000000e+00, v7;
	_ =	sdelay $0x1  }
0x120: {  	v3 =	vmul.f32 v3, v7;
	_ =	sdelay $0x1  }
0x121: {  	v7 =	vmul.f32 v3, v47;
	_ =	sdelay $0x1  }
0x122: {  	v7 =	vmul.f32 v7, v3;
	_ =	sdelay $0x1  }
0x123: {  	v7 =	vsub.f32 $1.500000000e+00, v7;
	_ =	sdelay $0x1  }
0x124: {  	v3 =	vmul.f32 v7, v3;
	_ =	sdelay $0x1  }
0x125: {  	(erf) = vrcp.f32 v29;
	v6 =	vmul.f32 v3, v47;
	_ =	sdelay $0x1  }
0x126: {  	(erf) = vrcp.f32 v44;
	v6 =	vmul.f32 v6, v3;
	_ =	sdelay $0x1  }
0x127: {  	v49 =	vsub.f32 $1.500000000e+00, v6;
	_ =	sdelay $0x1  }
0x128: {  	v2 =	vmul.f32 v49, v3;
	_ =	sdelay $0x1  }
0x129: {  	v50 =	vsub.f32 $2.000000000e+01, v28;
	v1 =	vmul.f32 v2, v1  }
0x12a: {  	vm15 =	vlt.f32 v29, $0.0e+00;
	vm6 =	vgt.f32 v28, $2.000000000e+01;
	v51 =	vpop (erf)  }
0x12b: {  	v52 =	vsub.f32 $-2.000000000e+01, v28;
	v3 =	vmul.f32 v51, v50;
	v0 =	vsub.f32 v1, v0  }
0x12c: {  	vm7 =	vgt.f32 v28, $-2.000000000e+01;
	vm2 =	vmand vm6, vm15;
	v53 =	vpop (erf)  }
0x12d: {  	v2 =	vmul.f32 v51, v52;
	v54 =	vmax.f32 v3, $5.000000070e-02;
	v0 =	vmul.f32 v0, v53  }
0x12e: {  	vm1 =	vmand vm7, vm15;
	v1 =	vnsel vm2, $0x3D4CCCCD, v54  }
0x12f: {  	v2 =	vnsel vm1, $0x447A0000, v2;
	v55 =	vadd.f32 $9.999999970e-07, v1;
	v0 =	vnsel vm14, $0x0, v0  }
0x130: {  	v0 =	vmin.f32 v2, v0  }
0x131: {  	v0 =	vmax.f32 v0, v55  }
0x132: {  	[tilespmem:s3+$0x10] =	vst v1;
	v0 =	vmin.f32 v0, $1.000000000e+03  }
0x133: {  	[tilespmem:s0+$0x10] =	vst v0  }
0x134: {  	v0 =	vld [tilespmem:s30+$0xFFFFFFA0]  }
0x135: {  	v1 =	vld [tilespmem:s31+$0xFFFFFFA0]  }
0x136: {  	v56 =	vld [tilespmem:s30+$0x20]  }
0x137: {  	v57 =	vld [tilespmem:s31+$0x20]  }
0x138: {  	v58 =	vld [tilespmem:s30+$0xA0]  }
0x139: {  	v59 =	vld [tilespmem:s31+$0xA0]  }
0x13a: {  	v60 =	vmul.f32 v1, v1  }
0x13b: {  	v61 =	vmul.f32 v0, v0;
	v62 =	vmul.f32 v56, v56  }
0x13c: {  	v63 =	vmul.f32 v57, v57;
	v0 =	vmul.f32 v1, v0  }
0x13d: {  	v12 =	vmul.f32 v57, v56;
	v14 =	vmul.f32 v58, v58;
	v13 =	vadd.f32 v62, v61  }
0x13e: {  	v15 =	vmul.f32 v59, v59;
	v16 =	vmul.f32 v59, v58;
	v6 =	vadd.f32 v63, v60  }
0x13f: {  	v0 =	vadd.f32 v12, v0;
	v18 =	vmul.f32 $8.333333530e-04, v14;
	v17 =	vmul.f32 $3.333333370e-05, v13  }
0x140: {  	v20 =	vmul.f32 $8.333333530e-04, v15;
	v19 =	vmul.f32 $3.333333370e-05, v6  }
0x141: {  	v21 =	vmul.f32 $8.333333530e-04, v16;
	v0 =	vmul.f32 $3.333333370e-05, v0;
	v1 =	vadd.f32 v18, v17  }
0x142: {  	v22 =	vadd.f32 v20, v19  }
0x143: {  	v0 =	vadd.f32 v21, v0;
	v1 =	vadd.f32 $-1.000000000e+00, v1;
	_ =	sdelay $0x1  }
0x144: {  	v23 =	vmul.f32 v0, v0;
	v1 =	vmul.f32 v22, v1;
	_ =	sdelay $0x1  }
0x145: {  	v1 =	vsub.f32 v23, v1;
	_ =	sdelay $0x1  }
0x146: {  	vm8 =	vgt.f32 v1, $0.0e+00  }
0x147: {  	v1 =	vnsel vm8, $0x3F800000, v1  }
0x148: {  	v24 =	vshrl.u32 v1, $0x1;
	v25 =	vmul.f32 $5.000000000e-01, v1  }
0x149: {  	v3 =	vsub.s32 $0x5F3759DF, v24  }
0x14a: {  	v26 =	vmul.f32 v3, v25;
	_ =	sdelay $0x1  }
0x14b: {  	v7 =	vmul.f32 v3, v26;
	_ =	sdelay $0x1  }
0x14c: {  	v7 =	vsub.f32 $1.500000000e+00, v7;
	_ =	sdelay $0x1  }
0x14d: {  	v3 =	vmul.f32 v3, v7;
	_ =	sdelay $0x1  }
0x14e: {  	v7 =	vmul.f32 v3, v25;
	_ =	sdelay $0x1  }
0x14f: {  	v7 =	vmul.f32 v7, v3;
	_ =	sdelay $0x1  }
0x150: {  	v7 =	vsub.f32 $1.500000000e+00, v7;
	_ =	sdelay $0x1  }
0x151: {  	v3 =	vmul.f32 v7, v3;
	_ =	sdelay $0x1  }
0x152: {  	(erf) = vrcp.f32 v59;
	v6 =	vmul.f32 v3, v25;
	_ =	sdelay $0x1  }
0x153: {  	(erf) = vrcp.f32 v22;
	v6 =	vmul.f32 v6, v3;
	_ =	sdelay $0x1  }
0x154: {  	v27 =	vsub.f32 $1.500000000e+00, v6;
	_ =	sdelay $0x1  }
0x155: {  	v2 =	vmul.f32 v27, v3;
	_ =	sdelay $0x1  }
0x156: {  	v28 =	vsub.f32 $2.000000000e+01, v58;
	v1 =	vmul.f32 v2, v1  }
0x157: {  	vm9 =	vlt.f32 v59, $0.0e+00;
	vm10 =	vgt.f32 v58, $2.000000000e+01;
	v29 =	vpop (erf)  }
0x158: {  	v30 =	vsub.f32 $-2.000000000e+01, v58;
	v3 =	vmul.f32 v29, v28;
	v0 =	vsub.f32 v1, v0  }
0x159: {  	vm11 =	vgt.f32 v58, $-2.000000000e+01;
	vm2 =	vmand vm10, vm9;
	v31 =	vpop (erf)  }
0x15a: {  	v2 =	vmul.f32 v29, v30;
	v32 =	vmax.f32 v3, $5.000000070e-02;
	v0 =	vmul.f32 v0, v31  }
0x15b: {  	vm1 =	vmand vm11, vm9;
	v1 =	vnsel vm2, $0x3D4CCCCD, v32  }
0x15c: {  	v2 =	vnsel vm1, $0x447A0000, v2;
	v33 =	vadd.f32 $9.999999970e-07, v1;
	v0 =	vnsel vm8, $0x0, v0  }
0x15d: {  	v0 =	vmin.f32 v2, v0  }
0x15e: {  	v0 =	vmax.f32 v0, v33  }
0x15f: {  	[tilespmem:s3+$0x20] =	vst v1;
	v0 =	vmin.f32 v0, $1.000000000e+03  }
0x160: {  	[tilespmem:s0+$0x20] =	vst v0  }
0x161: {  	v0 =	vld [tilespmem:s30+$0xFFFFFFB0]  }
0x162: {  	v1 =	vld [tilespmem:s31+$0xFFFFFFB0]  }
0x163: {  	v34 =	vld [tilespmem:s30+$0x30]  }
0x164: {  	v35 =	vld [tilespmem:s31+$0x30]  }
0x165: {  	v36 =	vld [tilespmem:s30+$0xB0]  }
0x166: {  	v37 =	vld [tilespmem:s31+$0xB0]  }
0x167: {  	v38 =	vmul.f32 v1, v1  }
0x168: {  	v39 =	vmul.f32 v0, v0;
	v40 =	vmul.f32 v34, v34  }
0x169: {  	v41 =	vmul.f32 v35, v35;
	v0 =	vmul.f32 v1, v0  }
0x16a: {  	v42 =	vmul.f32 v35, v34;
	v44 =	vmul.f32 v36, v36;
	v43 =	vadd.f32 v40, v39  }
0x16b: {  	v45 =	vmul.f32 v37, v37;
	v46 =	vmul.f32 v37, v36;
	v6 =	vadd.f32 v41, v38  }
0x16c: {  	v0 =	vadd.f32 v42, v0;
	v48 =	vmul.f32 $8.333333530e-04, v44;
	v47 =	vmul.f32 $3.333333370e-05, v43  }
0x16d: {  	v50 =	vmul.f32 $8.333333530e-04, v45;
	v49 =	vmul.f32 $3.333333370e-05, v6  }
0x16e: {  	v51 =	vmul.f32 $8.333333530e-04, v46;
	v0 =	vmul.f32 $3.333333370e-05, v0;
	v1 =	vadd.f32 v48, v47  }
0x16f: {  	v52 =	vadd.f32 v50, v49  }
0x170: {  	v0 =	vadd.f32 v51, v0;
	v1 =	vadd.f32 $-1.000000000e+00, v1;
	_ =	sdelay $0x1  }
0x171: {  	v53 =	vmul.f32 v0, v0;
	v1 =	vmul.f32 v52, v1;
	_ =	sdelay $0x1  }
0x172: {  	v1 =	vsub.f32 v53, v1;
	_ =	sdelay $0x1  }
0x173: {  	vm12 =	vgt.f32 v1, $0.0e+00  }
0x174: {  	v1 =	vnsel vm12, $0x3F800000, v1  }
0x175: {  	v54 =	vshrl.u32 v1, $0x1;
	v55 =	vmul.f32 $5.000000000e-01, v1  }
0x176: {  	v3 =	vsub.s32 $0x5F3759DF, v54  }
0x177: {  	v56 =	vmul.f32 v3, v55;
	_ =	sdelay $0x1  }
0x178: {  	v7 =	vmul.f32 v3, v56;
	_ =	sdelay $0x1  }
0x179: {  	v7 =	vsub.f32 $1.500000000e+00, v7;
	_ =	sdelay $0x1  }
0x17a: {  	v3 =	vmul.f32 v3, v7;
	_ =	sdelay $0x1  }
0x17b: {  	v7 =	vmul.f32 v3, v55;
	_ =	sdelay $0x1  }
0x17c: {  	v7 =	vmul.f32 v7, v3;
	_ =	sdelay $0x1  }
0x17d: {  	v7 =	vsub.f32 $1.500000000e+00, v7;
	_ =	sdelay $0x1  }
0x17e: {  	v3 =	vmul.f32 v7, v3;
	_ =	sdelay $0x1  }
0x17f: {  	(erf) = vrcp.f32 v37;
	v6 =	vmul.f32 v3, v55;
	_ =	sdelay $0x1  }
0x180: {  	(erf) = vrcp.f32 v52;
	v6 =	vmul.f32 v6, v3;
	_ =	sdelay $0x1  }
0x181: {  	v57 =	vsub.f32 $1.500000000e+00, v6;
	_ =	sdelay $0x1  }
0x182: {  	v2 =	vmul.f32 v57, v3;
	_ =	sdelay $0x1  }
0x183: {  	v58 =	vsub.f32 $2.000000000e+01, v36;
	v1 =	vmul.f32 v2, v1  }
0x184: {  	vm13 =	vlt.f32 v37, $0.0e+00;
	vm14 =	vgt.f32 v36, $2.000000000e+01;
	v59 =	vpop (erf)  }
0x185: {  	v60 =	vsub.f32 $-2.000000000e+01, v36;
	v3 =	vmul.f32 v59, v58;
	v0 =	vsub.f32 v1, v0  }
0x186: {  	vm15 =	vgt.f32 v36, $-2.000000000e+01;
	vm2 =	vmand vm14, vm13;
	v61 =	vpop (erf)  }
0x187: {  	s29 =	sadd.s32 $0x8, s29;
	v2 =	vmul.f32 v59, v60;
	v62 =	vmax.f32 v3, $5.000000070e-02;
	v0 =	vmul.f32 v0, v61  }
0x188: {  	p1 =	slt.u32 s29, $0xF8;
	vm1 =	vmand vm15, vm13;
	v1 =	vnsel vm2, $0x3D4CCCCD, v62  }
.Ltmp0:
0x189: {  	v2 =	vnsel vm1, $0x447A0000, v2;
	v63 =	vadd.f32 $9.999999970e-07, v1;
	v0 =	vnsel vm12, $0x0, v0;
	(pc) =	sbr.rel @p1 .LBB2_3-.Ltmp0, $4  }
0x18a: {  	v0 =	vmin.f32 v2, v0  }
0x18b: {  	v0 =	vmax.f32 v0, v63  }
0x18c: {  	s30 =	sadd.s32 $0x200, s30;
	[tilespmem:s3+$0x30] =	vst v1;
	v0 =	vmin.f32 v0, $1.000000000e+03  }
0x18d: {  	s31 =	sadd.s32 $0x200, s31;
	s3 =	sadd.s32 $0x100, s3;
	[tilespmem:s0+$0x30] =	vst v0;
	s0 =	sadd.s32 $0x100, s0  }
0x18e: {  	s0 =	sshrl.u32 s28, $0x3  }
0x18f: {  	s28 =	simm.s32 $0x10000;
	s3 =	sadd.s32 s4, s0  }
0x190: {  	s29 =	simm.s32 $0x10;
	s30 =	simm.s32 $0x10100;
	s31 =	sadd.s32 $0x0, s3  }
.LBB2_5:
0x191: {  	[hbm4b:s31+s6] =	stream.linear.scatter [tilespmem:s28], [sflag:$0x5], $0x80, $0x38;
	[tilespmem:$0x14000] =	vst v63  }
0x192: {  	s31 =	smov.u32 s29;
	s28 =	smov.u32 s30;
	p1 =	sne.s32 s29, $0x1F0  }
.Ltmp1:
0x193: {  	s29 =	sadd.s32 $0x10, s29;
	(pc) =	sbr.rel @p1 .LBB2_5-.Ltmp1, $2  }
0x194: {  	_ =	sdelay $0x2  }
0x195: {  	s30 =	sadd.s32 $0x100, s30;
	s31 =	sadd.s32 s31, s3  }
0x196: {  	[hbm4b:s31+s6] =	stream.linear.scatter [tilespmem:s28], [sflag:$0x5], $0x80, $0x38;
	[tilespmem:$0x14000] =	vst v63  }
0x197: {  	s0 =	sadd.s32 s5, s0;
	s3 =	simm.s32 $0x12000  }
0x198: {  	s28 =	simm.s32 $0x10;
	s29 =	simm.s32 $0x12100;
	s30 =	sadd.s32 $0x0, s0  }
.LBB2_7:
0x199: {  	[hbm4b:s30+s6] =	stream.linear.scatter [tilespmem:s3], [sflag:$0x7], $0x80, $0x38;
	[tilespmem:$0x14000] =	vst v63  }
0x19a: {  	s30 =	smov.u32 s28;
	s3 =	smov.u32 s29;
	p1 =	sne.s32 s28, $0x1F0  }
.Ltmp2:
0x19b: {  	s28 =	sadd.s32 $0x10, s28;
	(pc) =	sbr.rel @p1 .LBB2_7-.Ltmp2, $2  }
0x19c: {  	_ =	sdelay $0x2  }
0x19d: {  	s29 =	sadd.s32 $0x100, s29;
	s30 =	sadd.s32 s30, s0  }
0x19e: {  	[hbm4b:s30+s6] =	stream.linear.scatter [tilespmem:s3], [sflag:$0x7], $0x80, $0x38;
	[tilespmem:$0x14000] =	vst v63  }
0x19f: {  	p1 =	seq.s32 s25, $0x7  }
0x1a0: {  	s0 =	sshll.u32 @!p1 s25, $0xF  }
0x1a1: {  	s0 =	sadd.s32 @!p1 s0, s11  }
0x1a2: {  	s0 =	sshrl.u32 @!p1 s0, $0x3  }
0x1a3: {  	s28 =	simm.s32 @!p1 $0x0;
	s3 =	sadd.s32 @!p1 s1, s0  }
0x1a4: {  	[tilespmem:s28], [sflag:$0x1] =	stream.linear.gather @!p1 [hbm4b:s3+s28], $0x4000, $0x38;
	[tilespmem:$0x14000] =	vst v63  }
0x1a5: {  	s0 =	sadd.s32 @!p1 s2, s0;
	s3 =	simm.s32 @!p1 $0x8000  }
0x1a6: {  	[tilespmem:s3], [sflag:$0x3] =	stream.linear.gather @!p1 [hbm4b:s0+s28], $0x4000, $0x38;
	[tilespmem:$0x14000] =	vst v63  }
0x1a7: {  	_ =	swait.ge [sflag:s18], $0x4000  }
0x1a8: {  	[sflag:s18] =	ssyncset.done $0x0  }
0x1a9: {  	[sflag:s18] =	ssyncadd.s32 $0xFFFFC000  }
0x1aa: {  	_ =	swait.ge [sflag:s19], $0x4000  }
0x1ab: {  	[sflag:s19] =	ssyncset.done $0x0  }
0x1ac: {  	s0 =	simm.s32 @!p0 $0x6;
	[sflag:s19] =	ssyncadd.s32 $0xFFFFC000  }
0x1ad: {  	_ =	swait.ge @!p0 [sflag:s0], $0x1000  }
0x1ae: {  	[sflag:s0] =	ssyncset.done @!p0 $0x0  }
0x1af: {  	[sflag:s0] =	ssyncadd.s32 @!p0 $0xFFFFF000;
	s0 =	simm.s32 @!p0 $0x8  }
0x1b0: {  	s31 =	sshll.u32 s26, $0xC;
	s29 =	simm.s32 $0x0;
	_ =	swait.ge @!p0 [sflag:s0], $0x1000  }
0x1b1: {  	s26 =	sadd.s32 s7, s31;
	s28 =	simm.s32 $0xFFFFFFF8;
	[sflag:s0] =	ssyncset.done @!p0 $0x0  }
0x1b2: {  	s3 =	simm.s32 $0x120F0;
	[sflag:s0] =	ssyncadd.s32 @!p0 $0xFFFFF000;
	s0 =	simm.s32 $0x100F0  }
.LBB2_9:
0x1b3: {  	s30 =	sshra.s32 s29, $0x2  }
0x1b4: {  	v0 =	vld [tilespmem:s30+$0x4000]  }
0x1b5: {  	v1 =	vld [tilespmem:s30+$0xC000]  }
0x1b6: {  	v2 =	vld [tilespmem:s30+$0x4080]  }
0x1b7: {  	v3 =	vld [tilespmem:s30+$0xC080]  }
0x1b8: {  	v4 =	vld [tilespmem:s30+$0x4100]  }
0x1b9: {  	v5 =	vld [tilespmem:s30+$0xC100]  }
0x1ba: {  	v6 =	vmul.f32 v1, v1  }
0x1bb: {  	v7 =	vmul.f32 v0, v0;
	v8 =	vmul.f32 v2, v2  }
0x1bc: {  	v9 =	vmul.f32 v3, v3;
	v0 =	vmul.f32 v1, v0  }
0x1bd: {  	v49 =	vmul.f32 v3, v2;
	v51 =	vmul.f32 v4, v4;
	v50 =	vadd.f32 v8, v7  }
0x1be: {  	v52 =	vmul.f32 v5, v5;
	v53 =	vmul.f32 v5, v4;
	v6 =	vadd.f32 v9, v6  }
0x1bf: {  	v0 =	vadd.f32 v49, v0;
	v55 =	vmul.f32 $8.333333530e-04, v51;
	v54 =	vmul.f32 $3.333333370e-05, v50  }
0x1c0: {  	v57 =	vmul.f32 $8.333333530e-04, v52;
	v56 =	vmul.f32 $3.333333370e-05, v6  }
0x1c1: {  	v58 =	vmul.f32 $8.333333530e-04, v53;
	v0 =	vmul.f32 $3.333333370e-05, v0;
	v1 =	vadd.f32 v55, v54  }
0x1c2: {  	v59 =	vadd.f32 v57, v56  }
0x1c3: {  	v0 =	vadd.f32 v58, v0;
	v1 =	vadd.f32 $-1.000000000e+00, v1;
	_ =	sdelay $0x1  }
0x1c4: {  	v60 =	vmul.f32 v0, v0;
	v1 =	vmul.f32 v59, v1;
	_ =	sdelay $0x1  }
0x1c5: {  	v1 =	vsub.f32 v60, v1;
	_ =	sdelay $0x1  }
0x1c6: {  	vm0 =	vgt.f32 v1, $0.0e+00  }
0x1c7: {  	v1 =	vnsel vm0, $0x3F800000, v1  }
0x1c8: {  	v61 =	vshrl.u32 v1, $0x1;
	v62 =	vmul.f32 $5.000000000e-01, v1  }
0x1c9: {  	v3 =	vsub.s32 $0x5F3759DF, v61  }
0x1ca: {  	v63 =	vmul.f32 v3, v62;
	_ =	sdelay $0x1  }
0x1cb: {  	v7 =	vmul.f32 v3, v63;
	_ =	sdelay $0x1  }
0x1cc: {  	v7 =	vsub.f32 $1.500000000e+00, v7;
	_ =	sdelay $0x1  }
0x1cd: {  	v3 =	vmul.f32 v3, v7;
	_ =	sdelay $0x1  }
0x1ce: {  	v7 =	vmul.f32 v3, v62;
	_ =	sdelay $0x1  }
0x1cf: {  	v7 =	vmul.f32 v7, v3;
	_ =	sdelay $0x1  }
0x1d0: {  	v7 =	vsub.f32 $1.500000000e+00, v7;
	_ =	sdelay $0x1  }
0x1d1: {  	v3 =	vmul.f32 v7, v3;
	_ =	sdelay $0x1  }
0x1d2: {  	(erf) = vrcp.f32 v5;
	v6 =	vmul.f32 v3, v62;
	_ =	sdelay $0x1  }
0x1d3: {  	(erf) = vrcp.f32 v59;
	v6 =	vmul.f32 v6, v3;
	_ =	sdelay $0x1  }
0x1d4: {  	v9 =	vsub.f32 $1.500000000e+00, v6;
	_ =	sdelay $0x1  }
0x1d5: {  	v2 =	vmul.f32 v9, v3;
	_ =	sdelay $0x1  }
0x1d6: {  	v10 =	vsub.f32 $2.000000000e+01, v4;
	v1 =	vmul.f32 v2, v1  }
0x1d7: {  	vm1 =	vlt.f32 v5, $0.0e+00;
	vm2 =	vgt.f32 v4, $2.000000000e+01;
	v11 =	vpop (erf)  }
0x1d8: {  	v12 =	vsub.f32 $-2.000000000e+01, v4;
	v3 =	vmul.f32 v11, v10;
	v0 =	vsub.f32 v1, v0  }
0x1d9: {  	vm3 =	vgt.f32 v4, $-2.000000000e+01;
	vm2 =	vmand vm2, vm1;
	v13 =	vpop (erf)  }
0x1da: {  	v2 =	vmul.f32 v11, v12;
	v14 =	vmax.f32 v3, $5.000000070e-02;
	v0 =	vmul.f32 v0, v13  }
0x1db: {  	vm1 =	vmand vm3, vm1;
	v1 =	vnsel vm2, $0x3D4CCCCD, v14  }
0x1dc: {  	v2 =	vnsel vm1, $0x447A0000, v2;
	v15 =	vadd.f32 $9.999999970e-07, v1;
	v0 =	vnsel vm0, $0x0, v0  }
0x1dd: {  	v0 =	vmin.f32 v2, v0  }
0x1de: {  	v0 =	vmax.f32 v0, v15  }
0x1df: {  	[tilespmem:s0+$0xFFFFFF90] =	vst v1;
	v0 =	vmin.f32 v0, $1.000000000e+03  }
0x1e0: {  	[tilespmem:s3+$0xFFFFFF90] =	vst v0  }
0x1e1: {  	v0 =	vld [tilespmem:s30+$0x4010]  }
0x1e2: {  	v1 =	vld [tilespmem:s30+$0xC010]  }
0x1e3: {  	v16 =	vld [tilespmem:s30+$0x4090]  }
0x1e4: {  	v17 =	vld [tilespmem:s30+$0xC090]  }
0x1e5: {  	v18 =	vld [tilespmem:s30+$0x4110]  }
0x1e6: {  	v19 =	vld [tilespmem:s30+$0xC110]  }
0x1e7: {  	v20 =	vmul.f32 v1, v1  }
0x1e8: {  	v21 =	vmul.f32 v0, v0;
	v22 =	vmul.f32 v16, v16  }
0x1e9: {  	v23 =	vmul.f32 v17, v17;
	v0 =	vmul.f32 v1, v0  }
0x1ea: {  	v24 =	vmul.f32 v17, v16;
	v26 =	vmul.f32 v18, v18;
	v25 =	vadd.f32 v22, v21  }
0x1eb: {  	v27 =	vmul.f32 v19, v19;
	v28 =	vmul.f32 v19, v18;
	v6 =	vadd.f32 v23, v20  }
0x1ec: {  	v0 =	vadd.f32 v24, v0;
	v30 =	vmul.f32 $8.333333530e-04, v26;
	v29 =	vmul.f32 $3.333333370e-05, v25  }
0x1ed: {  	v32 =	vmul.f32 $8.333333530e-04, v27;
	v31 =	vmul.f32 $3.333333370e-05, v6  }
0x1ee: {  	v33 =	vmul.f32 $8.333333530e-04, v28;
	v0 =	vmul.f32 $3.333333370e-05, v0;
	v1 =	vadd.f32 v30, v29  }
0x1ef: {  	v34 =	vadd.f32 v32, v31  }
0x1f0: {  	v0 =	vadd.f32 v33, v0;
	v1 =	vadd.f32 $-1.000000000e+00, v1;
	_ =	sdelay $0x1  }
0x1f1: {  	v35 =	vmul.f32 v0, v0;
	v1 =	vmul.f32 v34, v1;
	_ =	sdelay $0x1  }
0x1f2: {  	v1 =	vsub.f32 v35, v1;
	_ =	sdelay $0x1  }
0x1f3: {  	vm8 =	vgt.f32 v1, $0.0e+00  }
0x1f4: {  	v1 =	vnsel vm8, $0x3F800000, v1  }
0x1f5: {  	v36 =	vshrl.u32 v1, $0x1;
	v37 =	vmul.f32 $5.000000000e-01, v1  }
0x1f6: {  	v3 =	vsub.s32 $0x5F3759DF, v36  }
0x1f7: {  	v38 =	vmul.f32 v3, v37;
	_ =	sdelay $0x1  }
0x1f8: {  	v7 =	vmul.f32 v3, v38;
	_ =	sdelay $0x1  }
0x1f9: {  	v7 =	vsub.f32 $1.500000000e+00, v7;
	_ =	sdelay $0x1  }
0x1fa: {  	v3 =	vmul.f32 v3, v7;
	_ =	sdelay $0x1  }
0x1fb: {  	v7 =	vmul.f32 v3, v37;
	_ =	sdelay $0x1  }
0x1fc: {  	v7 =	vmul.f32 v7, v3;
	_ =	sdelay $0x1  }
0x1fd: {  	v7 =	vsub.f32 $1.500000000e+00, v7;
	_ =	sdelay $0x1  }
0x1fe: {  	v3 =	vmul.f32 v7, v3;
	_ =	sdelay $0x1  }
0x1ff: {  	(erf) = vrcp.f32 v19;
	v6 =	vmul.f32 v3, v37;
	_ =	sdelay $0x1  }
0x200: {  	(erf) = vrcp.f32 v34;
	v6 =	vmul.f32 v6, v3;
	_ =	sdelay $0x1  }
0x201: {  	v39 =	vsub.f32 $1.500000000e+00, v6;
	_ =	sdelay $0x1  }
0x202: {  	v2 =	vmul.f32 v39, v3;
	_ =	sdelay $0x1  }
0x203: {  	v40 =	vsub.f32 $2.000000000e+01, v18;
	v1 =	vmul.f32 v2, v1  }
0x204: {  	vm9 =	vlt.f32 v19, $0.0e+00;
	vm10 =	vgt.f32 v18, $2.000000000e+01;
	v41 =	vpop (erf)  }
0x205: {  	v42 =	vsub.f32 $-2.000000000e+01, v18;
	v3 =	vmul.f32 v41, v40;
	v0 =	vsub.f32 v1, v0  }
0x206: {  	vm11 =	vgt.f32 v18, $-2.000000000e+01;
	vm2 =	vmand vm10, vm9;
	v43 =	vpop (erf)  }
0x207: {  	v2 =	vmul.f32 v41, v42;
	v44 =	vmax.f32 v3, $5.000000070e-02;
	v0 =	vmul.f32 v0, v43  }
0x208: {  	vm1 =	vmand vm11, vm9;
	v1 =	vnsel vm2, $0x3D4CCCCD, v44  }
0x209: {  	v2 =	vnsel vm1, $0x447A0000, v2;
	v45 =	vadd.f32 $9.999999970e-07, v1;
	v0 =	vnsel vm8, $0x0, v0  }
0x20a: {  	v0 =	vmin.f32 v2, v0  }
0x20b: {  	v0 =	vmax.f32 v0, v45  }
0x20c: {  	[tilespmem:s0+$0xFFFFFFA0] =	vst v1;
	v0 =	vmin.f32 v0, $1.000000000e+03  }
0x20d: {  	[tilespmem:s3+$0xFFFFFFA0] =	vst v0  }
0x20e: {  	v0 =	vld [tilespmem:s30+$0x4020]  }
0x20f: {  	v1 =	vld [tilespmem:s30+$0xC020]  }
0x210: {  	v46 =	vld [tilespmem:s30+$0x40A0]  }
0x211: {  	v47 =	vld [tilespmem:s30+$0xC0A0]  }
0x212: {  	v48 =	vld [tilespmem:s30+$0x4120]  }
0x213: {  	v49 =	vld [tilespmem:s30+$0xC120]  }
0x214: {  	v50 =	vmul.f32 v1, v1  }
0x215: {  	v51 =	vmul.f32 v0, v0;
	v52 =	vmul.f32 v46, v46  }
0x216: {  	v53 =	vmul.f32 v47, v47;
	v0 =	vmul.f32 v1, v0  }
0x217: {  	v54 =	vmul.f32 v47, v46;
	v56 =	vmul.f32 v48, v48;
	v55 =	vadd.f32 v52, v51  }
0x218: {  	v57 =	vmul.f32 v49, v49;
	v58 =	vmul.f32 v49, v48;
	v6 =	vadd.f32 v53, v50  }
0x219: {  	v0 =	vadd.f32 v54, v0;
	v60 =	vmul.f32 $8.333333530e-04, v56;
	v59 =	vmul.f32 $3.333333370e-05, v55  }
0x21a: {  	v62 =	vmul.f32 $8.333333530e-04, v57;
	v61 =	vmul.f32 $3.333333370e-05, v6  }
0x21b: {  	v63 =	vmul.f32 $8.333333530e-04, v58;
	v0 =	vmul.f32 $3.333333370e-05, v0;
	v1 =	vadd.f32 v60, v59  }
0x21c: {  	v9 =	vadd.f32 v62, v61  }
0x21d: {  	v0 =	vadd.f32 v63, v0;
	v1 =	vadd.f32 $-1.000000000e+00, v1;
	_ =	sdelay $0x1  }
0x21e: {  	v10 =	vmul.f32 v0, v0;
	v1 =	vmul.f32 v9, v1;
	_ =	sdelay $0x1  }
0x21f: {  	v1 =	vsub.f32 v10, v1;
	_ =	sdelay $0x1  }
0x220: {  	vm12 =	vgt.f32 v1, $0.0e+00  }
0x221: {  	v1 =	vnsel vm12, $0x3F800000, v1  }
0x222: {  	v11 =	vshrl.u32 v1, $0x1;
	v12 =	vmul.f32 $5.000000000e-01, v1  }
0x223: {  	v3 =	vsub.s32 $0x5F3759DF, v11  }
0x224: {  	v13 =	vmul.f32 v3, v12;
	_ =	sdelay $0x1  }
0x225: {  	v7 =	vmul.f32 v3, v13;
	_ =	sdelay $0x1  }
0x226: {  	v7 =	vsub.f32 $1.500000000e+00, v7;
	_ =	sdelay $0x1  }
0x227: {  	v3 =	vmul.f32 v3, v7;
	_ =	sdelay $0x1  }
0x228: {  	v7 =	vmul.f32 v3, v12;
	_ =	sdelay $0x1  }
0x229: {  	v7 =	vmul.f32 v7, v3;
	_ =	sdelay $0x1  }
0x22a: {  	v7 =	vsub.f32 $1.500000000e+00, v7;
	_ =	sdelay $0x1  }
0x22b: {  	v3 =	vmul.f32 v7, v3;
	_ =	sdelay $0x1  }
0x22c: {  	(erf) = vrcp.f32 v49;
	v6 =	vmul.f32 v3, v12;
	_ =	sdelay $0x1  }
0x22d: {  	(erf) = vrcp.f32 v9;
	v6 =	vmul.f32 v6, v3;
	_ =	sdelay $0x1  }
0x22e: {  	v14 =	vsub.f32 $1.500000000e+00, v6;
	_ =	sdelay $0x1  }
0x22f: {  	v2 =	vmul.f32 v14, v3;
	_ =	sdelay $0x1  }
0x230: {  	v15 =	vsub.f32 $2.000000000e+01, v48;
	v1 =	vmul.f32 v2, v1  }
0x231: {  	vm13 =	vlt.f32 v49, $0.0e+00;
	vm14 =	vgt.f32 v48, $2.000000000e+01;
	v16 =	vpop (erf)  }
0x232: {  	v17 =	vsub.f32 $-2.000000000e+01, v48;
	v3 =	vmul.f32 v16, v15;
	v0 =	vsub.f32 v1, v0  }
0x233: {  	vm15 =	vgt.f32 v48, $-2.000000000e+01;
	vm2 =	vmand vm14, vm13;
	v18 =	vpop (erf)  }
0x234: {  	v2 =	vmul.f32 v16, v17;
	v19 =	vmax.f32 v3, $5.000000070e-02;
	v0 =	vmul.f32 v0, v18  }
0x235: {  	vm1 =	vmand vm15, vm13;
	v1 =	vnsel vm2, $0x3D4CCCCD, v19  }
0x236: {  	v2 =	vnsel vm1, $0x447A0000, v2;
	v20 =	vadd.f32 $9.999999970e-07, v1;
	v0 =	vnsel vm12, $0x0, v0  }
0x237: {  	v0 =	vmin.f32 v2, v0  }
0x238: {  	v0 =	vmax.f32 v0, v20  }
0x239: {  	[tilespmem:s0+$0xFFFFFFB0] =	vst v1;
	v0 =	vmin.f32 v0, $1.000000000e+03  }
0x23a: {  	[tilespmem:s3+$0xFFFFFFB0] =	vst v0  }
0x23b: {  	v0 =	vld [tilespmem:s30+$0x4030]  }
0x23c: {  	v1 =	vld [tilespmem:s30+$0xC030]  }
0x23d: {  	v21 =	vld [tilespmem:s30+$0x40B0]  }
0x23e: {  	v22 =	vld [tilespmem:s30+$0xC0B0]  }
0x23f: {  	v23 =	vld [tilespmem:s30+$0x4130]  }
0x240: {  	v24 =	vld [tilespmem:s30+$0xC130]  }
0x241: {  	v25 =	vmul.f32 v1, v1  }
0x242: {  	v26 =	vmul.f32 v0, v0;
	v27 =	vmul.f32 v21, v21  }
0x243: {  	v28 =	vmul.f32 v22, v22;
	v0 =	vmul.f32 v1, v0  }
0x244: {  	v29 =	vmul.f32 v22, v21;
	v31 =	vmul.f32 v23, v23;
	v30 =	vadd.f32 v27, v26  }
0x245: {  	v32 =	vmul.f32 v24, v24;
	v33 =	vmul.f32 v24, v23;
	v6 =	vadd.f32 v28, v25  }
0x246: {  	v0 =	vadd.f32 v29, v0;
	v35 =	vmul.f32 $8.333333530e-04, v31;
	v34 =	vmul.f32 $3.333333370e-05, v30  }
0x247: {  	v37 =	vmul.f32 $8.333333530e-04, v32;
	v36 =	vmul.f32 $3.333333370e-05, v6  }
0x248: {  	v38 =	vmul.f32 $8.333333530e-04, v33;
	v0 =	vmul.f32 $3.333333370e-05, v0;
	v1 =	vadd.f32 v35, v34  }
0x249: {  	v39 =	vadd.f32 v37, v36  }
0x24a: {  	v0 =	vadd.f32 v38, v0;
	v1 =	vadd.f32 $-1.000000000e+00, v1;
	_ =	sdelay $0x1  }
0x24b: {  	v40 =	vmul.f32 v0, v0;
	v1 =	vmul.f32 v39, v1;
	_ =	sdelay $0x1  }
0x24c: {  	v1 =	vsub.f32 v40, v1;
	_ =	sdelay $0x1  }
0x24d: {  	vm6 =	vgt.f32 v1, $0.0e+00  }
0x24e: {  	v1 =	vnsel vm6, $0x3F800000, v1  }
0x24f: {  	v41 =	vshrl.u32 v1, $0x1;
	v42 =	vmul.f32 $5.000000000e-01, v1  }
0x250: {  	v3 =	vsub.s32 $0x5F3759DF, v41  }
0x251: {  	v43 =	vmul.f32 v3, v42;
	_ =	sdelay $0x1  }
0x252: {  	v7 =	vmul.f32 v3, v43;
	_ =	sdelay $0x1  }
0x253: {  	v7 =	vsub.f32 $1.500000000e+00, v7;
	_ =	sdelay $0x1  }
0x254: {  	v3 =	vmul.f32 v3, v7;
	_ =	sdelay $0x1  }
0x255: {  	v7 =	vmul.f32 v3, v42;
	_ =	sdelay $0x1  }
0x256: {  	v7 =	vmul.f32 v7, v3;
	_ =	sdelay $0x1  }
0x257: {  	v7 =	vsub.f32 $1.500000000e+00, v7;
	_ =	sdelay $0x1  }
0x258: {  	v3 =	vmul.f32 v7, v3;
	_ =	sdelay $0x1  }
0x259: {  	(erf) = vrcp.f32 v24;
	v6 =	vmul.f32 v3, v42;
	_ =	sdelay $0x1  }
0x25a: {  	(erf) = vrcp.f32 v39;
	v6 =	vmul.f32 v6, v3;
	_ =	sdelay $0x1  }
0x25b: {  	v44 =	vsub.f32 $1.500000000e+00, v6;
	_ =	sdelay $0x1  }
0x25c: {  	v2 =	vmul.f32 v44, v3;
	_ =	sdelay $0x1  }
0x25d: {  	v45 =	vsub.f32 $2.000000000e+01, v23;
	v1 =	vmul.f32 v2, v1  }
0x25e: {  	vm7 =	vlt.f32 v24, $0.0e+00;
	vm8 =	vgt.f32 v23, $2.000000000e+01;
	v46 =	vpop (erf)  }
0x25f: {  	v47 =	vsub.f32 $-2.000000000e+01, v23;
	v3 =	vmul.f32 v46, v45;
	v0 =	vsub.f32 v1, v0  }
0x260: {  	vm9 =	vgt.f32 v23, $-2.000000000e+01;
	vm2 =	vmand vm8, vm7;
	v48 =	vpop (erf)  }
0x261: {  	v2 =	vmul.f32 v46, v47;
	v49 =	vmax.f32 v3, $5.000000070e-02;
	v0 =	vmul.f32 v0, v48  }
0x262: {  	vm1 =	vmand vm9, vm7;
	v1 =	vnsel vm2, $0x3D4CCCCD, v49  }
0x263: {  	v2 =	vnsel vm1, $0x447A0000, v2;
	v50 =	vadd.f32 $9.999999970e-07, v1;
	v0 =	vnsel vm6, $0x0, v0  }
0x264: {  	v0 =	vmin.f32 v2, v0  }
0x265: {  	v0 =	vmax.f32 v0, v50  }
0x266: {  	[tilespmem:s0+$0xFFFFFFC0] =	vst v1;
	v0 =	vmin.f32 v0, $1.000000000e+03  }
0x267: {  	[tilespmem:s3+$0xFFFFFFC0] =	vst v0  }
0x268: {  	v0 =	vld [tilespmem:s30+$0x4040]  }
0x269: {  	v1 =	vld [tilespmem:s30+$0xC040]  }
0x26a: {  	v51 =	vld [tilespmem:s30+$0x40C0]  }
0x26b: {  	v52 =	vld [tilespmem:s30+$0xC0C0]  }
0x26c: {  	v53 =	vld [tilespmem:s30+$0x4140]  }
0x26d: {  	v54 =	vld [tilespmem:s30+$0xC140]  }
0x26e: {  	v55 =	vmul.f32 v1, v1  }
0x26f: {  	v56 =	vmul.f32 v0, v0;
	v57 =	vmul.f32 v51, v51  }
0x270: {  	v58 =	vmul.f32 v52, v52;
	v0 =	vmul.f32 v1, v0  }
0x271: {  	v59 =	vmul.f32 v52, v51;
	v61 =	vmul.f32 v53, v53;
	v60 =	vadd.f32 v57, v56  }
0x272: {  	v62 =	vmul.f32 v54, v54;
	v63 =	vmul.f32 v54, v53;
	v6 =	vadd.f32 v58, v55  }
0x273: {  	v0 =	vadd.f32 v59, v0;
	v10 =	vmul.f32 $8.333333530e-04, v61;
	v9 =	vmul.f32 $3.333333370e-05, v60  }
0x274: {  	v12 =	vmul.f32 $8.333333530e-04, v62;
	v11 =	vmul.f32 $3.333333370e-05, v6  }
0x275: {  	v13 =	vmul.f32 $8.333333530e-04, v63;
	v0 =	vmul.f32 $3.333333370e-05, v0;
	v1 =	vadd.f32 v10, v9  }
0x276: {  	v14 =	vadd.f32 v12, v11  }
0x277: {  	v0 =	vadd.f32 v13, v0;
	v1 =	vadd.f32 $-1.000000000e+00, v1;
	_ =	sdelay $0x1  }
0x278: {  	v15 =	vmul.f32 v0, v0;
	v1 =	vmul.f32 v14, v1;
	_ =	sdelay $0x1  }
0x279: {  	v1 =	vsub.f32 v15, v1;
	_ =	sdelay $0x1  }
0x27a: {  	vm10 =	vgt.f32 v1, $0.0e+00  }
0x27b: {  	v1 =	vnsel vm10, $0x3F800000, v1  }
0x27c: {  	v16 =	vshrl.u32 v1, $0x1;
	v17 =	vmul.f32 $5.000000000e-01, v1  }
0x27d: {  	v3 =	vsub.s32 $0x5F3759DF, v16  }
0x27e: {  	v18 =	vmul.f32 v3, v17;
	_ =	sdelay $0x1  }
0x27f: {  	v7 =	vmul.f32 v3, v18;
	_ =	sdelay $0x1  }
0x280: {  	v7 =	vsub.f32 $1.500000000e+00, v7;
	_ =	sdelay $0x1  }
0x281: {  	v3 =	vmul.f32 v3, v7;
	_ =	sdelay $0x1  }
0x282: {  	v7 =	vmul.f32 v3, v17;
	_ =	sdelay $0x1  }
0x283: {  	v7 =	vmul.f32 v7, v3;
	_ =	sdelay $0x1  }
0x284: {  	v7 =	vsub.f32 $1.500000000e+00, v7;
	_ =	sdelay $0x1  }
0x285: {  	v3 =	vmul.f32 v7, v3;
	_ =	sdelay $0x1  }
0x286: {  	(erf) = vrcp.f32 v54;
	v6 =	vmul.f32 v3, v17;
	_ =	sdelay $0x1  }
0x287: {  	(erf) = vrcp.f32 v14;
	v6 =	vmul.f32 v6, v3;
	_ =	sdelay $0x1  }
0x288: {  	v19 =	vsub.f32 $1.500000000e+00, v6;
	_ =	sdelay $0x1  }
0x289: {  	v2 =	vmul.f32 v19, v3;
	_ =	sdelay $0x1  }
0x28a: {  	v20 =	vsub.f32 $2.000000000e+01, v53;
	v1 =	vmul.f32 v2, v1  }
0x28b: {  	vm11 =	vlt.f32 v54, $0.0e+00;
	vm12 =	vgt.f32 v53, $2.000000000e+01;
	v21 =	vpop (erf)  }
0x28c: {  	v22 =	vsub.f32 $-2.000000000e+01, v53;
	v3 =	vmul.f32 v21, v20;
	v0 =	vsub.f32 v1, v0  }
0x28d: {  	vm13 =	vgt.f32 v53, $-2.000000000e+01;
	vm2 =	vmand vm12, vm11;
	v23 =	vpop (erf)  }
0x28e: {  	v2 =	vmul.f32 v21, v22;
	v24 =	vmax.f32 v3, $5.000000070e-02;
	v0 =	vmul.f32 v0, v23  }
0x28f: {  	vm1 =	vmand vm13, vm11;
	v1 =	vnsel vm2, $0x3D4CCCCD, v24  }
0x290: {  	v2 =	vnsel vm1, $0x447A0000, v2;
	v25 =	vadd.f32 $9.999999970e-07, v1;
	v0 =	vnsel vm10, $0x0, v0  }
0x291: {  	v0 =	vmin.f32 v2, v0  }
0x292: {  	v0 =	vmax.f32 v0, v25  }
0x293: {  	[tilespmem:s0+$0xFFFFFFD0] =	vst v1;
	v0 =	vmin.f32 v0, $1.000000000e+03  }
0x294: {  	[tilespmem:s3+$0xFFFFFFD0] =	vst v0  }
0x295: {  	v0 =	vld [tilespmem:s30+$0x4050]  }
0x296: {  	v1 =	vld [tilespmem:s30+$0xC050]  }
0x297: {  	v26 =	vld [tilespmem:s30+$0x40D0]  }
0x298: {  	v27 =	vld [tilespmem:s30+$0xC0D0]  }
0x299: {  	v28 =	vld [tilespmem:s30+$0x4150]  }
0x29a: {  	v29 =	vld [tilespmem:s30+$0xC150]  }
0x29b: {  	v30 =	vmul.f32 v1, v1  }
0x29c: {  	v31 =	vmul.f32 v0, v0;
	v32 =	vmul.f32 v26, v26  }
0x29d: {  	v33 =	vmul.f32 v27, v27;
	v0 =	vmul.f32 v1, v0  }
0x29e: {  	v34 =	vmul.f32 v27, v26;
	v36 =	vmul.f32 v28, v28;
	v35 =	vadd.f32 v32, v31  }
0x29f: {  	v37 =	vmul.f32 v29, v29;
	v38 =	vmul.f32 v29, v28;
	v6 =	vadd.f32 v33, v30  }
0x2a0: {  	v0 =	vadd.f32 v34, v0;
	v40 =	vmul.f32 $8.333333530e-04, v36;
	v39 =	vmul.f32 $3.333333370e-05, v35  }
0x2a1: {  	v42 =	vmul.f32 $8.333333530e-04, v37;
	v41 =	vmul.f32 $3.333333370e-05, v6  }
0x2a2: {  	v43 =	vmul.f32 $8.333333530e-04, v38;
	v0 =	vmul.f32 $3.333333370e-05, v0;
	v1 =	vadd.f32 v40, v39  }
0x2a3: {  	v44 =	vadd.f32 v42, v41  }
0x2a4: {  	v0 =	vadd.f32 v43, v0;
	v1 =	vadd.f32 $-1.000000000e+00, v1;
	_ =	sdelay $0x1  }
0x2a5: {  	v45 =	vmul.f32 v0, v0;
	v1 =	vmul.f32 v44, v1;
	_ =	sdelay $0x1  }
0x2a6: {  	v1 =	vsub.f32 v45, v1;
	_ =	sdelay $0x1  }
0x2a7: {  	vm14 =	vgt.f32 v1, $0.0e+00  }
0x2a8: {  	v1 =	vnsel vm14, $0x3F800000, v1  }
0x2a9: {  	v46 =	vshrl.u32 v1, $0x1;
	v47 =	vmul.f32 $5.000000000e-01, v1  }
0x2aa: {  	v3 =	vsub.s32 $0x5F3759DF, v46  }
0x2ab: {  	v48 =	vmul.f32 v3, v47;
	_ =	sdelay $0x1  }
0x2ac: {  	v7 =	vmul.f32 v3, v48;
	_ =	sdelay $0x1  }
0x2ad: {  	v7 =	vsub.f32 $1.500000000e+00, v7;
	_ =	sdelay $0x1  }
0x2ae: {  	v3 =	vmul.f32 v3, v7;
	_ =	sdelay $0x1  }
0x2af: {  	v7 =	vmul.f32 v3, v47;
	_ =	sdelay $0x1  }
0x2b0: {  	v7 =	vmul.f32 v7, v3;
	_ =	sdelay $0x1  }
0x2b1: {  	v7 =	vsub.f32 $1.500000000e+00, v7;
	_ =	sdelay $0x1  }
0x2b2: {  	v3 =	vmul.f32 v7, v3;
	_ =	sdelay $0x1  }
0x2b3: {  	(erf) = vrcp.f32 v29;
	v6 =	vmul.f32 v3, v47;
	_ =	sdelay $0x1  }
0x2b4: {  	(erf) = vrcp.f32 v44;
	v6 =	vmul.f32 v6, v3;
	_ =	sdelay $0x1  }
0x2b5: {  	v49 =	vsub.f32 $1.500000000e+00, v6;
	_ =	sdelay $0x1  }
0x2b6: {  	v2 =	vmul.f32 v49, v3;
	_ =	sdelay $0x1  }
0x2b7: {  	v50 =	vsub.f32 $2.000000000e+01, v28;
	v1 =	vmul.f32 v2, v1  }
0x2b8: {  	vm15 =	vlt.f32 v29, $0.0e+00;
	vm6 =	vgt.f32 v28, $2.000000000e+01;
	v51 =	vpop (erf)  }
0x2b9: {  	v52 =	vsub.f32 $-2.000000000e+01, v28;
	v3 =	vmul.f32 v51, v50;
	v0 =	vsub.f32 v1, v0  }
0x2ba: {  	vm7 =	vgt.f32 v28, $-2.000000000e+01;
	vm2 =	vmand vm6, vm15;
	v53 =	vpop (erf)  }
0x2bb: {  	v2 =	vmul.f32 v51, v52;
	v54 =	vmax.f32 v3, $5.000000070e-02;
	v0 =	vmul.f32 v0, v53  }
0x2bc: {  	vm1 =	vmand vm7, vm15;
	v1 =	vnsel vm2, $0x3D4CCCCD, v54  }
0x2bd: {  	v2 =	vnsel vm1, $0x447A0000, v2;
	v55 =	vadd.f32 $9.999999970e-07, v1;
	v0 =	vnsel vm14, $0x0, v0  }
0x2be: {  	v0 =	vmin.f32 v2, v0  }
0x2bf: {  	v0 =	vmax.f32 v0, v55  }
0x2c0: {  	[tilespmem:s0+$0xFFFFFFE0] =	vst v1;
	v0 =	vmin.f32 v0, $1.000000000e+03  }
0x2c1: {  	[tilespmem:s3+$0xFFFFFFE0] =	vst v0  }
0x2c2: {  	v0 =	vld [tilespmem:s30+$0x4060]  }
0x2c3: {  	v1 =	vld [tilespmem:s30+$0xC060]  }
0x2c4: {  	v56 =	vld [tilespmem:s30+$0x40E0]  }
0x2c5: {  	v57 =	vld [tilespmem:s30+$0xC0E0]  }
0x2c6: {  	v58 =	vld [tilespmem:s30+$0x4160]  }
0x2c7: {  	v59 =	vld [tilespmem:s30+$0xC160]  }
0x2c8: {  	v60 =	vmul.f32 v1, v1  }
0x2c9: {  	v61 =	vmul.f32 v0, v0;
	v62 =	vmul.f32 v56, v56  }
0x2ca: {  	v63 =	vmul.f32 v57, v57;
	v0 =	vmul.f32 v1, v0  }
0x2cb: {  	v12 =	vmul.f32 v57, v56;
	v14 =	vmul.f32 v58, v58;
	v13 =	vadd.f32 v62, v61  }
0x2cc: {  	v15 =	vmul.f32 v59, v59;
	v16 =	vmul.f32 v59, v58;
	v6 =	vadd.f32 v63, v60  }
0x2cd: {  	v0 =	vadd.f32 v12, v0;
	v18 =	vmul.f32 $8.333333530e-04, v14;
	v17 =	vmul.f32 $3.333333370e-05, v13  }
0x2ce: {  	v20 =	vmul.f32 $8.333333530e-04, v15;
	v19 =	vmul.f32 $3.333333370e-05, v6  }
0x2cf: {  	v21 =	vmul.f32 $8.333333530e-04, v16;
	v0 =	vmul.f32 $3.333333370e-05, v0;
	v1 =	vadd.f32 v18, v17  }
0x2d0: {  	v22 =	vadd.f32 v20, v19  }
0x2d1: {  	v0 =	vadd.f32 v21, v0;
	v1 =	vadd.f32 $-1.000000000e+00, v1;
	_ =	sdelay $0x1  }
0x2d2: {  	v23 =	vmul.f32 v0, v0;
	v1 =	vmul.f32 v22, v1;
	_ =	sdelay $0x1  }
0x2d3: {  	v1 =	vsub.f32 v23, v1;
	_ =	sdelay $0x1  }
0x2d4: {  	vm8 =	vgt.f32 v1, $0.0e+00  }
0x2d5: {  	v1 =	vnsel vm8, $0x3F800000, v1  }
0x2d6: {  	v24 =	vshrl.u32 v1, $0x1;
	v25 =	vmul.f32 $5.000000000e-01, v1  }
0x2d7: {  	v3 =	vsub.s32 $0x5F3759DF, v24  }
0x2d8: {  	v26 =	vmul.f32 v3, v25;
	_ =	sdelay $0x1  }
0x2d9: {  	v7 =	vmul.f32 v3, v26;
	_ =	sdelay $0x1  }
0x2da: {  	v7 =	vsub.f32 $1.500000000e+00, v7;
	_ =	sdelay $0x1  }
0x2db: {  	v3 =	vmul.f32 v3, v7;
	_ =	sdelay $0x1  }
0x2dc: {  	v7 =	vmul.f32 v3, v25;
	_ =	sdelay $0x1  }
0x2dd: {  	v7 =	vmul.f32 v7, v3;
	_ =	sdelay $0x1  }
0x2de: {  	v7 =	vsub.f32 $1.500000000e+00, v7;
	_ =	sdelay $0x1  }
0x2df: {  	v3 =	vmul.f32 v7, v3;
	_ =	sdelay $0x1  }
0x2e0: {  	(erf) = vrcp.f32 v59;
	v6 =	vmul.f32 v3, v25;
	_ =	sdelay $0x1  }
0x2e1: {  	(erf) = vrcp.f32 v22;
	v6 =	vmul.f32 v6, v3;
	_ =	sdelay $0x1  }
0x2e2: {  	v27 =	vsub.f32 $1.500000000e+00, v6;
	_ =	sdelay $0x1  }
0x2e3: {  	v2 =	vmul.f32 v27, v3;
	_ =	sdelay $0x1  }
0x2e4: {  	v28 =	vsub.f32 $2.000000000e+01, v58;
	v1 =	vmul.f32 v2, v1  }
0x2e5: {  	vm9 =	vlt.f32 v59, $0.0e+00;
	vm10 =	vgt.f32 v58, $2.000000000e+01;
	v29 =	vpop (erf)  }
0x2e6: {  	v30 =	vsub.f32 $-2.000000000e+01, v58;
	v3 =	vmul.f32 v29, v28;
	v0 =	vsub.f32 v1, v0  }
0x2e7: {  	vm11 =	vgt.f32 v58, $-2.000000000e+01;
	vm2 =	vmand vm10, vm9;
	v31 =	vpop (erf)  }
0x2e8: {  	v2 =	vmul.f32 v29, v30;
	v32 =	vmax.f32 v3, $5.000000070e-02;
	v0 =	vmul.f32 v0, v31  }
0x2e9: {  	vm1 =	vmand vm11, vm9;
	v1 =	vnsel vm2, $0x3D4CCCCD, v32  }
0x2ea: {  	v2 =	vnsel vm1, $0x447A0000, v2;
	v33 =	vadd.f32 $9.999999970e-07, v1;
	v0 =	vnsel vm8, $0x0, v0  }
0x2eb: {  	v0 =	vmin.f32 v2, v0  }
0x2ec: {  	v0 =	vmax.f32 v0, v33  }
0x2ed: {  	[tilespmem:s0+$0xFFFFFFF0] =	vst v1;
	v0 =	vmin.f32 v0, $1.000000000e+03  }
0x2ee: {  	[tilespmem:s3+$0xFFFFFFF0] =	vst v0  }
0x2ef: {  	v0 =	vld [tilespmem:s30+$0x4070]  }
0x2f0: {  	v1 =	vld [tilespmem:s30+$0xC070]  }
0x2f1: {  	v34 =	vld [tilespmem:s30+$0x40F0]  }
0x2f2: {  	v35 =	vld [tilespmem:s30+$0xC0F0]  }
0x2f3: {  	v36 =	vld [tilespmem:s30+$0x4170]  }
0x2f4: {  	v37 =	vld [tilespmem:s30+$0xC170]  }
0x2f5: {  	v38 =	vmul.f32 v1, v1  }
0x2f6: {  	v39 =	vmul.f32 v0, v0;
	v40 =	vmul.f32 v34, v34  }
0x2f7: {  	v41 =	vmul.f32 v35, v35;
	v0 =	vmul.f32 v1, v0  }
0x2f8: {  	v42 =	vmul.f32 v35, v34;
	v44 =	vmul.f32 v36, v36;
	v43 =	vadd.f32 v40, v39  }
0x2f9: {  	v45 =	vmul.f32 v37, v37;
	v46 =	vmul.f32 v37, v36;
	v6 =	vadd.f32 v41, v38  }
0x2fa: {  	v0 =	vadd.f32 v42, v0;
	v48 =	vmul.f32 $8.333333530e-04, v44;
	v47 =	vmul.f32 $3.333333370e-05, v43  }
0x2fb: {  	v50 =	vmul.f32 $8.333333530e-04, v45;
	v49 =	vmul.f32 $3.333333370e-05, v6  }
0x2fc: {  	v51 =	vmul.f32 $8.333333530e-04, v46;
	v0 =	vmul.f32 $3.333333370e-05, v0;
	v1 =	vadd.f32 v48, v47  }
0x2fd: {  	v52 =	vadd.f32 v50, v49  }
0x2fe: {  	v0 =	vadd.f32 v51, v0;
	v1 =	vadd.f32 $-1.000000000e+00, v1;
	_ =	sdelay $0x1  }
0x2ff: {  	v53 =	vmul.f32 v0, v0;
	v1 =	vmul.f32 v52, v1;
	_ =	sdelay $0x1  }
0x300: {  	v1 =	vsub.f32 v53, v1;
	_ =	sdelay $0x1  }
0x301: {  	vm12 =	vgt.f32 v1, $0.0e+00  }
0x302: {  	v1 =	vnsel vm12, $0x3F800000, v1  }
0x303: {  	v54 =	vshrl.u32 v1, $0x1;
	v55 =	vmul.f32 $5.000000000e-01, v1  }
0x304: {  	v3 =	vsub.s32 $0x5F3759DF, v54  }
0x305: {  	v56 =	vmul.f32 v3, v55;
	_ =	sdelay $0x1  }
0x306: {  	v7 =	vmul.f32 v3, v56;
	_ =	sdelay $0x1  }
0x307: {  	v7 =	vsub.f32 $1.500000000e+00, v7;
	_ =	sdelay $0x1  }
0x308: {  	v3 =	vmul.f32 v3, v7;
	_ =	sdelay $0x1  }
0x309: {  	v7 =	vmul.f32 v3, v55;
	_ =	sdelay $0x1  }
0x30a: {  	v7 =	vmul.f32 v7, v3;
	_ =	sdelay $0x1  }
0x30b: {  	v7 =	vsub.f32 $1.500000000e+00, v7;
	_ =	sdelay $0x1  }
0x30c: {  	v3 =	vmul.f32 v7, v3;
	_ =	sdelay $0x1  }
0x30d: {  	(erf) = vrcp.f32 v37;
	v6 =	vmul.f32 v3, v55;
	_ =	sdelay $0x1  }
0x30e: {  	(erf) = vrcp.f32 v52;
	v6 =	vmul.f32 v6, v3;
	_ =	sdelay $0x1  }
0x30f: {  	v57 =	vsub.f32 $1.500000000e+00, v6;
	_ =	sdelay $0x1  }
0x310: {  	v2 =	vmul.f32 v57, v3;
	_ =	sdelay $0x1  }
0x311: {  	v58 =	vsub.f32 $2.000000000e+01, v36;
	v1 =	vmul.f32 v2, v1  }
0x312: {  	vm13 =	vlt.f32 v37, $0.0e+00;
	vm14 =	vgt.f32 v36, $2.000000000e+01;
	v59 =	vpop (erf)  }
0x313: {  	v60 =	vsub.f32 $-2.000000000e+01, v36;
	v3 =	vmul.f32 v59, v58;
	v0 =	vsub.f32 v1, v0  }
0x314: {  	vm15 =	vgt.f32 v36, $-2.000000000e+01;
	vm2 =	vmand vm14, vm13;
	v61 =	vpop (erf)  }
0x315: {  	s28 =	sadd.s32 $0x8, s28;
	v2 =	vmul.f32 v59, v60;
	v62 =	vmax.f32 v3, $5.000000070e-02;
	v0 =	vmul.f32 v0, v61  }
0x316: {  	p0 =	slt.u32 s28, $0xF8;
	vm1 =	vmand vm15, vm13;
	v1 =	vnsel vm2, $0x3D4CCCCD, v62  }
.Ltmp3:
0x317: {  	v2 =	vnsel vm1, $0x447A0000, v2;
	v63 =	vadd.f32 $9.999999970e-07, v1;
	v0 =	vnsel vm12, $0x0, v0;
	(pc) =	sbr.rel @p0 .LBB2_9-.Ltmp3, $4  }
0x318: {  	v0 =	vmin.f32 v2, v0  }
0x319: {  	v0 =	vmax.f32 v0, v63  }
0x31a: {  	[tilespmem:s0+$0x0] =	vst v1;
	v0 =	vmin.f32 v0, $1.000000000e+03  }
0x31b: {  	s29 =	sadd.s32 $0x800, s29;
	s0 =	sadd.s32 $0x100, s0;
	[tilespmem:s3+$0x0] =	vst v0;
	s3 =	sadd.s32 $0x100, s3  }
0x31c: {  	s0 =	sshrl.u32 s26, $0x3  }
0x31d: {  	s26 =	simm.s32 $0x10080;
	s3 =	sadd.s32 s4, s0  }
0x31e: {  	s28 =	simm.s32 $0x10;
	s29 =	simm.s32 $0x10180;
	s30 =	sadd.s32 $0x0, s3  }
.LBB2_11:
0x31f: {  	[hbm4b:s30+s6] =	stream.linear.scatter [tilespmem:s26], [sflag:$0x6], $0x80, $0x38;
	[tilespmem:$0x14000] =	vst v63  }
0x320: {  	s30 =	smov.u32 s28;
	s26 =	smov.u32 s29;
	p0 =	sne.s32 s28, $0x1F0  }
.Ltmp4:
0x321: {  	s28 =	sadd.s32 $0x10, s28;
	(pc) =	sbr.rel @p0 .LBB2_11-.Ltmp4, $2  }
0x322: {  	_ =	sdelay $0x2  }
0x323: {  	s29 =	sadd.s32 $0x100, s29;
	s30 =	sadd.s32 s30, s3  }
0x324: {  	[hbm4b:s30+s6] =	stream.linear.scatter [tilespmem:s26], [sflag:$0x6], $0x80, $0x38;
	[tilespmem:$0x14000] =	vst v63  }
0x325: {  	s0 =	sadd.s32 s5, s0;
	s3 =	simm.s32 $0x12080  }
0x326: {  	s26 =	simm.s32 $0x10;
	s28 =	simm.s32 $0x12180;
	s29 =	sadd.s32 $0x0, s0  }
.LBB2_13:
0x327: {  	[hbm4b:s29+s6] =	stream.linear.scatter [tilespmem:s3], [sflag:$0x8], $0x80, $0x38;
	[tilespmem:$0x14000] =	vst v63  }
0x328: {  	s29 =	smov.u32 s26;
	s3 =	smov.u32 s28;
	p0 =	sne.s32 s26, $0x1F0  }
.Ltmp5:
0x329: {  	s26 =	sadd.s32 $0x10, s26;
	(pc) =	sbr.rel @p0 .LBB2_13-.Ltmp5, $2  }
0x32a: {  	_ =	sdelay $0x2  }
0x32b: {  	s28 =	sadd.s32 $0x100, s28;
	s29 =	sadd.s32 s29, s0  }
0x32c: {  	s25 =	sadd.s32 $0x1, s25  }
0x32d: {  	p0 =	sne.s32 s25, $0x8  }
.Ltmp6:
0x32e: {  	_ = 	snop;
	(pc) =	sbr.rel @p0 .LBB2_2-.Ltmp6, $2  }
0x32f: {  	_ =	sdelay $0x2  }
0x330: {  	[hbm4b:s29+s6] =	stream.linear.scatter [tilespmem:s3], [sflag:$0x8], $0x80, $0x38;
	[tilespmem:$0x14000] =	vst v63  }
0x331: {  	_ =	swait.ge [sflag:s20], $0x1000  }
0x332: {  	[sflag:s20] =	ssyncset.done $0x0  }
0x333: {  	[sflag:s20] =	ssyncadd.s32 $0xFFFFF000  }
0x334: {  	_ =	swait.ge [sflag:s21], $0x1000  }
0x335: {  	[sflag:s21] =	ssyncset.done $0x0  }
0x336: {  	s24 =	sadd.s32 $0x1, s24;
	[sflag:s21] =	ssyncadd.s32 $0xFFFFF000  }
0x337: {  	p0 =	sne.s32 s24, s12;
	_ =	swait.ge [sflag:s22], $0x1000  }
.Ltmp7:
0x338: {  	[sflag:s22] =	ssyncset.done $0x0;
	(pc) =	sbr.rel @p0 .LBB2_1-.Ltmp7, $4  }
0x339: {  	[sflag:s22] =	ssyncadd.s32 $0xFFFFF000  }
0x33a: {  	_ =	swait.ge [sflag:s23], $0x1000  }
0x33b: {  	[sflag:s23] =	ssyncset.done $0x0  }
0x33c: {  	[sflag:s23] =	ssyncadd.s32 $0xFFFFF000  }
0x33d: {  	_ =	sfence.sel $0x180000  }
0x33e: {  	[bflag:$0x0] =	sbarrier.arrive $0xFFFF  }
0x33f: {  	_ =	strace $0x90000047  }
0x340: {  	s0 =	stileid.u32;
	[bflag:$0x2] =	sbarrier.arrive $0xFFFF  }
0x341: {  	p0 =	sne.s32 s0, $0x0;
	s0 =	rddreg [dreg:$0x4]  }
0x342: {  	s0 =	sadd.s32 @!p0 $0x100000, s0  }
0x343: {  	[sflag:s0] =	ssyncadd.tile.s32 @!p0 $0x1;
	_ =	shalt  }
.Lfunc_end2:
_tile_overlayer_lowered:
.L_overlay_start_2:
0x344: {  	(tag) =	ssettag $0x2  }
0x345: {  	s0 =	rddreg [dreg:$0x0];
	s2 =	stileid.u32  }
0x346: {  	s1 =	rddreg [dreg:$0x1];
	p0 =	sne.s32 s2, $0x0  }
0x347: {  	s3 =	rddreg [dreg:$0x2];
	[bflag:$0x3] =	sbarrier.arrive $0xFFFF;
	s2 =	simm.s32 @!p0 $0x1C09  }
0x348: {  	[timem:s3], [sflag:s2] =	dma.local @!p0 [hbm:s0], s1  }
0x349: {  	s0 =	simm.s32 @!p0 $0x9  }
0x34a: {  	_ =	swait.ge @!p0 [sflag:s0], s1  }
0x34b: {  	s1 =	ssub.s32 @!p0 $0x0, s1;
	[sflag:s0] =	ssyncset.done @!p0 $0x0  }
0x34c: {  	[sflag:s0] =	ssyncadd.s32 @!p0 s1  }
0x34d: {  	[bflag:$0x3] =	sbarrier.arrive $0xFFFF  }
0x34e: {  	_ =	shalt  }

</sc_bundles>
